<compile_context>
chip_gen: v7x
topology: tpu7x:2x2x1
jax: 0.10.2.dev20260603
libtpu: 0.0.44.dev20260713+nightly
codegen_flags: <defaults>
</compile_context>

<pallas_src>
import functools

import jax
import jax.numpy as jnp
from jax import lax
from jax.experimental import pallas as pl
from jax.experimental.pallas import tpu as pltpu
from jax.experimental.pallas import tpu_sc as plsc

N_NODES = 10000
N_EDGES = 320000
D_FEAT = 128

NC = 2
NS = 16
NW = NC * NS

E_PER_W = N_EDGES // NW
CHUNK = 40
CHUNKS_PER_W = E_PER_W // CHUNK
N_CHUNKS = N_EDGES // CHUNK
NP = 10
NB = 5
N_BODIES = CHUNKS_PER_W // NP
SLAB = 640
LAST_SLAB = N_NODES - SLAB * (NS - 1)
ZROWS = 40
LOOK = 4
LAG = NB - LOOK


def _sc_partials(feat, e4):
    mesh = plsc.VectorSubcoreMesh(
        core_axis_name="c", subcore_axis_name="s", num_cores=NC, num_subcores=NS
    )

    scratch = (
        [pltpu.VMEM((1, CHUNK), jnp.int32) for _ in range(2 * NP)]
        + [pltpu.VMEM((CHUNK, D_FEAT), jnp.float32) for _ in range(NB)]
        + [pltpu.SemaphoreType.DMA for _ in range(NP + 2 * NB)]
        + [pltpu.VMEM_SHARED((N_NODES, D_FEAT), jnp.float32)]
    )

    @functools.partial(
        pl.kernel,
        out_type=jax.ShapeDtypeStruct((NC, N_NODES, D_FEAT), jnp.float32),
        mesh=mesh,
        scratch_types=scratch,
    )
    def k(feat_hbm, e_hbm, part_hbm, *sc):
        srcb = sc[0:NP]
        dstb = sc[NP:2 * NP]
        rows = sc[2 * NP:2 * NP + NB]
        si = sc[2 * NP + NB:2 * NP + NB + NP]
        sg = sc[2 * NP + NB + NP:2 * NP + NB + NP + NB]
        ss = sc[2 * NP + NB + NP + NB:2 * NP + NB + NP + 2 * NB]
        acc = sc[-1]

        c = lax.axis_index("c")
        s = lax.axis_index("s")
        w = s * NC + c
        base = w * CHUNKS_PER_W

        zvec = jnp.zeros((16,), jnp.float32)

        def zrow(r, carry):
            for k16 in range(D_FEAT // 16):
                rows[0][r, pl.ds(k16 * 16, 16)] = zvec
            return carry

        lax.fori_loop(0, ZROWS, zrow, 0)

        @pl.when(s < NS - 1)
        def _():
            for i in range(SLAB // ZROWS):
                pltpu.async_copy(
                    rows[0].at[pl.ds(0, ZROWS)],
                    acc.at[pl.ds(s * SLAB + i * ZROWS, ZROWS)],
                    ss[i % NB],
                )
            for i in range(SLAB // ZROWS):
                pltpu.make_async_copy(
                    feat_hbm.at[pl.ds(0, ZROWS)],
                    rows[0].at[pl.ds(0, ZROWS)],
                    ss[i % NB],
                ).wait()

        @pl.when(s == NS - 1)
        def _():
            for i in range(LAST_SLAB // ZROWS):
                pltpu.async_copy(
                    rows[0].at[pl.ds(0, ZROWS)],
                    acc.at[pl.ds((NS - 1) * SLAB + i * ZROWS, ZROWS)],
                    ss[i % NB],
                )
            for i in range(LAST_SLAB // ZROWS):
                pltpu.make_async_copy(
                    feat_hbm.at[pl.ds(0, ZROWS)],
                    rows[0].at[pl.ds(0, ZROWS)],
                    ss[i % NB],
                ).wait()

        def load_idx(chunk, p):
            pltpu.async_copy(e_hbm.at[0, chunk], srcb[p], si[p])
            pltpu.async_copy(e_hbm.at[1, chunk], dstb[p], si[p])

        def wait_idx(p):
            pltpu.make_async_copy(e_hbm.at[0, 0], srcb[p], si[p]).wait()
            pltpu.make_async_copy(e_hbm.at[1, 0], dstb[p], si[p]).wait()

        def wait_gather(b):
            pltpu.make_async_copy(
                feat_hbm.at[pl.ds(0, CHUNK)], rows[b], sg[b]
            ).wait()

        def drain_scatter(b):
            pltpu.make_async_copy(
                feat_hbm.at[pl.ds(0, CHUNK)], rows[b], ss[b]
            ).wait()

        for p in range(NP):
            load_idx(base + p, p)
        for p in range(LOOK):
            wait_idx(p)
            pltpu.async_copy(feat_hbm.at[srcb[p].at[0]], rows[p], sg[p])

        plsc.subcore_barrier()

        def emit_body(jbase, first, last):
            for p in range(NP):
                b = p % NB
                wait_gather(b)
                pltpu.async_copy(
                    rows[b], acc.at[dstb[p].at[0]], ss[b], add=True
                )
                if not (first and p < LAG):
                    drain_scatter((p + LOOK) % NB)
                    if not (last and p >= LAG):
                        load_idx(jbase + p + (NP - LAG), (p + NP - LAG) % NP)
                if not (last and p >= NP - LOOK):
                    q2 = (p + LOOK) % NP
                    wait_idx(q2)
                    pltpu.async_copy(
                        feat_hbm.at[srcb[q2].at[0]],
                        rows[(p + LOOK) % NB],
                        sg[(p + LOOK) % NB],
                    )

        emit_body(base, first=True, last=False)

        def mid(t, carry):
            emit_body(base + t * NP, first=False, last=False)
            return carry

        lax.fori_loop(1, N_BODIES - 1, mid, 0)
        emit_body(base + (N_BODIES - 1) * NP, first=False, last=True)

        for q in range(LAG):
            drain_scatter((CHUNKS_PER_W - LAG + q) % NB)
        plsc.subcore_barrier()

        @pl.when(s < NS - 1)
        def _():
            pltpu.sync_copy(
                acc.at[pl.ds(s * SLAB, SLAB)],
                part_hbm.at[c, pl.ds(s * SLAB, SLAB)],
            )

        @pl.when(s == NS - 1)
        def _():
            pltpu.sync_copy(
                acc.at[pl.ds((NS - 1) * SLAB, LAST_SLAB)],
                part_hbm.at[c, pl.ds((NS - 1) * SLAB, LAST_SLAB)],
            )

    return k(feat, e4)


def _tc_combine_body(eps_ref, feat_ref, part_ref, o_ref):
    o_ref[...] = (1.0 + eps_ref[0]) * feat_ref[...] + part_ref[0] + part_ref[1]


def _tc_combine(eps, feat, part):
    rows = 1000
    grid = N_NODES // rows
    return pl.pallas_call(
        _tc_combine_body,
        grid=(grid,),
        in_specs=[
            pl.BlockSpec(memory_space=pltpu.SMEM),
            pl.BlockSpec((rows, D_FEAT), lambda i: (i, 0)),
            pl.BlockSpec((NC, rows, D_FEAT), lambda i: (0, i, 0)),
        ],
        out_specs=pl.BlockSpec((rows, D_FEAT), lambda i: (i, 0)),
        out_shape=jax.ShapeDtypeStruct((N_NODES, D_FEAT), jnp.float32),
    )(eps, feat, part)


@jax.jit
def kernel(feat, edge_index, eps):
    e4 = edge_index.astype(jnp.int32).reshape(2, N_CHUNKS, 1, CHUNK)
    part = _sc_partials(feat, e4)
    return _tc_combine(eps, feat, part)

# --- scband reference (transcript-rebuilt; emitter-appended) ---
"""Pipeline reference for scband-ginconv-69638599737428 (READ-ONLY COPY).

The authoritative reference and input builder live on the scoring server;
editing this copy changes nothing except your own understanding.
"""

import jax, jax.numpy as jnp
import numpy as np

N_NODES = 10000
N_EDGES = 320000
D_FEAT = 128


def setup_inputs(seed: int = 0) -> dict:
    key = jax.random.key(seed)
    k_feat, k_edge = jax.random.split(key, 2)
    feat = jax.random.normal(k_feat, (N_NODES, D_FEAT), dtype=jnp.float32)
    edge_index = jax.random.randint(k_edge, (2, N_EDGES), 0, N_NODES, dtype=jnp.int64)
    # eps buffer (init_eps=0, learn_eps=False -> registered buffer, not a Parameter)
    eps = jnp.zeros((1,), dtype=jnp.float32)
    return {"feat": feat, "edge_index": edge_index, "eps": eps}


def reference(feat, edge_index, eps):
    # DGL GINConv forward with aggregator_type='sum', apply_func=None,
    # activation=None, edge_weight=None.
    # message: m = h[src] (copy_src); reduce: neigh[dst] = sum of messages
    src = edge_index[0]
    dst = edge_index[1]
    msgs = jnp.take(feat, src, axis=0)            # gather over source nodes
    neigh = jax.ops.segment_sum(msgs, dst, num_segments=feat.shape[0])  # scatter-add
    rst = (1.0 + eps[0]) * feat + neigh
    return rst

if __name__ == "__main__":
    import jax
    _d = setup_inputs()
    print(jax.jit(kernel)(*tuple(_d.values())))

</pallas_src>

<mosaic_0001>
#map = affine_map<(d0, d1) -> (0, 0)>
#map1 = affine_map<(d0, d1) -> (0, 0, 0, 0)>
#map2 = affine_map<(d0, d1) -> (0, 0, 0)>
module attributes {stable_mosaic.version = 14 : i64} {
  func.func @k(%arg0: i32, %arg1: i32, %arg2: memref<10000x128xf32, #tpu.memory_space<hbm>>, %arg3: memref<2x8000x1x40xi32, #tpu.memory_space<hbm>>, %arg4: memref<2x10000x128xf32, #tpu.memory_space<hbm>>, %arg5: memref<1x40xi32, #tpu.memory_space<vmem>>, %arg6: memref<1x40xi32, #tpu.memory_space<vmem>>, %arg7: memref<1x40xi32, #tpu.memory_space<vmem>>, %arg8: memref<1x40xi32, #tpu.memory_space<vmem>>, %arg9: memref<1x40xi32, #tpu.memory_space<vmem>>, %arg10: memref<1x40xi32, #tpu.memory_space<vmem>>, %arg11: memref<1x40xi32, #tpu.memory_space<vmem>>, %arg12: memref<1x40xi32, #tpu.memory_space<vmem>>, %arg13: memref<1x40xi32, #tpu.memory_space<vmem>>, %arg14: memref<1x40xi32, #tpu.memory_space<vmem>>, %arg15: memref<1x40xi32, #tpu.memory_space<vmem>>, %arg16: memref<1x40xi32, #tpu.memory_space<vmem>>, %arg17: memref<1x40xi32, #tpu.memory_space<vmem>>, %arg18: memref<1x40xi32, #tpu.memory_space<vmem>>, %arg19: memref<1x40xi32, #tpu.memory_space<vmem>>, %arg20: memref<1x40xi32, #tpu.memory_space<vmem>>, %arg21: memref<1x40xi32, #tpu.memory_space<vmem>>, %arg22: memref<1x40xi32, #tpu.memory_space<vmem>>, %arg23: memref<1x40xi32, #tpu.memory_space<vmem>>, %arg24: memref<1x40xi32, #tpu.memory_space<vmem>>, %arg25: memref<40x128xf32, #tpu.memory_space<vmem>>, %arg26: memref<40x128xf32, #tpu.memory_space<vmem>>, %arg27: memref<40x128xf32, #tpu.memory_space<vmem>>, %arg28: memref<40x128xf32, #tpu.memory_space<vmem>>, %arg29: memref<40x128xf32, #tpu.memory_space<vmem>>, %arg30: memref<!tpu.dma_semaphore, #tpu.memory_space<semaphore_mem>>, %arg31: memref<!tpu.dma_semaphore, #tpu.memory_space<semaphore_mem>>, %arg32: memref<!tpu.dma_semaphore, #tpu.memory_space<semaphore_mem>>, %arg33: memref<!tpu.dma_semaphore, #tpu.memory_space<semaphore_mem>>, %arg34: memref<!tpu.dma_semaphore, #tpu.memory_space<semaphore_mem>>, %arg35: memref<!tpu.dma_semaphore, #tpu.memory_space<semaphore_mem>>, %arg36: memref<!tpu.dma_semaphore, #tpu.memory_space<semaphore_mem>>, %arg37: memref<!tpu.dma_semaphore, #tpu.memory_space<semaphore_mem>>, %arg38: memref<!tpu.dma_semaphore, #tpu.memory_space<semaphore_mem>>, %arg39: memref<!tpu.dma_semaphore, #tpu.memory_space<semaphore_mem>>, %arg40: memref<!tpu.dma_semaphore, #tpu.memory_space<semaphore_mem>>, %arg41: memref<!tpu.dma_semaphore, #tpu.memory_space<semaphore_mem>>, %arg42: memref<!tpu.dma_semaphore, #tpu.memory_space<semaphore_mem>>, %arg43: memref<!tpu.dma_semaphore, #tpu.memory_space<semaphore_mem>>, %arg44: memref<!tpu.dma_semaphore, #tpu.memory_space<semaphore_mem>>, %arg45: memref<!tpu.dma_semaphore, #tpu.memory_space<semaphore_mem>>, %arg46: memref<!tpu.dma_semaphore, #tpu.memory_space<semaphore_mem>>, %arg47: memref<!tpu.dma_semaphore, #tpu.memory_space<semaphore_mem>>, %arg48: memref<!tpu.dma_semaphore, #tpu.memory_space<semaphore_mem>>, %arg49: memref<!tpu.dma_semaphore, #tpu.memory_space<semaphore_mem>>, %arg50: memref<10000x128xf32, #tpu.memory_space<vmem_shared>>) attributes {dimension_semantics = [#tpu.dimension_semantics<core_parallel>, #tpu.dimension_semantics<subcore_parallel>], iteration_bounds = array<i64: 2, 16>, scalar_prefetch = 0 : i64, scratch_operands = 46 : i64, tpu.core_type = #tpu.core_type<sc_vector_subcore>, window_params = [{transform_indices = #map}, {transform_indices = #map1}, {transform_indices = #map2}]} {
    %mul3A = arith.constant 2 : i32
    %mul3A_0 = arith.muli %arg1, %mul3A : i32
    %add3A = arith.addi %mul3A_0, %arg0 : i32
    %mul3A_1 = arith.constant 250 : i32
    %mul3A_2 = arith.muli %add3A, %mul3A_1 : i32
    %broadcast_in_dim3A = arith.constant 0.000000e+00 : f32
    %broadcast_in_dim3A_3 = vector.broadcast %broadcast_in_dim3A : f32 to vector<16xf32>
    %scan3A = arith.constant 0 : i32
    %scan3A_4 = arith.constant 0 : i32
    %scan3A_5 = arith.constant 40 : i32
    %scan3A_6 = arith.addi %scan3A_4, %scan3A_5 : i32
    %scan3A_7 = arith.constant 1 : i32
    scf.for %scan3A_1372 = %scan3A_4 to %scan3A_6 step %scan3A_7  : i32 {
      %swap3A = arith.index_cast %scan3A_1372 : i32 to index
      %swap3A_1373 = arith.constant 0 : index
      %swap3A_1374 = tpu.vector_load %arg25[%swap3A, %swap3A_1373] {strides = array<i32>} : memref<40x128xf32, #tpu.memory_space<vmem>>, vector<1x16xf32>,
      %swap3A_1375 = vector.shape_cast %swap3A_1374 : vector<1x16xf32> to vector<16xf32>
      %swap3A_1376 = vector.shape_cast %broadcast_in_dim3A_3 : vector<16xf32> to vector<1x16xf32>
      tpu.vector_store %arg25[%swap3A, %swap3A_1373], %swap3A_1376 {strides = array<i32>} : memref<40x128xf32, #tpu.memory_space<vmem>>, vector<1x16xf32>,
      %swap3A_1377 = arith.index_cast %scan3A_1372 : i32 to index
      %swap3A_1378 = arith.constant 16 : index
      %swap3A_1379 = tpu.vector_load %arg25[%swap3A_1377, %swap3A_1378] {strides = array<i32>} : memref<40x128xf32, #tpu.memory_space<vmem>>, vector<1x16xf32>,
      %swap3A_1380 = vector.shape_cast %swap3A_1379 : vector<1x16xf32> to vector<16xf32>
      %swap3A_1381 = vector.shape_cast %broadcast_in_dim3A_3 : vector<16xf32> to vector<1x16xf32>
      tpu.vector_store %arg25[%swap3A_1377, %swap3A_1378], %swap3A_1381 {strides = array<i32>} : memref<40x128xf32, #tpu.memory_space<vmem>>, vector<1x16xf32>,
      %swap3A_1382 = arith.index_cast %scan3A_1372 : i32 to index
      %swap3A_1383 = arith.constant 32 : index
      %swap3A_1384 = tpu.vector_load %arg25[%swap3A_1382, %swap3A_1383] {strides = array<i32>} : memref<40x128xf32, #tpu.memory_space<vmem>>, vector<1x16xf32>,
      %swap3A_1385 = vector.shape_cast %swap3A_1384 : vector<1x16xf32> to vector<16xf32>
      %swap3A_1386 = vector.shape_cast %broadcast_in_dim3A_3 : vector<16xf32> to vector<1x16xf32>
      tpu.vector_store %arg25[%swap3A_1382, %swap3A_1383], %swap3A_1386 {strides = array<i32>} : memref<40x128xf32, #tpu.memory_space<vmem>>, vector<1x16xf32>,
      %swap3A_1387 = arith.index_cast %scan3A_1372 : i32 to index
      %swap3A_1388 = arith.constant 48 : index
      %swap3A_1389 = tpu.vector_load %arg25[%swap3A_1387, %swap3A_1388] {strides = array<i32>} : memref<40x128xf32, #tpu.memory_space<vmem>>, vector<1x16xf32>,
      %swap3A_1390 = vector.shape_cast %swap3A_1389 : vector<1x16xf32> to vector<16xf32>
      %swap3A_1391 = vector.shape_cast %broadcast_in_dim3A_3 : vector<16xf32> to vector<1x16xf32>
      tpu.vector_store %arg25[%swap3A_1387, %swap3A_1388], %swap3A_1391 {strides = array<i32>} : memref<40x128xf32, #tpu.memory_space<vmem>>, vector<1x16xf32>,
      %swap3A_1392 = arith.index_cast %scan3A_1372 : i32 to index
      %swap3A_1393 = arith.constant 64 : index
      %swap3A_1394 = tpu.vector_load %arg25[%swap3A_1392, %swap3A_1393] {strides = array<i32>} : memref<40x128xf32, #tpu.memory_space<vmem>>, vector<1x16xf32>,
      %swap3A_1395 = vector.shape_cast %swap3A_1394 : vector<1x16xf32> to vector<16xf32>
      %swap3A_1396 = vector.shape_cast %broadcast_in_dim3A_3 : vector<16xf32> to vector<1x16xf32>
      tpu.vector_store %arg25[%swap3A_1392, %swap3A_1393], %swap3A_1396 {strides = array<i32>} : memref<40x128xf32, #tpu.memory_space<vmem>>, vector<1x16xf32>,
      %swap3A_1397 = arith.index_cast %scan3A_1372 : i32 to index
      %swap3A_1398 = arith.constant 80 : index
      %swap3A_1399 = tpu.vector_load %arg25[%swap3A_1397, %swap3A_1398] {strides = array<i32>} : memref<40x128xf32, #tpu.memory_space<vmem>>, vector<1x16xf32>,
      %swap3A_1400 = vector.shape_cast %swap3A_1399 : vector<1x16xf32> to vector<16xf32>
      %swap3A_1401 = vector.shape_cast %broadcast_in_dim3A_3 : vector<16xf32> to vector<1x16xf32>
      tpu.vector_store %arg25[%swap3A_1397, %swap3A_1398], %swap3A_1401 {strides = array<i32>} : memref<40x128xf32, #tpu.memory_space<vmem>>, vector<1x16xf32>,
      %swap3A_1402 = arith.index_cast %scan3A_1372 : i32 to index
      %swap3A_1403 = arith.constant 96 : index
      %swap3A_1404 = tpu.vector_load %arg25[%swap3A_1402, %swap3A_1403] {strides = array<i32>} : memref<40x128xf32, #tpu.memory_space<vmem>>, vector<1x16xf32>,
      %swap3A_1405 = vector.shape_cast %swap3A_1404 : vector<1x16xf32> to vector<16xf32>
      %swap3A_1406 = vector.shape_cast %broadcast_in_dim3A_3 : vector<16xf32> to vector<1x16xf32>
      tpu.vector_store %arg25[%swap3A_1402, %swap3A_1403], %swap3A_1406 {strides = array<i32>} : memref<40x128xf32, #tpu.memory_space<vmem>>, vector<1x16xf32>,
      %swap3A_1407 = arith.index_cast %scan3A_1372 : i32 to index
      %swap3A_1408 = arith.constant 112 : index
      %swap3A_1409 = tpu.vector_load %arg25[%swap3A_1407, %swap3A_1408] {strides = array<i32>} : memref<40x128xf32, #tpu.memory_space<vmem>>, vector<1x16xf32>,
      %swap3A_1410 = vector.shape_cast %swap3A_1409 : vector<1x16xf32> to vector<16xf32>
      %swap3A_1411 = vector.shape_cast %broadcast_in_dim3A_3 : vector<16xf32> to vector<1x16xf32>
      tpu.vector_store %arg25[%swap3A_1407, %swap3A_1408], %swap3A_1411 {strides = array<i32>} : memref<40x128xf32, #tpu.memory_space<vmem>>, vector<1x16xf32>,
    }
    %scan3A_8 = arith.constant 40 : i32
    %lt3A = arith.constant 15 : i32
    %lt3A_9 = arith.cmpi slt, %arg1, %lt3A : i32
    %convert_element_type3A = arith.extui %lt3A_9 : i1 to i32
    %cond3A = arith.constant 0 : i32
    %cond3A_10 = arith.cmpi ne, %convert_element_type3A, %cond3A : i32
    scf.if %cond3A_10 {
      %mul3A_1372 = arith.constant 640 : i32
      %mul3A_1373 = arith.muli %arg1, %mul3A_1372 : i32
      %add3A_1374 = arith.constant 0 : i32
      %add3A_1375 = arith.addi %mul3A_1373, %add3A_1374 : i32
      %dma_start3A_1376 = arith.constant 0 : i32
      %dma_start3A_1377 = arith.constant 0 : i32
      %dma_start3A_1378 = tpu.memref_slice %arg25[%dma_start3A_1376, %dma_start3A_1377] : memref<40x128xf32, #tpu.memory_space<vmem>> -> memref<40x128xf32, #tpu.memory_space<vmem>>
      %dma_start3A_1379 = arith.constant 0 : i32
      %dma_start3A_1380 = tpu.memref_slice %arg50[%add3A_1375, %dma_start3A_1379] : memref<10000x128xf32, #tpu.memory_space<vmem_shared>> -> memref<40x128xf32, #tpu.memory_space<vmem_shared>>
      %dma_start3A_1381 = arith.constant 0 : i32
      %dma_start3A_1382 = tpu.memref_slice %arg50[%add3A_1375, %dma_start3A_1381] : memref<10000x128xf32, #tpu.memory_space<vmem_shared>> -> memref<40x128xf32, #tpu.memory_space<vmem_shared>>
      %dma_start3A_1383 = arith.constant 0 : i32
      %dma_start3A_1384 = arith.constant 0 : i32
      %dma_start3A_1385 = tpu.memref_slice %arg25[%dma_start3A_1383, %dma_start3A_1384] : memref<40x128xf32, #tpu.memory_space<vmem>> -> memref<40x128xf32, #tpu.memory_space<vmem>>
      tpu.enqueue_dma source(%dma_start3A_1385 : memref<40x128xf32, #tpu.memory_space<vmem>>) target(%dma_start3A_1382 : memref<40x128xf32, #tpu.memory_space<vmem_shared>>) target_semaphore(%arg45 : memref<!tpu.dma_semaphore, #tpu.memory_space<semaphore_mem>>)
      %mul3A_1386 = arith.constant 640 : i32
      %mul3A_1387 = arith.muli %arg1, %mul3A_1386 : i32
      %add3A_1388 = arith.constant 40 : i32
      %add3A_1389 = arith.addi %mul3A_1387, %add3A_1388 : i32
      %dma_start3A_1390 = arith.constant 0 : i32
      %dma_start3A_1391 = arith.constant 0 : i32
      %dma_start3A_1392 = tpu.memref_slice %arg25[%dma_start3A_1390, %dma_start3A_1391] : memref<40x128xf32, #tpu.memory_space<vmem>> -> memref<40x128xf32, #tpu.memory_space<vmem>>
      %dma_start3A_1393 = arith.constant 0 : i32
      %dma_start3A_1394 = tpu.memref_slice %arg50[%add3A_1389, %dma_start3A_1393] : memref<10000x128xf32, #tpu.memory_space<vmem_shared>> -> memref<40x128xf32, #tpu.memory_space<vmem_shared>>
      %dma_start3A_1395 = arith.constant 0 : i32
      %dma_start3A_1396 = tpu.memref_slice %arg50[%add3A_1389, %dma_start3A_1395] : memref<10000x128xf32, #tpu.memory_space<vmem_shared>> -> memref<40x128xf32, #tpu.memory_space<vmem_shared>>
      %dma_start3A_1397 = arith.constant 0 : i32
      %dma_start3A_1398 = arith.constant 0 : i32
      %dma_start3A_1399 = tpu.memref_slice %arg25[%dma_start3A_1397, %dma_start3A_1398] : memref<40x128xf32, #tpu.memory_space<vmem>> -> memref<40x128xf32, #tpu.memory_space<vmem>>
      tpu.enqueue_dma source(%dma_start3A_1399 : memref<40x128xf32, #tpu.memory_space<vmem>>) target(%dma_start3A_1396 : memref<40x128xf32, #tpu.memory_space<vmem_shared>>) target_semaphore(%arg46 : memref<!tpu.dma_semaphore, #tpu.memory_space<semaphore_mem>>)
      %mul3A_1400 = arith.constant 640 : i32
      %mul3A_1401 = arith.muli %arg1, %mul3A_1400 : i32
      %add3A_1402 = arith.constant 80 : i32
      %add3A_1403 = arith.addi %mul3A_1401, %add3A_1402 : i32
      %dma_start3A_1404 = arith.constant 0 : i32
      %dma_start3A_1405 = arith.constant 0 : i32
      %dma_start3A_1406 = tpu.memref_slice %arg25[%dma_start3A_1404, %dma_start3A_1405] : memref<40x128xf32, #tpu.memory_space<vmem>> -> memref<40x128xf32, #tpu.memory_space<vmem>>
      %dma_start3A_1407 = arith.constant 0 : i32
      %dma_start3A_1408 = tpu.memref_slice %arg50[%add3A_1403, %dma_start3A_1407] : memref<10000x128xf32, #tpu.memory_space<vmem_shared>> -> memref<40x128xf32, #tpu.memory_space<vmem_shared>>
      %dma_start3A_1409 = arith.constant 0 : i32
      %dma_start3A_1410 = tpu.memref_slice %arg50[%add3A_1403, %dma_start3A_1409] : memref<10000x128xf32, #tpu.memory_space<vmem_shared>> -> memref<40x128xf32, #tpu.memory_space<vmem_shared>>
      %dma_start3A_1411 = arith.constant 0 : i32
      %dma_start3A_1412 = arith.constant 0 : i32
      %dma_start3A_1413 = tpu.memref_slice %arg25[%dma_start3A_1411, %dma_start3A_1412] : memref<40x128xf32, #tpu.memory_space<vmem>> -> memref<40x128xf32, #tpu.memory_space<vmem>>
      tpu.enqueue_dma source(%dma_start3A_1413 : memref<40x128xf32, #tpu.memory_space<vmem>>) target(%dma_start3A_1410 : memref<40x128xf32, #tpu.memory_space<vmem_shared>>) target_semaphore(%arg47 : memref<!tpu.dma_semaphore, #tpu.memory_space<semaphore_mem>>)
      %mul3A_1414 = arith.constant 640 : i32
      %mul3A_1415 = arith.muli %arg1, %mul3A_1414 : i32
      %add3A_1416 = arith.constant 120 : i32
      %add3A_1417 = arith.addi %mul3A_1415, %add3A_1416 : i32
      %dma_start3A_1418 = arith.constant 0 : i32
      %dma_start3A_1419 = arith.constant 0 : i32
      %dma_start3A_1420 = tpu.memref_slice %arg25[%dma_start3A_1418, %dma_start3A_1419] : memref<40x128xf32, #tpu.memory_space<vmem>> -> memref<40x128xf32, #tpu.memory_space<vmem>>
      %dma_start3A_1421 = arith.constant 0 : i32
      %dma_start3A_1422 = tpu.memref_slice %arg50[%add3A_1417, %dma_start3A_1421] : memref<10000x128xf32, #tpu.memory_space<vmem_shared>> -> memref<40x128xf32, #tpu.memory_space<vmem_shared>>
      %dma_start3A_1423 = arith.constant 0 : i32
      %dma_start3A_1424 = tpu.memref_slice %arg50[%add3A_1417, %dma_start3A_1423] : memref<10000x128xf32, #tpu.memory_space<vmem_shared>> -> memref<40x128xf32, #tpu.memory_space<vmem_shared>>
      %dma_start3A_1425 = arith.constant 0 : i32
      %dma_start3A_1426 = arith.constant 0 : i32
      %dma_start3A_1427 = tpu.memref_slice %arg25[%dma_start3A_1425, %dma_start3A_1426] : memref<40x128xf32, #tpu.memory_space<vmem>> -> memref<40x128xf32, #tpu.memory_space<vmem>>
      tpu.enqueue_dma source(%dma_start3A_1427 : memref<40x128xf32, #tpu.memory_space<vmem>>) target(%dma_start3A_1424 : memref<40x128xf32, #tpu.memory_space<vmem_shared>>) target_semaphore(%arg48 : memref<!tpu.dma_semaphore, #tpu.memory_space<semaphore_mem>>)
      %mul3A_1428 = arith.constant 640 : i32
      %mul3A_1429 = arith.muli %arg1, %mul3A_1428 : i32
      %add3A_1430 = arith.constant 160 : i32
      %add3A_1431 = arith.addi %mul3A_1429, %add3A_1430 : i32
      %dma_start3A_1432 = arith.constant 0 : i32
      %dma_start3A_1433 = arith.constant 0 : i32
      %dma_start3A_1434 = tpu.memref_slice %arg25[%dma_start3A_1432, %dma_start3A_1433] : memref<40x128xf32, #tpu.memory_space<vmem>> -> memref<40x128xf32, #tpu.memory_space<vmem>>
      %dma_start3A_1435 = arith.constant 0 : i32
      %dma_start3A_1436 = tpu.memref_slice %arg50[%add3A_1431, %dma_start3A_1435] : memref<10000x128xf32, #tpu.memory_space<vmem_shared>> -> memref<40x128xf32, #tpu.memory_space<vmem_shared>>
      %dma_start3A_1437 = arith.constant 0 : i32
      %dma_start3A_1438 = tpu.memref_slice %arg50[%add3A_1431, %dma_start3A_1437] : memref<10000x128xf32, #tpu.memory_space<vmem_shared>> -> memref<40x128xf32, #tpu.memory_space<vmem_shared>>
      %dma_start3A_1439 = arith.constant 0 : i32
      %dma_start3A_1440 = arith.constant 0 : i32
      %dma_start3A_1441 = tpu.memref_slice %arg25[%dma_start3A_1439, %dma_start3A_1440] : memref<40x128xf32, #tpu.memory_space<vmem>> -> memref<40x128xf32, #tpu.memory_space<vmem>>
      tpu.enqueue_dma source(%dma_start3A_1441 : memref<40x128xf32, #tpu.memory_space<vmem>>) target(%dma_start3A_1438 : memref<40x128xf32, #tpu.memory_space<vmem_shared>>) target_semaphore(%arg49 : memref<!tpu.dma_semaphore, #tpu.memory_space<semaphore_mem>>)
      %mul3A_1442 = arith.constant 640 : i32
      %mul3A_1443 = arith.muli %arg1, %mul3A_1442 : i32
      %add3A_1444 = arith.constant 200 : i32
      %add3A_1445 = arith.addi %mul3A_1443, %add3A_1444 : i32
      %dma_start3A_1446 = arith.constant 0 : i32
      %dma_start3A_1447 = arith.constant 0 : i32
      %dma_start3A_1448 = tpu.memref_slice %arg25[%dma_start3A_1446, %dma_start3A_1447] : memref<40x128xf32, #tpu.memory_space<vmem>> -> memref<40x128xf32, #tpu.memory_space<vmem>>
      %dma_start3A_1449 = arith.constant 0 : i32
      %dma_start3A_1450 = tpu.memref_slice %arg50[%add3A_1445, %dma_start3A_1449] : memref<10000x128xf32, #tpu.memory_space<vmem_shared>> -> memref<40x128xf32, #tpu.memory_space<vmem_shared>>
      %dma_start3A_1451 = arith.constant 0 : i32
      %dma_start3A_1452 = tpu.memref_slice %arg50[%add3A_1445, %dma_start3A_1451] : memref<10000x128xf32, #tpu.memory_space<vmem_shared>> -> memref<40x128xf32, #tpu.memory_space<vmem_shared>>
      %dma_start3A_1453 = arith.constant 0 : i32
      %dma_start3A_1454 = arith.constant 0 : i32
      %dma_start3A_1455 = tpu.memref_slice %arg25[%dma_start3A_1453, %dma_start3A_1454] : memref<40x128xf32, #tpu.memory_space<vmem>> -> memref<40x128xf32, #tpu.memory_space<vmem>>
      tpu.enqueue_dma source(%dma_start3A_1455 : memref<40x128xf32, #tpu.memory_space<vmem>>) target(%dma_start3A_1452 : memref<40x128xf32, #tpu.memory_space<vmem_shared>>) target_semaphore(%arg45 : memref<!tpu.dma_semaphore, #tpu.memory_space<semaphore_mem>>)
      %mul3A_1456 = arith.constant 640 : i32
      %mul3A_1457 = arith.muli %arg1, %mul3A_1456 : i32
      %add3A_1458 = arith.constant 240 : i32
      %add3A_1459 = arith.addi %mul3A_1457, %add3A_1458 : i32
      %dma_start3A_1460 = arith.constant 0 : i32
      %dma_start3A_1461 = arith.constant 0 : i32
      %dma_start3A_1462 = tpu.memref_slice %arg25[%dma_start3A_1460, %dma_start3A_1461] : memref<40x128xf32, #tpu.memory_space<vmem>> -> memref<40x128xf32, #tpu.memory_space<vmem>>
      %dma_start3A_1463 = arith.constant 0 : i32
      %dma_start3A_1464 = tpu.memref_slice %arg50[%add3A_1459, %dma_start3A_1463] : memref<10000x128xf32, #tpu.memory_space<vmem_shared>> -> memref<40x128xf32, #tpu.memory_space<vmem_shared>>
      %dma_start3A_1465 = arith.constant 0 : i32
      %dma_start3A_1466 = tpu.memref_slice %arg50[%add3A_1459, %dma_start3A_1465] : memref<10000x128xf32, #tpu.memory_space<vmem_shared>> -> memref<40x128xf32, #tpu.memory_space<vmem_shared>>
      %dma_start3A_1467 = arith.constant 0 : i32
      %dma_start3A_1468 = arith.constant 0 : i32
      %dma_start3A_1469 = tpu.memref_slice %arg25[%dma_start3A_1467, %dma_start3A_1468] : memref<40x128xf32, #tpu.memory_space<vmem>> -> memref<40x128xf32, #tpu.memory_space<vmem>>
      tpu.enqueue_dma source(%dma_start3A_1469 : memref<40x128xf32, #tpu.memory_space<vmem>>) target(%dma_start3A_1466 : memref<40x128xf32, #tpu.memory_space<vmem_shared>>) target_semaphore(%arg46 : memref<!tpu.dma_semaphore, #tpu.memory_space<semaphore_mem>>)
      %mul3A_1470 = arith.constant 640 : i32
      %mul3A_1471 = arith.muli %arg1, %mul3A_1470 : i32
      %add3A_1472 = arith.constant 280 : i32
      %add3A_1473 = arith.addi %mul3A_1471, %add3A_1472 : i32
      %dma_start3A_1474 = arith.constant 0 : i32
      %dma_start3A_1475 = arith.constant 0 : i32
      %dma_start3A_1476 = tpu.memref_slice %arg25[%dma_start3A_1474, %dma_start3A_1475] : memref<40x128xf32, #tpu.memory_space<vmem>> -> memref<40x128xf32, #tpu.memory_space<vmem>>
      %dma_start3A_1477 = arith.constant 0 : i32
      %dma_start3A_1478 = tpu.memref_slice %arg50[%add3A_1473, %dma_start3A_1477] : memref<10000x128xf32, #tpu.memory_space<vmem_shared>> -> memref<40x128xf32, #tpu.memory_space<vmem_shared>>
      %dma_start3A_1479 = arith.constant 0 : i32
      %dma_start3A_1480 = tpu.memref_slice %arg50[%add3A_1473, %dma_start3A_1479] : memref<10000x128xf32, #tpu.memory_space<vmem_shared>> -> memref<40x128xf32, #tpu.memory_space<vmem_shared>>
      %dma_start3A_1481 = arith.constant 0 : i32
      %dma_start3A_1482 = arith.constant 0 : i32
      %dma_start3A_1483 = tpu.memref_slice %arg25[%dma_start3A_1481, %dma_start3A_1482] : memref<40x128xf32, #tpu.memory_space<vmem>> -> memref<40x128xf32, #tpu.memory_space<vmem>>
      tpu.enqueue_dma source(%dma_start3A_1483 : memref<40x128xf32, #tpu.memory_space<vmem>>) target(%dma_start3A_1480 : memref<40x128xf32, #tpu.memory_space<vmem_shared>>) target_semaphore(%arg47 : memref<!tpu.dma_semaphore, #tpu.memory_space<semaphore_mem>>)
      %mul3A_1484 = arith.constant 640 : i32
      %mul3A_1485 = arith.muli %arg1, %mul3A_1484 : i32
      %add3A_1486 = arith.constant 320 : i32
      %add3A_1487 = arith.addi %mul3A_1485, %add3A_1486 : i32
      %dma_start3A_1488 = arith.constant 0 : i32
      %dma_start3A_1489 = arith.constant 0 : i32
      %dma_start3A_1490 = tpu.memref_slice %arg25[%dma_start3A_1488, %dma_start3A_1489] : memref<40x128xf32, #tpu.memory_space<vmem>> -> memref<40x128xf32, #tpu.memory_space<vmem>>
      %dma_start3A_1491 = arith.constant 0 : i32
      %dma_start3A_1492 = tpu.memref_slice %arg50[%add3A_1487, %dma_start3A_1491] : memref<10000x128xf32, #tpu.memory_space<vmem_shared>> -> memref<40x128xf32, #tpu.memory_space<vmem_shared>>
      %dma_start3A_1493 = arith.constant 0 : i32
      %dma_start3A_1494 = tpu.memref_slice %arg50[%add3A_1487, %dma_start3A_1493] : memref<10000x128xf32, #tpu.memory_space<vmem_shared>> -> memref<40x128xf32, #tpu.memory_space<vmem_shared>>
      %dma_start3A_1495 = arith.constant 0 : i32
      %dma_start3A_1496 = arith.constant 0 : i32
      %dma_start3A_1497 = tpu.memref_slice %arg25[%dma_start3A_1495, %dma_start3A_1496] : memref<40x128xf32, #tpu.memory_space<vmem>> -> memref<40x128xf32, #tpu.memory_space<vmem>>
      tpu.enqueue_dma source(%dma_start3A_1497 : memref<40x128xf32, #tpu.memory_space<vmem>>) target(%dma_start3A_1494 : memref<40x128xf32, #tpu.memory_space<vmem_shared>>) target_semaphore(%arg48 : memref<!tpu.dma_semaphore, #tpu.memory_space<semaphore_mem>>)
      %mul3A_1498 = arith.constant 640 : i32
      %mul3A_1499 = arith.muli %arg1, %mul3A_1498 : i32
      %add3A_1500 = arith.constant 360 : i32
      %add3A_1501 = arith.addi %mul3A_1499, %add3A_1500 : i32
      %dma_start3A_1502 = arith.constant 0 : i32
      %dma_start3A_1503 = arith.constant 0 : i32
      %dma_start3A_1504 = tpu.memref_slice %arg25[%dma_start3A_1502, %dma_start3A_1503] : memref<40x128xf32, #tpu.memory_space<vmem>> -> memref<40x128xf32, #tpu.memory_space<vmem>>
      %dma_start3A_1505 = arith.constant 0 : i32
      %dma_start3A_1506 = tpu.memref_slice %arg50[%add3A_1501, %dma_start3A_1505] : memref<10000x128xf32, #tpu.memory_space<vmem_shared>> -> memref<40x128xf32, #tpu.memory_space<vmem_shared>>
      %dma_start3A_1507 = arith.constant 0 : i32
      %dma_start3A_1508 = tpu.memref_slice %arg50[%add3A_1501, %dma_start3A_1507] : memref<10000x128xf32, #tpu.memory_space<vmem_shared>> -> memref<40x128xf32, #tpu.memory_space<vmem_shared>>
      %dma_start3A_1509 = arith.constant 0 : i32
      %dma_start3A_1510 = arith.constant 0 : i32
      %dma_start3A_1511 = tpu.memref_slice %arg25[%dma_start3A_1509, %dma_start3A_1510] : memref<40x128xf32, #tpu.memory_space<vmem>> -> memref<40x128xf32, #tpu.memory_space<vmem>>
      tpu.enqueue_dma source(%dma_start3A_1511 : memref<40x128xf32, #tpu.memory_space<vmem>>) target(%dma_start3A_1508 : memref<40x128xf32, #tpu.memory_space<vmem_shared>>) target_semaphore(%arg49 : memref<!tpu.dma_semaphore, #tpu.memory_space<semaphore_mem>>)
      %mul3A_1512 = arith.constant 640 : i32
      %mul3A_1513 = arith.muli %arg1, %mul3A_1512 : i32
      %add3A_1514 = arith.constant 400 : i32
      %add3A_1515 = arith.addi %mul3A_1513, %add3A_1514 : i32
      %dma_start3A_1516 = arith.constant 0 : i32
      %dma_start3A_1517 = arith.constant 0 : i32
      %dma_start3A_1518 = tpu.memref_slice %arg25[%dma_start3A_1516, %dma_start3A_1517] : memref<40x128xf32, #tpu.memory_space<vmem>> -> memref<40x128xf32, #tpu.memory_space<vmem>>
      %dma_start3A_1519 = arith.constant 0 : i32
      %dma_start3A_1520 = tpu.memref_slice %arg50[%add3A_1515, %dma_start3A_1519] : memref<10000x128xf32, #tpu.memory_space<vmem_shared>> -> memref<40x128xf32, #tpu.memory_space<vmem_shared>>
      %dma_start3A_1521 = arith.constant 0 : i32
      %dma_start3A_1522 = tpu.memref_slice %arg50[%add3A_1515, %dma_start3A_1521] : memref<10000x128xf32, #tpu.memory_space<vmem_shared>> -> memref<40x128xf32, #tpu.memory_space<vmem_shared>>
      %dma_start3A_1523 = arith.constant 0 : i32
      %dma_start3A_1524 = arith.constant 0 : i32
      %dma_start3A_1525 = tpu.memref_slice %arg25[%dma_start3A_1523, %dma_start3A_1524] : memref<40x128xf32, #tpu.memory_space<vmem>> -> memref<40x128xf32, #tpu.memory_space<vmem>>
      tpu.enqueue_dma source(%dma_start3A_1525 : memref<40x128xf32, #tpu.memory_space<vmem>>) target(%dma_start3A_1522 : memref<40x128xf32, #tpu.memory_space<vmem_shared>>) target_semaphore(%arg45 : memref<!tpu.dma_semaphore, #tpu.memory_space<semaphore_mem>>)
      %mul3A_1526 = arith.constant 640 : i32
      %mul3A_1527 = arith.muli %arg1, %mul3A_1526 : i32
      %add3A_1528 = arith.constant 440 : i32
      %add3A_1529 = arith.addi %mul3A_1527, %add3A_1528 : i32
      %dma_start3A_1530 = arith.constant 0 : i32
      %dma_start3A_1531 = arith.constant 0 : i32
      %dma_start3A_1532 = tpu.memref_slice %arg25[%dma_start3A_1530, %dma_start3A_1531] : memref<40x128xf32, #tpu.memory_space<vmem>> -> memref<40x128xf32, #tpu.memory_space<vmem>>
      %dma_start3A_1533 = arith.constant 0 : i32
      %dma_start3A_1534 = tpu.memref_slice %arg50[%add3A_1529, %dma_start3A_1533] : memref<10000x128xf32, #tpu.memory_space<vmem_shared>> -> memref<40x128xf32, #tpu.memory_space<vmem_shared>>
      %dma_start3A_1535 = arith.constant 0 : i32
      %dma_start3A_1536 = tpu.memref_slice %arg50[%add3A_1529, %dma_start3A_1535] : memref<10000x128xf32, #tpu.memory_space<vmem_shared>> -> memref<40x128xf32, #tpu.memory_space<vmem_shared>>
      %dma_start3A_1537 = arith.constant 0 : i32
      %dma_start3A_1538 = arith.constant 0 : i32
      %dma_start3A_1539 = tpu.memref_slice %arg25[%dma_start3A_1537, %dma_start3A_1538] : memref<40x128xf32, #tpu.memory_space<vmem>> -> memref<40x128xf32, #tpu.memory_space<vmem>>
      tpu.enqueue_dma source(%dma_start3A_1539 : memref<40x128xf32, #tpu.memory_space<vmem>>) target(%dma_start3A_1536 : memref<40x128xf32, #tpu.memory_space<vmem_shared>>) target_semaphore(%arg46 : memref<!tpu.dma_semaphore, #tpu.memory_space<semaphore_mem>>)
      %mul3A_1540 = arith.constant 640 : i32
      %mul3A_1541 = arith.muli %arg1, %mul3A_1540 : i32
      %add3A_1542 = arith.constant 480 : i32
      %add3A_1543 = arith.addi %mul3A_1541, %add3A_1542 : i32
      %dma_start3A_1544 = arith.constant 0 : i32
      %dma_start3A_1545 = arith.constant 0 : i32
      %dma_start3A_1546 = tpu.memref_slice %arg25[%dma_start3A_1544, %dma_start3A_1545] : memref<40x128xf32, #tpu.memory_space<vmem>> -> memref<40x128xf32, #tpu.memory_space<vmem>>
      %dma_start3A_1547 = arith.constant 0 : i32
      %dma_start3A_1548 = tpu.memref_slice %arg50[%add3A_1543, %dma_start3A_1547] : memref<10000x128xf32, #tpu.memory_space<vmem_shared>> -> memref<40x128xf32, #tpu.memory_space<vmem_shared>>
      %dma_start3A_1549 = arith.constant 0 : i32
      %dma_start3A_1550 = tpu.memref_slice %arg50[%add3A_1543, %dma_start3A_1549] : memref<10000x128xf32, #tpu.memory_space<vmem_shared>> -> memref<40x128xf32, #tpu.memory_space<vmem_shared>>
      %dma_start3A_1551 = arith.constant 0 : i32
      %dma_start3A_1552 = arith.constant 0 : i32
      %dma_start3A_1553 = tpu.memref_slice %arg25[%dma_start3A_1551, %dma_start3A_1552] : memref<40x128xf32, #tpu.memory_space<vmem>> -> memref<40x128xf32, #tpu.memory_space<vmem>>
      tpu.enqueue_dma source(%dma_start3A_1553 : memref<40x128xf32, #tpu.memory_space<vmem>>) target(%dma_start3A_1550 : memref<40x128xf32, #tpu.memory_space<vmem_shared>>) target_semaphore(%arg47 : memref<!tpu.dma_semaphore, #tpu.memory_space<semaphore_mem>>)
      %mul3A_1554 = arith.constant 640 : i32
      %mul3A_1555 = arith.muli %arg1, %mul3A_1554 : i32
      %add3A_1556 = arith.constant 520 : i32
      %add3A_1557 = arith.addi %mul3A_1555, %add3A_1556 : i32
      %dma_start3A_1558 = arith.constant 0 : i32
      %dma_start3A_1559 = arith.constant 0 : i32
      %dma_start3A_1560 = tpu.memref_slice %arg25[%dma_start3A_1558, %dma_start3A_1559] : memref<40x128xf32, #tpu.memory_space<vmem>> -> memref<40x128xf32, #tpu.memory_space<vmem>>
      %dma_start3A_1561 = arith.constant 0 : i32
      %dma_start3A_1562 = tpu.memref_slice %arg50[%add3A_1557, %dma_start3A_1561] : memref<10000x128xf32, #tpu.memory_space<vmem_shared>> -> memref<40x128xf32, #tpu.memory_space<vmem_shared>>
      %dma_start3A_1563 = arith.constant 0 : i32
      %dma_start3A_1564 = tpu.memref_slice %arg50[%add3A_1557, %dma_start3A_1563] : memref<10000x128xf32, #tpu.memory_space<vmem_shared>> -> memref<40x128xf32, #tpu.memory_space<vmem_shared>>
      %dma_start3A_1565 = arith.constant 0 : i32
      %dma_start3A_1566 = arith.constant 0 : i32
      %dma_start3A_1567 = tpu.memref_slice %arg25[%dma_start3A_1565, %dma_start3A_1566] : memref<40x128xf32, #tpu.memory_space<vmem>> -> memref<40x128xf32, #tpu.memory_space<vmem>>
      tpu.enqueue_dma source(%dma_start3A_1567 : memref<40x128xf32, #tpu.memory_space<vmem>>) target(%dma_start3A_1564 : memref<40x128xf32, #tpu.memory_space<vmem_shared>>) target_semaphore(%arg48 : memref<!tpu.dma_semaphore, #tpu.memory_space<semaphore_mem>>)
      %mul3A_1568 = arith.constant 640 : i32
      %mul3A_1569 = arith.muli %arg1, %mul3A_1568 : i32
      %add3A_1570 = arith.constant 560 : i32
      %add3A_1571 = arith.addi %mul3A_1569, %add3A_1570 : i32
      %dma_start3A_1572 = arith.constant 0 : i32
      %dma_start3A_1573 = arith.constant 0 : i32
      %dma_start3A_1574 = tpu.memref_slice %arg25[%dma_start3A_1572, %dma_start3A_1573] : memref<40x128xf32, #tpu.memory_space<vmem>> -> memref<40x128xf32, #tpu.memory_space<vmem>>
      %dma_start3A_1575 = arith.constant 0 : i32
      %dma_start3A_1576 = tpu.memref_slice %arg50[%add3A_1571, %dma_start3A_1575] : memref<10000x128xf32, #tpu.memory_space<vmem_shared>> -> memref<40x128xf32, #tpu.memory_space<vmem_shared>>
      %dma_start3A_1577 = arith.constant 0 : i32
      %dma_start3A_1578 = tpu.memref_slice %arg50[%add3A_1571, %dma_start3A_1577] : memref<10000x128xf32, #tpu.memory_space<vmem_shared>> -> memref<40x128xf32, #tpu.memory_space<vmem_shared>>
      %dma_start3A_1579 = arith.constant 0 : i32
      %dma_start3A_1580 = arith.constant 0 : i32
      %dma_start3A_1581 = tpu.memref_slice %arg25[%dma_start3A_1579, %dma_start3A_1580] : memref<40x128xf32, #tpu.memory_space<vmem>> -> memref<40x128xf32, #tpu.memory_space<vmem>>
      tpu.enqueue_dma source(%dma_start3A_1581 : memref<40x128xf32, #tpu.memory_space<vmem>>) target(%dma_start3A_1578 : memref<40x128xf32, #tpu.memory_space<vmem_shared>>) target_semaphore(%arg49 : memref<!tpu.dma_semaphore, #tpu.memory_space<semaphore_mem>>)
      %mul3A_1582 = arith.constant 640 : i32
      %mul3A_1583 = arith.muli %arg1, %mul3A_1582 : i32
      %add3A_1584 = arith.constant 600 : i32
      %add3A_1585 = arith.addi %mul3A_1583, %add3A_1584 : i32
      %dma_start3A_1586 = arith.constant 0 : i32
      %dma_start3A_1587 = arith.constant 0 : i32
      %dma_start3A_1588 = tpu.memref_slice %arg25[%dma_start3A_1586, %dma_start3A_1587] : memref<40x128xf32, #tpu.memory_space<vmem>> -> memref<40x128xf32, #tpu.memory_space<vmem>>
      %dma_start3A_1589 = arith.constant 0 : i32
      %dma_start3A_1590 = tpu.memref_slice %arg50[%add3A_1585, %dma_start3A_1589] : memref<10000x128xf32, #tpu.memory_space<vmem_shared>> -> memref<40x128xf32, #tpu.memory_space<vmem_shared>>
      %dma_start3A_1591 = arith.constant 0 : i32
      %dma_start3A_1592 = tpu.memref_slice %arg50[%add3A_1585, %dma_start3A_1591] : memref<10000x128xf32, #tpu.memory_space<vmem_shared>> -> memref<40x128xf32, #tpu.memory_space<vmem_shared>>
      %dma_start3A_1593 = arith.constant 0 : i32
      %dma_start3A_1594 = arith.constant 0 : i32
      %dma_start3A_1595 = tpu.memref_slice %arg25[%dma_start3A_1593, %dma_start3A_1594] : memref<40x128xf32, #tpu.memory_space<vmem>> -> memref<40x128xf32, #tpu.memory_space<vmem>>
      tpu.enqueue_dma source(%dma_start3A_1595 : memref<40x128xf32, #tpu.memory_space<vmem>>) target(%dma_start3A_1592 : memref<40x128xf32, #tpu.memory_space<vmem_shared>>) target_semaphore(%arg45 : memref<!tpu.dma_semaphore, #tpu.memory_space<semaphore_mem>>)
      %dma_wait3A_1596 = arith.constant 0 : i32
      %dma_wait3A_1597 = arith.constant 0 : i32
      %dma_wait3A_1598 = tpu.memref_slice %arg25[%dma_wait3A_1596, %dma_wait3A_1597] : memref<40x128xf32, #tpu.memory_space<vmem>> -> memref<40x128xf32, #tpu.memory_space<vmem>>
      %dma_wait3A_1599 = arith.constant 0 : i32
      %dma_wait3A_1600 = arith.constant 0 : i32
      %dma_wait3A_1601 = tpu.memref_slice %arg2[%dma_wait3A_1599, %dma_wait3A_1600] : memref<10000x128xf32, #tpu.memory_space<hbm>> -> memref<40x128xf32, #tpu.memory_space<hbm>>
      %dma_wait3A_1602 = arith.constant 0 : i32
      %dma_wait3A_1603 = arith.constant 0 : i32
      %dma_wait3A_1604 = tpu.memref_slice %arg25[%dma_wait3A_1602, %dma_wait3A_1603] : memref<40x128xf32, #tpu.memory_space<vmem>> -> memref<40x128xf32, #tpu.memory_space<vmem>>
      %dma_wait3A_1605 = arith.constant 0 : i32
      %dma_wait3A_1606 = arith.constant 0 : i32
      %dma_wait3A_1607 = tpu.memref_slice %arg2[%dma_wait3A_1605, %dma_wait3A_1606] : memref<10000x128xf32, #tpu.memory_space<hbm>> -> memref<40x128xf32, #tpu.memory_space<hbm>>
      tpu.wait_dma2 semaphore(%arg45 : memref<!tpu.dma_semaphore, #tpu.memory_space<semaphore_mem>>) src(%dma_wait3A_1607 : memref<40x128xf32, #tpu.memory_space<hbm>>) dst(%dma_wait3A_1604 : memref<40x128xf32, #tpu.memory_space<vmem>>)
      %dma_wait3A_1608 = arith.constant 0 : i32
      %dma_wait3A_1609 = arith.constant 0 : i32
      %dma_wait3A_1610 = tpu.memref_slice %arg25[%dma_wait3A_1608, %dma_wait3A_1609] : memref<40x128xf32, #tpu.memory_space<vmem>> -> memref<40x128xf32, #tpu.memory_space<vmem>>
      %dma_wait3A_1611 = arith.constant 0 : i32
      %dma_wait3A_1612 = arith.constant 0 : i32
      %dma_wait3A_1613 = tpu.memref_slice %arg2[%dma_wait3A_1611, %dma_wait3A_1612] : memref<10000x128xf32, #tpu.memory_space<hbm>> -> memref<40x128xf32, #tpu.memory_space<hbm>>
      %dma_wait3A_1614 = arith.constant 0 : i32
      %dma_wait3A_1615 = arith.constant 0 : i32
      %dma_wait3A_1616 = tpu.memref_slice %arg25[%dma_wait3A_1614, %dma_wait3A_1615] : memref<40x128xf32, #tpu.memory_space<vmem>> -> memref<40x128xf32, #tpu.memory_space<vmem>>
      %dma_wait3A_1617 = arith.constant 0 : i32
      %dma_wait3A_1618 = arith.constant 0 : i32
      %dma_wait3A_1619 = tpu.memref_slice %arg2[%dma_wait3A_1617, %dma_wait3A_1618] : memref<10000x128xf32, #tpu.memory_space<hbm>> -> memref<40x128xf32, #tpu.memory_space<hbm>>
      tpu.wait_dma2 semaphore(%arg46 : memref<!tpu.dma_semaphore, #tpu.memory_space<semaphore_mem>>) src(%dma_wait3A_1619 : memref<40x128xf32, #tpu.memory_space<hbm>>) dst(%dma_wait3A_1616 : memref<40x128xf32, #tpu.memory_space<vmem>>)
      %dma_wait3A_1620 = arith.constant 0 : i32
      %dma_wait3A_1621 = arith.constant 0 : i32
      %dma_wait3A_1622 = tpu.memref_slice %arg25[%dma_wait3A_1620, %dma_wait3A_1621] : memref<40x128xf32, #tpu.memory_space<vmem>> -> memref<40x128xf32, #tpu.memory_space<vmem>>
      %dma_wait3A_1623 = arith.constant 0 : i32
      %dma_wait3A_1624 = arith.constant 0 : i32
      %dma_wait3A_1625 = tpu.memref_slice %arg2[%dma_wait3A_1623, %dma_wait3A_1624] : memref<10000x128xf32, #tpu.memory_space<hbm>> -> memref<40x128xf32, #tpu.memory_space<hbm>>
      %dma_wait3A_1626 = arith.constant 0 : i32
      %dma_wait3A_1627 = arith.constant 0 : i32
      %dma_wait3A_1628 = tpu.memref_slice %arg25[%dma_wait3A_1626, %dma_wait3A_1627] : memref<40x128xf32, #tpu.memory_space<vmem>> -> memref<40x128xf32, #tpu.memory_space<vmem>>
      %dma_wait3A_1629 = arith.constant 0 : i32
      %dma_wait3A_1630 = arith.constant 0 : i32
      %dma_wait3A_1631 = tpu.memref_slice %arg2[%dma_wait3A_1629, %dma_wait3A_1630] : memref<10000x128xf32, #tpu.memory_space<hbm>> -> memref<40x128xf32, #tpu.memory_space<hbm>>
      tpu.wait_dma2 semaphore(%arg47 : memref<!tpu.dma_semaphore, #tpu.memory_space<semaphore_mem>>) src(%dma_wait3A_1631 : memref<40x128xf32, #tpu.memory_space<hbm>>) dst(%dma_wait3A_1628 : memref<40x128xf32, #tpu.memory_space<vmem>>)
      %dma_wait3A_1632 = arith.constant 0 : i32
      %dma_wait3A_1633 = arith.constant 0 : i32
      %dma_wait3A_1634 = tpu.memref_slice %arg25[%dma_wait3A_1632, %dma_wait3A_1633] : memref<40x128xf32, #tpu.memory_space<vmem>> -> memref<40x128xf32, #tpu.memory_space<vmem>>
      %dma_wait3A_1635 = arith.constant 0 : i32
      %dma_wait3A_1636 = arith.constant 0 : i32
      %dma_wait3A_1637 = tpu.memref_slice %arg2[%dma_wait3A_1635, %dma_wait3A_1636] : memref<10000x128xf32, #tpu.memory_space<hbm>> -> memref<40x128xf32, #tpu.memory_space<hbm>>
      %dma_wait3A_1638 = arith.constant 0 : i32
      %dma_wait3A_1639 = arith.constant 0 : i32
      %dma_wait3A_1640 = tpu.memref_slice %arg25[%dma_wait3A_1638, %dma_wait3A_1639] : memref<40x128xf32, #tpu.memory_space<vmem>> -> memref<40x128xf32, #tpu.memory_space<vmem>>
      %dma_wait3A_1641 = arith.constant 0 : i32
      %dma_wait3A_1642 = arith.constant 0 : i32
      %dma_wait3A_1643 = tpu.memref_slice %arg2[%dma_wait3A_1641, %dma_wait3A_1642] : memref<10000x128xf32, #tpu.memory_space<hbm>> -> memref<40x128xf32, #tpu.memory_space<hbm>>
      tpu.wait_dma2 semaphore(%arg48 : memref<!tpu.dma_semaphore, #tpu.memory_space<semaphore_mem>>) src(%dma_wait3A_1643 : memref<40x128xf32, #tpu.memory_space<hbm>>) dst(%dma_wait3A_1640 : memref<40x128xf32, #tpu.memory_space<vmem>>)
      %dma_wait3A_1644 = arith.constant 0 : i32
      %dma_wait3A_1645 = arith.constant 0 : i32
      %dma_wait3A_1646 = tpu.memref_slice %arg25[%dma_wait3A_1644, %dma_wait3A_1645] : memref<40x128xf32, #tpu.memory_space<vmem>> -> memref<40x128xf32, #tpu.memory_space<vmem>>
      %dma_wait3A_1647 = arith.constant 0 : i32
      %dma_wait3A_1648 = arith.constant 0 : i32
      %dma_wait3A_1649 = tpu.memref_slice %arg2[%dma_wait3A_1647, %dma_wait3A_1648] : memref<10000x128xf32, #tpu.memory_space<hbm>> -> memref<40x128xf32, #tpu.memory_space<hbm>>
      %dma_wait3A_1650 = arith.constant 0 : i32
      %dma_wait3A_1651 = arith.constant 0 : i32
      %dma_wait3A_1652 = tpu.memref_slice %arg25[%dma_wait3A_1650, %dma_wait3A_1651] : memref<40x128xf32, #tpu.memory_space<vmem>> -> memref<40x128xf32, #tpu.memory_space<vmem>>
      %dma_wait3A_1653 = arith.constant 0 : i32
      %dma_wait3A_1654 = arith.constant 0 : i32
      %dma_wait3A_1655 = tpu.memref_slice %arg2[%dma_wait3A_1653, %dma_wait3A_1654] : memref<10000x128xf32, #tpu.memory_space<hbm>> -> memref<40x128xf32, #tpu.memory_space<hbm>>
      tpu.wait_dma2 semaphore(%arg49 : memref<!tpu.dma_semaphore, #tpu.memory_space<semaphore_mem>>) src(%dma_wait3A_1655 : memref<40x128xf32, #tpu.memory_space<hbm>>) dst(%dma_wait3A_1652 : memref<40x128xf32, #tpu.memory_space<vmem>>)
      %dma_wait3A_1656 = arith.constant 0 : i32
      %dma_wait3A_1657 = arith.constant 0 : i32
      %dma_wait3A_1658 = tpu.memref_slice %arg25[%dma_wait3A_1656, %dma_wait3A_1657] : memref<40x128xf32, #tpu.memory_space<vmem>> -> memref<40x128xf32, #tpu.memory_space<vmem>>
      %dma_wait3A_1659 = arith.constant 0 : i32
      %dma_wait3A_1660 = arith.constant 0 : i32
      %dma_wait3A_1661 = tpu.memref_slice %arg2[%dma_wait3A_1659, %dma_wait3A_1660] : memref<10000x128xf32, #tpu.memory_space<hbm>> -> memref<40x128xf32, #tpu.memory_space<hbm>>
      %dma_wait3A_1662 = arith.constant 0 : i32
      %dma_wait3A_1663 = arith.constant 0 : i32
      %dma_wait3A_1664 = tpu.memref_slice %arg25[%dma_wait3A_1662, %dma_wait3A_1663] : memref<40x128xf32, #tpu.memory_space<vmem>> -> memref<40x128xf32, #tpu.memory_space<vmem>>
      %dma_wait3A_1665 = arith.constant 0 : i32
      %dma_wait3A_1666 = arith.constant 0 : i32
      %dma_wait3A_1667 = tpu.memref_slice %arg2[%dma_wait3A_1665, %dma_wait3A_1666] : memref<10000x128xf32, #tpu.memory_space<hbm>> -> memref<40x128xf32, #tpu.memory_space<hbm>>
      tpu.wait_dma2 semaphore(%arg45 : memref<!tpu.dma_semaphore, #tpu.memory_space<semaphore_mem>>) src(%dma_wait3A_1667 : memref<40x128xf32, #tpu.memory_space<hbm>>) dst(%dma_wait3A_1664 : memref<40x128xf32, #tpu.memory_space<vmem>>)
      %dma_wait3A_1668 = arith.constant 0 : i32
      %dma_wait3A_1669 = arith.constant 0 : i32
      %dma_wait3A_1670 = tpu.memref_slice %arg25[%dma_wait3A_1668, %dma_wait3A_1669] : memref<40x128xf32, #tpu.memory_space<vmem>> -> memref<40x128xf32, #tpu.memory_space<vmem>>
      %dma_wait3A_1671 = arith.constant 0 : i32
      %dma_wait3A_1672 = arith.constant 0 : i32
      %dma_wait3A_1673 = tpu.memref_slice %arg2[%dma_wait3A_1671, %dma_wait3A_1672] : memref<10000x128xf32, #tpu.memory_space<hbm>> -> memref<40x128xf32, #tpu.memory_space<hbm>>
      %dma_wait3A_1674 = arith.constant 0 : i32
      %dma_wait3A_1675 = arith.constant 0 : i32
      %dma_wait3A_1676 = tpu.memref_slice %arg25[%dma_wait3A_1674, %dma_wait3A_1675] : memref<40x128xf32, #tpu.memory_space<vmem>> -> memref<40x128xf32, #tpu.memory_space<vmem>>
      %dma_wait3A_1677 = arith.constant 0 : i32
      %dma_wait3A_1678 = arith.constant 0 : i32
      %dma_wait3A_1679 = tpu.memref_slice %arg2[%dma_wait3A_1677, %dma_wait3A_1678] : memref<10000x128xf32, #tpu.memory_space<hbm>> -> memref<40x128xf32, #tpu.memory_space<hbm>>
      tpu.wait_dma2 semaphore(%arg46 : memref<!tpu.dma_semaphore, #tpu.memory_space<semaphore_mem>>) src(%dma_wait3A_1679 : memref<40x128xf32, #tpu.memory_space<hbm>>) dst(%dma_wait3A_1676 : memref<40x128xf32, #tpu.memory_space<vmem>>)
      %dma_wait3A_1680 = arith.constant 0 : i32
      %dma_wait3A_1681 = arith.constant 0 : i32
      %dma_wait3A_1682 = tpu.memref_slice %arg25[%dma_wait3A_1680, %dma_wait3A_1681] : memref<40x128xf32, #tpu.memory_space<vmem>> -> memref<40x128xf32, #tpu.memory_space<vmem>>
      %dma_wait3A_1683 = arith.constant 0 : i32
      %dma_wait3A_1684 = arith.constant 0 : i32
      %dma_wait3A_1685 = tpu.memref_slice %arg2[%dma_wait3A_1683, %dma_wait3A_1684] : memref<10000x128xf32, #tpu.memory_space<hbm>> -> memref<40x128xf32, #tpu.memory_space<hbm>>
      %dma_wait3A_1686 = arith.constant 0 : i32
      %dma_wait3A_1687 = arith.constant 0 : i32
      %dma_wait3A_1688 = tpu.memref_slice %arg25[%dma_wait3A_1686, %dma_wait3A_1687] : memref<40x128xf32, #tpu.memory_space<vmem>> -> memref<40x128xf32, #tpu.memory_space<vmem>>
      %dma_wait3A_1689 = arith.constant 0 : i32
      %dma_wait3A_1690 = arith.constant 0 : i32
      %dma_wait3A_1691 = tpu.memref_slice %arg2[%dma_wait3A_1689, %dma_wait3A_1690] : memref<10000x128xf32, #tpu.memory_space<hbm>> -> memref<40x128xf32, #tpu.memory_space<hbm>>
      tpu.wait_dma2 semaphore(%arg47 : memref<!tpu.dma_semaphore, #tpu.memory_space<semaphore_mem>>) src(%dma_wait3A_1691 : memref<40x128xf32, #tpu.memory_space<hbm>>) dst(%dma_wait3A_1688 : memref<40x128xf32, #tpu.memory_space<vmem>>)
      %dma_wait3A_1692 = arith.constant 0 : i32
      %dma_wait3A_1693 = arith.constant 0 : i32
      %dma_wait3A_1694 = tpu.memref_slice %arg25[%dma_wait3A_1692, %dma_wait3A_1693] : memref<40x128xf32, #tpu.memory_space<vmem>> -> memref<40x128xf32, #tpu.memory_space<vmem>>
      %dma_wait3A_1695 = arith.constant 0 : i32
      %dma_wait3A_1696 = arith.constant 0 : i32
      %dma_wait3A_1697 = tpu.memref_slice %arg2[%dma_wait3A_1695, %dma_wait3A_1696] : memref<10000x128xf32, #tpu.memory_space<hbm>> -> memref<40x128xf32, #tpu.memory_space<hbm>>
      %dma_wait3A_1698 = arith.constant 0 : i32
      %dma_wait3A_1699 = arith.constant 0 : i32
      %dma_wait3A_1700 = tpu.memref_slice %arg25[%dma_wait3A_1698, %dma_wait3A_1699] : memref<40x128xf32, #tpu.memory_space<vmem>> -> memref<40x128xf32, #tpu.memory_space<vmem>>
      %dma_wait3A_1701 = arith.constant 0 : i32
      %dma_wait3A_1702 = arith.constant 0 : i32
      %dma_wait3A_1703 = tpu.memref_slice %arg2[%dma_wait3A_1701, %dma_wait3A_1702] : memref<10000x128xf32, #tpu.memory_space<hbm>> -> memref<40x128xf32, #tpu.memory_space<hbm>>
      tpu.wait_dma2 semaphore(%arg48 : memref<!tpu.dma_semaphore, #tpu.memory_space<semaphore_mem>>) src(%dma_wait3A_1703 : memref<40x128xf32, #tpu.memory_space<hbm>>) dst(%dma_wait3A_1700 : memref<40x128xf32, #tpu.memory_space<vmem>>)
      %dma_wait3A_1704 = arith.constant 0 : i32
      %dma_wait3A_1705 = arith.constant 0 : i32
      %dma_wait3A_1706 = tpu.memref_slice %arg25[%dma_wait3A_1704, %dma_wait3A_1705] : memref<40x128xf32, #tpu.memory_space<vmem>> -> memref<40x128xf32, #tpu.memory_space<vmem>>
      %dma_wait3A_1707 = arith.constant 0 : i32
      %dma_wait3A_1708 = arith.constant 0 : i32
      %dma_wait3A_1709 = tpu.memref_slice %arg2[%dma_wait3A_1707, %dma_wait3A_1708] : memref<10000x128xf32, #tpu.memory_space<hbm>> -> memref<40x128xf32, #tpu.memory_space<hbm>>
      %dma_wait3A_1710 = arith.constant 0 : i32
      %dma_wait3A_1711 = arith.constant 0 : i32
      %dma_wait3A_1712 = tpu.memref_slice %arg25[%dma_wait3A_1710, %dma_wait3A_1711] : memref<40x128xf32, #tpu.memory_space<vmem>> -> memref<40x128xf32, #tpu.memory_space<vmem>>
      %dma_wait3A_1713 = arith.constant 0 : i32
      %dma_wait3A_1714 = arith.constant 0 : i32
      %dma_wait3A_1715 = tpu.memref_slice %arg2[%dma_wait3A_1713, %dma_wait3A_1714] : memref<10000x128xf32, #tpu.memory_space<hbm>> -> memref<40x128xf32, #tpu.memory_space<hbm>>
      tpu.wait_dma2 semaphore(%arg49 : memref<!tpu.dma_semaphore, #tpu.memory_space<semaphore_mem>>) src(%dma_wait3A_1715 : memref<40x128xf32, #tpu.memory_space<hbm>>) dst(%dma_wait3A_1712 : memref<40x128xf32, #tpu.memory_space<vmem>>)
      %dma_wait3A_1716 = arith.constant 0 : i32
      %dma_wait3A_1717 = arith.constant 0 : i32
      %dma_wait3A_1718 = tpu.memref_slice %arg25[%dma_wait3A_1716, %dma_wait3A_1717] : memref<40x128xf32, #tpu.memory_space<vmem>> -> memref<40x128xf32, #tpu.memory_space<vmem>>
      %dma_wait3A_1719 = arith.constant 0 : i32
      %dma_wait3A_1720 = arith.constant 0 : i32
      %dma_wait3A_1721 = tpu.memref_slice %arg2[%dma_wait3A_1719, %dma_wait3A_1720] : memref<10000x128xf32, #tpu.memory_space<hbm>> -> memref<40x128xf32, #tpu.memory_space<hbm>>
      %dma_wait3A_1722 = arith.constant 0 : i32
      %dma_wait3A_1723 = arith.constant 0 : i32
      %dma_wait3A_1724 = tpu.memref_slice %arg25[%dma_wait3A_1722, %dma_wait3A_1723] : memref<40x128xf32, #tpu.memory_space<vmem>> -> memref<40x128xf32, #tpu.memory_space<vmem>>
      %dma_wait3A_1725 = arith.constant 0 : i32
      %dma_wait3A_1726 = arith.constant 0 : i32
      %dma_wait3A_1727 = tpu.memref_slice %arg2[%dma_wait3A_1725, %dma_wait3A_1726] : memref<10000x128xf32, #tpu.memory_space<hbm>> -> memref<40x128xf32, #tpu.memory_space<hbm>>
      tpu.wait_dma2 semaphore(%arg45 : memref<!tpu.dma_semaphore, #tpu.memory_space<semaphore_mem>>) src(%dma_wait3A_1727 : memref<40x128xf32, #tpu.memory_space<hbm>>) dst(%dma_wait3A_1724 : memref<40x128xf32, #tpu.memory_space<vmem>>)
      %dma_wait3A_1728 = arith.constant 0 : i32
      %dma_wait3A_1729 = arith.constant 0 : i32
      %dma_wait3A_1730 = tpu.memref_slice %arg25[%dma_wait3A_1728, %dma_wait3A_1729] : memref<40x128xf32, #tpu.memory_space<vmem>> -> memref<40x128xf32, #tpu.memory_space<vmem>>
      %dma_wait3A_1731 = arith.constant 0 : i32
      %dma_wait3A_1732 = arith.constant 0 : i32
      %dma_wait3A_1733 = tpu.memref_slice %arg2[%dma_wait3A_1731, %dma_wait3A_1732] : memref<10000x128xf32, #tpu.memory_space<hbm>> -> memref<40x128xf32, #tpu.memory_space<hbm>>
      %dma_wait3A_1734 = arith.constant 0 : i32
      %dma_wait3A_1735 = arith.constant 0 : i32
      %dma_wait3A_1736 = tpu.memref_slice %arg25[%dma_wait3A_1734, %dma_wait3A_1735] : memref<40x128xf32, #tpu.memory_space<vmem>> -> memref<40x128xf32, #tpu.memory_space<vmem>>
      %dma_wait3A_1737 = arith.constant 0 : i32
      %dma_wait3A_1738 = arith.constant 0 : i32
      %dma_wait3A_1739 = tpu.memref_slice %arg2[%dma_wait3A_1737, %dma_wait3A_1738] : memref<10000x128xf32, #tpu.memory_space<hbm>> -> memref<40x128xf32, #tpu.memory_space<hbm>>
      tpu.wait_dma2 semaphore(%arg46 : memref<!tpu.dma_semaphore, #tpu.memory_space<semaphore_mem>>) src(%dma_wait3A_1739 : memref<40x128xf32, #tpu.memory_space<hbm>>) dst(%dma_wait3A_1736 : memref<40x128xf32, #tpu.memory_space<vmem>>)
      %dma_wait3A_1740 = arith.constant 0 : i32
      %dma_wait3A_1741 = arith.constant 0 : i32
      %dma_wait3A_1742 = tpu.memref_slice %arg25[%dma_wait3A_1740, %dma_wait3A_1741] : memref<40x128xf32, #tpu.memory_space<vmem>> -> memref<40x128xf32, #tpu.memory_space<vmem>>
      %dma_wait3A_1743 = arith.constant 0 : i32
      %dma_wait3A_1744 = arith.constant 0 : i32
      %dma_wait3A_1745 = tpu.memref_slice %arg2[%dma_wait3A_1743, %dma_wait3A_1744] : memref<10000x128xf32, #tpu.memory_space<hbm>> -> memref<40x128xf32, #tpu.memory_space<hbm>>
      %dma_wait3A_1746 = arith.constant 0 : i32
      %dma_wait3A_1747 = arith.constant 0 : i32
      %dma_wait3A_1748 = tpu.memref_slice %arg25[%dma_wait3A_1746, %dma_wait3A_1747] : memref<40x128xf32, #tpu.memory_space<vmem>> -> memref<40x128xf32, #tpu.memory_space<vmem>>
      %dma_wait3A_1749 = arith.constant 0 : i32
      %dma_wait3A_1750 = arith.constant 0 : i32
      %dma_wait3A_1751 = tpu.memref_slice %arg2[%dma_wait3A_1749, %dma_wait3A_1750] : memref<10000x128xf32, #tpu.memory_space<hbm>> -> memref<40x128xf32, #tpu.memory_space<hbm>>
      tpu.wait_dma2 semaphore(%arg47 : memref<!tpu.dma_semaphore, #tpu.memory_space<semaphore_mem>>) src(%dma_wait3A_1751 : memref<40x128xf32, #tpu.memory_space<hbm>>) dst(%dma_wait3A_1748 : memref<40x128xf32, #tpu.memory_space<vmem>>)
      %dma_wait3A_1752 = arith.constant 0 : i32
      %dma_wait3A_1753 = arith.constant 0 : i32
      %dma_wait3A_1754 = tpu.memref_slice %arg25[%dma_wait3A_1752, %dma_wait3A_1753] : memref<40x128xf32, #tpu.memory_space<vmem>> -> memref<40x128xf32, #tpu.memory_space<vmem>>
      %dma_wait3A_1755 = arith.constant 0 : i32
      %dma_wait3A_1756 = arith.constant 0 : i32
      %dma_wait3A_1757 = tpu.memref_slice %arg2[%dma_wait3A_1755, %dma_wait3A_1756] : memref<10000x128xf32, #tpu.memory_space<hbm>> -> memref<40x128xf32, #tpu.memory_space<hbm>>
      %dma_wait3A_1758 = arith.constant 0 : i32
      %dma_wait3A_1759 = arith.constant 0 : i32
      %dma_wait3A_1760 = tpu.memref_slice %arg25[%dma_wait3A_1758, %dma_wait3A_1759] : memref<40x128xf32, #tpu.memory_space<vmem>> -> memref<40x128xf32, #tpu.memory_space<vmem>>
      %dma_wait3A_1761 = arith.constant 0 : i32
      %dma_wait3A_1762 = arith.constant 0 : i32
      %dma_wait3A_1763 = tpu.memref_slice %arg2[%dma_wait3A_1761, %dma_wait3A_1762] : memref<10000x128xf32, #tpu.memory_space<hbm>> -> memref<40x128xf32, #tpu.memory_space<hbm>>
      tpu.wait_dma2 semaphore(%arg48 : memref<!tpu.dma_semaphore, #tpu.memory_space<semaphore_mem>>) src(%dma_wait3A_1763 : memref<40x128xf32, #tpu.memory_space<hbm>>) dst(%dma_wait3A_1760 : memref<40x128xf32, #tpu.memory_space<vmem>>)
      %dma_wait3A_1764 = arith.constant 0 : i32
      %dma_wait3A_1765 = arith.constant 0 : i32
      %dma_wait3A_1766 = tpu.memref_slice %arg25[%dma_wait3A_1764, %dma_wait3A_1765] : memref<40x128xf32, #tpu.memory_space<vmem>> -> memref<40x128xf32, #tpu.memory_space<vmem>>
      %dma_wait3A_1767 = arith.constant 0 : i32
      %dma_wait3A_1768 = arith.constant 0 : i32
      %dma_wait3A_1769 = tpu.memref_slice %arg2[%dma_wait3A_1767, %dma_wait3A_1768] : memref<10000x128xf32, #tpu.memory_space<hbm>> -> memref<40x128xf32, #tpu.memory_space<hbm>>
      %dma_wait3A_1770 = arith.constant 0 : i32
      %dma_wait3A_1771 = arith.constant 0 : i32
      %dma_wait3A_1772 = tpu.memref_slice %arg25[%dma_wait3A_1770, %dma_wait3A_1771] : memref<40x128xf32, #tpu.memory_space<vmem>> -> memref<40x128xf32, #tpu.memory_space<vmem>>
      %dma_wait3A_1773 = arith.constant 0 : i32
      %dma_wait3A_1774 = arith.constant 0 : i32
      %dma_wait3A_1775 = tpu.memref_slice %arg2[%dma_wait3A_1773, %dma_wait3A_1774] : memref<10000x128xf32, #tpu.memory_space<hbm>> -> memref<40x128xf32, #tpu.memory_space<hbm>>
      tpu.wait_dma2 semaphore(%arg49 : memref<!tpu.dma_semaphore, #tpu.memory_space<semaphore_mem>>) src(%dma_wait3A_1775 : memref<40x128xf32, #tpu.memory_space<hbm>>) dst(%dma_wait3A_1772 : memref<40x128xf32, #tpu.memory_space<vmem>>)
      %dma_wait3A_1776 = arith.constant 0 : i32
      %dma_wait3A_1777 = arith.constant 0 : i32
      %dma_wait3A_1778 = tpu.memref_slice %arg25[%dma_wait3A_1776, %dma_wait3A_1777] : memref<40x128xf32, #tpu.memory_space<vmem>> -> memref<40x128xf32, #tpu.memory_space<vmem>>
      %dma_wait3A_1779 = arith.constant 0 : i32
      %dma_wait3A_1780 = arith.constant 0 : i32
      %dma_wait3A_1781 = tpu.memref_slice %arg2[%dma_wait3A_1779, %dma_wait3A_1780] : memref<10000x128xf32, #tpu.memory_space<hbm>> -> memref<40x128xf32, #tpu.memory_space<hbm>>
      %dma_wait3A_1782 = arith.constant 0 : i32
      %dma_wait3A_1783 = arith.constant 0 : i32
      %dma_wait3A_1784 = tpu.memref_slice %arg25[%dma_wait3A_1782, %dma_wait3A_1783] : memref<40x128xf32, #tpu.memory_space<vmem>> -> memref<40x128xf32, #tpu.memory_space<vmem>>
      %dma_wait3A_1785 = arith.constant 0 : i32
      %dma_wait3A_1786 = arith.constant 0 : i32
      %dma_wait3A_1787 = tpu.memref_slice %arg2[%dma_wait3A_1785, %dma_wait3A_1786] : memref<10000x128xf32, #tpu.memory_space<hbm>> -> memref<40x128xf32, #tpu.memory_space<hbm>>
      tpu.wait_dma2 semaphore(%arg45 : memref<!tpu.dma_semaphore, #tpu.memory_space<semaphore_mem>>) src(%dma_wait3A_1787 : memref<40x128xf32, #tpu.memory_space<hbm>>) dst(%dma_wait3A_1784 : memref<40x128xf32, #tpu.memory_space<vmem>>)
    } else {
    }
    %eq3A = arith.constant 15 : i32
    %eq3A_11 = arith.cmpi eq, %arg1, %eq3A : i32
    %convert_element_type3A_12 = arith.extui %eq3A_11 : i1 to i32
    %cond3A_13 = arith.constant 0 : i32
    %cond3A_14 = arith.cmpi ne, %convert_element_type3A_12, %cond3A_13 : i32
    scf.if %cond3A_14 {
      %dma_start3A_1372 = arith.constant 0 : i32
      %dma_start3A_1373 = arith.constant 0 : i32
      %dma_start3A_1374 = tpu.memref_slice %arg25[%dma_start3A_1372, %dma_start3A_1373] : memref<40x128xf32, #tpu.memory_space<vmem>> -> memref<40x128xf32, #tpu.memory_space<vmem>>
      %dma_start3A_1375 = arith.constant 9600 : i32
      %dma_start3A_1376 = arith.constant 0 : i32
      %dma_start3A_1377 = tpu.memref_slice %arg50[%dma_start3A_1375, %dma_start3A_1376] : memref<10000x128xf32, #tpu.memory_space<vmem_shared>> -> memref<40x128xf32, #tpu.memory_space<vmem_shared>>
      %dma_start3A_1378 = arith.constant 9600 : i32
      %dma_start3A_1379 = arith.constant 0 : i32
      %dma_start3A_1380 = tpu.memref_slice %arg50[%dma_start3A_1378, %dma_start3A_1379] : memref<10000x128xf32, #tpu.memory_space<vmem_shared>> -> memref<40x128xf32, #tpu.memory_space<vmem_shared>>
      %dma_start3A_1381 = arith.constant 0 : i32
      %dma_start3A_1382 = arith.constant 0 : i32
      %dma_start3A_1383 = tpu.memref_slice %arg25[%dma_start3A_1381, %dma_start3A_1382] : memref<40x128xf32, #tpu.memory_space<vmem>> -> memref<40x128xf32, #tpu.memory_space<vmem>>
      tpu.enqueue_dma source(%dma_start3A_1383 : memref<40x128xf32, #tpu.memory_space<vmem>>) target(%dma_start3A_1380 : memref<40x128xf32, #tpu.memory_space<vmem_shared>>) target_semaphore(%arg45 : memref<!tpu.dma_semaphore, #tpu.memory_space<semaphore_mem>>)
      %dma_start3A_1384 = arith.constant 0 : i32
      %dma_start3A_1385 = arith.constant 0 : i32
      %dma_start3A_1386 = tpu.memref_slice %arg25[%dma_start3A_1384, %dma_start3A_1385] : memref<40x128xf32, #tpu.memory_space<vmem>> -> memref<40x128xf32, #tpu.memory_space<vmem>>
      %dma_start3A_1387 = arith.constant 9640 : i32
      %dma_start3A_1388 = arith.constant 0 : i32
      %dma_start3A_1389 = tpu.memref_slice %arg50[%dma_start3A_1387, %dma_start3A_1388] : memref<10000x128xf32, #tpu.memory_space<vmem_shared>> -> memref<40x128xf32, #tpu.memory_space<vmem_shared>>
      %dma_start3A_1390 = arith.constant 9640 : i32
      %dma_start3A_1391 = arith.constant 0 : i32
      %dma_start3A_1392 = tpu.memref_slice %arg50[%dma_start3A_1390, %dma_start3A_1391] : memref<10000x128xf32, #tpu.memory_space<vmem_shared>> -> memref<40x128xf32, #tpu.memory_space<vmem_shared>>
      %dma_start3A_1393 = arith.constant 0 : i32
      %dma_start3A_1394 = arith.constant 0 : i32
      %dma_start3A_1395 = tpu.memref_slice %arg25[%dma_start3A_1393, %dma_start3A_1394] : memref<40x128xf32, #tpu.memory_space<vmem>> -> memref<40x128xf32, #tpu.memory_space<vmem>>
      tpu.enqueue_dma source(%dma_start3A_1395 : memref<40x128xf32, #tpu.memory_space<vmem>>) target(%dma_start3A_1392 : memref<40x128xf32, #tpu.memory_space<vmem_shared>>) target_semaphore(%arg46 : memref<!tpu.dma_semaphore, #tpu.memory_space<semaphore_mem>>)
      %dma_start3A_1396 = arith.constant 0 : i32
      %dma_start3A_1397 = arith.constant 0 : i32
      %dma_start3A_1398 = tpu.memref_slice %arg25[%dma_start3A_1396, %dma_start3A_1397] : memref<40x128xf32, #tpu.memory_space<vmem>> -> memref<40x128xf32, #tpu.memory_space<vmem>>
      %dma_start3A_1399 = arith.constant 9680 : i32
      %dma_start3A_1400 = arith.constant 0 : i32
      %dma_start3A_1401 = tpu.memref_slice %arg50[%dma_start3A_1399, %dma_start3A_1400] : memref<10000x128xf32, #tpu.memory_space<vmem_shared>> -> memref<40x128xf32, #tpu.memory_space<vmem_shared>>
      %dma_start3A_1402 = arith.constant 9680 : i32
      %dma_start3A_1403 = arith.constant 0 : i32
      %dma_start3A_1404 = tpu.memref_slice %arg50[%dma_start3A_1402, %dma_start3A_1403] : memref<10000x128xf32, #tpu.memory_space<vmem_shared>> -> memref<40x128xf32, #tpu.memory_space<vmem_shared>>
      %dma_start3A_1405 = arith.constant 0 : i32
      %dma_start3A_1406 = arith.constant 0 : i32
      %dma_start3A_1407 = tpu.memref_slice %arg25[%dma_start3A_1405, %dma_start3A_1406] : memref<40x128xf32, #tpu.memory_space<vmem>> -> memref<40x128xf32, #tpu.memory_space<vmem>>
      tpu.enqueue_dma source(%dma_start3A_1407 : memref<40x128xf32, #tpu.memory_space<vmem>>) target(%dma_start3A_1404 : memref<40x128xf32, #tpu.memory_space<vmem_shared>>) target_semaphore(%arg47 : memref<!tpu.dma_semaphore, #tpu.memory_space<semaphore_mem>>)
      %dma_start3A_1408 = arith.constant 0 : i32
      %dma_start3A_1409 = arith.constant 0 : i32
      %dma_start3A_1410 = tpu.memref_slice %arg25[%dma_start3A_1408, %dma_start3A_1409] : memref<40x128xf32, #tpu.memory_space<vmem>> -> memref<40x128xf32, #tpu.memory_space<vmem>>
      %dma_start3A_1411 = arith.constant 9720 : i32
      %dma_start3A_1412 = arith.constant 0 : i32
      %dma_start3A_1413 = tpu.memref_slice %arg50[%dma_start3A_1411, %dma_start3A_1412] : memref<10000x128xf32, #tpu.memory_space<vmem_shared>> -> memref<40x128xf32, #tpu.memory_space<vmem_shared>>
      %dma_start3A_1414 = arith.constant 9720 : i32
      %dma_start3A_1415 = arith.constant 0 : i32
      %dma_start3A_1416 = tpu.memref_slice %arg50[%dma_start3A_1414, %dma_start3A_1415] : memref<10000x128xf32, #tpu.memory_space<vmem_shared>> -> memref<40x128xf32, #tpu.memory_space<vmem_shared>>
      %dma_start3A_1417 = arith.constant 0 : i32
      %dma_start3A_1418 = arith.constant 0 : i32
      %dma_start3A_1419 = tpu.memref_slice %arg25[%dma_start3A_1417, %dma_start3A_1418] : memref<40x128xf32, #tpu.memory_space<vmem>> -> memref<40x128xf32, #tpu.memory_space<vmem>>
      tpu.enqueue_dma source(%dma_start3A_1419 : memref<40x128xf32, #tpu.memory_space<vmem>>) target(%dma_start3A_1416 : memref<40x128xf32, #tpu.memory_space<vmem_shared>>) target_semaphore(%arg48 : memref<!tpu.dma_semaphore, #tpu.memory_space<semaphore_mem>>)
      %dma_start3A_1420 = arith.constant 0 : i32
      %dma_start3A_1421 = arith.constant 0 : i32
      %dma_start3A_1422 = tpu.memref_slice %arg25[%dma_start3A_1420, %dma_start3A_1421] : memref<40x128xf32, #tpu.memory_space<vmem>> -> memref<40x128xf32, #tpu.memory_space<vmem>>
      %dma_start3A_1423 = arith.constant 9760 : i32
      %dma_start3A_1424 = arith.constant 0 : i32
      %dma_start3A_1425 = tpu.memref_slice %arg50[%dma_start3A_1423, %dma_start3A_1424] : memref<10000x128xf32, #tpu.memory_space<vmem_shared>> -> memref<40x128xf32, #tpu.memory_space<vmem_shared>>
      %dma_start3A_1426 = arith.constant 9760 : i32
      %dma_start3A_1427 = arith.constant 0 : i32
      %dma_start3A_1428 = tpu.memref_slice %arg50[%dma_start3A_1426, %dma_start3A_1427] : memref<10000x128xf32, #tpu.memory_space<vmem_shared>> -> memref<40x128xf32, #tpu.memory_space<vmem_shared>>
      %dma_start3A_1429 = arith.constant 0 : i32
      %dma_start3A_1430 = arith.constant 0 : i32
      %dma_start3A_1431 = tpu.memref_slice %arg25[%dma_start3A_1429, %dma_start3A_1430] : memref<40x128xf32, #tpu.memory_space<vmem>> -> memref<40x128xf32, #tpu.memory_space<vmem>>
      tpu.enqueue_dma source(%dma_start3A_1431 : memref<40x128xf32, #tpu.memory_space<vmem>>) target(%dma_start3A_1428 : memref<40x128xf32, #tpu.memory_space<vmem_shared>>) target_semaphore(%arg49 : memref<!tpu.dma_semaphore, #tpu.memory_space<semaphore_mem>>)
      %dma_start3A_1432 = arith.constant 0 : i32
      %dma_start3A_1433 = arith.constant 0 : i32
      %dma_start3A_1434 = tpu.memref_slice %arg25[%dma_start3A_1432, %dma_start3A_1433] : memref<40x128xf32, #tpu.memory_space<vmem>> -> memref<40x128xf32, #tpu.memory_space<vmem>>
      %dma_start3A_1435 = arith.constant 9800 : i32
      %dma_start3A_1436 = arith.constant 0 : i32
      %dma_start3A_1437 = tpu.memref_slice %arg50[%dma_start3A_1435, %dma_start3A_1436] : memref<10000x128xf32, #tpu.memory_space<vmem_shared>> -> memref<40x128xf32, #tpu.memory_space<vmem_shared>>
      %dma_start3A_1438 = arith.constant 9800 : i32
      %dma_start3A_1439 = arith.constant 0 : i32
      %dma_start3A_1440 = tpu.memref_slice %arg50[%dma_start3A_1438, %dma_start3A_1439] : memref<10000x128xf32, #tpu.memory_space<vmem_shared>> -> memref<40x128xf32, #tpu.memory_space<vmem_shared>>
      %dma_start3A_1441 = arith.constant 0 : i32
      %dma_start3A_1442 = arith.constant 0 : i32
      %dma_start3A_1443 = tpu.memref_slice %arg25[%dma_start3A_1441, %dma_start3A_1442] : memref<40x128xf32, #tpu.memory_space<vmem>> -> memref<40x128xf32, #tpu.memory_space<vmem>>
      tpu.enqueue_dma source(%dma_start3A_1443 : memref<40x128xf32, #tpu.memory_space<vmem>>) target(%dma_start3A_1440 : memref<40x128xf32, #tpu.memory_space<vmem_shared>>) target_semaphore(%arg45 : memref<!tpu.dma_semaphore, #tpu.memory_space<semaphore_mem>>)
      %dma_start3A_1444 = arith.constant 0 : i32
      %dma_start3A_1445 = arith.constant 0 : i32
      %dma_start3A_1446 = tpu.memref_slice %arg25[%dma_start3A_1444, %dma_start3A_1445] : memref<40x128xf32, #tpu.memory_space<vmem>> -> memref<40x128xf32, #tpu.memory_space<vmem>>
      %dma_start3A_1447 = arith.constant 9840 : i32
      %dma_start3A_1448 = arith.constant 0 : i32
      %dma_start3A_1449 = tpu.memref_slice %arg50[%dma_start3A_1447, %dma_start3A_1448] : memref<10000x128xf32, #tpu.memory_space<vmem_shared>> -> memref<40x128xf32, #tpu.memory_space<vmem_shared>>
      %dma_start3A_1450 = arith.constant 9840 : i32
      %dma_start3A_1451 = arith.constant 0 : i32
      %dma_start3A_1452 = tpu.memref_slice %arg50[%dma_start3A_1450, %dma_start3A_1451] : memref<10000x128xf32, #tpu.memory_space<vmem_shared>> -> memref<40x128xf32, #tpu.memory_space<vmem_shared>>
      %dma_start3A_1453 = arith.constant 0 : i32
      %dma_start3A_1454 = arith.constant 0 : i32
      %dma_start3A_1455 = tpu.memref_slice %arg25[%dma_start3A_1453, %dma_start3A_1454] : memref<40x128xf32, #tpu.memory_space<vmem>> -> memref<40x128xf32, #tpu.memory_space<vmem>>
      tpu.enqueue_dma source(%dma_start3A_1455 : memref<40x128xf32, #tpu.memory_space<vmem>>) target(%dma_start3A_1452 : memref<40x128xf32, #tpu.memory_space<vmem_shared>>) target_semaphore(%arg46 : memref<!tpu.dma_semaphore, #tpu.memory_space<semaphore_mem>>)
      %dma_start3A_1456 = arith.constant 0 : i32
      %dma_start3A_1457 = arith.constant 0 : i32
      %dma_start3A_1458 = tpu.memref_slice %arg25[%dma_start3A_1456, %dma_start3A_1457] : memref<40x128xf32, #tpu.memory_space<vmem>> -> memref<40x128xf32, #tpu.memory_space<vmem>>
      %dma_start3A_1459 = arith.constant 9880 : i32
      %dma_start3A_1460 = arith.constant 0 : i32
      %dma_start3A_1461 = tpu.memref_slice %arg50[%dma_start3A_1459, %dma_start3A_1460] : memref<10000x128xf32, #tpu.memory_space<vmem_shared>> -> memref<40x128xf32, #tpu.memory_space<vmem_shared>>
      %dma_start3A_1462 = arith.constant 9880 : i32
      %dma_start3A_1463 = arith.constant 0 : i32
      %dma_start3A_1464 = tpu.memref_slice %arg50[%dma_start3A_1462, %dma_start3A_1463] : memref<10000x128xf32, #tpu.memory_space<vmem_shared>> -> memref<40x128xf32, #tpu.memory_space<vmem_shared>>
      %dma_start3A_1465 = arith.constant 0 : i32
      %dma_start3A_1466 = arith.constant 0 : i32
      %dma_start3A_1467 = tpu.memref_slice %arg25[%dma_start3A_1465, %dma_start3A_1466] : memref<40x128xf32, #tpu.memory_space<vmem>> -> memref<40x128xf32, #tpu.memory_space<vmem>>
      tpu.enqueue_dma source(%dma_start3A_1467 : memref<40x128xf32, #tpu.memory_space<vmem>>) target(%dma_start3A_1464 : memref<40x128xf32, #tpu.memory_space<vmem_shared>>) target_semaphore(%arg47 : memref<!tpu.dma_semaphore, #tpu.memory_space<semaphore_mem>>)
      %dma_start3A_1468 = arith.constant 0 : i32
      %dma_start3A_1469 = arith.constant 0 : i32
      %dma_start3A_1470 = tpu.memref_slice %arg25[%dma_start3A_1468, %dma_start3A_1469] : memref<40x128xf32, #tpu.memory_space<vmem>> -> memref<40x128xf32, #tpu.memory_space<vmem>>
      %dma_start3A_1471 = arith.constant 9920 : i32
      %dma_start3A_1472 = arith.constant 0 : i32
      %dma_start3A_1473 = tpu.memref_slice %arg50[%dma_start3A_1471, %dma_start3A_1472] : memref<10000x128xf32, #tpu.memory_space<vmem_shared>> -> memref<40x128xf32, #tpu.memory_space<vmem_shared>>
      %dma_start3A_1474 = arith.constant 9920 : i32
      %dma_start3A_1475 = arith.constant 0 : i32
      %dma_start3A_1476 = tpu.memref_slice %arg50[%dma_start3A_1474, %dma_start3A_1475] : memref<10000x128xf32, #tpu.memory_space<vmem_shared>> -> memref<40x128xf32, #tpu.memory_space<vmem_shared>>
      %dma_start3A_1477 = arith.constant 0 : i32
      %dma_start3A_1478 = arith.constant 0 : i32
      %dma_start3A_1479 = tpu.memref_slice %arg25[%dma_start3A_1477, %dma_start3A_1478] : memref<40x128xf32, #tpu.memory_space<vmem>> -> memref<40x128xf32, #tpu.memory_space<vmem>>
      tpu.enqueue_dma source(%dma_start3A_1479 : memref<40x128xf32, #tpu.memory_space<vmem>>) target(%dma_start3A_1476 : memref<40x128xf32, #tpu.memory_space<vmem_shared>>) target_semaphore(%arg48 : memref<!tpu.dma_semaphore, #tpu.memory_space<semaphore_mem>>)
      %dma_start3A_1480 = arith.constant 0 : i32
      %dma_start3A_1481 = arith.constant 0 : i32
      %dma_start3A_1482 = tpu.memref_slice %arg25[%dma_start3A_1480, %dma_start3A_1481] : memref<40x128xf32, #tpu.memory_space<vmem>> -> memref<40x128xf32, #tpu.memory_space<vmem>>
      %dma_start3A_1483 = arith.constant 9960 : i32
      %dma_start3A_1484 = arith.constant 0 : i32
      %dma_start3A_1485 = tpu.memref_slice %arg50[%dma_start3A_1483, %dma_start3A_1484] : memref<10000x128xf32, #tpu.memory_space<vmem_shared>> -> memref<40x128xf32, #tpu.memory_space<vmem_shared>>
      %dma_start3A_1486 = arith.constant 9960 : i32
      %dma_start3A_1487 = arith.constant 0 : i32
      %dma_start3A_1488 = tpu.memref_slice %arg50[%dma_start3A_1486, %dma_start3A_1487] : memref<10000x128xf32, #tpu.memory_space<vmem_shared>> -> memref<40x128xf32, #tpu.memory_space<vmem_shared>>
      %dma_start3A_1489 = arith.constant 0 : i32
      %dma_start3A_1490 = arith.constant 0 : i32
      %dma_start3A_1491 = tpu.memref_slice %arg25[%dma_start3A_1489, %dma_start3A_1490] : memref<40x128xf32, #tpu.memory_space<vmem>> -> memref<40x128xf32, #tpu.memory_space<vmem>>
      tpu.enqueue_dma source(%dma_start3A_1491 : memref<40x128xf32, #tpu.memory_space<vmem>>) target(%dma_start3A_1488 : memref<40x128xf32, #tpu.memory_space<vmem_shared>>) target_semaphore(%arg49 : memref<!tpu.dma_semaphore, #tpu.memory_space<semaphore_mem>>)
      %dma_wait3A_1492 = arith.constant 0 : i32
      %dma_wait3A_1493 = arith.constant 0 : i32
      %dma_wait3A_1494 = tpu.memref_slice %arg25[%dma_wait3A_1492, %dma_wait3A_1493] : memref<40x128xf32, #tpu.memory_space<vmem>> -> memref<40x128xf32, #tpu.memory_space<vmem>>
      %dma_wait3A_1495 = arith.constant 0 : i32
      %dma_wait3A_1496 = arith.constant 0 : i32
      %dma_wait3A_1497 = tpu.memref_slice %arg2[%dma_wait3A_1495, %dma_wait3A_1496] : memref<10000x128xf32, #tpu.memory_space<hbm>> -> memref<40x128xf32, #tpu.memory_space<hbm>>
      %dma_wait3A_1498 = arith.constant 0 : i32
      %dma_wait3A_1499 = arith.constant 0 : i32
      %dma_wait3A_1500 = tpu.memref_slice %arg25[%dma_wait3A_1498, %dma_wait3A_1499] : memref<40x128xf32, #tpu.memory_space<vmem>> -> memref<40x128xf32, #tpu.memory_space<vmem>>
      %dma_wait3A_1501 = arith.constant 0 : i32
      %dma_wait3A_1502 = arith.constant 0 : i32
      %dma_wait3A_1503 = tpu.memref_slice %arg2[%dma_wait3A_1501, %dma_wait3A_1502] : memref<10000x128xf32, #tpu.memory_space<hbm>> -> memref<40x128xf32, #tpu.memory_space<hbm>>
      tpu.wait_dma2 semaphore(%arg45 : memref<!tpu.dma_semaphore, #tpu.memory_space<semaphore_mem>>) src(%dma_wait3A_1503 : memref<40x128xf32, #tpu.memory_space<hbm>>) dst(%dma_wait3A_1500 : memref<40x128xf32, #tpu.memory_space<vmem>>)
      %dma_wait3A_1504 = arith.constant 0 : i32
      %dma_wait3A_1505 = arith.constant 0 : i32
      %dma_wait3A_1506 = tpu.memref_slice %arg25[%dma_wait3A_1504, %dma_wait3A_1505] : memref<40x128xf32, #tpu.memory_space<vmem>> -> memref<40x128xf32, #tpu.memory_space<vmem>>
      %dma_wait3A_1507 = arith.constant 0 : i32
      %dma_wait3A_1508 = arith.constant 0 : i32
      %dma_wait3A_1509 = tpu.memref_slice %arg2[%dma_wait3A_1507, %dma_wait3A_1508] : memref<10000x128xf32, #tpu.memory_space<hbm>> -> memref<40x128xf32, #tpu.memory_space<hbm>>
      %dma_wait3A_1510 = arith.constant 0 : i32
      %dma_wait3A_1511 = arith.constant 0 : i32
      %dma_wait3A_1512 = tpu.memref_slice %arg25[%dma_wait3A_1510, %dma_wait3A_1511] : memref<40x128xf32, #tpu.memory_space<vmem>> -> memref<40x128xf32, #tpu.memory_space<vmem>>
      %dma_wait3A_1513 = arith.constant 0 : i32
      %dma_wait3A_1514 = arith.constant 0 : i32
      %dma_wait3A_1515 = tpu.memref_slice %arg2[%dma_wait3A_1513, %dma_wait3A_1514] : memref<10000x128xf32, #tpu.memory_space<hbm>> -> memref<40x128xf32, #tpu.memory_space<hbm>>
      tpu.wait_dma2 semaphore(%arg46 : memref<!tpu.dma_semaphore, #tpu.memory_space<semaphore_mem>>) src(%dma_wait3A_1515 : memref<40x128xf32, #tpu.memory_space<hbm>>) dst(%dma_wait3A_1512 : memref<40x128xf32, #tpu.memory_space<vmem>>)
      %dma_wait3A_1516 = arith.constant 0 : i32
      %dma_wait3A_1517 = arith.constant 0 : i32
      %dma_wait3A_1518 = tpu.memref_slice %arg25[%dma_wait3A_1516, %dma_wait3A_1517] : memref<40x128xf32, #tpu.memory_space<vmem>> -> memref<40x128xf32, #tpu.memory_space<vmem>>
      %dma_wait3A_1519 = arith.constant 0 : i32
      %dma_wait3A_1520 = arith.constant 0 : i32
      %dma_wait3A_1521 = tpu.memref_slice %arg2[%dma_wait3A_1519, %dma_wait3A_1520] : memref<10000x128xf32, #tpu.memory_space<hbm>> -> memref<40x128xf32, #tpu.memory_space<hbm>>
      %dma_wait3A_1522 = arith.constant 0 : i32
      %dma_wait3A_1523 = arith.constant 0 : i32
      %dma_wait3A_1524 = tpu.memref_slice %arg25[%dma_wait3A_1522, %dma_wait3A_1523] : memref<40x128xf32, #tpu.memory_space<vmem>> -> memref<40x128xf32, #tpu.memory_space<vmem>>
      %dma_wait3A_1525 = arith.constant 0 : i32
      %dma_wait3A_1526 = arith.constant 0 : i32
      %dma_wait3A_1527 = tpu.memref_slice %arg2[%dma_wait3A_1525, %dma_wait3A_1526] : memref<10000x128xf32, #tpu.memory_space<hbm>> -> memref<40x128xf32, #tpu.memory_space<hbm>>
      tpu.wait_dma2 semaphore(%arg47 : memref<!tpu.dma_semaphore, #tpu.memory_space<semaphore_mem>>) src(%dma_wait3A_1527 : memref<40x128xf32, #tpu.memory_space<hbm>>) dst(%dma_wait3A_1524 : memref<40x128xf32, #tpu.memory_space<vmem>>)
      %dma_wait3A_1528 = arith.constant 0 : i32
      %dma_wait3A_1529 = arith.constant 0 : i32
      %dma_wait3A_1530 = tpu.memref_slice %arg25[%dma_wait3A_1528, %dma_wait3A_1529] : memref<40x128xf32, #tpu.memory_space<vmem>> -> memref<40x128xf32, #tpu.memory_space<vmem>>
      %dma_wait3A_1531 = arith.constant 0 : i32
      %dma_wait3A_1532 = arith.constant 0 : i32
      %dma_wait3A_1533 = tpu.memref_slice %arg2[%dma_wait3A_1531, %dma_wait3A_1532] : memref<10000x128xf32, #tpu.memory_space<hbm>> -> memref<40x128xf32, #tpu.memory_space<hbm>>
      %dma_wait3A_1534 = arith.constant 0 : i32
      %dma_wait3A_1535 = arith.constant 0 : i32
      %dma_wait3A_1536 = tpu.memref_slice %arg25[%dma_wait3A_1534, %dma_wait3A_1535] : memref<40x128xf32, #tpu.memory_space<vmem>> -> memref<40x128xf32, #tpu.memory_space<vmem>>
      %dma_wait3A_1537 = arith.constant 0 : i32
      %dma_wait3A_1538 = arith.constant 0 : i32
      %dma_wait3A_1539 = tpu.memref_slice %arg2[%dma_wait3A_1537, %dma_wait3A_1538] : memref<10000x128xf32, #tpu.memory_space<hbm>> -> memref<40x128xf32, #tpu.memory_space<hbm>>
      tpu.wait_dma2 semaphore(%arg48 : memref<!tpu.dma_semaphore, #tpu.memory_space<semaphore_mem>>) src(%dma_wait3A_1539 : memref<40x128xf32, #tpu.memory_space<hbm>>) dst(%dma_wait3A_1536 : memref<40x128xf32, #tpu.memory_space<vmem>>)
      %dma_wait3A_1540 = arith.constant 0 : i32
      %dma_wait3A_1541 = arith.constant 0 : i32
      %dma_wait3A_1542 = tpu.memref_slice %arg25[%dma_wait3A_1540, %dma_wait3A_1541] : memref<40x128xf32, #tpu.memory_space<vmem>> -> memref<40x128xf32, #tpu.memory_space<vmem>>
      %dma_wait3A_1543 = arith.constant 0 : i32
      %dma_wait3A_1544 = arith.constant 0 : i32
      %dma_wait3A_1545 = tpu.memref_slice %arg2[%dma_wait3A_1543, %dma_wait3A_1544] : memref<10000x128xf32, #tpu.memory_space<hbm>> -> memref<40x128xf32, #tpu.memory_space<hbm>>
      %dma_wait3A_1546 = arith.constant 0 : i32
      %dma_wait3A_1547 = arith.constant 0 : i32
      %dma_wait3A_1548 = tpu.memref_slice %arg25[%dma_wait3A_1546, %dma_wait3A_1547] : memref<40x128xf32, #tpu.memory_space<vmem>> -> memref<40x128xf32, #tpu.memory_space<vmem>>
      %dma_wait3A_1549 = arith.constant 0 : i32
      %dma_wait3A_1550 = arith.constant 0 : i32
      %dma_wait3A_1551 = tpu.memref_slice %arg2[%dma_wait3A_1549, %dma_wait3A_1550] : memref<10000x128xf32, #tpu.memory_space<hbm>> -> memref<40x128xf32, #tpu.memory_space<hbm>>
      tpu.wait_dma2 semaphore(%arg49 : memref<!tpu.dma_semaphore, #tpu.memory_space<semaphore_mem>>) src(%dma_wait3A_1551 : memref<40x128xf32, #tpu.memory_space<hbm>>) dst(%dma_wait3A_1548 : memref<40x128xf32, #tpu.memory_space<vmem>>)
      %dma_wait3A_1552 = arith.constant 0 : i32
      %dma_wait3A_1553 = arith.constant 0 : i32
      %dma_wait3A_1554 = tpu.memref_slice %arg25[%dma_wait3A_1552, %dma_wait3A_1553] : memref<40x128xf32, #tpu.memory_space<vmem>> -> memref<40x128xf32, #tpu.memory_space<vmem>>
      %dma_wait3A_1555 = arith.constant 0 : i32
      %dma_wait3A_1556 = arith.constant 0 : i32
      %dma_wait3A_1557 = tpu.memref_slice %arg2[%dma_wait3A_1555, %dma_wait3A_1556] : memref<10000x128xf32, #tpu.memory_space<hbm>> -> memref<40x128xf32, #tpu.memory_space<hbm>>
      %dma_wait3A_1558 = arith.constant 0 : i32
      %dma_wait3A_1559 = arith.constant 0 : i32
      %dma_wait3A_1560 = tpu.memref_slice %arg25[%dma_wait3A_1558, %dma_wait3A_1559] : memref<40x128xf32, #tpu.memory_space<vmem>> -> memref<40x128xf32, #tpu.memory_space<vmem>>
      %dma_wait3A_1561 = arith.constant 0 : i32
      %dma_wait3A_1562 = arith.constant 0 : i32
      %dma_wait3A_1563 = tpu.memref_slice %arg2[%dma_wait3A_1561, %dma_wait3A_1562] : memref<10000x128xf32, #tpu.memory_space<hbm>> -> memref<40x128xf32, #tpu.memory_space<hbm>>
      tpu.wait_dma2 semaphore(%arg45 : memref<!tpu.dma_semaphore, #tpu.memory_space<semaphore_mem>>) src(%dma_wait3A_1563 : memref<40x128xf32, #tpu.memory_space<hbm>>) dst(%dma_wait3A_1560 : memref<40x128xf32, #tpu.memory_space<vmem>>)
      %dma_wait3A_1564 = arith.constant 0 : i32
      %dma_wait3A_1565 = arith.constant 0 : i32
      %dma_wait3A_1566 = tpu.memref_slice %arg25[%dma_wait3A_1564, %dma_wait3A_1565] : memref<40x128xf32, #tpu.memory_space<vmem>> -> memref<40x128xf32, #tpu.memory_space<vmem>>
      %dma_wait3A_1567 = arith.constant 0 : i32
      %dma_wait3A_1568 = arith.constant 0 : i32
      %dma_wait3A_1569 = tpu.memref_slice %arg2[%dma_wait3A_1567, %dma_wait3A_1568] : memref<10000x128xf32, #tpu.memory_space<hbm>> -> memref<40x128xf32, #tpu.memory_space<hbm>>
      %dma_wait3A_1570 = arith.constant 0 : i32
      %dma_wait3A_1571 = arith.constant 0 : i32
      %dma_wait3A_1572 = tpu.memref_slice %arg25[%dma_wait3A_1570, %dma_wait3A_1571] : memref<40x128xf32, #tpu.memory_space<vmem>> -> memref<40x128xf32, #tpu.memory_space<vmem>>
      %dma_wait3A_1573 = arith.constant 0 : i32
      %dma_wait3A_1574 = arith.constant 0 : i32
      %dma_wait3A_1575 = tpu.memref_slice %arg2[%dma_wait3A_1573, %dma_wait3A_1574] : memref<10000x128xf32, #tpu.memory_space<hbm>> -> memref<40x128xf32, #tpu.memory_space<hbm>>
      tpu.wait_dma2 semaphore(%arg46 : memref<!tpu.dma_semaphore, #tpu.memory_space<semaphore_mem>>) src(%dma_wait3A_1575 : memref<40x128xf32, #tpu.memory_space<hbm>>) dst(%dma_wait3A_1572 : memref<40x128xf32, #tpu.memory_space<vmem>>)
      %dma_wait3A_1576 = arith.constant 0 : i32
      %dma_wait3A_1577 = arith.constant 0 : i32
      %dma_wait3A_1578 = tpu.memref_slice %arg25[%dma_wait3A_1576, %dma_wait3A_1577] : memref<40x128xf32, #tpu.memory_space<vmem>> -> memref<40x128xf32, #tpu.memory_space<vmem>>
      %dma_wait3A_1579 = arith.constant 0 : i32
      %dma_wait3A_1580 = arith.constant 0 : i32
      %dma_wait3A_1581 = tpu.memref_slice %arg2[%dma_wait3A_1579, %dma_wait3A_1580] : memref<10000x128xf32, #tpu.memory_space<hbm>> -> memref<40x128xf32, #tpu.memory_space<hbm>>
      %dma_wait3A_1582 = arith.constant 0 : i32
      %dma_wait3A_1583 = arith.constant 0 : i32
      %dma_wait3A_1584 = tpu.memref_slice %arg25[%dma_wait3A_1582, %dma_wait3A_1583] : memref<40x128xf32, #tpu.memory_space<vmem>> -> memref<40x128xf32, #tpu.memory_space<vmem>>
      %dma_wait3A_1585 = arith.constant 0 : i32
      %dma_wait3A_1586 = arith.constant 0 : i32
      %dma_wait3A_1587 = tpu.memref_slice %arg2[%dma_wait3A_1585, %dma_wait3A_1586] : memref<10000x128xf32, #tpu.memory_space<hbm>> -> memref<40x128xf32, #tpu.memory_space<hbm>>
      tpu.wait_dma2 semaphore(%arg47 : memref<!tpu.dma_semaphore, #tpu.memory_space<semaphore_mem>>) src(%dma_wait3A_1587 : memref<40x128xf32, #tpu.memory_space<hbm>>) dst(%dma_wait3A_1584 : memref<40x128xf32, #tpu.memory_space<vmem>>)
      %dma_wait3A_1588 = arith.constant 0 : i32
      %dma_wait3A_1589 = arith.constant 0 : i32
      %dma_wait3A_1590 = tpu.memref_slice %arg25[%dma_wait3A_1588, %dma_wait3A_1589] : memref<40x128xf32, #tpu.memory_space<vmem>> -> memref<40x128xf32, #tpu.memory_space<vmem>>
      %dma_wait3A_1591 = arith.constant 0 : i32
      %dma_wait3A_1592 = arith.constant 0 : i32
      %dma_wait3A_1593 = tpu.memref_slice %arg2[%dma_wait3A_1591, %dma_wait3A_1592] : memref<10000x128xf32, #tpu.memory_space<hbm>> -> memref<40x128xf32, #tpu.memory_space<hbm>>
      %dma_wait3A_1594 = arith.constant 0 : i32
      %dma_wait3A_1595 = arith.constant 0 : i32
      %dma_wait3A_1596 = tpu.memref_slice %arg25[%dma_wait3A_1594, %dma_wait3A_1595] : memref<40x128xf32, #tpu.memory_space<vmem>> -> memref<40x128xf32, #tpu.memory_space<vmem>>
      %dma_wait3A_1597 = arith.constant 0 : i32
      %dma_wait3A_1598 = arith.constant 0 : i32
      %dma_wait3A_1599 = tpu.memref_slice %arg2[%dma_wait3A_1597, %dma_wait3A_1598] : memref<10000x128xf32, #tpu.memory_space<hbm>> -> memref<40x128xf32, #tpu.memory_space<hbm>>
      tpu.wait_dma2 semaphore(%arg48 : memref<!tpu.dma_semaphore, #tpu.memory_space<semaphore_mem>>) src(%dma_wait3A_1599 : memref<40x128xf32, #tpu.memory_space<hbm>>) dst(%dma_wait3A_1596 : memref<40x128xf32, #tpu.memory_space<vmem>>)
      %dma_wait3A_1600 = arith.constant 0 : i32
      %dma_wait3A_1601 = arith.constant 0 : i32
      %dma_wait3A_1602 = tpu.memref_slice %arg25[%dma_wait3A_1600, %dma_wait3A_1601] : memref<40x128xf32, #tpu.memory_space<vmem>> -> memref<40x128xf32, #tpu.memory_space<vmem>>
      %dma_wait3A_1603 = arith.constant 0 : i32
      %dma_wait3A_1604 = arith.constant 0 : i32
      %dma_wait3A_1605 = tpu.memref_slice %arg2[%dma_wait3A_1603, %dma_wait3A_1604] : memref<10000x128xf32, #tpu.memory_space<hbm>> -> memref<40x128xf32, #tpu.memory_space<hbm>>
      %dma_wait3A_1606 = arith.constant 0 : i32
      %dma_wait3A_1607 = arith.constant 0 : i32
      %dma_wait3A_1608 = tpu.memref_slice %arg25[%dma_wait3A_1606, %dma_wait3A_1607] : memref<40x128xf32, #tpu.memory_space<vmem>> -> memref<40x128xf32, #tpu.memory_space<vmem>>
      %dma_wait3A_1609 = arith.constant 0 : i32
      %dma_wait3A_1610 = arith.constant 0 : i32
      %dma_wait3A_1611 = tpu.memref_slice %arg2[%dma_wait3A_1609, %dma_wait3A_1610] : memref<10000x128xf32, #tpu.memory_space<hbm>> -> memref<40x128xf32, #tpu.memory_space<hbm>>
      tpu.wait_dma2 semaphore(%arg49 : memref<!tpu.dma_semaphore, #tpu.memory_space<semaphore_mem>>) src(%dma_wait3A_1611 : memref<40x128xf32, #tpu.memory_space<hbm>>) dst(%dma_wait3A_1608 : memref<40x128xf32, #tpu.memory_space<vmem>>)
    } else {
    }
    %add3A_15 = arith.constant 0 : i32
    %add3A_16 = arith.addi %mul3A_2, %add3A_15 : i32
    %dma_start3A = arith.constant 0 : i32
    %dma_start3A_17 = arith.constant 0 : i32
    %dma_start3A_18 = arith.constant 0 : i32
    %dma_start3A_19 = tpu.memref_slice %arg3[%dma_start3A, %add3A_16, %dma_start3A_17, %dma_start3A_18] : memref<2x8000x1x40xi32, #tpu.memory_space<hbm>> -> memref<1x1x1x40xi32, #tpu.memory_space<hbm>>
    %dma_start3A_20 = tpu.memref_squeeze %dma_start3A_19 : memref<1x1x1x40xi32, #tpu.memory_space<hbm>> -> memref<1x40xi32, #tpu.memory_space<hbm>>
    %dma_start3A_21 = arith.constant 0 : i32
    %dma_start3A_22 = arith.constant 0 : i32
    %dma_start3A_23 = tpu.memref_slice %arg3[%dma_start3A, %add3A_16, %dma_start3A_21, %dma_start3A_22] : memref<2x8000x1x40xi32, #tpu.memory_space<hbm>> -> memref<1x1x1x40xi32, #tpu.memory_space<hbm>>
    %dma_start3A_24 = tpu.memref_squeeze %dma_start3A_23 : memref<1x1x1x40xi32, #tpu.memory_space<hbm>> -> memref<1x40xi32, #tpu.memory_space<hbm>>
    tpu.enqueue_dma source(%dma_start3A_24 : memref<1x40xi32, #tpu.memory_space<hbm>>) target(%arg5 : memref<1x40xi32, #tpu.memory_space<vmem>>) target_semaphore(%arg30 : memref<!tpu.dma_semaphore, #tpu.memory_space<semaphore_mem>>)
    %dma_start3A_25 = arith.constant 1 : i32
    %dma_start3A_26 = arith.constant 0 : i32
    %dma_start3A_27 = arith.constant 0 : i32
    %dma_start3A_28 = tpu.memref_slice %arg3[%dma_start3A_25, %add3A_16, %dma_start3A_26, %dma_start3A_27] : memref<2x8000x1x40xi32, #tpu.memory_space<hbm>> -> memref<1x1x1x40xi32, #tpu.memory_space<hbm>>
    %dma_start3A_29 = tpu.memref_squeeze %dma_start3A_28 : memref<1x1x1x40xi32, #tpu.memory_space<hbm>> -> memref<1x40xi32, #tpu.memory_space<hbm>>
    %dma_start3A_30 = arith.constant 0 : i32
    %dma_start3A_31 = arith.constant 0 : i32
    %dma_start3A_32 = tpu.memref_slice %arg3[%dma_start3A_25, %add3A_16, %dma_start3A_30, %dma_start3A_31] : memref<2x8000x1x40xi32, #tpu.memory_space<hbm>> -> memref<1x1x1x40xi32, #tpu.memory_space<hbm>>
    %dma_start3A_33 = tpu.memref_squeeze %dma_start3A_32 : memref<1x1x1x40xi32, #tpu.memory_space<hbm>> -> memref<1x40xi32, #tpu.memory_space<hbm>>
    tpu.enqueue_dma source(%dma_start3A_33 : memref<1x40xi32, #tpu.memory_space<hbm>>) target(%arg15 : memref<1x40xi32, #tpu.memory_space<vmem>>) target_semaphore(%arg30 : memref<!tpu.dma_semaphore, #tpu.memory_space<semaphore_mem>>)
    %add3A_34 = arith.constant 1 : i32
    %add3A_35 = arith.addi %mul3A_2, %add3A_34 : i32
    %dma_start3A_36 = arith.constant 0 : i32
    %dma_start3A_37 = arith.constant 0 : i32
    %dma_start3A_38 = arith.constant 0 : i32
    %dma_start3A_39 = tpu.memref_slice %arg3[%dma_start3A_36, %add3A_35, %dma_start3A_37, %dma_start3A_38] : memref<2x8000x1x40xi32, #tpu.memory_space<hbm>> -> memref<1x1x1x40xi32, #tpu.memory_space<hbm>>
    %dma_start3A_40 = tpu.memref_squeeze %dma_start3A_39 : memref<1x1x1x40xi32, #tpu.memory_space<hbm>> -> memref<1x40xi32, #tpu.memory_space<hbm>>
    %dma_start3A_41 = arith.constant 0 : i32
    %dma_start3A_42 = arith.constant 0 : i32
    %dma_start3A_43 = tpu.memref_slice %arg3[%dma_start3A_36, %add3A_35, %dma_start3A_41, %dma_start3A_42] : memref<2x8000x1x40xi32, #tpu.memory_space<hbm>> -> memref<1x1x1x40xi32, #tpu.memory_space<hbm>>
    %dma_start3A_44 = tpu.memref_squeeze %dma_start3A_43 : memref<1x1x1x40xi32, #tpu.memory_space<hbm>> -> memref<1x40xi32, #tpu.memory_space<hbm>>
    tpu.enqueue_dma source(%dma_start3A_44 : memref<1x40xi32, #tpu.memory_space<hbm>>) target(%arg6 : memref<1x40xi32, #tpu.memory_space<vmem>>) target_semaphore(%arg31 : memref<!tpu.dma_semaphore, #tpu.memory_space<semaphore_mem>>)
    %dma_start3A_45 = arith.constant 1 : i32
    %dma_start3A_46 = arith.constant 0 : i32
    %dma_start3A_47 = arith.constant 0 : i32
    %dma_start3A_48 = tpu.memref_slice %arg3[%dma_start3A_45, %add3A_35, %dma_start3A_46, %dma_start3A_47] : memref<2x8000x1x40xi32, #tpu.memory_space<hbm>> -> memref<1x1x1x40xi32, #tpu.memory_space<hbm>>
    %dma_start3A_49 = tpu.memref_squeeze %dma_start3A_48 : memref<1x1x1x40xi32, #tpu.memory_space<hbm>> -> memref<1x40xi32, #tpu.memory_space<hbm>>
    %dma_start3A_50 = arith.constant 0 : i32
    %dma_start3A_51 = arith.constant 0 : i32
    %dma_start3A_52 = tpu.memref_slice %arg3[%dma_start3A_45, %add3A_35, %dma_start3A_50, %dma_start3A_51] : memref<2x8000x1x40xi32, #tpu.memory_space<hbm>> -> memref<1x1x1x40xi32, #tpu.memory_space<hbm>>
    %dma_start3A_53 = tpu.memref_squeeze %dma_start3A_52 : memref<1x1x1x40xi32, #tpu.memory_space<hbm>> -> memref<1x40xi32, #tpu.memory_space<hbm>>
    tpu.enqueue_dma source(%dma_start3A_53 : memref<1x40xi32, #tpu.memory_space<hbm>>) target(%arg16 : memref<1x40xi32, #tpu.memory_space<vmem>>) target_semaphore(%arg31 : memref<!tpu.dma_semaphore, #tpu.memory_space<semaphore_mem>>)
    %add3A_54 = arith.constant 2 : i32
    %add3A_55 = arith.addi %mul3A_2, %add3A_54 : i32
    %dma_start3A_56 = arith.constant 0 : i32
    %dma_start3A_57 = arith.constant 0 : i32
    %dma_start3A_58 = arith.constant 0 : i32
    %dma_start3A_59 = tpu.memref_slice %arg3[%dma_start3A_56, %add3A_55, %dma_start3A_57, %dma_start3A_58] : memref<2x8000x1x40xi32, #tpu.memory_space<hbm>> -> memref<1x1x1x40xi32, #tpu.memory_space<hbm>>
    %dma_start3A_60 = tpu.memref_squeeze %dma_start3A_59 : memref<1x1x1x40xi32, #tpu.memory_space<hbm>> -> memref<1x40xi32, #tpu.memory_space<hbm>>
    %dma_start3A_61 = arith.constant 0 : i32
    %dma_start3A_62 = arith.constant 0 : i32
    %dma_start3A_63 = tpu.memref_slice %arg3[%dma_start3A_56, %add3A_55, %dma_start3A_61, %dma_start3A_62] : memref<2x8000x1x40xi32, #tpu.memory_space<hbm>> -> memref<1x1x1x40xi32, #tpu.memory_space<hbm>>
    %dma_start3A_64 = tpu.memref_squeeze %dma_start3A_63 : memref<1x1x1x40xi32, #tpu.memory_space<hbm>> -> memref<1x40xi32, #tpu.memory_space<hbm>>
    tpu.enqueue_dma source(%dma_start3A_64 : memref<1x40xi32, #tpu.memory_space<hbm>>) target(%arg7 : memref<1x40xi32, #tpu.memory_space<vmem>>) target_semaphore(%arg32 : memref<!tpu.dma_semaphore, #tpu.memory_space<semaphore_mem>>)
    %dma_start3A_65 = arith.constant 1 : i32
    %dma_start3A_66 = arith.constant 0 : i32
    %dma_start3A_67 = arith.constant 0 : i32
    %dma_start3A_68 = tpu.memref_slice %arg3[%dma_start3A_65, %add3A_55, %dma_start3A_66, %dma_start3A_67] : memref<2x8000x1x40xi32, #tpu.memory_space<hbm>> -> memref<1x1x1x40xi32, #tpu.memory_space<hbm>>
    %dma_start3A_69 = tpu.memref_squeeze %dma_start3A_68 : memref<1x1x1x40xi32, #tpu.memory_space<hbm>> -> memref<1x40xi32, #tpu.memory_space<hbm>>
    %dma_start3A_70 = arith.constant 0 : i32
    %dma_start3A_71 = arith.constant 0 : i32
    %dma_start3A_72 = tpu.memref_slice %arg3[%dma_start3A_65, %add3A_55, %dma_start3A_70, %dma_start3A_71] : memref<2x8000x1x40xi32, #tpu.memory_space<hbm>> -> memref<1x1x1x40xi32, #tpu.memory_space<hbm>>
    %dma_start3A_73 = tpu.memref_squeeze %dma_start3A_72 : memref<1x1x1x40xi32, #tpu.memory_space<hbm>> -> memref<1x40xi32, #tpu.memory_space<hbm>>
    tpu.enqueue_dma source(%dma_start3A_73 : memref<1x40xi32, #tpu.memory_space<hbm>>) target(%arg17 : memref<1x40xi32, #tpu.memory_space<vmem>>) target_semaphore(%arg32 : memref<!tpu.dma_semaphore, #tpu.memory_space<semaphore_mem>>)
    %add3A_74 = arith.constant 3 : i32
    %add3A_75 = arith.addi %mul3A_2, %add3A_74 : i32
    %dma_start3A_76 = arith.constant 0 : i32
    %dma_start3A_77 = arith.constant 0 : i32
    %dma_start3A_78 = arith.constant 0 : i32
    %dma_start3A_79 = tpu.memref_slice %arg3[%dma_start3A_76, %add3A_75, %dma_start3A_77, %dma_start3A_78] : memref<2x8000x1x40xi32, #tpu.memory_space<hbm>> -> memref<1x1x1x40xi32, #tpu.memory_space<hbm>>
    %dma_start3A_80 = tpu.memref_squeeze %dma_start3A_79 : memref<1x1x1x40xi32, #tpu.memory_space<hbm>> -> memref<1x40xi32, #tpu.memory_space<hbm>>
    %dma_start3A_81 = arith.constant 0 : i32
    %dma_start3A_82 = arith.constant 0 : i32
    %dma_start3A_83 = tpu.memref_slice %arg3[%dma_start3A_76, %add3A_75, %dma_start3A_81, %dma_start3A_82] : memref<2x8000x1x40xi32, #tpu.memory_space<hbm>> -> memref<1x1x1x40xi32, #tpu.memory_space<hbm>>
    %dma_start3A_84 = tpu.memref_squeeze %dma_start3A_83 : memref<1x1x1x40xi32, #tpu.memory_space<hbm>> -> memref<1x40xi32, #tpu.memory_space<hbm>>
    tpu.enqueue_dma source(%dma_start3A_84 : memref<1x40xi32, #tpu.memory_space<hbm>>) target(%arg8 : memref<1x40xi32, #tpu.memory_space<vmem>>) target_semaphore(%arg33 : memref<!tpu.dma_semaphore, #tpu.memory_space<semaphore_mem>>)
    %dma_start3A_85 = arith.constant 1 : i32
    %dma_start3A_86 = arith.constant 0 : i32
    %dma_start3A_87 = arith.constant 0 : i32
    %dma_start3A_88 = tpu.memref_slice %arg3[%dma_start3A_85, %add3A_75, %dma_start3A_86, %dma_start3A_87] : memref<2x8000x1x40xi32, #tpu.memory_space<hbm>> -> memref<1x1x1x40xi32, #tpu.memory_space<hbm>>
    %dma_start3A_89 = tpu.memref_squeeze %dma_start3A_88 : memref<1x1x1x40xi32, #tpu.memory_space<hbm>> -> memref<1x40xi32, #tpu.memory_space<hbm>>
    %dma_start3A_90 = arith.constant 0 : i32
    %dma_start3A_91 = arith.constant 0 : i32
    %dma_start3A_92 = tpu.memref_slice %arg3[%dma_start3A_85, %add3A_75, %dma_start3A_90, %dma_start3A_91] : memref<2x8000x1x40xi32, #tpu.memory_space<hbm>> -> memref<1x1x1x40xi32, #tpu.memory_space<hbm>>
    %dma_start3A_93 = tpu.memref_squeeze %dma_start3A_92 : memref<1x1x1x40xi32, #tpu.memory_space<hbm>> -> memref<1x40xi32, #tpu.memory_space<hbm>>
    tpu.enqueue_dma source(%dma_start3A_93 : memref<1x40xi32, #tpu.memory_space<hbm>>) target(%arg18 : memref<1x40xi32, #tpu.memory_space<vmem>>) target_semaphore(%arg33 : memref<!tpu.dma_semaphore, #tpu.memory_space<semaphore_mem>>)
    %add3A_94 = arith.constant 4 : i32
    %add3A_95 = arith.addi %mul3A_2, %add3A_94 : i32
    %dma_start3A_96 = arith.constant 0 : i32
    %dma_start3A_97 = arith.constant 0 : i32
    %dma_start3A_98 = arith.constant 0 : i32
    %dma_start3A_99 = tpu.memref_slice %arg3[%dma_start3A_96, %add3A_95, %dma_start3A_97, %dma_start3A_98] : memref<2x8000x1x40xi32, #tpu.memory_space<hbm>> -> memref<1x1x1x40xi32, #tpu.memory_space<hbm>>
    %dma_start3A_100 = tpu.memref_squeeze %dma_start3A_99 : memref<1x1x1x40xi32, #tpu.memory_space<hbm>> -> memref<1x40xi32, #tpu.memory_space<hbm>>
    %dma_start3A_101 = arith.constant 0 : i32
    %dma_start3A_102 = arith.constant 0 : i32
    %dma_start3A_103 = tpu.memref_slice %arg3[%dma_start3A_96, %add3A_95, %dma_start3A_101, %dma_start3A_102] : memref<2x8000x1x40xi32, #tpu.memory_space<hbm>> -> memref<1x1x1x40xi32, #tpu.memory_space<hbm>>
    %dma_start3A_104 = tpu.memref_squeeze %dma_start3A_103 : memref<1x1x1x40xi32, #tpu.memory_space<hbm>> -> memref<1x40xi32, #tpu.memory_space<hbm>>
    tpu.enqueue_dma source(%dma_start3A_104 : memref<1x40xi32, #tpu.memory_space<hbm>>) target(%arg9 : memref<1x40xi32, #tpu.memory_space<vmem>>) target_semaphore(%arg34 : memref<!tpu.dma_semaphore, #tpu.memory_space<semaphore_mem>>)
    %dma_start3A_105 = arith.constant 1 : i32
    %dma_start3A_106 = arith.constant 0 : i32
    %dma_start3A_107 = arith.constant 0 : i32
    %dma_start3A_108 = tpu.memref_slice %arg3[%dma_start3A_105, %add3A_95, %dma_start3A_106, %dma_start3A_107] : memref<2x8000x1x40xi32, #tpu.memory_space<hbm>> -> memref<1x1x1x40xi32, #tpu.memory_space<hbm>>
    %dma_start3A_109 = tpu.memref_squeeze %dma_start3A_108 : memref<1x1x1x40xi32, #tpu.memory_space<hbm>> -> memref<1x40xi32, #tpu.memory_space<hbm>>
    %dma_start3A_110 = arith.constant 0 : i32
    %dma_start3A_111 = arith.constant 0 : i32
    %dma_start3A_112 = tpu.memref_slice %arg3[%dma_start3A_105, %add3A_95, %dma_start3A_110, %dma_start3A_111] : memref<2x8000x1x40xi32, #tpu.memory_space<hbm>> -> memref<1x1x1x40xi32, #tpu.memory_space<hbm>>
    %dma_start3A_113 = tpu.memref_squeeze %dma_start3A_112 : memref<1x1x1x40xi32, #tpu.memory_space<hbm>> -> memref<1x40xi32, #tpu.memory_space<hbm>>
    tpu.enqueue_dma source(%dma_start3A_113 : memref<1x40xi32, #tpu.memory_space<hbm>>) target(%arg19 : memref<1x40xi32, #tpu.memory_space<vmem>>) target_semaphore(%arg34 : memref<!tpu.dma_semaphore, #tpu.memory_space<semaphore_mem>>)
    %add3A_114 = arith.constant 5 : i32
    %add3A_115 = arith.addi %mul3A_2, %add3A_114 : i32
    %dma_start3A_116 = arith.constant 0 : i32
    %dma_start3A_117 = arith.constant 0 : i32
    %dma_start3A_118 = arith.constant 0 : i32
    %dma_start3A_119 = tpu.memref_slice %arg3[%dma_start3A_116, %add3A_115, %dma_start3A_117, %dma_start3A_118] : memref<2x8000x1x40xi32, #tpu.memory_space<hbm>> -> memref<1x1x1x40xi32, #tpu.memory_space<hbm>>
    %dma_start3A_120 = tpu.memref_squeeze %dma_start3A_119 : memref<1x1x1x40xi32, #tpu.memory_space<hbm>> -> memref<1x40xi32, #tpu.memory_space<hbm>>
    %dma_start3A_121 = arith.constant 0 : i32
    %dma_start3A_122 = arith.constant 0 : i32
    %dma_start3A_123 = tpu.memref_slice %arg3[%dma_start3A_116, %add3A_115, %dma_start3A_121, %dma_start3A_122] : memref<2x8000x1x40xi32, #tpu.memory_space<hbm>> -> memref<1x1x1x40xi32, #tpu.memory_space<hbm>>
    %dma_start3A_124 = tpu.memref_squeeze %dma_start3A_123 : memref<1x1x1x40xi32, #tpu.memory_space<hbm>> -> memref<1x40xi32, #tpu.memory_space<hbm>>
    tpu.enqueue_dma source(%dma_start3A_124 : memref<1x40xi32, #tpu.memory_space<hbm>>) target(%arg10 : memref<1x40xi32, #tpu.memory_space<vmem>>) target_semaphore(%arg35 : memref<!tpu.dma_semaphore, #tpu.memory_space<semaphore_mem>>)
    %dma_start3A_125 = arith.constant 1 : i32
    %dma_start3A_126 = arith.constant 0 : i32
    %dma_start3A_127 = arith.constant 0 : i32
    %dma_start3A_128 = tpu.memref_slice %arg3[%dma_start3A_125, %add3A_115, %dma_start3A_126, %dma_start3A_127] : memref<2x8000x1x40xi32, #tpu.memory_space<hbm>> -> memref<1x1x1x40xi32, #tpu.memory_space<hbm>>
    %dma_start3A_129 = tpu.memref_squeeze %dma_start3A_128 : memref<1x1x1x40xi32, #tpu.memory_space<hbm>> -> memref<1x40xi32, #tpu.memory_space<hbm>>
    %dma_start3A_130 = arith.constant 0 : i32
    %dma_start3A_131 = arith.constant 0 : i32
    %dma_start3A_132 = tpu.memref_slice %arg3[%dma_start3A_125, %add3A_115, %dma_start3A_130, %dma_start3A_131] : memref<2x8000x1x40xi32, #tpu.memory_space<hbm>> -> memref<1x1x1x40xi32, #tpu.memory_space<hbm>>
    %dma_start3A_133 = tpu.memref_squeeze %dma_start3A_132 : memref<1x1x1x40xi32, #tpu.memory_space<hbm>> -> memref<1x40xi32, #tpu.memory_space<hbm>>
    tpu.enqueue_dma source(%dma_start3A_133 : memref<1x40xi32, #tpu.memory_space<hbm>>) target(%arg20 : memref<1x40xi32, #tpu.memory_space<vmem>>) target_semaphore(%arg35 : memref<!tpu.dma_semaphore, #tpu.memory_space<semaphore_mem>>)
    %add3A_134 = arith.constant 6 : i32
    %add3A_135 = arith.addi %mul3A_2, %add3A_134 : i32
    %dma_start3A_136 = arith.constant 0 : i32
    %dma_start3A_137 = arith.constant 0 : i32
    %dma_start3A_138 = arith.constant 0 : i32
    %dma_start3A_139 = tpu.memref_slice %arg3[%dma_start3A_136, %add3A_135, %dma_start3A_137, %dma_start3A_138] : memref<2x8000x1x40xi32, #tpu.memory_space<hbm>> -> memref<1x1x1x40xi32, #tpu.memory_space<hbm>>
    %dma_start3A_140 = tpu.memref_squeeze %dma_start3A_139 : memref<1x1x1x40xi32, #tpu.memory_space<hbm>> -> memref<1x40xi32, #tpu.memory_space<hbm>>
    %dma_start3A_141 = arith.constant 0 : i32
    %dma_start3A_142 = arith.constant 0 : i32
    %dma_start3A_143 = tpu.memref_slice %arg3[%dma_start3A_136, %add3A_135, %dma_start3A_141, %dma_start3A_142] : memref<2x8000x1x40xi32, #tpu.memory_space<hbm>> -> memref<1x1x1x40xi32, #tpu.memory_space<hbm>>
    %dma_start3A_144 = tpu.memref_squeeze %dma_start3A_143 : memref<1x1x1x40xi32, #tpu.memory_space<hbm>> -> memref<1x40xi32, #tpu.memory_space<hbm>>
    tpu.enqueue_dma source(%dma_start3A_144 : memref<1x40xi32, #tpu.memory_space<hbm>>) target(%arg11 : memref<1x40xi32, #tpu.memory_space<vmem>>) target_semaphore(%arg36 : memref<!tpu.dma_semaphore, #tpu.memory_space<semaphore_mem>>)
    %dma_start3A_145 = arith.constant 1 : i32
    %dma_start3A_146 = arith.constant 0 : i32
    %dma_start3A_147 = arith.constant 0 : i32
    %dma_start3A_148 = tpu.memref_slice %arg3[%dma_start3A_145, %add3A_135, %dma_start3A_146, %dma_start3A_147] : memref<2x8000x1x40xi32, #tpu.memory_space<hbm>> -> memref<1x1x1x40xi32, #tpu.memory_space<hbm>>
    %dma_start3A_149 = tpu.memref_squeeze %dma_start3A_148 : memref<1x1x1x40xi32, #tpu.memory_space<hbm>> -> memref<1x40xi32, #tpu.memory_space<hbm>>
    %dma_start3A_150 = arith.constant 0 : i32
    %dma_start3A_151 = arith.constant 0 : i32
    %dma_start3A_152 = tpu.memref_slice %arg3[%dma_start3A_145, %add3A_135, %dma_start3A_150, %dma_start3A_151] : memref<2x8000x1x40xi32, #tpu.memory_space<hbm>> -> memref<1x1x1x40xi32, #tpu.memory_space<hbm>>
    %dma_start3A_153 = tpu.memref_squeeze %dma_start3A_152 : memref<1x1x1x40xi32, #tpu.memory_space<hbm>> -> memref<1x40xi32, #tpu.memory_space<hbm>>
    tpu.enqueue_dma source(%dma_start3A_153 : memref<1x40xi32, #tpu.memory_space<hbm>>) target(%arg21 : memref<1x40xi32, #tpu.memory_space<vmem>>) target_semaphore(%arg36 : memref<!tpu.dma_semaphore, #tpu.memory_space<semaphore_mem>>)
    %add3A_154 = arith.constant 7 : i32
    %add3A_155 = arith.addi %mul3A_2, %add3A_154 : i32
    %dma_start3A_156 = arith.constant 0 : i32
    %dma_start3A_157 = arith.constant 0 : i32
    %dma_start3A_158 = arith.constant 0 : i32
    %dma_start3A_159 = tpu.memref_slice %arg3[%dma_start3A_156, %add3A_155, %dma_start3A_157, %dma_start3A_158] : memref<2x8000x1x40xi32, #tpu.memory_space<hbm>> -> memref<1x1x1x40xi32, #tpu.memory_space<hbm>>
    %dma_start3A_160 = tpu.memref_squeeze %dma_start3A_159 : memref<1x1x1x40xi32, #tpu.memory_space<hbm>> -> memref<1x40xi32, #tpu.memory_space<hbm>>
    %dma_start3A_161 = arith.constant 0 : i32
    %dma_start3A_162 = arith.constant 0 : i32
    %dma_start3A_163 = tpu.memref_slice %arg3[%dma_start3A_156, %add3A_155, %dma_start3A_161, %dma_start3A_162] : memref<2x8000x1x40xi32, #tpu.memory_space<hbm>> -> memref<1x1x1x40xi32, #tpu.memory_space<hbm>>
    %dma_start3A_164 = tpu.memref_squeeze %dma_start3A_163 : memref<1x1x1x40xi32, #tpu.memory_space<hbm>> -> memref<1x40xi32, #tpu.memory_space<hbm>>
    tpu.enqueue_dma source(%dma_start3A_164 : memref<1x40xi32, #tpu.memory_space<hbm>>) target(%arg12 : memref<1x40xi32, #tpu.memory_space<vmem>>) target_semaphore(%arg37 : memref<!tpu.dma_semaphore, #tpu.memory_space<semaphore_mem>>)
    %dma_start3A_165 = arith.constant 1 : i32
    %dma_start3A_166 = arith.constant 0 : i32
    %dma_start3A_167 = arith.constant 0 : i32
    %dma_start3A_168 = tpu.memref_slice %arg3[%dma_start3A_165, %add3A_155, %dma_start3A_166, %dma_start3A_167] : memref<2x8000x1x40xi32, #tpu.memory_space<hbm>> -> memref<1x1x1x40xi32, #tpu.memory_space<hbm>>
    %dma_start3A_169 = tpu.memref_squeeze %dma_start3A_168 : memref<1x1x1x40xi32, #tpu.memory_space<hbm>> -> memref<1x40xi32, #tpu.memory_space<hbm>>
    %dma_start3A_170 = arith.constant 0 : i32
    %dma_start3A_171 = arith.constant 0 : i32
    %dma_start3A_172 = tpu.memref_slice %arg3[%dma_start3A_165, %add3A_155, %dma_start3A_170, %dma_start3A_171] : memref<2x8000x1x40xi32, #tpu.memory_space<hbm>> -> memref<1x1x1x40xi32, #tpu.memory_space<hbm>>
    %dma_start3A_173 = tpu.memref_squeeze %dma_start3A_172 : memref<1x1x1x40xi32, #tpu.memory_space<hbm>> -> memref<1x40xi32, #tpu.memory_space<hbm>>
    tpu.enqueue_dma source(%dma_start3A_173 : memref<1x40xi32, #tpu.memory_space<hbm>>) target(%arg22 : memref<1x40xi32, #tpu.memory_space<vmem>>) target_semaphore(%arg37 : memref<!tpu.dma_semaphore, #tpu.memory_space<semaphore_mem>>)
    %add3A_174 = arith.constant 8 : i32
    %add3A_175 = arith.addi %mul3A_2, %add3A_174 : i32
    %dma_start3A_176 = arith.constant 0 : i32
    %dma_start3A_177 = arith.constant 0 : i32
    %dma_start3A_178 = arith.constant 0 : i32
    %dma_start3A_179 = tpu.memref_slice %arg3[%dma_start3A_176, %add3A_175, %dma_start3A_177, %dma_start3A_178] : memref<2x8000x1x40xi32, #tpu.memory_space<hbm>> -> memref<1x1x1x40xi32, #tpu.memory_space<hbm>>
    %dma_start3A_180 = tpu.memref_squeeze %dma_start3A_179 : memref<1x1x1x40xi32, #tpu.memory_space<hbm>> -> memref<1x40xi32, #tpu.memory_space<hbm>>
    %dma_start3A_181 = arith.constant 0 : i32
    %dma_start3A_182 = arith.constant 0 : i32
    %dma_start3A_183 = tpu.memref_slice %arg3[%dma_start3A_176, %add3A_175, %dma_start3A_181, %dma_start3A_182] : memref<2x8000x1x40xi32, #tpu.memory_space<hbm>> -> memref<1x1x1x40xi32, #tpu.memory_space<hbm>>
    %dma_start3A_184 = tpu.memref_squeeze %dma_start3A_183 : memref<1x1x1x40xi32, #tpu.memory_space<hbm>> -> memref<1x40xi32, #tpu.memory_space<hbm>>
    tpu.enqueue_dma source(%dma_start3A_184 : memref<1x40xi32, #tpu.memory_space<hbm>>) target(%arg13 : memref<1x40xi32, #tpu.memory_space<vmem>>) target_semaphore(%arg38 : memref<!tpu.dma_semaphore, #tpu.memory_space<semaphore_mem>>)
    %dma_start3A_185 = arith.constant 1 : i32
    %dma_start3A_186 = arith.constant 0 : i32
    %dma_start3A_187 = arith.constant 0 : i32
    %dma_start3A_188 = tpu.memref_slice %arg3[%dma_start3A_185, %add3A_175, %dma_start3A_186, %dma_start3A_187] : memref<2x8000x1x40xi32, #tpu.memory_space<hbm>> -> memref<1x1x1x40xi32, #tpu.memory_space<hbm>>
    %dma_start3A_189 = tpu.memref_squeeze %dma_start3A_188 : memref<1x1x1x40xi32, #tpu.memory_space<hbm>> -> memref<1x40xi32, #tpu.memory_space<hbm>>
    %dma_start3A_190 = arith.constant 0 : i32
    %dma_start3A_191 = arith.constant 0 : i32
    %dma_start3A_192 = tpu.memref_slice %arg3[%dma_start3A_185, %add3A_175, %dma_start3A_190, %dma_start3A_191] : memref<2x8000x1x40xi32, #tpu.memory_space<hbm>> -> memref<1x1x1x40xi32, #tpu.memory_space<hbm>>
    %dma_start3A_193 = tpu.memref_squeeze %dma_start3A_192 : memref<1x1x1x40xi32, #tpu.memory_space<hbm>> -> memref<1x40xi32, #tpu.memory_space<hbm>>
    tpu.enqueue_dma source(%dma_start3A_193 : memref<1x40xi32, #tpu.memory_space<hbm>>) target(%arg23 : memref<1x40xi32, #tpu.memory_space<vmem>>) target_semaphore(%arg38 : memref<!tpu.dma_semaphore, #tpu.memory_space<semaphore_mem>>)
    %add3A_194 = arith.constant 9 : i32
    %add3A_195 = arith.addi %mul3A_2, %add3A_194 : i32
    %dma_start3A_196 = arith.constant 0 : i32
    %dma_start3A_197 = arith.constant 0 : i32
    %dma_start3A_198 = arith.constant 0 : i32
    %dma_start3A_199 = tpu.memref_slice %arg3[%dma_start3A_196, %add3A_195, %dma_start3A_197, %dma_start3A_198] : memref<2x8000x1x40xi32, #tpu.memory_space<hbm>> -> memref<1x1x1x40xi32, #tpu.memory_space<hbm>>
    %dma_start3A_200 = tpu.memref_squeeze %dma_start3A_199 : memref<1x1x1x40xi32, #tpu.memory_space<hbm>> -> memref<1x40xi32, #tpu.memory_space<hbm>>
    %dma_start3A_201 = arith.constant 0 : i32
    %dma_start3A_202 = arith.constant 0 : i32
    %dma_start3A_203 = tpu.memref_slice %arg3[%dma_start3A_196, %add3A_195, %dma_start3A_201, %dma_start3A_202] : memref<2x8000x1x40xi32, #tpu.memory_space<hbm>> -> memref<1x1x1x40xi32, #tpu.memory_space<hbm>>
    %dma_start3A_204 = tpu.memref_squeeze %dma_start3A_203 : memref<1x1x1x40xi32, #tpu.memory_space<hbm>> -> memref<1x40xi32, #tpu.memory_space<hbm>>
    tpu.enqueue_dma source(%dma_start3A_204 : memref<1x40xi32, #tpu.memory_space<hbm>>) target(%arg14 : memref<1x40xi32, #tpu.memory_space<vmem>>) target_semaphore(%arg39 : memref<!tpu.dma_semaphore, #tpu.memory_space<semaphore_mem>>)
    %dma_start3A_205 = arith.constant 1 : i32
    %dma_start3A_206 = arith.constant 0 : i32
    %dma_start3A_207 = arith.constant 0 : i32
    %dma_start3A_208 = tpu.memref_slice %arg3[%dma_start3A_205, %add3A_195, %dma_start3A_206, %dma_start3A_207] : memref<2x8000x1x40xi32, #tpu.memory_space<hbm>> -> memref<1x1x1x40xi32, #tpu.memory_space<hbm>>
    %dma_start3A_209 = tpu.memref_squeeze %dma_start3A_208 : memref<1x1x1x40xi32, #tpu.memory_space<hbm>> -> memref<1x40xi32, #tpu.memory_space<hbm>>
    %dma_start3A_210 = arith.constant 0 : i32
    %dma_start3A_211 = arith.constant 0 : i32
    %dma_start3A_212 = tpu.memref_slice %arg3[%dma_start3A_205, %add3A_195, %dma_start3A_210, %dma_start3A_211] : memref<2x8000x1x40xi32, #tpu.memory_space<hbm>> -> memref<1x1x1x40xi32, #tpu.memory_space<hbm>>
    %dma_start3A_213 = tpu.memref_squeeze %dma_start3A_212 : memref<1x1x1x40xi32, #tpu.memory_space<hbm>> -> memref<1x40xi32, #tpu.memory_space<hbm>>
    tpu.enqueue_dma source(%dma_start3A_213 : memref<1x40xi32, #tpu.memory_space<hbm>>) target(%arg24 : memref<1x40xi32, #tpu.memory_space<vmem>>) target_semaphore(%arg39 : memref<!tpu.dma_semaphore, #tpu.memory_space<semaphore_mem>>)
    %dma_wait3A = arith.constant 0 : i32
    %dma_wait3A_214 = arith.constant 0 : i32
    %dma_wait3A_215 = arith.constant 0 : i32
    %dma_wait3A_216 = arith.constant 0 : i32
    %dma_wait3A_217 = tpu.memref_slice %arg3[%dma_wait3A, %dma_wait3A_214, %dma_wait3A_215, %dma_wait3A_216] : memref<2x8000x1x40xi32, #tpu.memory_space<hbm>> -> memref<1x1x1x40xi32, #tpu.memory_space<hbm>>
    %dma_wait3A_218 = tpu.memref_squeeze %dma_wait3A_217 : memref<1x1x1x40xi32, #tpu.memory_space<hbm>> -> memref<1x40xi32, #tpu.memory_space<hbm>>
    %dma_wait3A_219 = arith.constant 0 : i32
    %dma_wait3A_220 = arith.constant 0 : i32
    %dma_wait3A_221 = tpu.memref_slice %arg3[%dma_wait3A, %dma_wait3A_214, %dma_wait3A_219, %dma_wait3A_220] : memref<2x8000x1x40xi32, #tpu.memory_space<hbm>> -> memref<1x1x1x40xi32, #tpu.memory_space<hbm>>
    %dma_wait3A_222 = tpu.memref_squeeze %dma_wait3A_221 : memref<1x1x1x40xi32, #tpu.memory_space<hbm>> -> memref<1x40xi32, #tpu.memory_space<hbm>>
    tpu.wait_dma2 semaphore(%arg30 : memref<!tpu.dma_semaphore, #tpu.memory_space<semaphore_mem>>) src(%dma_wait3A_222 : memref<1x40xi32, #tpu.memory_space<hbm>>) dst(%arg5 : memref<1x40xi32, #tpu.memory_space<vmem>>)
    %dma_wait3A_223 = arith.constant 1 : i32
    %dma_wait3A_224 = arith.constant 0 : i32
    %dma_wait3A_225 = arith.constant 0 : i32
    %dma_wait3A_226 = arith.constant 0 : i32
    %dma_wait3A_227 = tpu.memref_slice %arg3[%dma_wait3A_223, %dma_wait3A_224, %dma_wait3A_225, %dma_wait3A_226] : memref<2x8000x1x40xi32, #tpu.memory_space<hbm>> -> memref<1x1x1x40xi32, #tpu.memory_space<hbm>>
    %dma_wait3A_228 = tpu.memref_squeeze %dma_wait3A_227 : memref<1x1x1x40xi32, #tpu.memory_space<hbm>> -> memref<1x40xi32, #tpu.memory_space<hbm>>
    %dma_wait3A_229 = arith.constant 0 : i32
    %dma_wait3A_230 = arith.constant 0 : i32
    %dma_wait3A_231 = tpu.memref_slice %arg3[%dma_wait3A_223, %dma_wait3A_224, %dma_wait3A_229, %dma_wait3A_230] : memref<2x8000x1x40xi32, #tpu.memory_space<hbm>> -> memref<1x1x1x40xi32, #tpu.memory_space<hbm>>
    %dma_wait3A_232 = tpu.memref_squeeze %dma_wait3A_231 : memref<1x1x1x40xi32, #tpu.memory_space<hbm>> -> memref<1x40xi32, #tpu.memory_space<hbm>>
    tpu.wait_dma2 semaphore(%arg30 : memref<!tpu.dma_semaphore, #tpu.memory_space<semaphore_mem>>) src(%dma_wait3A_232 : memref<1x40xi32, #tpu.memory_space<hbm>>) dst(%arg15 : memref<1x40xi32, #tpu.memory_space<vmem>>)
    %dma_start3A_233 = arith.constant 0 : i32
    %dma_start3A_234 = arith.constant 0 : i32
    %dma_start3A_235 = tpu.memref_slice %arg5[%dma_start3A_233, %dma_start3A_234] : memref<1x40xi32, #tpu.memory_space<vmem>> -> memref<1x40xi32, #tpu.memory_space<vmem>>
    %dma_start3A_236 = tpu.memref_squeeze %dma_start3A_235 : memref<1x40xi32, #tpu.memory_space<vmem>> -> memref<40xi32, #tpu.memory_space<vmem>>
    %dma_start3A_237 = arith.constant 0 : i32
    %dma_start3A_238 = arith.constant 0 : i32
    %dma_start3A_239 = tpu.memref_slice %arg2[%dma_start3A_237, %dma_start3A_238] : memref<10000x128xf32, #tpu.memory_space<hbm>> -> memref<10000x128xf32, #tpu.memory_space<hbm>>
    tpu.enqueue_indirect_dma source(%dma_start3A_239 : memref<10000x128xf32, #tpu.memory_space<hbm>>) target(%arg25 : memref<40x128xf32, #tpu.memory_space<vmem>>) offsets(%dma_start3A_236 : memref<40xi32, #tpu.memory_space<vmem>>) semaphore(%arg40 : memref<!tpu.dma_semaphore, #tpu.memory_space<semaphore_mem>>)
    %dma_wait3A_240 = arith.constant 0 : i32
    %dma_wait3A_241 = arith.constant 0 : i32
    %dma_wait3A_242 = arith.constant 0 : i32
    %dma_wait3A_243 = arith.constant 0 : i32
    %dma_wait3A_244 = tpu.memref_slice %arg3[%dma_wait3A_240, %dma_wait3A_241, %dma_wait3A_242, %dma_wait3A_243] : memref<2x8000x1x40xi32, #tpu.memory_space<hbm>> -> memref<1x1x1x40xi32, #tpu.memory_space<hbm>>
    %dma_wait3A_245 = tpu.memref_squeeze %dma_wait3A_244 : memref<1x1x1x40xi32, #tpu.memory_space<hbm>> -> memref<1x40xi32, #tpu.memory_space<hbm>>
    %dma_wait3A_246 = arith.constant 0 : i32
    %dma_wait3A_247 = arith.constant 0 : i32
    %dma_wait3A_248 = tpu.memref_slice %arg3[%dma_wait3A_240, %dma_wait3A_241, %dma_wait3A_246, %dma_wait3A_247] : memref<2x8000x1x40xi32, #tpu.memory_space<hbm>> -> memref<1x1x1x40xi32, #tpu.memory_space<hbm>>
    %dma_wait3A_249 = tpu.memref_squeeze %dma_wait3A_248 : memref<1x1x1x40xi32, #tpu.memory_space<hbm>> -> memref<1x40xi32, #tpu.memory_space<hbm>>
    tpu.wait_dma2 semaphore(%arg31 : memref<!tpu.dma_semaphore, #tpu.memory_space<semaphore_mem>>) src(%dma_wait3A_249 : memref<1x40xi32, #tpu.memory_space<hbm>>) dst(%arg6 : memref<1x40xi32, #tpu.memory_space<vmem>>)
    %dma_wait3A_250 = arith.constant 1 : i32
    %dma_wait3A_251 = arith.constant 0 : i32
    %dma_wait3A_252 = arith.constant 0 : i32
    %dma_wait3A_253 = arith.constant 0 : i32
    %dma_wait3A_254 = tpu.memref_slice %arg3[%dma_wait3A_250, %dma_wait3A_251, %dma_wait3A_252, %dma_wait3A_253] : memref<2x8000x1x40xi32, #tpu.memory_space<hbm>> -> memref<1x1x1x40xi32, #tpu.memory_space<hbm>>
    %dma_wait3A_255 = tpu.memref_squeeze %dma_wait3A_254 : memref<1x1x1x40xi32, #tpu.memory_space<hbm>> -> memref<1x40xi32, #tpu.memory_space<hbm>>
    %dma_wait3A_256 = arith.constant 0 : i32
    %dma_wait3A_257 = arith.constant 0 : i32
    %dma_wait3A_258 = tpu.memref_slice %arg3[%dma_wait3A_250, %dma_wait3A_251, %dma_wait3A_256, %dma_wait3A_257] : memref<2x8000x1x40xi32, #tpu.memory_space<hbm>> -> memref<1x1x1x40xi32, #tpu.memory_space<hbm>>
    %dma_wait3A_259 = tpu.memref_squeeze %dma_wait3A_258 : memref<1x1x1x40xi32, #tpu.memory_space<hbm>> -> memref<1x40xi32, #tpu.memory_space<hbm>>
    tpu.wait_dma2 semaphore(%arg31 : memref<!tpu.dma_semaphore, #tpu.memory_space<semaphore_mem>>) src(%dma_wait3A_259 : memref<1x40xi32, #tpu.memory_space<hbm>>) dst(%arg16 : memref<1x40xi32, #tpu.memory_space<vmem>>)
    %dma_start3A_260 = arith.constant 0 : i32
    %dma_start3A_261 = arith.constant 0 : i32
    %dma_start3A_262 = tpu.memref_slice %arg6[%dma_start3A_260, %dma_start3A_261] : memref<1x40xi32, #tpu.memory_space<vmem>> -> memref<1x40xi32, #tpu.memory_space<vmem>>
    %dma_start3A_263 = tpu.memref_squeeze %dma_start3A_262 : memref<1x40xi32, #tpu.memory_space<vmem>> -> memref<40xi32, #tpu.memory_space<vmem>>
    %dma_start3A_264 = arith.constant 0 : i32
    %dma_start3A_265 = arith.constant 0 : i32
    %dma_start3A_266 = tpu.memref_slice %arg2[%dma_start3A_264, %dma_start3A_265] : memref<10000x128xf32, #tpu.memory_space<hbm>> -> memref<10000x128xf32, #tpu.memory_space<hbm>>
    tpu.enqueue_indirect_dma source(%dma_start3A_266 : memref<10000x128xf32, #tpu.memory_space<hbm>>) target(%arg26 : memref<40x128xf32, #tpu.memory_space<vmem>>) offsets(%dma_start3A_263 : memref<40xi32, #tpu.memory_space<vmem>>) semaphore(%arg41 : memref<!tpu.dma_semaphore, #tpu.memory_space<semaphore_mem>>)
    %dma_wait3A_267 = arith.constant 0 : i32
    %dma_wait3A_268 = arith.constant 0 : i32
    %dma_wait3A_269 = arith.constant 0 : i32
    %dma_wait3A_270 = arith.constant 0 : i32
    %dma_wait3A_271 = tpu.memref_slice %arg3[%dma_wait3A_267, %dma_wait3A_268, %dma_wait3A_269, %dma_wait3A_270] : memref<2x8000x1x40xi32, #tpu.memory_space<hbm>> -> memref<1x1x1x40xi32, #tpu.memory_space<hbm>>
    %dma_wait3A_272 = tpu.memref_squeeze %dma_wait3A_271 : memref<1x1x1x40xi32, #tpu.memory_space<hbm>> -> memref<1x40xi32, #tpu.memory_space<hbm>>
    %dma_wait3A_273 = arith.constant 0 : i32
    %dma_wait3A_274 = arith.constant 0 : i32
    %dma_wait3A_275 = tpu.memref_slice %arg3[%dma_wait3A_267, %dma_wait3A_268, %dma_wait3A_273, %dma_wait3A_274] : memref<2x8000x1x40xi32, #tpu.memory_space<hbm>> -> memref<1x1x1x40xi32, #tpu.memory_space<hbm>>
    %dma_wait3A_276 = tpu.memref_squeeze %dma_wait3A_275 : memref<1x1x1x40xi32, #tpu.memory_space<hbm>> -> memref<1x40xi32, #tpu.memory_space<hbm>>
    tpu.wait_dma2 semaphore(%arg32 : memref<!tpu.dma_semaphore, #tpu.memory_space<semaphore_mem>>) src(%dma_wait3A_276 : memref<1x40xi32, #tpu.memory_space<hbm>>) dst(%arg7 : memref<1x40xi32, #tpu.memory_space<vmem>>)
    %dma_wait3A_277 = arith.constant 1 : i32
    %dma_wait3A_278 = arith.constant 0 : i32
    %dma_wait3A_279 = arith.constant 0 : i32
    %dma_wait3A_280 = arith.constant 0 : i32
    %dma_wait3A_281 = tpu.memref_slice %arg3[%dma_wait3A_277, %dma_wait3A_278, %dma_wait3A_279, %dma_wait3A_280] : memref<2x8000x1x40xi32, #tpu.memory_space<hbm>> -> memref<1x1x1x40xi32, #tpu.memory_space<hbm>>
    %dma_wait3A_282 = tpu.memref_squeeze %dma_wait3A_281 : memref<1x1x1x40xi32, #tpu.memory_space<hbm>> -> memref<1x40xi32, #tpu.memory_space<hbm>>
    %dma_wait3A_283 = arith.constant 0 : i32
    %dma_wait3A_284 = arith.constant 0 : i32
    %dma_wait3A_285 = tpu.memref_slice %arg3[%dma_wait3A_277, %dma_wait3A_278, %dma_wait3A_283, %dma_wait3A_284] : memref<2x8000x1x40xi32, #tpu.memory_space<hbm>> -> memref<1x1x1x40xi32, #tpu.memory_space<hbm>>
    %dma_wait3A_286 = tpu.memref_squeeze %dma_wait3A_285 : memref<1x1x1x40xi32, #tpu.memory_space<hbm>> -> memref<1x40xi32, #tpu.memory_space<hbm>>
    tpu.wait_dma2 semaphore(%arg32 : memref<!tpu.dma_semaphore, #tpu.memory_space<semaphore_mem>>) src(%dma_wait3A_286 : memref<1x40xi32, #tpu.memory_space<hbm>>) dst(%arg17 : memref<1x40xi32, #tpu.memory_space<vmem>>)
    %dma_start3A_287 = arith.constant 0 : i32
    %dma_start3A_288 = arith.constant 0 : i32
    %dma_start3A_289 = tpu.memref_slice %arg7[%dma_start3A_287, %dma_start3A_288] : memref<1x40xi32, #tpu.memory_space<vmem>> -> memref<1x40xi32, #tpu.memory_space<vmem>>
    %dma_start3A_290 = tpu.memref_squeeze %dma_start3A_289 : memref<1x40xi32, #tpu.memory_space<vmem>> -> memref<40xi32, #tpu.memory_space<vmem>>
    %dma_start3A_291 = arith.constant 0 : i32
    %dma_start3A_292 = arith.constant 0 : i32
    %dma_start3A_293 = tpu.memref_slice %arg2[%dma_start3A_291, %dma_start3A_292] : memref<10000x128xf32, #tpu.memory_space<hbm>> -> memref<10000x128xf32, #tpu.memory_space<hbm>>
    tpu.enqueue_indirect_dma source(%dma_start3A_293 : memref<10000x128xf32, #tpu.memory_space<hbm>>) target(%arg27 : memref<40x128xf32, #tpu.memory_space<vmem>>) offsets(%dma_start3A_290 : memref<40xi32, #tpu.memory_space<vmem>>) semaphore(%arg42 : memref<!tpu.dma_semaphore, #tpu.memory_space<semaphore_mem>>)
    %dma_wait3A_294 = arith.constant 0 : i32
    %dma_wait3A_295 = arith.constant 0 : i32
    %dma_wait3A_296 = arith.constant 0 : i32
    %dma_wait3A_297 = arith.constant 0 : i32
    %dma_wait3A_298 = tpu.memref_slice %arg3[%dma_wait3A_294, %dma_wait3A_295, %dma_wait3A_296, %dma_wait3A_297] : memref<2x8000x1x40xi32, #tpu.memory_space<hbm>> -> memref<1x1x1x40xi32, #tpu.memory_space<hbm>>
    %dma_wait3A_299 = tpu.memref_squeeze %dma_wait3A_298 : memref<1x1x1x40xi32, #tpu.memory_space<hbm>> -> memref<1x40xi32, #tpu.memory_space<hbm>>
    %dma_wait3A_300 = arith.constant 0 : i32
    %dma_wait3A_301 = arith.constant 0 : i32
    %dma_wait3A_302 = tpu.memref_slice %arg3[%dma_wait3A_294, %dma_wait3A_295, %dma_wait3A_300, %dma_wait3A_301] : memref<2x8000x1x40xi32, #tpu.memory_space<hbm>> -> memref<1x1x1x40xi32, #tpu.memory_space<hbm>>
    %dma_wait3A_303 = tpu.memref_squeeze %dma_wait3A_302 : memref<1x1x1x40xi32, #tpu.memory_space<hbm>> -> memref<1x40xi32, #tpu.memory_space<hbm>>
    tpu.wait_dma2 semaphore(%arg33 : memref<!tpu.dma_semaphore, #tpu.memory_space<semaphore_mem>>) src(%dma_wait3A_303 : memref<1x40xi32, #tpu.memory_space<hbm>>) dst(%arg8 : memref<1x40xi32, #tpu.memory_space<vmem>>)
    %dma_wait3A_304 = arith.constant 1 : i32
    %dma_wait3A_305 = arith.constant 0 : i32
    %dma_wait3A_306 = arith.constant 0 : i32
    %dma_wait3A_307 = arith.constant 0 : i32
    %dma_wait3A_308 = tpu.memref_slice %arg3[%dma_wait3A_304, %dma_wait3A_305, %dma_wait3A_306, %dma_wait3A_307] : memref<2x8000x1x40xi32, #tpu.memory_space<hbm>> -> memref<1x1x1x40xi32, #tpu.memory_space<hbm>>
    %dma_wait3A_309 = tpu.memref_squeeze %dma_wait3A_308 : memref<1x1x1x40xi32, #tpu.memory_space<hbm>> -> memref<1x40xi32, #tpu.memory_space<hbm>>
    %dma_wait3A_310 = arith.constant 0 : i32
    %dma_wait3A_311 = arith.constant 0 : i32
    %dma_wait3A_312 = tpu.memref_slice %arg3[%dma_wait3A_304, %dma_wait3A_305, %dma_wait3A_310, %dma_wait3A_311] : memref<2x8000x1x40xi32, #tpu.memory_space<hbm>> -> memref<1x1x1x40xi32, #tpu.memory_space<hbm>>
    %dma_wait3A_313 = tpu.memref_squeeze %dma_wait3A_312 : memref<1x1x1x40xi32, #tpu.memory_space<hbm>> -> memref<1x40xi32, #tpu.memory_space<hbm>>
    tpu.wait_dma2 semaphore(%arg33 : memref<!tpu.dma_semaphore, #tpu.memory_space<semaphore_mem>>) src(%dma_wait3A_313 : memref<1x40xi32, #tpu.memory_space<hbm>>) dst(%arg18 : memref<1x40xi32, #tpu.memory_space<vmem>>)
    %dma_start3A_314 = arith.constant 0 : i32
    %dma_start3A_315 = arith.constant 0 : i32
    %dma_start3A_316 = tpu.memref_slice %arg8[%dma_start3A_314, %dma_start3A_315] : memref<1x40xi32, #tpu.memory_space<vmem>> -> memref<1x40xi32, #tpu.memory_space<vmem>>
    %dma_start3A_317 = tpu.memref_squeeze %dma_start3A_316 : memref<1x40xi32, #tpu.memory_space<vmem>> -> memref<40xi32, #tpu.memory_space<vmem>>
    %dma_start3A_318 = arith.constant 0 : i32
    %dma_start3A_319 = arith.constant 0 : i32
    %dma_start3A_320 = tpu.memref_slice %arg2[%dma_start3A_318, %dma_start3A_319] : memref<10000x128xf32, #tpu.memory_space<hbm>> -> memref<10000x128xf32, #tpu.memory_space<hbm>>
    tpu.enqueue_indirect_dma source(%dma_start3A_320 : memref<10000x128xf32, #tpu.memory_space<hbm>>) target(%arg28 : memref<40x128xf32, #tpu.memory_space<vmem>>) offsets(%dma_start3A_317 : memref<40xi32, #tpu.memory_space<vmem>>) semaphore(%arg43 : memref<!tpu.dma_semaphore, #tpu.memory_space<semaphore_mem>>)
    %barrier3A = arith.constant 0 : index
    tpu.barrier barrier_id(%barrier3A)
    %dma_wait3A_321 = arith.constant 0 : i32
    %dma_wait3A_322 = arith.constant 0 : i32
    %dma_wait3A_323 = tpu.memref_slice %arg2[%dma_wait3A_321, %dma_wait3A_322] : memref<10000x128xf32, #tpu.memory_space<hbm>> -> memref<40x128xf32, #tpu.memory_space<hbm>>
    %dma_wait3A_324 = arith.constant 0 : i32
    %dma_wait3A_325 = arith.constant 0 : i32
    %dma_wait3A_326 = tpu.memref_slice %arg2[%dma_wait3A_324, %dma_wait3A_325] : memref<10000x128xf32, #tpu.memory_space<hbm>> -> memref<40x128xf32, #tpu.memory_space<hbm>>
    tpu.wait_dma2 semaphore(%arg40 : memref<!tpu.dma_semaphore, #tpu.memory_space<semaphore_mem>>) src(%dma_wait3A_326 : memref<40x128xf32, #tpu.memory_space<hbm>>) dst(%arg25 : memref<40x128xf32, #tpu.memory_space<vmem>>)
    %dma_start3A_327 = arith.constant 0 : i32
    %dma_start3A_328 = arith.constant 0 : i32
    %dma_start3A_329 = tpu.memref_slice %arg15[%dma_start3A_327, %dma_start3A_328] : memref<1x40xi32, #tpu.memory_space<vmem>> -> memref<1x40xi32, #tpu.memory_space<vmem>>
    %dma_start3A_330 = tpu.memref_squeeze %dma_start3A_329 : memref<1x40xi32, #tpu.memory_space<vmem>> -> memref<40xi32, #tpu.memory_space<vmem>>
    %dma_start3A_331 = arith.constant 0 : i32
    %dma_start3A_332 = arith.constant 0 : i32
    %dma_start3A_333 = tpu.memref_slice %arg50[%dma_start3A_331, %dma_start3A_332] : memref<10000x128xf32, #tpu.memory_space<vmem_shared>> -> memref<10000x128xf32, #tpu.memory_space<vmem_shared>>
    tpu.enqueue_indirect_dma source(%arg25 : memref<40x128xf32, #tpu.memory_space<vmem>>) target(%dma_start3A_333 : memref<10000x128xf32, #tpu.memory_space<vmem_shared>>) offsets(%dma_start3A_330 : memref<40xi32, #tpu.memory_space<vmem>>) semaphore(%arg45 : memref<!tpu.dma_semaphore, #tpu.memory_space<semaphore_mem>>) {add = true}
    %dma_wait3A_334 = arith.constant 0 : i32
    %dma_wait3A_335 = arith.constant 0 : i32
    %dma_wait3A_336 = arith.constant 0 : i32
    %dma_wait3A_337 = arith.constant 0 : i32
    %dma_wait3A_338 = tpu.memref_slice %arg3[%dma_wait3A_334, %dma_wait3A_335, %dma_wait3A_336, %dma_wait3A_337] : memref<2x8000x1x40xi32, #tpu.memory_space<hbm>> -> memref<1x1x1x40xi32, #tpu.memory_space<hbm>>
    %dma_wait3A_339 = tpu.memref_squeeze %dma_wait3A_338 : memref<1x1x1x40xi32, #tpu.memory_space<hbm>> -> memref<1x40xi32, #tpu.memory_space<hbm>>
    %dma_wait3A_340 = arith.constant 0 : i32
    %dma_wait3A_341 = arith.constant 0 : i32
    %dma_wait3A_342 = tpu.memref_slice %arg3[%dma_wait3A_334, %dma_wait3A_335, %dma_wait3A_340, %dma_wait3A_341] : memref<2x8000x1x40xi32, #tpu.memory_space<hbm>> -> memref<1x1x1x40xi32, #tpu.memory_space<hbm>>
    %dma_wait3A_343 = tpu.memref_squeeze %dma_wait3A_342 : memref<1x1x1x40xi32, #tpu.memory_space<hbm>> -> memref<1x40xi32, #tpu.memory_space<hbm>>
    tpu.wait_dma2 semaphore(%arg34 : memref<!tpu.dma_semaphore, #tpu.memory_space<semaphore_mem>>) src(%dma_wait3A_343 : memref<1x40xi32, #tpu.memory_space<hbm>>) dst(%arg9 : memref<1x40xi32, #tpu.memory_space<vmem>>)
    %dma_wait3A_344 = arith.constant 1 : i32
    %dma_wait3A_345 = arith.constant 0 : i32
    %dma_wait3A_346 = arith.constant 0 : i32
    %dma_wait3A_347 = arith.constant 0 : i32
    %dma_wait3A_348 = tpu.memref_slice %arg3[%dma_wait3A_344, %dma_wait3A_345, %dma_wait3A_346, %dma_wait3A_347] : memref<2x8000x1x40xi32, #tpu.memory_space<hbm>> -> memref<1x1x1x40xi32, #tpu.memory_space<hbm>>
    %dma_wait3A_349 = tpu.memref_squeeze %dma_wait3A_348 : memref<1x1x1x40xi32, #tpu.memory_space<hbm>> -> memref<1x40xi32, #tpu.memory_space<hbm>>
    %dma_wait3A_350 = arith.constant 0 : i32
    %dma_wait3A_351 = arith.constant 0 : i32
    %dma_wait3A_352 = tpu.memref_slice %arg3[%dma_wait3A_344, %dma_wait3A_345, %dma_wait3A_350, %dma_wait3A_351] : memref<2x8000x1x40xi32, #tpu.memory_space<hbm>> -> memref<1x1x1x40xi32, #tpu.memory_space<hbm>>
    %dma_wait3A_353 = tpu.memref_squeeze %dma_wait3A_352 : memref<1x1x1x40xi32, #tpu.memory_space<hbm>> -> memref<1x40xi32, #tpu.memory_space<hbm>>
    tpu.wait_dma2 semaphore(%arg34 : memref<!tpu.dma_semaphore, #tpu.memory_space<semaphore_mem>>) src(%dma_wait3A_353 : memref<1x40xi32, #tpu.memory_space<hbm>>) dst(%arg19 : memref<1x40xi32, #tpu.memory_space<vmem>>)
    %dma_start3A_354 = arith.constant 0 : i32
    %dma_start3A_355 = arith.constant 0 : i32
    %dma_start3A_356 = tpu.memref_slice %arg9[%dma_start3A_354, %dma_start3A_355] : memref<1x40xi32, #tpu.memory_space<vmem>> -> memref<1x40xi32, #tpu.memory_space<vmem>>
    %dma_start3A_357 = tpu.memref_squeeze %dma_start3A_356 : memref<1x40xi32, #tpu.memory_space<vmem>> -> memref<40xi32, #tpu.memory_space<vmem>>
    %dma_start3A_358 = arith.constant 0 : i32
    %dma_start3A_359 = arith.constant 0 : i32
    %dma_start3A_360 = tpu.memref_slice %arg2[%dma_start3A_358, %dma_start3A_359] : memref<10000x128xf32, #tpu.memory_space<hbm>> -> memref<10000x128xf32, #tpu.memory_space<hbm>>
    tpu.enqueue_indirect_dma source(%dma_start3A_360 : memref<10000x128xf32, #tpu.memory_space<hbm>>) target(%arg29 : memref<40x128xf32, #tpu.memory_space<vmem>>) offsets(%dma_start3A_357 : memref<40xi32, #tpu.memory_space<vmem>>) semaphore(%arg44 : memref<!tpu.dma_semaphore, #tpu.memory_space<semaphore_mem>>)
    %dma_wait3A_361 = arith.constant 0 : i32
    %dma_wait3A_362 = arith.constant 0 : i32
    %dma_wait3A_363 = tpu.memref_slice %arg2[%dma_wait3A_361, %dma_wait3A_362] : memref<10000x128xf32, #tpu.memory_space<hbm>> -> memref<40x128xf32, #tpu.memory_space<hbm>>
    %dma_wait3A_364 = arith.constant 0 : i32
    %dma_wait3A_365 = arith.constant 0 : i32
    %dma_wait3A_366 = tpu.memref_slice %arg2[%dma_wait3A_364, %dma_wait3A_365] : memref<10000x128xf32, #tpu.memory_space<hbm>> -> memref<40x128xf32, #tpu.memory_space<hbm>>
    tpu.wait_dma2 semaphore(%arg41 : memref<!tpu.dma_semaphore, #tpu.memory_space<semaphore_mem>>) src(%dma_wait3A_366 : memref<40x128xf32, #tpu.memory_space<hbm>>) dst(%arg26 : memref<40x128xf32, #tpu.memory_space<vmem>>)
    %dma_start3A_367 = arith.constant 0 : i32
    %dma_start3A_368 = arith.constant 0 : i32
    %dma_start3A_369 = tpu.memref_slice %arg16[%dma_start3A_367, %dma_start3A_368] : memref<1x40xi32, #tpu.memory_space<vmem>> -> memref<1x40xi32, #tpu.memory_space<vmem>>
    %dma_start3A_370 = tpu.memref_squeeze %dma_start3A_369 : memref<1x40xi32, #tpu.memory_space<vmem>> -> memref<40xi32, #tpu.memory_space<vmem>>
    %dma_start3A_371 = arith.constant 0 : i32
    %dma_start3A_372 = arith.constant 0 : i32
    %dma_start3A_373 = tpu.memref_slice %arg50[%dma_start3A_371, %dma_start3A_372] : memref<10000x128xf32, #tpu.memory_space<vmem_shared>> -> memref<10000x128xf32, #tpu.memory_space<vmem_shared>>
    tpu.enqueue_indirect_dma source(%arg26 : memref<40x128xf32, #tpu.memory_space<vmem>>) target(%dma_start3A_373 : memref<10000x128xf32, #tpu.memory_space<vmem_shared>>) offsets(%dma_start3A_370 : memref<40xi32, #tpu.memory_space<vmem>>) semaphore(%arg46 : memref<!tpu.dma_semaphore, #tpu.memory_space<semaphore_mem>>) {add = true}
    %dma_wait3A_374 = arith.constant 0 : i32
    %dma_wait3A_375 = arith.constant 0 : i32
    %dma_wait3A_376 = tpu.memref_slice %arg2[%dma_wait3A_374, %dma_wait3A_375] : memref<10000x128xf32, #tpu.memory_space<hbm>> -> memref<40x128xf32, #tpu.memory_space<hbm>>
    %dma_wait3A_377 = arith.constant 0 : i32
    %dma_wait3A_378 = arith.constant 0 : i32
    %dma_wait3A_379 = tpu.memref_slice %arg2[%dma_wait3A_377, %dma_wait3A_378] : memref<10000x128xf32, #tpu.memory_space<hbm>> -> memref<40x128xf32, #tpu.memory_space<hbm>>
    tpu.wait_dma2 semaphore(%arg45 : memref<!tpu.dma_semaphore, #tpu.memory_space<semaphore_mem>>) src(%dma_wait3A_379 : memref<40x128xf32, #tpu.memory_space<hbm>>) dst(%arg25 : memref<40x128xf32, #tpu.memory_space<vmem>>)
    %add3A_380 = arith.constant 1 : i32
    %add3A_381 = arith.addi %mul3A_2, %add3A_380 : i32
    %add3A_382 = arith.constant 9 : i32
    %add3A_383 = arith.addi %add3A_381, %add3A_382 : i32
    %dma_start3A_384 = arith.constant 0 : i32
    %dma_start3A_385 = arith.constant 0 : i32
    %dma_start3A_386 = arith.constant 0 : i32
    %dma_start3A_387 = tpu.memref_slice %arg3[%dma_start3A_384, %add3A_383, %dma_start3A_385, %dma_start3A_386] : memref<2x8000x1x40xi32, #tpu.memory_space<hbm>> -> memref<1x1x1x40xi32, #tpu.memory_space<hbm>>
    %dma_start3A_388 = tpu.memref_squeeze %dma_start3A_387 : memref<1x1x1x40xi32, #tpu.memory_space<hbm>> -> memref<1x40xi32, #tpu.memory_space<hbm>>
    %dma_start3A_389 = arith.constant 0 : i32
    %dma_start3A_390 = arith.constant 0 : i32
    %dma_start3A_391 = tpu.memref_slice %arg3[%dma_start3A_384, %add3A_383, %dma_start3A_389, %dma_start3A_390] : memref<2x8000x1x40xi32, #tpu.memory_space<hbm>> -> memref<1x1x1x40xi32, #tpu.memory_space<hbm>>
    %dma_start3A_392 = tpu.memref_squeeze %dma_start3A_391 : memref<1x1x1x40xi32, #tpu.memory_space<hbm>> -> memref<1x40xi32, #tpu.memory_space<hbm>>
    tpu.enqueue_dma source(%dma_start3A_392 : memref<1x40xi32, #tpu.memory_space<hbm>>) target(%arg5 : memref<1x40xi32, #tpu.memory_space<vmem>>) target_semaphore(%arg30 : memref<!tpu.dma_semaphore, #tpu.memory_space<semaphore_mem>>)
    %dma_start3A_393 = arith.constant 1 : i32
    %dma_start3A_394 = arith.constant 0 : i32
    %dma_start3A_395 = arith.constant 0 : i32
    %dma_start3A_396 = tpu.memref_slice %arg3[%dma_start3A_393, %add3A_383, %dma_start3A_394, %dma_start3A_395] : memref<2x8000x1x40xi32, #tpu.memory_space<hbm>> -> memref<1x1x1x40xi32, #tpu.memory_space<hbm>>
    %dma_start3A_397 = tpu.memref_squeeze %dma_start3A_396 : memref<1x1x1x40xi32, #tpu.memory_space<hbm>> -> memref<1x40xi32, #tpu.memory_space<hbm>>
    %dma_start3A_398 = arith.constant 0 : i32
    %dma_start3A_399 = arith.constant 0 : i32
    %dma_start3A_400 = tpu.memref_slice %arg3[%dma_start3A_393, %add3A_383, %dma_start3A_398, %dma_start3A_399] : memref<2x8000x1x40xi32, #tpu.memory_space<hbm>> -> memref<1x1x1x40xi32, #tpu.memory_space<hbm>>
    %dma_start3A_401 = tpu.memref_squeeze %dma_start3A_400 : memref<1x1x1x40xi32, #tpu.memory_space<hbm>> -> memref<1x40xi32, #tpu.memory_space<hbm>>
    tpu.enqueue_dma source(%dma_start3A_401 : memref<1x40xi32, #tpu.memory_space<hbm>>) target(%arg15 : memref<1x40xi32, #tpu.memory_space<vmem>>) target_semaphore(%arg30 : memref<!tpu.dma_semaphore, #tpu.memory_space<semaphore_mem>>)
    %dma_wait3A_402 = arith.constant 0 : i32
    %dma_wait3A_403 = arith.constant 0 : i32
    %dma_wait3A_404 = arith.constant 0 : i32
    %dma_wait3A_405 = arith.constant 0 : i32
    %dma_wait3A_406 = tpu.memref_slice %arg3[%dma_wait3A_402, %dma_wait3A_403, %dma_wait3A_404, %dma_wait3A_405] : memref<2x8000x1x40xi32, #tpu.memory_space<hbm>> -> memref<1x1x1x40xi32, #tpu.memory_space<hbm>>
    %dma_wait3A_407 = tpu.memref_squeeze %dma_wait3A_406 : memref<1x1x1x40xi32, #tpu.memory_space<hbm>> -> memref<1x40xi32, #tpu.memory_space<hbm>>
    %dma_wait3A_408 = arith.constant 0 : i32
    %dma_wait3A_409 = arith.constant 0 : i32
    %dma_wait3A_410 = tpu.memref_slice %arg3[%dma_wait3A_402, %dma_wait3A_403, %dma_wait3A_408, %dma_wait3A_409] : memref<2x8000x1x40xi32, #tpu.memory_space<hbm>> -> memref<1x1x1x40xi32, #tpu.memory_space<hbm>>
    %dma_wait3A_411 = tpu.memref_squeeze %dma_wait3A_410 : memref<1x1x1x40xi32, #tpu.memory_space<hbm>> -> memref<1x40xi32, #tpu.memory_space<hbm>>
    tpu.wait_dma2 semaphore(%arg35 : memref<!tpu.dma_semaphore, #tpu.memory_space<semaphore_mem>>) src(%dma_wait3A_411 : memref<1x40xi32, #tpu.memory_space<hbm>>) dst(%arg10 : memref<1x40xi32, #tpu.memory_space<vmem>>)
    %dma_wait3A_412 = arith.constant 1 : i32
    %dma_wait3A_413 = arith.constant 0 : i32
    %dma_wait3A_414 = arith.constant 0 : i32
    %dma_wait3A_415 = arith.constant 0 : i32
    %dma_wait3A_416 = tpu.memref_slice %arg3[%dma_wait3A_412, %dma_wait3A_413, %dma_wait3A_414, %dma_wait3A_415] : memref<2x8000x1x40xi32, #tpu.memory_space<hbm>> -> memref<1x1x1x40xi32, #tpu.memory_space<hbm>>
    %dma_wait3A_417 = tpu.memref_squeeze %dma_wait3A_416 : memref<1x1x1x40xi32, #tpu.memory_space<hbm>> -> memref<1x40xi32, #tpu.memory_space<hbm>>
    %dma_wait3A_418 = arith.constant 0 : i32
    %dma_wait3A_419 = arith.constant 0 : i32
    %dma_wait3A_420 = tpu.memref_slice %arg3[%dma_wait3A_412, %dma_wait3A_413, %dma_wait3A_418, %dma_wait3A_419] : memref<2x8000x1x40xi32, #tpu.memory_space<hbm>> -> memref<1x1x1x40xi32, #tpu.memory_space<hbm>>
    %dma_wait3A_421 = tpu.memref_squeeze %dma_wait3A_420 : memref<1x1x1x40xi32, #tpu.memory_space<hbm>> -> memref<1x40xi32, #tpu.memory_space<hbm>>
    tpu.wait_dma2 semaphore(%arg35 : memref<!tpu.dma_semaphore, #tpu.memory_space<semaphore_mem>>) src(%dma_wait3A_421 : memref<1x40xi32, #tpu.memory_space<hbm>>) dst(%arg20 : memref<1x40xi32, #tpu.memory_space<vmem>>)
    %dma_start3A_422 = arith.constant 0 : i32
    %dma_start3A_423 = arith.constant 0 : i32
    %dma_start3A_424 = tpu.memref_slice %arg10[%dma_start3A_422, %dma_start3A_423] : memref<1x40xi32, #tpu.memory_space<vmem>> -> memref<1x40xi32, #tpu.memory_space<vmem>>
    %dma_start3A_425 = tpu.memref_squeeze %dma_start3A_424 : memref<1x40xi32, #tpu.memory_space<vmem>> -> memref<40xi32, #tpu.memory_space<vmem>>
    %dma_start3A_426 = arith.constant 0 : i32
    %dma_start3A_427 = arith.constant 0 : i32
    %dma_start3A_428 = tpu.memref_slice %arg2[%dma_start3A_426, %dma_start3A_427] : memref<10000x128xf32, #tpu.memory_space<hbm>> -> memref<10000x128xf32, #tpu.memory_space<hbm>>
    tpu.enqueue_indirect_dma source(%dma_start3A_428 : memref<10000x128xf32, #tpu.memory_space<hbm>>) target(%arg25 : memref<40x128xf32, #tpu.memory_space<vmem>>) offsets(%dma_start3A_425 : memref<40xi32, #tpu.memory_space<vmem>>) semaphore(%arg40 : memref<!tpu.dma_semaphore, #tpu.memory_space<semaphore_mem>>)
    %dma_wait3A_429 = arith.constant 0 : i32
    %dma_wait3A_430 = arith.constant 0 : i32
    %dma_wait3A_431 = tpu.memref_slice %arg2[%dma_wait3A_429, %dma_wait3A_430] : memref<10000x128xf32, #tpu.memory_space<hbm>> -> memref<40x128xf32, #tpu.memory_space<hbm>>
    %dma_wait3A_432 = arith.constant 0 : i32
    %dma_wait3A_433 = arith.constant 0 : i32
    %dma_wait3A_434 = tpu.memref_slice %arg2[%dma_wait3A_432, %dma_wait3A_433] : memref<10000x128xf32, #tpu.memory_space<hbm>> -> memref<40x128xf32, #tpu.memory_space<hbm>>
    tpu.wait_dma2 semaphore(%arg42 : memref<!tpu.dma_semaphore, #tpu.memory_space<semaphore_mem>>) src(%dma_wait3A_434 : memref<40x128xf32, #tpu.memory_space<hbm>>) dst(%arg27 : memref<40x128xf32, #tpu.memory_space<vmem>>)
    %dma_start3A_435 = arith.constant 0 : i32
    %dma_start3A_436 = arith.constant 0 : i32
    %dma_start3A_437 = tpu.memref_slice %arg17[%dma_start3A_435, %dma_start3A_436] : memref<1x40xi32, #tpu.memory_space<vmem>> -> memref<1x40xi32, #tpu.memory_space<vmem>>
    %dma_start3A_438 = tpu.memref_squeeze %dma_start3A_437 : memref<1x40xi32, #tpu.memory_space<vmem>> -> memref<40xi32, #tpu.memory_space<vmem>>
    %dma_start3A_439 = arith.constant 0 : i32
    %dma_start3A_440 = arith.constant 0 : i32
    %dma_start3A_441 = tpu.memref_slice %arg50[%dma_start3A_439, %dma_start3A_440] : memref<10000x128xf32, #tpu.memory_space<vmem_shared>> -> memref<10000x128xf32, #tpu.memory_space<vmem_shared>>
    tpu.enqueue_indirect_dma source(%arg27 : memref<40x128xf32, #tpu.memory_space<vmem>>) target(%dma_start3A_441 : memref<10000x128xf32, #tpu.memory_space<vmem_shared>>) offsets(%dma_start3A_438 : memref<40xi32, #tpu.memory_space<vmem>>) semaphore(%arg47 : memref<!tpu.dma_semaphore, #tpu.memory_space<semaphore_mem>>) {add = true}
    %dma_wait3A_442 = arith.constant 0 : i32
    %dma_wait3A_443 = arith.constant 0 : i32
    %dma_wait3A_444 = tpu.memref_slice %arg2[%dma_wait3A_442, %dma_wait3A_443] : memref<10000x128xf32, #tpu.memory_space<hbm>> -> memref<40x128xf32, #tpu.memory_space<hbm>>
    %dma_wait3A_445 = arith.constant 0 : i32
    %dma_wait3A_446 = arith.constant 0 : i32
    %dma_wait3A_447 = tpu.memref_slice %arg2[%dma_wait3A_445, %dma_wait3A_446] : memref<10000x128xf32, #tpu.memory_space<hbm>> -> memref<40x128xf32, #tpu.memory_space<hbm>>
    tpu.wait_dma2 semaphore(%arg46 : memref<!tpu.dma_semaphore, #tpu.memory_space<semaphore_mem>>) src(%dma_wait3A_447 : memref<40x128xf32, #tpu.memory_space<hbm>>) dst(%arg26 : memref<40x128xf32, #tpu.memory_space<vmem>>)
    %add3A_448 = arith.constant 2 : i32
    %add3A_449 = arith.addi %mul3A_2, %add3A_448 : i32
    %add3A_450 = arith.constant 9 : i32
    %add3A_451 = arith.addi %add3A_449, %add3A_450 : i32
    %dma_start3A_452 = arith.constant 0 : i32
    %dma_start3A_453 = arith.constant 0 : i32
    %dma_start3A_454 = arith.constant 0 : i32
    %dma_start3A_455 = tpu.memref_slice %arg3[%dma_start3A_452, %add3A_451, %dma_start3A_453, %dma_start3A_454] : memref<2x8000x1x40xi32, #tpu.memory_space<hbm>> -> memref<1x1x1x40xi32, #tpu.memory_space<hbm>>
    %dma_start3A_456 = tpu.memref_squeeze %dma_start3A_455 : memref<1x1x1x40xi32, #tpu.memory_space<hbm>> -> memref<1x40xi32, #tpu.memory_space<hbm>>
    %dma_start3A_457 = arith.constant 0 : i32
    %dma_start3A_458 = arith.constant 0 : i32
    %dma_start3A_459 = tpu.memref_slice %arg3[%dma_start3A_452, %add3A_451, %dma_start3A_457, %dma_start3A_458] : memref<2x8000x1x40xi32, #tpu.memory_space<hbm>> -> memref<1x1x1x40xi32, #tpu.memory_space<hbm>>
    %dma_start3A_460 = tpu.memref_squeeze %dma_start3A_459 : memref<1x1x1x40xi32, #tpu.memory_space<hbm>> -> memref<1x40xi32, #tpu.memory_space<hbm>>
    tpu.enqueue_dma source(%dma_start3A_460 : memref<1x40xi32, #tpu.memory_space<hbm>>) target(%arg6 : memref<1x40xi32, #tpu.memory_space<vmem>>) target_semaphore(%arg31 : memref<!tpu.dma_semaphore, #tpu.memory_space<semaphore_mem>>)
    %dma_start3A_461 = arith.constant 1 : i32
    %dma_start3A_462 = arith.constant 0 : i32
    %dma_start3A_463 = arith.constant 0 : i32
    %dma_start3A_464 = tpu.memref_slice %arg3[%dma_start3A_461, %add3A_451, %dma_start3A_462, %dma_start3A_463] : memref<2x8000x1x40xi32, #tpu.memory_space<hbm>> -> memref<1x1x1x40xi32, #tpu.memory_space<hbm>>
    %dma_start3A_465 = tpu.memref_squeeze %dma_start3A_464 : memref<1x1x1x40xi32, #tpu.memory_space<hbm>> -> memref<1x40xi32, #tpu.memory_space<hbm>>
    %dma_start3A_466 = arith.constant 0 : i32
    %dma_start3A_467 = arith.constant 0 : i32
    %dma_start3A_468 = tpu.memref_slice %arg3[%dma_start3A_461, %add3A_451, %dma_start3A_466, %dma_start3A_467] : memref<2x8000x1x40xi32, #tpu.memory_space<hbm>> -> memref<1x1x1x40xi32, #tpu.memory_space<hbm>>
    %dma_start3A_469 = tpu.memref_squeeze %dma_start3A_468 : memref<1x1x1x40xi32, #tpu.memory_space<hbm>> -> memref<1x40xi32, #tpu.memory_space<hbm>>
    tpu.enqueue_dma source(%dma_start3A_469 : memref<1x40xi32, #tpu.memory_space<hbm>>) target(%arg16 : memref<1x40xi32, #tpu.memory_space<vmem>>) target_semaphore(%arg31 : memref<!tpu.dma_semaphore, #tpu.memory_space<semaphore_mem>>)
    %dma_wait3A_470 = arith.constant 0 : i32
    %dma_wait3A_471 = arith.constant 0 : i32
    %dma_wait3A_472 = arith.constant 0 : i32
    %dma_wait3A_473 = arith.constant 0 : i32
    %dma_wait3A_474 = tpu.memref_slice %arg3[%dma_wait3A_470, %dma_wait3A_471, %dma_wait3A_472, %dma_wait3A_473] : memref<2x8000x1x40xi32, #tpu.memory_space<hbm>> -> memref<1x1x1x40xi32, #tpu.memory_space<hbm>>
    %dma_wait3A_475 = tpu.memref_squeeze %dma_wait3A_474 : memref<1x1x1x40xi32, #tpu.memory_space<hbm>> -> memref<1x40xi32, #tpu.memory_space<hbm>>
    %dma_wait3A_476 = arith.constant 0 : i32
    %dma_wait3A_477 = arith.constant 0 : i32
    %dma_wait3A_478 = tpu.memref_slice %arg3[%dma_wait3A_470, %dma_wait3A_471, %dma_wait3A_476, %dma_wait3A_477] : memref<2x8000x1x40xi32, #tpu.memory_space<hbm>> -> memref<1x1x1x40xi32, #tpu.memory_space<hbm>>
    %dma_wait3A_479 = tpu.memref_squeeze %dma_wait3A_478 : memref<1x1x1x40xi32, #tpu.memory_space<hbm>> -> memref<1x40xi32, #tpu.memory_space<hbm>>
    tpu.wait_dma2 semaphore(%arg36 : memref<!tpu.dma_semaphore, #tpu.memory_space<semaphore_mem>>) src(%dma_wait3A_479 : memref<1x40xi32, #tpu.memory_space<hbm>>) dst(%arg11 : memref<1x40xi32, #tpu.memory_space<vmem>>)
    %dma_wait3A_480 = arith.constant 1 : i32
    %dma_wait3A_481 = arith.constant 0 : i32
    %dma_wait3A_482 = arith.constant 0 : i32
    %dma_wait3A_483 = arith.constant 0 : i32
    %dma_wait3A_484 = tpu.memref_slice %arg3[%dma_wait3A_480, %dma_wait3A_481, %dma_wait3A_482, %dma_wait3A_483] : memref<2x8000x1x40xi32, #tpu.memory_space<hbm>> -> memref<1x1x1x40xi32, #tpu.memory_space<hbm>>
    %dma_wait3A_485 = tpu.memref_squeeze %dma_wait3A_484 : memref<1x1x1x40xi32, #tpu.memory_space<hbm>> -> memref<1x40xi32, #tpu.memory_space<hbm>>
    %dma_wait3A_486 = arith.constant 0 : i32
    %dma_wait3A_487 = arith.constant 0 : i32
    %dma_wait3A_488 = tpu.memref_slice %arg3[%dma_wait3A_480, %dma_wait3A_481, %dma_wait3A_486, %dma_wait3A_487] : memref<2x8000x1x40xi32, #tpu.memory_space<hbm>> -> memref<1x1x1x40xi32, #tpu.memory_space<hbm>>
    %dma_wait3A_489 = tpu.memref_squeeze %dma_wait3A_488 : memref<1x1x1x40xi32, #tpu.memory_space<hbm>> -> memref<1x40xi32, #tpu.memory_space<hbm>>
    tpu.wait_dma2 semaphore(%arg36 : memref<!tpu.dma_semaphore, #tpu.memory_space<semaphore_mem>>) src(%dma_wait3A_489 : memref<1x40xi32, #tpu.memory_space<hbm>>) dst(%arg21 : memref<1x40xi32, #tpu.memory_space<vmem>>)
    %dma_start3A_490 = arith.constant 0 : i32
    %dma_start3A_491 = arith.constant 0 : i32
    %dma_start3A_492 = tpu.memref_slice %arg11[%dma_start3A_490, %dma_start3A_491] : memref<1x40xi32, #tpu.memory_space<vmem>> -> memref<1x40xi32, #tpu.memory_space<vmem>>
    %dma_start3A_493 = tpu.memref_squeeze %dma_start3A_492 : memref<1x40xi32, #tpu.memory_space<vmem>> -> memref<40xi32, #tpu.memory_space<vmem>>
    %dma_start3A_494 = arith.constant 0 : i32
    %dma_start3A_495 = arith.constant 0 : i32
    %dma_start3A_496 = tpu.memref_slice %arg2[%dma_start3A_494, %dma_start3A_495] : memref<10000x128xf32, #tpu.memory_space<hbm>> -> memref<10000x128xf32, #tpu.memory_space<hbm>>
    tpu.enqueue_indirect_dma source(%dma_start3A_496 : memref<10000x128xf32, #tpu.memory_space<hbm>>) target(%arg26 : memref<40x128xf32, #tpu.memory_space<vmem>>) offsets(%dma_start3A_493 : memref<40xi32, #tpu.memory_space<vmem>>) semaphore(%arg41 : memref<!tpu.dma_semaphore, #tpu.memory_space<semaphore_mem>>)
    %dma_wait3A_497 = arith.constant 0 : i32
    %dma_wait3A_498 = arith.constant 0 : i32
    %dma_wait3A_499 = tpu.memref_slice %arg2[%dma_wait3A_497, %dma_wait3A_498] : memref<10000x128xf32, #tpu.memory_space<hbm>> -> memref<40x128xf32, #tpu.memory_space<hbm>>
    %dma_wait3A_500 = arith.constant 0 : i32
    %dma_wait3A_501 = arith.constant 0 : i32
    %dma_wait3A_502 = tpu.memref_slice %arg2[%dma_wait3A_500, %dma_wait3A_501] : memref<10000x128xf32, #tpu.memory_space<hbm>> -> memref<40x128xf32, #tpu.memory_space<hbm>>
    tpu.wait_dma2 semaphore(%arg43 : memref<!tpu.dma_semaphore, #tpu.memory_space<semaphore_mem>>) src(%dma_wait3A_502 : memref<40x128xf32, #tpu.memory_space<hbm>>) dst(%arg28 : memref<40x128xf32, #tpu.memory_space<vmem>>)
    %dma_start3A_503 = arith.constant 0 : i32
    %dma_start3A_504 = arith.constant 0 : i32
    %dma_start3A_505 = tpu.memref_slice %arg18[%dma_start3A_503, %dma_start3A_504] : memref<1x40xi32, #tpu.memory_space<vmem>> -> memref<1x40xi32, #tpu.memory_space<vmem>>
    %dma_start3A_506 = tpu.memref_squeeze %dma_start3A_505 : memref<1x40xi32, #tpu.memory_space<vmem>> -> memref<40xi32, #tpu.memory_space<vmem>>
    %dma_start3A_507 = arith.constant 0 : i32
    %dma_start3A_508 = arith.constant 0 : i32
    %dma_start3A_509 = tpu.memref_slice %arg50[%dma_start3A_507, %dma_start3A_508] : memref<10000x128xf32, #tpu.memory_space<vmem_shared>> -> memref<10000x128xf32, #tpu.memory_space<vmem_shared>>
    tpu.enqueue_indirect_dma source(%arg28 : memref<40x128xf32, #tpu.memory_space<vmem>>) target(%dma_start3A_509 : memref<10000x128xf32, #tpu.memory_space<vmem_shared>>) offsets(%dma_start3A_506 : memref<40xi32, #tpu.memory_space<vmem>>) semaphore(%arg48 : memref<!tpu.dma_semaphore, #tpu.memory_space<semaphore_mem>>) {add = true}
    %dma_wait3A_510 = arith.constant 0 : i32
    %dma_wait3A_511 = arith.constant 0 : i32
    %dma_wait3A_512 = tpu.memref_slice %arg2[%dma_wait3A_510, %dma_wait3A_511] : memref<10000x128xf32, #tpu.memory_space<hbm>> -> memref<40x128xf32, #tpu.memory_space<hbm>>
    %dma_wait3A_513 = arith.constant 0 : i32
    %dma_wait3A_514 = arith.constant 0 : i32
    %dma_wait3A_515 = tpu.memref_slice %arg2[%dma_wait3A_513, %dma_wait3A_514] : memref<10000x128xf32, #tpu.memory_space<hbm>> -> memref<40x128xf32, #tpu.memory_space<hbm>>
    tpu.wait_dma2 semaphore(%arg47 : memref<!tpu.dma_semaphore, #tpu.memory_space<semaphore_mem>>) src(%dma_wait3A_515 : memref<40x128xf32, #tpu.memory_space<hbm>>) dst(%arg27 : memref<40x128xf32, #tpu.memory_space<vmem>>)
    %add3A_516 = arith.constant 3 : i32
    %add3A_517 = arith.addi %mul3A_2, %add3A_516 : i32
    %add3A_518 = arith.constant 9 : i32
    %add3A_519 = arith.addi %add3A_517, %add3A_518 : i32
    %dma_start3A_520 = arith.constant 0 : i32
    %dma_start3A_521 = arith.constant 0 : i32
    %dma_start3A_522 = arith.constant 0 : i32
    %dma_start3A_523 = tpu.memref_slice %arg3[%dma_start3A_520, %add3A_519, %dma_start3A_521, %dma_start3A_522] : memref<2x8000x1x40xi32, #tpu.memory_space<hbm>> -> memref<1x1x1x40xi32, #tpu.memory_space<hbm>>
    %dma_start3A_524 = tpu.memref_squeeze %dma_start3A_523 : memref<1x1x1x40xi32, #tpu.memory_space<hbm>> -> memref<1x40xi32, #tpu.memory_space<hbm>>
    %dma_start3A_525 = arith.constant 0 : i32
    %dma_start3A_526 = arith.constant 0 : i32
    %dma_start3A_527 = tpu.memref_slice %arg3[%dma_start3A_520, %add3A_519, %dma_start3A_525, %dma_start3A_526] : memref<2x8000x1x40xi32, #tpu.memory_space<hbm>> -> memref<1x1x1x40xi32, #tpu.memory_space<hbm>>
    %dma_start3A_528 = tpu.memref_squeeze %dma_start3A_527 : memref<1x1x1x40xi32, #tpu.memory_space<hbm>> -> memref<1x40xi32, #tpu.memory_space<hbm>>
    tpu.enqueue_dma source(%dma_start3A_528 : memref<1x40xi32, #tpu.memory_space<hbm>>) target(%arg7 : memref<1x40xi32, #tpu.memory_space<vmem>>) target_semaphore(%arg32 : memref<!tpu.dma_semaphore, #tpu.memory_space<semaphore_mem>>)
    %dma_start3A_529 = arith.constant 1 : i32
    %dma_start3A_530 = arith.constant 0 : i32
    %dma_start3A_531 = arith.constant 0 : i32
    %dma_start3A_532 = tpu.memref_slice %arg3[%dma_start3A_529, %add3A_519, %dma_start3A_530, %dma_start3A_531] : memref<2x8000x1x40xi32, #tpu.memory_space<hbm>> -> memref<1x1x1x40xi32, #tpu.memory_space<hbm>>
    %dma_start3A_533 = tpu.memref_squeeze %dma_start3A_532 : memref<1x1x1x40xi32, #tpu.memory_space<hbm>> -> memref<1x40xi32, #tpu.memory_space<hbm>>
    %dma_start3A_534 = arith.constant 0 : i32
    %dma_start3A_535 = arith.constant 0 : i32
    %dma_start3A_536 = tpu.memref_slice %arg3[%dma_start3A_529, %add3A_519, %dma_start3A_534, %dma_start3A_535] : memref<2x8000x1x40xi32, #tpu.memory_space<hbm>> -> memref<1x1x1x40xi32, #tpu.memory_space<hbm>>
    %dma_start3A_537 = tpu.memref_squeeze %dma_start3A_536 : memref<1x1x1x40xi32, #tpu.memory_space<hbm>> -> memref<1x40xi32, #tpu.memory_space<hbm>>
    tpu.enqueue_dma source(%dma_start3A_537 : memref<1x40xi32, #tpu.memory_space<hbm>>) target(%arg17 : memref<1x40xi32, #tpu.memory_space<vmem>>) target_semaphore(%arg32 : memref<!tpu.dma_semaphore, #tpu.memory_space<semaphore_mem>>)
    %dma_wait3A_538 = arith.constant 0 : i32
    %dma_wait3A_539 = arith.constant 0 : i32
    %dma_wait3A_540 = arith.constant 0 : i32
    %dma_wait3A_541 = arith.constant 0 : i32
    %dma_wait3A_542 = tpu.memref_slice %arg3[%dma_wait3A_538, %dma_wait3A_539, %dma_wait3A_540, %dma_wait3A_541] : memref<2x8000x1x40xi32, #tpu.memory_space<hbm>> -> memref<1x1x1x40xi32, #tpu.memory_space<hbm>>
    %dma_wait3A_543 = tpu.memref_squeeze %dma_wait3A_542 : memref<1x1x1x40xi32, #tpu.memory_space<hbm>> -> memref<1x40xi32, #tpu.memory_space<hbm>>
    %dma_wait3A_544 = arith.constant 0 : i32
    %dma_wait3A_545 = arith.constant 0 : i32
    %dma_wait3A_546 = tpu.memref_slice %arg3[%dma_wait3A_538, %dma_wait3A_539, %dma_wait3A_544, %dma_wait3A_545] : memref<2x8000x1x40xi32, #tpu.memory_space<hbm>> -> memref<1x1x1x40xi32, #tpu.memory_space<hbm>>
    %dma_wait3A_547 = tpu.memref_squeeze %dma_wait3A_546 : memref<1x1x1x40xi32, #tpu.memory_space<hbm>> -> memref<1x40xi32, #tpu.memory_space<hbm>>
    tpu.wait_dma2 semaphore(%arg37 : memref<!tpu.dma_semaphore, #tpu.memory_space<semaphore_mem>>) src(%dma_wait3A_547 : memref<1x40xi32, #tpu.memory_space<hbm>>) dst(%arg12 : memref<1x40xi32, #tpu.memory_space<vmem>>)
    %dma_wait3A_548 = arith.constant 1 : i32
    %dma_wait3A_549 = arith.constant 0 : i32
    %dma_wait3A_550 = arith.constant 0 : i32
    %dma_wait3A_551 = arith.constant 0 : i32
    %dma_wait3A_552 = tpu.memref_slice %arg3[%dma_wait3A_548, %dma_wait3A_549, %dma_wait3A_550, %dma_wait3A_551] : memref<2x8000x1x40xi32, #tpu.memory_space<hbm>> -> memref<1x1x1x40xi32, #tpu.memory_space<hbm>>
    %dma_wait3A_553 = tpu.memref_squeeze %dma_wait3A_552 : memref<1x1x1x40xi32, #tpu.memory_space<hbm>> -> memref<1x40xi32, #tpu.memory_space<hbm>>
    %dma_wait3A_554 = arith.constant 0 : i32
    %dma_wait3A_555 = arith.constant 0 : i32
    %dma_wait3A_556 = tpu.memref_slice %arg3[%dma_wait3A_548, %dma_wait3A_549, %dma_wait3A_554, %dma_wait3A_555] : memref<2x8000x1x40xi32, #tpu.memory_space<hbm>> -> memref<1x1x1x40xi32, #tpu.memory_space<hbm>>
    %dma_wait3A_557 = tpu.memref_squeeze %dma_wait3A_556 : memref<1x1x1x40xi32, #tpu.memory_space<hbm>> -> memref<1x40xi32, #tpu.memory_space<hbm>>
    tpu.wait_dma2 semaphore(%arg37 : memref<!tpu.dma_semaphore, #tpu.memory_space<semaphore_mem>>) src(%dma_wait3A_557 : memref<1x40xi32, #tpu.memory_space<hbm>>) dst(%arg22 : memref<1x40xi32, #tpu.memory_space<vmem>>)
    %dma_start3A_558 = arith.constant 0 : i32
    %dma_start3A_559 = arith.constant 0 : i32
    %dma_start3A_560 = tpu.memref_slice %arg12[%dma_start3A_558, %dma_start3A_559] : memref<1x40xi32, #tpu.memory_space<vmem>> -> memref<1x40xi32, #tpu.memory_space<vmem>>
    %dma_start3A_561 = tpu.memref_squeeze %dma_start3A_560 : memref<1x40xi32, #tpu.memory_space<vmem>> -> memref<40xi32, #tpu.memory_space<vmem>>
    %dma_start3A_562 = arith.constant 0 : i32
    %dma_start3A_563 = arith.constant 0 : i32
    %dma_start3A_564 = tpu.memref_slice %arg2[%dma_start3A_562, %dma_start3A_563] : memref<10000x128xf32, #tpu.memory_space<hbm>> -> memref<10000x128xf32, #tpu.memory_space<hbm>>
    tpu.enqueue_indirect_dma source(%dma_start3A_564 : memref<10000x128xf32, #tpu.memory_space<hbm>>) target(%arg27 : memref<40x128xf32, #tpu.memory_space<vmem>>) offsets(%dma_start3A_561 : memref<40xi32, #tpu.memory_space<vmem>>) semaphore(%arg42 : memref<!tpu.dma_semaphore, #tpu.memory_space<semaphore_mem>>)
    %dma_wait3A_565 = arith.constant 0 : i32
    %dma_wait3A_566 = arith.constant 0 : i32
    %dma_wait3A_567 = tpu.memref_slice %arg2[%dma_wait3A_565, %dma_wait3A_566] : memref<10000x128xf32, #tpu.memory_space<hbm>> -> memref<40x128xf32, #tpu.memory_space<hbm>>
    %dma_wait3A_568 = arith.constant 0 : i32
    %dma_wait3A_569 = arith.constant 0 : i32
    %dma_wait3A_570 = tpu.memref_slice %arg2[%dma_wait3A_568, %dma_wait3A_569] : memref<10000x128xf32, #tpu.memory_space<hbm>> -> memref<40x128xf32, #tpu.memory_space<hbm>>
    tpu.wait_dma2 semaphore(%arg44 : memref<!tpu.dma_semaphore, #tpu.memory_space<semaphore_mem>>) src(%dma_wait3A_570 : memref<40x128xf32, #tpu.memory_space<hbm>>) dst(%arg29 : memref<40x128xf32, #tpu.memory_space<vmem>>)
    %dma_start3A_571 = arith.constant 0 : i32
    %dma_start3A_572 = arith.constant 0 : i32
    %dma_start3A_573 = tpu.memref_slice %arg19[%dma_start3A_571, %dma_start3A_572] : memref<1x40xi32, #tpu.memory_space<vmem>> -> memref<1x40xi32, #tpu.memory_space<vmem>>
    %dma_start3A_574 = tpu.memref_squeeze %dma_start3A_573 : memref<1x40xi32, #tpu.memory_space<vmem>> -> memref<40xi32, #tpu.memory_space<vmem>>
    %dma_start3A_575 = arith.constant 0 : i32
    %dma_start3A_576 = arith.constant 0 : i32
    %dma_start3A_577 = tpu.memref_slice %arg50[%dma_start3A_575, %dma_start3A_576] : memref<10000x128xf32, #tpu.memory_space<vmem_shared>> -> memref<10000x128xf32, #tpu.memory_space<vmem_shared>>
    tpu.enqueue_indirect_dma source(%arg29 : memref<40x128xf32, #tpu.memory_space<vmem>>) target(%dma_start3A_577 : memref<10000x128xf32, #tpu.memory_space<vmem_shared>>) offsets(%dma_start3A_574 : memref<40xi32, #tpu.memory_space<vmem>>) semaphore(%arg49 : memref<!tpu.dma_semaphore, #tpu.memory_space<semaphore_mem>>) {add = true}
    %dma_wait3A_578 = arith.constant 0 : i32
    %dma_wait3A_579 = arith.constant 0 : i32
    %dma_wait3A_580 = tpu.memref_slice %arg2[%dma_wait3A_578, %dma_wait3A_579] : memref<10000x128xf32, #tpu.memory_space<hbm>> -> memref<40x128xf32, #tpu.memory_space<hbm>>
    %dma_wait3A_581 = arith.constant 0 : i32
    %dma_wait3A_582 = arith.constant 0 : i32
    %dma_wait3A_583 = tpu.memref_slice %arg2[%dma_wait3A_581, %dma_wait3A_582] : memref<10000x128xf32, #tpu.memory_space<hbm>> -> memref<40x128xf32, #tpu.memory_space<hbm>>
    tpu.wait_dma2 semaphore(%arg48 : memref<!tpu.dma_semaphore, #tpu.memory_space<semaphore_mem>>) src(%dma_wait3A_583 : memref<40x128xf32, #tpu.memory_space<hbm>>) dst(%arg28 : memref<40x128xf32, #tpu.memory_space<vmem>>)
    %add3A_584 = arith.constant 4 : i32
    %add3A_585 = arith.addi %mul3A_2, %add3A_584 : i32
    %add3A_586 = arith.constant 9 : i32
    %add3A_587 = arith.addi %add3A_585, %add3A_586 : i32
    %dma_start3A_588 = arith.constant 0 : i32
    %dma_start3A_589 = arith.constant 0 : i32
    %dma_start3A_590 = arith.constant 0 : i32
    %dma_start3A_591 = tpu.memref_slice %arg3[%dma_start3A_588, %add3A_587, %dma_start3A_589, %dma_start3A_590] : memref<2x8000x1x40xi32, #tpu.memory_space<hbm>> -> memref<1x1x1x40xi32, #tpu.memory_space<hbm>>
    %dma_start3A_592 = tpu.memref_squeeze %dma_start3A_591 : memref<1x1x1x40xi32, #tpu.memory_space<hbm>> -> memref<1x40xi32, #tpu.memory_space<hbm>>
    %dma_start3A_593 = arith.constant 0 : i32
    %dma_start3A_594 = arith.constant 0 : i32
    %dma_start3A_595 = tpu.memref_slice %arg3[%dma_start3A_588, %add3A_587, %dma_start3A_593, %dma_start3A_594] : memref<2x8000x1x40xi32, #tpu.memory_space<hbm>> -> memref<1x1x1x40xi32, #tpu.memory_space<hbm>>
    %dma_start3A_596 = tpu.memref_squeeze %dma_start3A_595 : memref<1x1x1x40xi32, #tpu.memory_space<hbm>> -> memref<1x40xi32, #tpu.memory_space<hbm>>
    tpu.enqueue_dma source(%dma_start3A_596 : memref<1x40xi32, #tpu.memory_space<hbm>>) target(%arg8 : memref<1x40xi32, #tpu.memory_space<vmem>>) target_semaphore(%arg33 : memref<!tpu.dma_semaphore, #tpu.memory_space<semaphore_mem>>)
    %dma_start3A_597 = arith.constant 1 : i32
    %dma_start3A_598 = arith.constant 0 : i32
    %dma_start3A_599 = arith.constant 0 : i32
    %dma_start3A_600 = tpu.memref_slice %arg3[%dma_start3A_597, %add3A_587, %dma_start3A_598, %dma_start3A_599] : memref<2x8000x1x40xi32, #tpu.memory_space<hbm>> -> memref<1x1x1x40xi32, #tpu.memory_space<hbm>>
    %dma_start3A_601 = tpu.memref_squeeze %dma_start3A_600 : memref<1x1x1x40xi32, #tpu.memory_space<hbm>> -> memref<1x40xi32, #tpu.memory_space<hbm>>
    %dma_start3A_602 = arith.constant 0 : i32
    %dma_start3A_603 = arith.constant 0 : i32
    %dma_start3A_604 = tpu.memref_slice %arg3[%dma_start3A_597, %add3A_587, %dma_start3A_602, %dma_start3A_603] : memref<2x8000x1x40xi32, #tpu.memory_space<hbm>> -> memref<1x1x1x40xi32, #tpu.memory_space<hbm>>
    %dma_start3A_605 = tpu.memref_squeeze %dma_start3A_604 : memref<1x1x1x40xi32, #tpu.memory_space<hbm>> -> memref<1x40xi32, #tpu.memory_space<hbm>>
    tpu.enqueue_dma source(%dma_start3A_605 : memref<1x40xi32, #tpu.memory_space<hbm>>) target(%arg18 : memref<1x40xi32, #tpu.memory_space<vmem>>) target_semaphore(%arg33 : memref<!tpu.dma_semaphore, #tpu.memory_space<semaphore_mem>>)
    %dma_wait3A_606 = arith.constant 0 : i32
    %dma_wait3A_607 = arith.constant 0 : i32
    %dma_wait3A_608 = arith.constant 0 : i32
    %dma_wait3A_609 = arith.constant 0 : i32
    %dma_wait3A_610 = tpu.memref_slice %arg3[%dma_wait3A_606, %dma_wait3A_607, %dma_wait3A_608, %dma_wait3A_609] : memref<2x8000x1x40xi32, #tpu.memory_space<hbm>> -> memref<1x1x1x40xi32, #tpu.memory_space<hbm>>
    %dma_wait3A_611 = tpu.memref_squeeze %dma_wait3A_610 : memref<1x1x1x40xi32, #tpu.memory_space<hbm>> -> memref<1x40xi32, #tpu.memory_space<hbm>>
    %dma_wait3A_612 = arith.constant 0 : i32
    %dma_wait3A_613 = arith.constant 0 : i32
    %dma_wait3A_614 = tpu.memref_slice %arg3[%dma_wait3A_606, %dma_wait3A_607, %dma_wait3A_612, %dma_wait3A_613] : memref<2x8000x1x40xi32, #tpu.memory_space<hbm>> -> memref<1x1x1x40xi32, #tpu.memory_space<hbm>>
    %dma_wait3A_615 = tpu.memref_squeeze %dma_wait3A_614 : memref<1x1x1x40xi32, #tpu.memory_space<hbm>> -> memref<1x40xi32, #tpu.memory_space<hbm>>
    tpu.wait_dma2 semaphore(%arg38 : memref<!tpu.dma_semaphore, #tpu.memory_space<semaphore_mem>>) src(%dma_wait3A_615 : memref<1x40xi32, #tpu.memory_space<hbm>>) dst(%arg13 : memref<1x40xi32, #tpu.memory_space<vmem>>)
    %dma_wait3A_616 = arith.constant 1 : i32
    %dma_wait3A_617 = arith.constant 0 : i32
    %dma_wait3A_618 = arith.constant 0 : i32
    %dma_wait3A_619 = arith.constant 0 : i32
    %dma_wait3A_620 = tpu.memref_slice %arg3[%dma_wait3A_616, %dma_wait3A_617, %dma_wait3A_618, %dma_wait3A_619] : memref<2x8000x1x40xi32, #tpu.memory_space<hbm>> -> memref<1x1x1x40xi32, #tpu.memory_space<hbm>>
    %dma_wait3A_621 = tpu.memref_squeeze %dma_wait3A_620 : memref<1x1x1x40xi32, #tpu.memory_space<hbm>> -> memref<1x40xi32, #tpu.memory_space<hbm>>
    %dma_wait3A_622 = arith.constant 0 : i32
    %dma_wait3A_623 = arith.constant 0 : i32
    %dma_wait3A_624 = tpu.memref_slice %arg3[%dma_wait3A_616, %dma_wait3A_617, %dma_wait3A_622, %dma_wait3A_623] : memref<2x8000x1x40xi32, #tpu.memory_space<hbm>> -> memref<1x1x1x40xi32, #tpu.memory_space<hbm>>
    %dma_wait3A_625 = tpu.memref_squeeze %dma_wait3A_624 : memref<1x1x1x40xi32, #tpu.memory_space<hbm>> -> memref<1x40xi32, #tpu.memory_space<hbm>>
    tpu.wait_dma2 semaphore(%arg38 : memref<!tpu.dma_semaphore, #tpu.memory_space<semaphore_mem>>) src(%dma_wait3A_625 : memref<1x40xi32, #tpu.memory_space<hbm>>) dst(%arg23 : memref<1x40xi32, #tpu.memory_space<vmem>>)
    %dma_start3A_626 = arith.constant 0 : i32
    %dma_start3A_627 = arith.constant 0 : i32
    %dma_start3A_628 = tpu.memref_slice %arg13[%dma_start3A_626, %dma_start3A_627] : memref<1x40xi32, #tpu.memory_space<vmem>> -> memref<1x40xi32, #tpu.memory_space<vmem>>
    %dma_start3A_629 = tpu.memref_squeeze %dma_start3A_628 : memref<1x40xi32, #tpu.memory_space<vmem>> -> memref<40xi32, #tpu.memory_space<vmem>>
    %dma_start3A_630 = arith.constant 0 : i32
    %dma_start3A_631 = arith.constant 0 : i32
    %dma_start3A_632 = tpu.memref_slice %arg2[%dma_start3A_630, %dma_start3A_631] : memref<10000x128xf32, #tpu.memory_space<hbm>> -> memref<10000x128xf32, #tpu.memory_space<hbm>>
    tpu.enqueue_indirect_dma source(%dma_start3A_632 : memref<10000x128xf32, #tpu.memory_space<hbm>>) target(%arg28 : memref<40x128xf32, #tpu.memory_space<vmem>>) offsets(%dma_start3A_629 : memref<40xi32, #tpu.memory_space<vmem>>) semaphore(%arg43 : memref<!tpu.dma_semaphore, #tpu.memory_space<semaphore_mem>>)
    %dma_wait3A_633 = arith.constant 0 : i32
    %dma_wait3A_634 = arith.constant 0 : i32
    %dma_wait3A_635 = tpu.memref_slice %arg2[%dma_wait3A_633, %dma_wait3A_634] : memref<10000x128xf32, #tpu.memory_space<hbm>> -> memref<40x128xf32, #tpu.memory_space<hbm>>
    %dma_wait3A_636 = arith.constant 0 : i32
    %dma_wait3A_637 = arith.constant 0 : i32
    %dma_wait3A_638 = tpu.memref_slice %arg2[%dma_wait3A_636, %dma_wait3A_637] : memref<10000x128xf32, #tpu.memory_space<hbm>> -> memref<40x128xf32, #tpu.memory_space<hbm>>
    tpu.wait_dma2 semaphore(%arg40 : memref<!tpu.dma_semaphore, #tpu.memory_space<semaphore_mem>>) src(%dma_wait3A_638 : memref<40x128xf32, #tpu.memory_space<hbm>>) dst(%arg25 : memref<40x128xf32, #tpu.memory_space<vmem>>)
    %dma_start3A_639 = arith.constant 0 : i32
    %dma_start3A_640 = arith.constant 0 : i32
    %dma_start3A_641 = tpu.memref_slice %arg20[%dma_start3A_639, %dma_start3A_640] : memref<1x40xi32, #tpu.memory_space<vmem>> -> memref<1x40xi32, #tpu.memory_space<vmem>>
    %dma_start3A_642 = tpu.memref_squeeze %dma_start3A_641 : memref<1x40xi32, #tpu.memory_space<vmem>> -> memref<40xi32, #tpu.memory_space<vmem>>
    %dma_start3A_643 = arith.constant 0 : i32
    %dma_start3A_644 = arith.constant 0 : i32
    %dma_start3A_645 = tpu.memref_slice %arg50[%dma_start3A_643, %dma_start3A_644] : memref<10000x128xf32, #tpu.memory_space<vmem_shared>> -> memref<10000x128xf32, #tpu.memory_space<vmem_shared>>
    tpu.enqueue_indirect_dma source(%arg25 : memref<40x128xf32, #tpu.memory_space<vmem>>) target(%dma_start3A_645 : memref<10000x128xf32, #tpu.memory_space<vmem_shared>>) offsets(%dma_start3A_642 : memref<40xi32, #tpu.memory_space<vmem>>) semaphore(%arg45 : memref<!tpu.dma_semaphore, #tpu.memory_space<semaphore_mem>>) {add = true}
    %dma_wait3A_646 = arith.constant 0 : i32
    %dma_wait3A_647 = arith.constant 0 : i32
    %dma_wait3A_648 = tpu.memref_slice %arg2[%dma_wait3A_646, %dma_wait3A_647] : memref<10000x128xf32, #tpu.memory_space<hbm>> -> memref<40x128xf32, #tpu.memory_space<hbm>>
    %dma_wait3A_649 = arith.constant 0 : i32
    %dma_wait3A_650 = arith.constant 0 : i32
    %dma_wait3A_651 = tpu.memref_slice %arg2[%dma_wait3A_649, %dma_wait3A_650] : memref<10000x128xf32, #tpu.memory_space<hbm>> -> memref<40x128xf32, #tpu.memory_space<hbm>>
    tpu.wait_dma2 semaphore(%arg49 : memref<!tpu.dma_semaphore, #tpu.memory_space<semaphore_mem>>) src(%dma_wait3A_651 : memref<40x128xf32, #tpu.memory_space<hbm>>) dst(%arg29 : memref<40x128xf32, #tpu.memory_space<vmem>>)
    %add3A_652 = arith.constant 5 : i32
    %add3A_653 = arith.addi %mul3A_2, %add3A_652 : i32
    %add3A_654 = arith.constant 9 : i32
    %add3A_655 = arith.addi %add3A_653, %add3A_654 : i32
    %dma_start3A_656 = arith.constant 0 : i32
    %dma_start3A_657 = arith.constant 0 : i32
    %dma_start3A_658 = arith.constant 0 : i32
    %dma_start3A_659 = tpu.memref_slice %arg3[%dma_start3A_656, %add3A_655, %dma_start3A_657, %dma_start3A_658] : memref<2x8000x1x40xi32, #tpu.memory_space<hbm>> -> memref<1x1x1x40xi32, #tpu.memory_space<hbm>>
    %dma_start3A_660 = tpu.memref_squeeze %dma_start3A_659 : memref<1x1x1x40xi32, #tpu.memory_space<hbm>> -> memref<1x40xi32, #tpu.memory_space<hbm>>
    %dma_start3A_661 = arith.constant 0 : i32
    %dma_start3A_662 = arith.constant 0 : i32
    %dma_start3A_663 = tpu.memref_slice %arg3[%dma_start3A_656, %add3A_655, %dma_start3A_661, %dma_start3A_662] : memref<2x8000x1x40xi32, #tpu.memory_space<hbm>> -> memref<1x1x1x40xi32, #tpu.memory_space<hbm>>
    %dma_start3A_664 = tpu.memref_squeeze %dma_start3A_663 : memref<1x1x1x40xi32, #tpu.memory_space<hbm>> -> memref<1x40xi32, #tpu.memory_space<hbm>>
    tpu.enqueue_dma source(%dma_start3A_664 : memref<1x40xi32, #tpu.memory_space<hbm>>) target(%arg9 : memref<1x40xi32, #tpu.memory_space<vmem>>) target_semaphore(%arg34 : memref<!tpu.dma_semaphore, #tpu.memory_space<semaphore_mem>>)
    %dma_start3A_665 = arith.constant 1 : i32
    %dma_start3A_666 = arith.constant 0 : i32
    %dma_start3A_667 = arith.constant 0 : i32
    %dma_start3A_668 = tpu.memref_slice %arg3[%dma_start3A_665, %add3A_655, %dma_start3A_666, %dma_start3A_667] : memref<2x8000x1x40xi32, #tpu.memory_space<hbm>> -> memref<1x1x1x40xi32, #tpu.memory_space<hbm>>
    %dma_start3A_669 = tpu.memref_squeeze %dma_start3A_668 : memref<1x1x1x40xi32, #tpu.memory_space<hbm>> -> memref<1x40xi32, #tpu.memory_space<hbm>>
    %dma_start3A_670 = arith.constant 0 : i32
    %dma_start3A_671 = arith.constant 0 : i32
    %dma_start3A_672 = tpu.memref_slice %arg3[%dma_start3A_665, %add3A_655, %dma_start3A_670, %dma_start3A_671] : memref<2x8000x1x40xi32, #tpu.memory_space<hbm>> -> memref<1x1x1x40xi32, #tpu.memory_space<hbm>>
    %dma_start3A_673 = tpu.memref_squeeze %dma_start3A_672 : memref<1x1x1x40xi32, #tpu.memory_space<hbm>> -> memref<1x40xi32, #tpu.memory_space<hbm>>
    tpu.enqueue_dma source(%dma_start3A_673 : memref<1x40xi32, #tpu.memory_space<hbm>>) target(%arg19 : memref<1x40xi32, #tpu.memory_space<vmem>>) target_semaphore(%arg34 : memref<!tpu.dma_semaphore, #tpu.memory_space<semaphore_mem>>)
    %dma_wait3A_674 = arith.constant 0 : i32
    %dma_wait3A_675 = arith.constant 0 : i32
    %dma_wait3A_676 = arith.constant 0 : i32
    %dma_wait3A_677 = arith.constant 0 : i32
    %dma_wait3A_678 = tpu.memref_slice %arg3[%dma_wait3A_674, %dma_wait3A_675, %dma_wait3A_676, %dma_wait3A_677] : memref<2x8000x1x40xi32, #tpu.memory_space<hbm>> -> memref<1x1x1x40xi32, #tpu.memory_space<hbm>>
    %dma_wait3A_679 = tpu.memref_squeeze %dma_wait3A_678 : memref<1x1x1x40xi32, #tpu.memory_space<hbm>> -> memref<1x40xi32, #tpu.memory_space<hbm>>
    %dma_wait3A_680 = arith.constant 0 : i32
    %dma_wait3A_681 = arith.constant 0 : i32
    %dma_wait3A_682 = tpu.memref_slice %arg3[%dma_wait3A_674, %dma_wait3A_675, %dma_wait3A_680, %dma_wait3A_681] : memref<2x8000x1x40xi32, #tpu.memory_space<hbm>> -> memref<1x1x1x40xi32, #tpu.memory_space<hbm>>
    %dma_wait3A_683 = tpu.memref_squeeze %dma_wait3A_682 : memref<1x1x1x40xi32, #tpu.memory_space<hbm>> -> memref<1x40xi32, #tpu.memory_space<hbm>>
    tpu.wait_dma2 semaphore(%arg39 : memref<!tpu.dma_semaphore, #tpu.memory_space<semaphore_mem>>) src(%dma_wait3A_683 : memref<1x40xi32, #tpu.memory_space<hbm>>) dst(%arg14 : memref<1x40xi32, #tpu.memory_space<vmem>>)
    %dma_wait3A_684 = arith.constant 1 : i32
    %dma_wait3A_685 = arith.constant 0 : i32
    %dma_wait3A_686 = arith.constant 0 : i32
    %dma_wait3A_687 = arith.constant 0 : i32
    %dma_wait3A_688 = tpu.memref_slice %arg3[%dma_wait3A_684, %dma_wait3A_685, %dma_wait3A_686, %dma_wait3A_687] : memref<2x8000x1x40xi32, #tpu.memory_space<hbm>> -> memref<1x1x1x40xi32, #tpu.memory_space<hbm>>
    %dma_wait3A_689 = tpu.memref_squeeze %dma_wait3A_688 : memref<1x1x1x40xi32, #tpu.memory_space<hbm>> -> memref<1x40xi32, #tpu.memory_space<hbm>>
    %dma_wait3A_690 = arith.constant 0 : i32
    %dma_wait3A_691 = arith.constant 0 : i32
    %dma_wait3A_692 = tpu.memref_slice %arg3[%dma_wait3A_684, %dma_wait3A_685, %dma_wait3A_690, %dma_wait3A_691] : memref<2x8000x1x40xi32, #tpu.memory_space<hbm>> -> memref<1x1x1x40xi32, #tpu.memory_space<hbm>>
    %dma_wait3A_693 = tpu.memref_squeeze %dma_wait3A_692 : memref<1x1x1x40xi32, #tpu.memory_space<hbm>> -> memref<1x40xi32, #tpu.memory_space<hbm>>
    tpu.wait_dma2 semaphore(%arg39 : memref<!tpu.dma_semaphore, #tpu.memory_space<semaphore_mem>>) src(%dma_wait3A_693 : memref<1x40xi32, #tpu.memory_space<hbm>>) dst(%arg24 : memref<1x40xi32, #tpu.memory_space<vmem>>)
    %dma_start3A_694 = arith.constant 0 : i32
    %dma_start3A_695 = arith.constant 0 : i32
    %dma_start3A_696 = tpu.memref_slice %arg14[%dma_start3A_694, %dma_start3A_695] : memref<1x40xi32, #tpu.memory_space<vmem>> -> memref<1x40xi32, #tpu.memory_space<vmem>>
    %dma_start3A_697 = tpu.memref_squeeze %dma_start3A_696 : memref<1x40xi32, #tpu.memory_space<vmem>> -> memref<40xi32, #tpu.memory_space<vmem>>
    %dma_start3A_698 = arith.constant 0 : i32
    %dma_start3A_699 = arith.constant 0 : i32
    %dma_start3A_700 = tpu.memref_slice %arg2[%dma_start3A_698, %dma_start3A_699] : memref<10000x128xf32, #tpu.memory_space<hbm>> -> memref<10000x128xf32, #tpu.memory_space<hbm>>
    tpu.enqueue_indirect_dma source(%dma_start3A_700 : memref<10000x128xf32, #tpu.memory_space<hbm>>) target(%arg29 : memref<40x128xf32, #tpu.memory_space<vmem>>) offsets(%dma_start3A_697 : memref<40xi32, #tpu.memory_space<vmem>>) semaphore(%arg44 : memref<!tpu.dma_semaphore, #tpu.memory_space<semaphore_mem>>)
    %dma_wait3A_701 = arith.constant 0 : i32
    %dma_wait3A_702 = arith.constant 0 : i32
    %dma_wait3A_703 = tpu.memref_slice %arg2[%dma_wait3A_701, %dma_wait3A_702] : memref<10000x128xf32, #tpu.memory_space<hbm>> -> memref<40x128xf32, #tpu.memory_space<hbm>>
    %dma_wait3A_704 = arith.constant 0 : i32
    %dma_wait3A_705 = arith.constant 0 : i32
    %dma_wait3A_706 = tpu.memref_slice %arg2[%dma_wait3A_704, %dma_wait3A_705] : memref<10000x128xf32, #tpu.memory_space<hbm>> -> memref<40x128xf32, #tpu.memory_space<hbm>>
    tpu.wait_dma2 semaphore(%arg41 : memref<!tpu.dma_semaphore, #tpu.memory_space<semaphore_mem>>) src(%dma_wait3A_706 : memref<40x128xf32, #tpu.memory_space<hbm>>) dst(%arg26 : memref<40x128xf32, #tpu.memory_space<vmem>>)
    %dma_start3A_707 = arith.constant 0 : i32
    %dma_start3A_708 = arith.constant 0 : i32
    %dma_start3A_709 = tpu.memref_slice %arg21[%dma_start3A_707, %dma_start3A_708] : memref<1x40xi32, #tpu.memory_space<vmem>> -> memref<1x40xi32, #tpu.memory_space<vmem>>
    %dma_start3A_710 = tpu.memref_squeeze %dma_start3A_709 : memref<1x40xi32, #tpu.memory_space<vmem>> -> memref<40xi32, #tpu.memory_space<vmem>>
    %dma_start3A_711 = arith.constant 0 : i32
    %dma_start3A_712 = arith.constant 0 : i32
    %dma_start3A_713 = tpu.memref_slice %arg50[%dma_start3A_711, %dma_start3A_712] : memref<10000x128xf32, #tpu.memory_space<vmem_shared>> -> memref<10000x128xf32, #tpu.memory_space<vmem_shared>>
    tpu.enqueue_indirect_dma source(%arg26 : memref<40x128xf32, #tpu.memory_space<vmem>>) target(%dma_start3A_713 : memref<10000x128xf32, #tpu.memory_space<vmem_shared>>) offsets(%dma_start3A_710 : memref<40xi32, #tpu.memory_space<vmem>>) semaphore(%arg46 : memref<!tpu.dma_semaphore, #tpu.memory_space<semaphore_mem>>) {add = true}
    %dma_wait3A_714 = arith.constant 0 : i32
    %dma_wait3A_715 = arith.constant 0 : i32
    %dma_wait3A_716 = tpu.memref_slice %arg2[%dma_wait3A_714, %dma_wait3A_715] : memref<10000x128xf32, #tpu.memory_space<hbm>> -> memref<40x128xf32, #tpu.memory_space<hbm>>
    %dma_wait3A_717 = arith.constant 0 : i32
    %dma_wait3A_718 = arith.constant 0 : i32
    %dma_wait3A_719 = tpu.memref_slice %arg2[%dma_wait3A_717, %dma_wait3A_718] : memref<10000x128xf32, #tpu.memory_space<hbm>> -> memref<40x128xf32, #tpu.memory_space<hbm>>
    tpu.wait_dma2 semaphore(%arg45 : memref<!tpu.dma_semaphore, #tpu.memory_space<semaphore_mem>>) src(%dma_wait3A_719 : memref<40x128xf32, #tpu.memory_space<hbm>>) dst(%arg25 : memref<40x128xf32, #tpu.memory_space<vmem>>)
    %add3A_720 = arith.constant 6 : i32
    %add3A_721 = arith.addi %mul3A_2, %add3A_720 : i32
    %add3A_722 = arith.constant 9 : i32
    %add3A_723 = arith.addi %add3A_721, %add3A_722 : i32
    %dma_start3A_724 = arith.constant 0 : i32
    %dma_start3A_725 = arith.constant 0 : i32
    %dma_start3A_726 = arith.constant 0 : i32
    %dma_start3A_727 = tpu.memref_slice %arg3[%dma_start3A_724, %add3A_723, %dma_start3A_725, %dma_start3A_726] : memref<2x8000x1x40xi32, #tpu.memory_space<hbm>> -> memref<1x1x1x40xi32, #tpu.memory_space<hbm>>
    %dma_start3A_728 = tpu.memref_squeeze %dma_start3A_727 : memref<1x1x1x40xi32, #tpu.memory_space<hbm>> -> memref<1x40xi32, #tpu.memory_space<hbm>>
    %dma_start3A_729 = arith.constant 0 : i32
    %dma_start3A_730 = arith.constant 0 : i32
    %dma_start3A_731 = tpu.memref_slice %arg3[%dma_start3A_724, %add3A_723, %dma_start3A_729, %dma_start3A_730] : memref<2x8000x1x40xi32, #tpu.memory_space<hbm>> -> memref<1x1x1x40xi32, #tpu.memory_space<hbm>>
    %dma_start3A_732 = tpu.memref_squeeze %dma_start3A_731 : memref<1x1x1x40xi32, #tpu.memory_space<hbm>> -> memref<1x40xi32, #tpu.memory_space<hbm>>
    tpu.enqueue_dma source(%dma_start3A_732 : memref<1x40xi32, #tpu.memory_space<hbm>>) target(%arg10 : memref<1x40xi32, #tpu.memory_space<vmem>>) target_semaphore(%arg35 : memref<!tpu.dma_semaphore, #tpu.memory_space<semaphore_mem>>)
    %dma_start3A_733 = arith.constant 1 : i32
    %dma_start3A_734 = arith.constant 0 : i32
    %dma_start3A_735 = arith.constant 0 : i32
    %dma_start3A_736 = tpu.memref_slice %arg3[%dma_start3A_733, %add3A_723, %dma_start3A_734, %dma_start3A_735] : memref<2x8000x1x40xi32, #tpu.memory_space<hbm>> -> memref<1x1x1x40xi32, #tpu.memory_space<hbm>>
    %dma_start3A_737 = tpu.memref_squeeze %dma_start3A_736 : memref<1x1x1x40xi32, #tpu.memory_space<hbm>> -> memref<1x40xi32, #tpu.memory_space<hbm>>
    %dma_start3A_738 = arith.constant 0 : i32
    %dma_start3A_739 = arith.constant 0 : i32
    %dma_start3A_740 = tpu.memref_slice %arg3[%dma_start3A_733, %add3A_723, %dma_start3A_738, %dma_start3A_739] : memref<2x8000x1x40xi32, #tpu.memory_space<hbm>> -> memref<1x1x1x40xi32, #tpu.memory_space<hbm>>
    %dma_start3A_741 = tpu.memref_squeeze %dma_start3A_740 : memref<1x1x1x40xi32, #tpu.memory_space<hbm>> -> memref<1x40xi32, #tpu.memory_space<hbm>>
    tpu.enqueue_dma source(%dma_start3A_741 : memref<1x40xi32, #tpu.memory_space<hbm>>) target(%arg20 : memref<1x40xi32, #tpu.memory_space<vmem>>) target_semaphore(%arg35 : memref<!tpu.dma_semaphore, #tpu.memory_space<semaphore_mem>>)
    %dma_wait3A_742 = arith.constant 0 : i32
    %dma_wait3A_743 = arith.constant 0 : i32
    %dma_wait3A_744 = arith.constant 0 : i32
    %dma_wait3A_745 = arith.constant 0 : i32
    %dma_wait3A_746 = tpu.memref_slice %arg3[%dma_wait3A_742, %dma_wait3A_743, %dma_wait3A_744, %dma_wait3A_745] : memref<2x8000x1x40xi32, #tpu.memory_space<hbm>> -> memref<1x1x1x40xi32, #tpu.memory_space<hbm>>
    %dma_wait3A_747 = tpu.memref_squeeze %dma_wait3A_746 : memref<1x1x1x40xi32, #tpu.memory_space<hbm>> -> memref<1x40xi32, #tpu.memory_space<hbm>>
    %dma_wait3A_748 = arith.constant 0 : i32
    %dma_wait3A_749 = arith.constant 0 : i32
    %dma_wait3A_750 = tpu.memref_slice %arg3[%dma_wait3A_742, %dma_wait3A_743, %dma_wait3A_748, %dma_wait3A_749] : memref<2x8000x1x40xi32, #tpu.memory_space<hbm>> -> memref<1x1x1x40xi32, #tpu.memory_space<hbm>>
    %dma_wait3A_751 = tpu.memref_squeeze %dma_wait3A_750 : memref<1x1x1x40xi32, #tpu.memory_space<hbm>> -> memref<1x40xi32, #tpu.memory_space<hbm>>
    tpu.wait_dma2 semaphore(%arg30 : memref<!tpu.dma_semaphore, #tpu.memory_space<semaphore_mem>>) src(%dma_wait3A_751 : memref<1x40xi32, #tpu.memory_space<hbm>>) dst(%arg5 : memref<1x40xi32, #tpu.memory_space<vmem>>)
    %dma_wait3A_752 = arith.constant 1 : i32
    %dma_wait3A_753 = arith.constant 0 : i32
    %dma_wait3A_754 = arith.constant 0 : i32
    %dma_wait3A_755 = arith.constant 0 : i32
    %dma_wait3A_756 = tpu.memref_slice %arg3[%dma_wait3A_752, %dma_wait3A_753, %dma_wait3A_754, %dma_wait3A_755] : memref<2x8000x1x40xi32, #tpu.memory_space<hbm>> -> memref<1x1x1x40xi32, #tpu.memory_space<hbm>>
    %dma_wait3A_757 = tpu.memref_squeeze %dma_wait3A_756 : memref<1x1x1x40xi32, #tpu.memory_space<hbm>> -> memref<1x40xi32, #tpu.memory_space<hbm>>
    %dma_wait3A_758 = arith.constant 0 : i32
    %dma_wait3A_759 = arith.constant 0 : i32
    %dma_wait3A_760 = tpu.memref_slice %arg3[%dma_wait3A_752, %dma_wait3A_753, %dma_wait3A_758, %dma_wait3A_759] : memref<2x8000x1x40xi32, #tpu.memory_space<hbm>> -> memref<1x1x1x40xi32, #tpu.memory_space<hbm>>
    %dma_wait3A_761 = tpu.memref_squeeze %dma_wait3A_760 : memref<1x1x1x40xi32, #tpu.memory_space<hbm>> -> memref<1x40xi32, #tpu.memory_space<hbm>>
    tpu.wait_dma2 semaphore(%arg30 : memref<!tpu.dma_semaphore, #tpu.memory_space<semaphore_mem>>) src(%dma_wait3A_761 : memref<1x40xi32, #tpu.memory_space<hbm>>) dst(%arg15 : memref<1x40xi32, #tpu.memory_space<vmem>>)
    %dma_start3A_762 = arith.constant 0 : i32
    %dma_start3A_763 = arith.constant 0 : i32
    %dma_start3A_764 = tpu.memref_slice %arg5[%dma_start3A_762, %dma_start3A_763] : memref<1x40xi32, #tpu.memory_space<vmem>> -> memref<1x40xi32, #tpu.memory_space<vmem>>
    %dma_start3A_765 = tpu.memref_squeeze %dma_start3A_764 : memref<1x40xi32, #tpu.memory_space<vmem>> -> memref<40xi32, #tpu.memory_space<vmem>>
    %dma_start3A_766 = arith.constant 0 : i32
    %dma_start3A_767 = arith.constant 0 : i32
    %dma_start3A_768 = tpu.memref_slice %arg2[%dma_start3A_766, %dma_start3A_767] : memref<10000x128xf32, #tpu.memory_space<hbm>> -> memref<10000x128xf32, #tpu.memory_space<hbm>>
    tpu.enqueue_indirect_dma source(%dma_start3A_768 : memref<10000x128xf32, #tpu.memory_space<hbm>>) target(%arg25 : memref<40x128xf32, #tpu.memory_space<vmem>>) offsets(%dma_start3A_765 : memref<40xi32, #tpu.memory_space<vmem>>) semaphore(%arg40 : memref<!tpu.dma_semaphore, #tpu.memory_space<semaphore_mem>>)
    %dma_wait3A_769 = arith.constant 0 : i32
    %dma_wait3A_770 = arith.constant 0 : i32
    %dma_wait3A_771 = tpu.memref_slice %arg2[%dma_wait3A_769, %dma_wait3A_770] : memref<10000x128xf32, #tpu.memory_space<hbm>> -> memref<40x128xf32, #tpu.memory_space<hbm>>
    %dma_wait3A_772 = arith.constant 0 : i32
    %dma_wait3A_773 = arith.constant 0 : i32
    %dma_wait3A_774 = tpu.memref_slice %arg2[%dma_wait3A_772, %dma_wait3A_773] : memref<10000x128xf32, #tpu.memory_space<hbm>> -> memref<40x128xf32, #tpu.memory_space<hbm>>
    tpu.wait_dma2 semaphore(%arg42 : memref<!tpu.dma_semaphore, #tpu.memory_space<semaphore_mem>>) src(%dma_wait3A_774 : memref<40x128xf32, #tpu.memory_space<hbm>>) dst(%arg27 : memref<40x128xf32, #tpu.memory_space<vmem>>)
    %dma_start3A_775 = arith.constant 0 : i32
    %dma_start3A_776 = arith.constant 0 : i32
    %dma_start3A_777 = tpu.memref_slice %arg22[%dma_start3A_775, %dma_start3A_776] : memref<1x40xi32, #tpu.memory_space<vmem>> -> memref<1x40xi32, #tpu.memory_space<vmem>>
    %dma_start3A_778 = tpu.memref_squeeze %dma_start3A_777 : memref<1x40xi32, #tpu.memory_space<vmem>> -> memref<40xi32, #tpu.memory_space<vmem>>
    %dma_start3A_779 = arith.constant 0 : i32
    %dma_start3A_780 = arith.constant 0 : i32
    %dma_start3A_781 = tpu.memref_slice %arg50[%dma_start3A_779, %dma_start3A_780] : memref<10000x128xf32, #tpu.memory_space<vmem_shared>> -> memref<10000x128xf32, #tpu.memory_space<vmem_shared>>
    tpu.enqueue_indirect_dma source(%arg27 : memref<40x128xf32, #tpu.memory_space<vmem>>) target(%dma_start3A_781 : memref<10000x128xf32, #tpu.memory_space<vmem_shared>>) offsets(%dma_start3A_778 : memref<40xi32, #tpu.memory_space<vmem>>) semaphore(%arg47 : memref<!tpu.dma_semaphore, #tpu.memory_space<semaphore_mem>>) {add = true}
    %dma_wait3A_782 = arith.constant 0 : i32
    %dma_wait3A_783 = arith.constant 0 : i32
    %dma_wait3A_784 = tpu.memref_slice %arg2[%dma_wait3A_782, %dma_wait3A_783] : memref<10000x128xf32, #tpu.memory_space<hbm>> -> memref<40x128xf32, #tpu.memory_space<hbm>>
    %dma_wait3A_785 = arith.constant 0 : i32
    %dma_wait3A_786 = arith.constant 0 : i32
    %dma_wait3A_787 = tpu.memref_slice %arg2[%dma_wait3A_785, %dma_wait3A_786] : memref<10000x128xf32, #tpu.memory_space<hbm>> -> memref<40x128xf32, #tpu.memory_space<hbm>>
    tpu.wait_dma2 semaphore(%arg46 : memref<!tpu.dma_semaphore, #tpu.memory_space<semaphore_mem>>) src(%dma_wait3A_787 : memref<40x128xf32, #tpu.memory_space<hbm>>) dst(%arg26 : memref<40x128xf32, #tpu.memory_space<vmem>>)
    %add3A_788 = arith.constant 7 : i32
    %add3A_789 = arith.addi %mul3A_2, %add3A_788 : i32
    %add3A_790 = arith.constant 9 : i32
    %add3A_791 = arith.addi %add3A_789, %add3A_790 : i32
    %dma_start3A_792 = arith.constant 0 : i32
    %dma_start3A_793 = arith.constant 0 : i32
    %dma_start3A_794 = arith.constant 0 : i32
    %dma_start3A_795 = tpu.memref_slice %arg3[%dma_start3A_792, %add3A_791, %dma_start3A_793, %dma_start3A_794] : memref<2x8000x1x40xi32, #tpu.memory_space<hbm>> -> memref<1x1x1x40xi32, #tpu.memory_space<hbm>>
    %dma_start3A_796 = tpu.memref_squeeze %dma_start3A_795 : memref<1x1x1x40xi32, #tpu.memory_space<hbm>> -> memref<1x40xi32, #tpu.memory_space<hbm>>
    %dma_start3A_797 = arith.constant 0 : i32
    %dma_start3A_798 = arith.constant 0 : i32
    %dma_start3A_799 = tpu.memref_slice %arg3[%dma_start3A_792, %add3A_791, %dma_start3A_797, %dma_start3A_798] : memref<2x8000x1x40xi32, #tpu.memory_space<hbm>> -> memref<1x1x1x40xi32, #tpu.memory_space<hbm>>
    %dma_start3A_800 = tpu.memref_squeeze %dma_start3A_799 : memref<1x1x1x40xi32, #tpu.memory_space<hbm>> -> memref<1x40xi32, #tpu.memory_space<hbm>>
    tpu.enqueue_dma source(%dma_start3A_800 : memref<1x40xi32, #tpu.memory_space<hbm>>) target(%arg11 : memref<1x40xi32, #tpu.memory_space<vmem>>) target_semaphore(%arg36 : memref<!tpu.dma_semaphore, #tpu.memory_space<semaphore_mem>>)
    %dma_start3A_801 = arith.constant 1 : i32
    %dma_start3A_802 = arith.constant 0 : i32
    %dma_start3A_803 = arith.constant 0 : i32
    %dma_start3A_804 = tpu.memref_slice %arg3[%dma_start3A_801, %add3A_791, %dma_start3A_802, %dma_start3A_803] : memref<2x8000x1x40xi32, #tpu.memory_space<hbm>> -> memref<1x1x1x40xi32, #tpu.memory_space<hbm>>
    %dma_start3A_805 = tpu.memref_squeeze %dma_start3A_804 : memref<1x1x1x40xi32, #tpu.memory_space<hbm>> -> memref<1x40xi32, #tpu.memory_space<hbm>>
    %dma_start3A_806 = arith.constant 0 : i32
    %dma_start3A_807 = arith.constant 0 : i32
    %dma_start3A_808 = tpu.memref_slice %arg3[%dma_start3A_801, %add3A_791, %dma_start3A_806, %dma_start3A_807] : memref<2x8000x1x40xi32, #tpu.memory_space<hbm>> -> memref<1x1x1x40xi32, #tpu.memory_space<hbm>>
    %dma_start3A_809 = tpu.memref_squeeze %dma_start3A_808 : memref<1x1x1x40xi32, #tpu.memory_space<hbm>> -> memref<1x40xi32, #tpu.memory_space<hbm>>
    tpu.enqueue_dma source(%dma_start3A_809 : memref<1x40xi32, #tpu.memory_space<hbm>>) target(%arg21 : memref<1x40xi32, #tpu.memory_space<vmem>>) target_semaphore(%arg36 : memref<!tpu.dma_semaphore, #tpu.memory_space<semaphore_mem>>)
    %dma_wait3A_810 = arith.constant 0 : i32
    %dma_wait3A_811 = arith.constant 0 : i32
    %dma_wait3A_812 = arith.constant 0 : i32
    %dma_wait3A_813 = arith.constant 0 : i32
    %dma_wait3A_814 = tpu.memref_slice %arg3[%dma_wait3A_810, %dma_wait3A_811, %dma_wait3A_812, %dma_wait3A_813] : memref<2x8000x1x40xi32, #tpu.memory_space<hbm>> -> memref<1x1x1x40xi32, #tpu.memory_space<hbm>>
    %dma_wait3A_815 = tpu.memref_squeeze %dma_wait3A_814 : memref<1x1x1x40xi32, #tpu.memory_space<hbm>> -> memref<1x40xi32, #tpu.memory_space<hbm>>
    %dma_wait3A_816 = arith.constant 0 : i32
    %dma_wait3A_817 = arith.constant 0 : i32
    %dma_wait3A_818 = tpu.memref_slice %arg3[%dma_wait3A_810, %dma_wait3A_811, %dma_wait3A_816, %dma_wait3A_817] : memref<2x8000x1x40xi32, #tpu.memory_space<hbm>> -> memref<1x1x1x40xi32, #tpu.memory_space<hbm>>
    %dma_wait3A_819 = tpu.memref_squeeze %dma_wait3A_818 : memref<1x1x1x40xi32, #tpu.memory_space<hbm>> -> memref<1x40xi32, #tpu.memory_space<hbm>>
    tpu.wait_dma2 semaphore(%arg31 : memref<!tpu.dma_semaphore, #tpu.memory_space<semaphore_mem>>) src(%dma_wait3A_819 : memref<1x40xi32, #tpu.memory_space<hbm>>) dst(%arg6 : memref<1x40xi32, #tpu.memory_space<vmem>>)
    %dma_wait3A_820 = arith.constant 1 : i32
    %dma_wait3A_821 = arith.constant 0 : i32
    %dma_wait3A_822 = arith.constant 0 : i32
    %dma_wait3A_823 = arith.constant 0 : i32
    %dma_wait3A_824 = tpu.memref_slice %arg3[%dma_wait3A_820, %dma_wait3A_821, %dma_wait3A_822, %dma_wait3A_823] : memref<2x8000x1x40xi32, #tpu.memory_space<hbm>> -> memref<1x1x1x40xi32, #tpu.memory_space<hbm>>
    %dma_wait3A_825 = tpu.memref_squeeze %dma_wait3A_824 : memref<1x1x1x40xi32, #tpu.memory_space<hbm>> -> memref<1x40xi32, #tpu.memory_space<hbm>>
    %dma_wait3A_826 = arith.constant 0 : i32
    %dma_wait3A_827 = arith.constant 0 : i32
    %dma_wait3A_828 = tpu.memref_slice %arg3[%dma_wait3A_820, %dma_wait3A_821, %dma_wait3A_826, %dma_wait3A_827] : memref<2x8000x1x40xi32, #tpu.memory_space<hbm>> -> memref<1x1x1x40xi32, #tpu.memory_space<hbm>>
    %dma_wait3A_829 = tpu.memref_squeeze %dma_wait3A_828 : memref<1x1x1x40xi32, #tpu.memory_space<hbm>> -> memref<1x40xi32, #tpu.memory_space<hbm>>
    tpu.wait_dma2 semaphore(%arg31 : memref<!tpu.dma_semaphore, #tpu.memory_space<semaphore_mem>>) src(%dma_wait3A_829 : memref<1x40xi32, #tpu.memory_space<hbm>>) dst(%arg16 : memref<1x40xi32, #tpu.memory_space<vmem>>)
    %dma_start3A_830 = arith.constant 0 : i32
    %dma_start3A_831 = arith.constant 0 : i32
    %dma_start3A_832 = tpu.memref_slice %arg6[%dma_start3A_830, %dma_start3A_831] : memref<1x40xi32, #tpu.memory_space<vmem>> -> memref<1x40xi32, #tpu.memory_space<vmem>>
    %dma_start3A_833 = tpu.memref_squeeze %dma_start3A_832 : memref<1x40xi32, #tpu.memory_space<vmem>> -> memref<40xi32, #tpu.memory_space<vmem>>
    %dma_start3A_834 = arith.constant 0 : i32
    %dma_start3A_835 = arith.constant 0 : i32
    %dma_start3A_836 = tpu.memref_slice %arg2[%dma_start3A_834, %dma_start3A_835] : memref<10000x128xf32, #tpu.memory_space<hbm>> -> memref<10000x128xf32, #tpu.memory_space<hbm>>
    tpu.enqueue_indirect_dma source(%dma_start3A_836 : memref<10000x128xf32, #tpu.memory_space<hbm>>) target(%arg26 : memref<40x128xf32, #tpu.memory_space<vmem>>) offsets(%dma_start3A_833 : memref<40xi32, #tpu.memory_space<vmem>>) semaphore(%arg41 : memref<!tpu.dma_semaphore, #tpu.memory_space<semaphore_mem>>)
    %dma_wait3A_837 = arith.constant 0 : i32
    %dma_wait3A_838 = arith.constant 0 : i32
    %dma_wait3A_839 = tpu.memref_slice %arg2[%dma_wait3A_837, %dma_wait3A_838] : memref<10000x128xf32, #tpu.memory_space<hbm>> -> memref<40x128xf32, #tpu.memory_space<hbm>>
    %dma_wait3A_840 = arith.constant 0 : i32
    %dma_wait3A_841 = arith.constant 0 : i32
    %dma_wait3A_842 = tpu.memref_slice %arg2[%dma_wait3A_840, %dma_wait3A_841] : memref<10000x128xf32, #tpu.memory_space<hbm>> -> memref<40x128xf32, #tpu.memory_space<hbm>>
    tpu.wait_dma2 semaphore(%arg43 : memref<!tpu.dma_semaphore, #tpu.memory_space<semaphore_mem>>) src(%dma_wait3A_842 : memref<40x128xf32, #tpu.memory_space<hbm>>) dst(%arg28 : memref<40x128xf32, #tpu.memory_space<vmem>>)
    %dma_start3A_843 = arith.constant 0 : i32
    %dma_start3A_844 = arith.constant 0 : i32
    %dma_start3A_845 = tpu.memref_slice %arg23[%dma_start3A_843, %dma_start3A_844] : memref<1x40xi32, #tpu.memory_space<vmem>> -> memref<1x40xi32, #tpu.memory_space<vmem>>
    %dma_start3A_846 = tpu.memref_squeeze %dma_start3A_845 : memref<1x40xi32, #tpu.memory_space<vmem>> -> memref<40xi32, #tpu.memory_space<vmem>>
    %dma_start3A_847 = arith.constant 0 : i32
    %dma_start3A_848 = arith.constant 0 : i32
    %dma_start3A_849 = tpu.memref_slice %arg50[%dma_start3A_847, %dma_start3A_848] : memref<10000x128xf32, #tpu.memory_space<vmem_shared>> -> memref<10000x128xf32, #tpu.memory_space<vmem_shared>>
    tpu.enqueue_indirect_dma source(%arg28 : memref<40x128xf32, #tpu.memory_space<vmem>>) target(%dma_start3A_849 : memref<10000x128xf32, #tpu.memory_space<vmem_shared>>) offsets(%dma_start3A_846 : memref<40xi32, #tpu.memory_space<vmem>>) semaphore(%arg48 : memref<!tpu.dma_semaphore, #tpu.memory_space<semaphore_mem>>) {add = true}
    %dma_wait3A_850 = arith.constant 0 : i32
    %dma_wait3A_851 = arith.constant 0 : i32
    %dma_wait3A_852 = tpu.memref_slice %arg2[%dma_wait3A_850, %dma_wait3A_851] : memref<10000x128xf32, #tpu.memory_space<hbm>> -> memref<40x128xf32, #tpu.memory_space<hbm>>
    %dma_wait3A_853 = arith.constant 0 : i32
    %dma_wait3A_854 = arith.constant 0 : i32
    %dma_wait3A_855 = tpu.memref_slice %arg2[%dma_wait3A_853, %dma_wait3A_854] : memref<10000x128xf32, #tpu.memory_space<hbm>> -> memref<40x128xf32, #tpu.memory_space<hbm>>
    tpu.wait_dma2 semaphore(%arg47 : memref<!tpu.dma_semaphore, #tpu.memory_space<semaphore_mem>>) src(%dma_wait3A_855 : memref<40x128xf32, #tpu.memory_space<hbm>>) dst(%arg27 : memref<40x128xf32, #tpu.memory_space<vmem>>)
    %add3A_856 = arith.constant 8 : i32
    %add3A_857 = arith.addi %mul3A_2, %add3A_856 : i32
    %add3A_858 = arith.constant 9 : i32
    %add3A_859 = arith.addi %add3A_857, %add3A_858 : i32
    %dma_start3A_860 = arith.constant 0 : i32
    %dma_start3A_861 = arith.constant 0 : i32
    %dma_start3A_862 = arith.constant 0 : i32
    %dma_start3A_863 = tpu.memref_slice %arg3[%dma_start3A_860, %add3A_859, %dma_start3A_861, %dma_start3A_862] : memref<2x8000x1x40xi32, #tpu.memory_space<hbm>> -> memref<1x1x1x40xi32, #tpu.memory_space<hbm>>
    %dma_start3A_864 = tpu.memref_squeeze %dma_start3A_863 : memref<1x1x1x40xi32, #tpu.memory_space<hbm>> -> memref<1x40xi32, #tpu.memory_space<hbm>>
    %dma_start3A_865 = arith.constant 0 : i32
    %dma_start3A_866 = arith.constant 0 : i32
    %dma_start3A_867 = tpu.memref_slice %arg3[%dma_start3A_860, %add3A_859, %dma_start3A_865, %dma_start3A_866] : memref<2x8000x1x40xi32, #tpu.memory_space<hbm>> -> memref<1x1x1x40xi32, #tpu.memory_space<hbm>>
    %dma_start3A_868 = tpu.memref_squeeze %dma_start3A_867 : memref<1x1x1x40xi32, #tpu.memory_space<hbm>> -> memref<1x40xi32, #tpu.memory_space<hbm>>
    tpu.enqueue_dma source(%dma_start3A_868 : memref<1x40xi32, #tpu.memory_space<hbm>>) target(%arg12 : memref<1x40xi32, #tpu.memory_space<vmem>>) target_semaphore(%arg37 : memref<!tpu.dma_semaphore, #tpu.memory_space<semaphore_mem>>)
    %dma_start3A_869 = arith.constant 1 : i32
    %dma_start3A_870 = arith.constant 0 : i32
    %dma_start3A_871 = arith.constant 0 : i32
    %dma_start3A_872 = tpu.memref_slice %arg3[%dma_start3A_869, %add3A_859, %dma_start3A_870, %dma_start3A_871] : memref<2x8000x1x40xi32, #tpu.memory_space<hbm>> -> memref<1x1x1x40xi32, #tpu.memory_space<hbm>>
    %dma_start3A_873 = tpu.memref_squeeze %dma_start3A_872 : memref<1x1x1x40xi32, #tpu.memory_space<hbm>> -> memref<1x40xi32, #tpu.memory_space<hbm>>
    %dma_start3A_874 = arith.constant 0 : i32
    %dma_start3A_875 = arith.constant 0 : i32
    %dma_start3A_876 = tpu.memref_slice %arg3[%dma_start3A_869, %add3A_859, %dma_start3A_874, %dma_start3A_875] : memref<2x8000x1x40xi32, #tpu.memory_space<hbm>> -> memref<1x1x1x40xi32, #tpu.memory_space<hbm>>
    %dma_start3A_877 = tpu.memref_squeeze %dma_start3A_876 : memref<1x1x1x40xi32, #tpu.memory_space<hbm>> -> memref<1x40xi32, #tpu.memory_space<hbm>>
    tpu.enqueue_dma source(%dma_start3A_877 : memref<1x40xi32, #tpu.memory_space<hbm>>) target(%arg22 : memref<1x40xi32, #tpu.memory_space<vmem>>) target_semaphore(%arg37 : memref<!tpu.dma_semaphore, #tpu.memory_space<semaphore_mem>>)
    %dma_wait3A_878 = arith.constant 0 : i32
    %dma_wait3A_879 = arith.constant 0 : i32
    %dma_wait3A_880 = arith.constant 0 : i32
    %dma_wait3A_881 = arith.constant 0 : i32
    %dma_wait3A_882 = tpu.memref_slice %arg3[%dma_wait3A_878, %dma_wait3A_879, %dma_wait3A_880, %dma_wait3A_881] : memref<2x8000x1x40xi32, #tpu.memory_space<hbm>> -> memref<1x1x1x40xi32, #tpu.memory_space<hbm>>
    %dma_wait3A_883 = tpu.memref_squeeze %dma_wait3A_882 : memref<1x1x1x40xi32, #tpu.memory_space<hbm>> -> memref<1x40xi32, #tpu.memory_space<hbm>>
    %dma_wait3A_884 = arith.constant 0 : i32
    %dma_wait3A_885 = arith.constant 0 : i32
    %dma_wait3A_886 = tpu.memref_slice %arg3[%dma_wait3A_878, %dma_wait3A_879, %dma_wait3A_884, %dma_wait3A_885] : memref<2x8000x1x40xi32, #tpu.memory_space<hbm>> -> memref<1x1x1x40xi32, #tpu.memory_space<hbm>>
    %dma_wait3A_887 = tpu.memref_squeeze %dma_wait3A_886 : memref<1x1x1x40xi32, #tpu.memory_space<hbm>> -> memref<1x40xi32, #tpu.memory_space<hbm>>
    tpu.wait_dma2 semaphore(%arg32 : memref<!tpu.dma_semaphore, #tpu.memory_space<semaphore_mem>>) src(%dma_wait3A_887 : memref<1x40xi32, #tpu.memory_space<hbm>>) dst(%arg7 : memref<1x40xi32, #tpu.memory_space<vmem>>)
    %dma_wait3A_888 = arith.constant 1 : i32
    %dma_wait3A_889 = arith.constant 0 : i32
    %dma_wait3A_890 = arith.constant 0 : i32
    %dma_wait3A_891 = arith.constant 0 : i32
    %dma_wait3A_892 = tpu.memref_slice %arg3[%dma_wait3A_888, %dma_wait3A_889, %dma_wait3A_890, %dma_wait3A_891] : memref<2x8000x1x40xi32, #tpu.memory_space<hbm>> -> memref<1x1x1x40xi32, #tpu.memory_space<hbm>>
    %dma_wait3A_893 = tpu.memref_squeeze %dma_wait3A_892 : memref<1x1x1x40xi32, #tpu.memory_space<hbm>> -> memref<1x40xi32, #tpu.memory_space<hbm>>
    %dma_wait3A_894 = arith.constant 0 : i32
    %dma_wait3A_895 = arith.constant 0 : i32
    %dma_wait3A_896 = tpu.memref_slice %arg3[%dma_wait3A_888, %dma_wait3A_889, %dma_wait3A_894, %dma_wait3A_895] : memref<2x8000x1x40xi32, #tpu.memory_space<hbm>> -> memref<1x1x1x40xi32, #tpu.memory_space<hbm>>
    %dma_wait3A_897 = tpu.memref_squeeze %dma_wait3A_896 : memref<1x1x1x40xi32, #tpu.memory_space<hbm>> -> memref<1x40xi32, #tpu.memory_space<hbm>>
    tpu.wait_dma2 semaphore(%arg32 : memref<!tpu.dma_semaphore, #tpu.memory_space<semaphore_mem>>) src(%dma_wait3A_897 : memref<1x40xi32, #tpu.memory_space<hbm>>) dst(%arg17 : memref<1x40xi32, #tpu.memory_space<vmem>>)
    %dma_start3A_898 = arith.constant 0 : i32
    %dma_start3A_899 = arith.constant 0 : i32
    %dma_start3A_900 = tpu.memref_slice %arg7[%dma_start3A_898, %dma_start3A_899] : memref<1x40xi32, #tpu.memory_space<vmem>> -> memref<1x40xi32, #tpu.memory_space<vmem>>
    %dma_start3A_901 = tpu.memref_squeeze %dma_start3A_900 : memref<1x40xi32, #tpu.memory_space<vmem>> -> memref<40xi32, #tpu.memory_space<vmem>>
    %dma_start3A_902 = arith.constant 0 : i32
    %dma_start3A_903 = arith.constant 0 : i32
    %dma_start3A_904 = tpu.memref_slice %arg2[%dma_start3A_902, %dma_start3A_903] : memref<10000x128xf32, #tpu.memory_space<hbm>> -> memref<10000x128xf32, #tpu.memory_space<hbm>>
    tpu.enqueue_indirect_dma source(%dma_start3A_904 : memref<10000x128xf32, #tpu.memory_space<hbm>>) target(%arg27 : memref<40x128xf32, #tpu.memory_space<vmem>>) offsets(%dma_start3A_901 : memref<40xi32, #tpu.memory_space<vmem>>) semaphore(%arg42 : memref<!tpu.dma_semaphore, #tpu.memory_space<semaphore_mem>>)
    %dma_wait3A_905 = arith.constant 0 : i32
    %dma_wait3A_906 = arith.constant 0 : i32
    %dma_wait3A_907 = tpu.memref_slice %arg2[%dma_wait3A_905, %dma_wait3A_906] : memref<10000x128xf32, #tpu.memory_space<hbm>> -> memref<40x128xf32, #tpu.memory_space<hbm>>
    %dma_wait3A_908 = arith.constant 0 : i32
    %dma_wait3A_909 = arith.constant 0 : i32
    %dma_wait3A_910 = tpu.memref_slice %arg2[%dma_wait3A_908, %dma_wait3A_909] : memref<10000x128xf32, #tpu.memory_space<hbm>> -> memref<40x128xf32, #tpu.memory_space<hbm>>
    tpu.wait_dma2 semaphore(%arg44 : memref<!tpu.dma_semaphore, #tpu.memory_space<semaphore_mem>>) src(%dma_wait3A_910 : memref<40x128xf32, #tpu.memory_space<hbm>>) dst(%arg29 : memref<40x128xf32, #tpu.memory_space<vmem>>)
    %dma_start3A_911 = arith.constant 0 : i32
    %dma_start3A_912 = arith.constant 0 : i32
    %dma_start3A_913 = tpu.memref_slice %arg24[%dma_start3A_911, %dma_start3A_912] : memref<1x40xi32, #tpu.memory_space<vmem>> -> memref<1x40xi32, #tpu.memory_space<vmem>>
    %dma_start3A_914 = tpu.memref_squeeze %dma_start3A_913 : memref<1x40xi32, #tpu.memory_space<vmem>> -> memref<40xi32, #tpu.memory_space<vmem>>
    %dma_start3A_915 = arith.constant 0 : i32
    %dma_start3A_916 = arith.constant 0 : i32
    %dma_start3A_917 = tpu.memref_slice %arg50[%dma_start3A_915, %dma_start3A_916] : memref<10000x128xf32, #tpu.memory_space<vmem_shared>> -> memref<10000x128xf32, #tpu.memory_space<vmem_shared>>
    tpu.enqueue_indirect_dma source(%arg29 : memref<40x128xf32, #tpu.memory_space<vmem>>) target(%dma_start3A_917 : memref<10000x128xf32, #tpu.memory_space<vmem_shared>>) offsets(%dma_start3A_914 : memref<40xi32, #tpu.memory_space<vmem>>) semaphore(%arg49 : memref<!tpu.dma_semaphore, #tpu.memory_space<semaphore_mem>>) {add = true}
    %dma_wait3A_918 = arith.constant 0 : i32
    %dma_wait3A_919 = arith.constant 0 : i32
    %dma_wait3A_920 = tpu.memref_slice %arg2[%dma_wait3A_918, %dma_wait3A_919] : memref<10000x128xf32, #tpu.memory_space<hbm>> -> memref<40x128xf32, #tpu.memory_space<hbm>>
    %dma_wait3A_921 = arith.constant 0 : i32
    %dma_wait3A_922 = arith.constant 0 : i32
    %dma_wait3A_923 = tpu.memref_slice %arg2[%dma_wait3A_921, %dma_wait3A_922] : memref<10000x128xf32, #tpu.memory_space<hbm>> -> memref<40x128xf32, #tpu.memory_space<hbm>>
    tpu.wait_dma2 semaphore(%arg48 : memref<!tpu.dma_semaphore, #tpu.memory_space<semaphore_mem>>) src(%dma_wait3A_923 : memref<40x128xf32, #tpu.memory_space<hbm>>) dst(%arg28 : memref<40x128xf32, #tpu.memory_space<vmem>>)
    %add3A_924 = arith.constant 9 : i32
    %add3A_925 = arith.addi %mul3A_2, %add3A_924 : i32
    %add3A_926 = arith.constant 9 : i32
    %add3A_927 = arith.addi %add3A_925, %add3A_926 : i32
    %dma_start3A_928 = arith.constant 0 : i32
    %dma_start3A_929 = arith.constant 0 : i32
    %dma_start3A_930 = arith.constant 0 : i32
    %dma_start3A_931 = tpu.memref_slice %arg3[%dma_start3A_928, %add3A_927, %dma_start3A_929, %dma_start3A_930] : memref<2x8000x1x40xi32, #tpu.memory_space<hbm>> -> memref<1x1x1x40xi32, #tpu.memory_space<hbm>>
    %dma_start3A_932 = tpu.memref_squeeze %dma_start3A_931 : memref<1x1x1x40xi32, #tpu.memory_space<hbm>> -> memref<1x40xi32, #tpu.memory_space<hbm>>
    %dma_start3A_933 = arith.constant 0 : i32
    %dma_start3A_934 = arith.constant 0 : i32
    %dma_start3A_935 = tpu.memref_slice %arg3[%dma_start3A_928, %add3A_927, %dma_start3A_933, %dma_start3A_934] : memref<2x8000x1x40xi32, #tpu.memory_space<hbm>> -> memref<1x1x1x40xi32, #tpu.memory_space<hbm>>
    %dma_start3A_936 = tpu.memref_squeeze %dma_start3A_935 : memref<1x1x1x40xi32, #tpu.memory_space<hbm>> -> memref<1x40xi32, #tpu.memory_space<hbm>>
    tpu.enqueue_dma source(%dma_start3A_936 : memref<1x40xi32, #tpu.memory_space<hbm>>) target(%arg13 : memref<1x40xi32, #tpu.memory_space<vmem>>) target_semaphore(%arg38 : memref<!tpu.dma_semaphore, #tpu.memory_space<semaphore_mem>>)
    %dma_start3A_937 = arith.constant 1 : i32
    %dma_start3A_938 = arith.constant 0 : i32
    %dma_start3A_939 = arith.constant 0 : i32
    %dma_start3A_940 = tpu.memref_slice %arg3[%dma_start3A_937, %add3A_927, %dma_start3A_938, %dma_start3A_939] : memref<2x8000x1x40xi32, #tpu.memory_space<hbm>> -> memref<1x1x1x40xi32, #tpu.memory_space<hbm>>
    %dma_start3A_941 = tpu.memref_squeeze %dma_start3A_940 : memref<1x1x1x40xi32, #tpu.memory_space<hbm>> -> memref<1x40xi32, #tpu.memory_space<hbm>>
    %dma_start3A_942 = arith.constant 0 : i32
    %dma_start3A_943 = arith.constant 0 : i32
    %dma_start3A_944 = tpu.memref_slice %arg3[%dma_start3A_937, %add3A_927, %dma_start3A_942, %dma_start3A_943] : memref<2x8000x1x40xi32, #tpu.memory_space<hbm>> -> memref<1x1x1x40xi32, #tpu.memory_space<hbm>>
    %dma_start3A_945 = tpu.memref_squeeze %dma_start3A_944 : memref<1x1x1x40xi32, #tpu.memory_space<hbm>> -> memref<1x40xi32, #tpu.memory_space<hbm>>
    tpu.enqueue_dma source(%dma_start3A_945 : memref<1x40xi32, #tpu.memory_space<hbm>>) target(%arg23 : memref<1x40xi32, #tpu.memory_space<vmem>>) target_semaphore(%arg38 : memref<!tpu.dma_semaphore, #tpu.memory_space<semaphore_mem>>)
    %dma_wait3A_946 = arith.constant 0 : i32
    %dma_wait3A_947 = arith.constant 0 : i32
    %dma_wait3A_948 = arith.constant 0 : i32
    %dma_wait3A_949 = arith.constant 0 : i32
    %dma_wait3A_950 = tpu.memref_slice %arg3[%dma_wait3A_946, %dma_wait3A_947, %dma_wait3A_948, %dma_wait3A_949] : memref<2x8000x1x40xi32, #tpu.memory_space<hbm>> -> memref<1x1x1x40xi32, #tpu.memory_space<hbm>>
    %dma_wait3A_951 = tpu.memref_squeeze %dma_wait3A_950 : memref<1x1x1x40xi32, #tpu.memory_space<hbm>> -> memref<1x40xi32, #tpu.memory_space<hbm>>
    %dma_wait3A_952 = arith.constant 0 : i32
    %dma_wait3A_953 = arith.constant 0 : i32
    %dma_wait3A_954 = tpu.memref_slice %arg3[%dma_wait3A_946, %dma_wait3A_947, %dma_wait3A_952, %dma_wait3A_953] : memref<2x8000x1x40xi32, #tpu.memory_space<hbm>> -> memref<1x1x1x40xi32, #tpu.memory_space<hbm>>
    %dma_wait3A_955 = tpu.memref_squeeze %dma_wait3A_954 : memref<1x1x1x40xi32, #tpu.memory_space<hbm>> -> memref<1x40xi32, #tpu.memory_space<hbm>>
    tpu.wait_dma2 semaphore(%arg33 : memref<!tpu.dma_semaphore, #tpu.memory_space<semaphore_mem>>) src(%dma_wait3A_955 : memref<1x40xi32, #tpu.memory_space<hbm>>) dst(%arg8 : memref<1x40xi32, #tpu.memory_space<vmem>>)
    %dma_wait3A_956 = arith.constant 1 : i32
    %dma_wait3A_957 = arith.constant 0 : i32
    %dma_wait3A_958 = arith.constant 0 : i32
    %dma_wait3A_959 = arith.constant 0 : i32
    %dma_wait3A_960 = tpu.memref_slice %arg3[%dma_wait3A_956, %dma_wait3A_957, %dma_wait3A_958, %dma_wait3A_959] : memref<2x8000x1x40xi32, #tpu.memory_space<hbm>> -> memref<1x1x1x40xi32, #tpu.memory_space<hbm>>
    %dma_wait3A_961 = tpu.memref_squeeze %dma_wait3A_960 : memref<1x1x1x40xi32, #tpu.memory_space<hbm>> -> memref<1x40xi32, #tpu.memory_space<hbm>>
    %dma_wait3A_962 = arith.constant 0 : i32
    %dma_wait3A_963 = arith.constant 0 : i32
    %dma_wait3A_964 = tpu.memref_slice %arg3[%dma_wait3A_956, %dma_wait3A_957, %dma_wait3A_962, %dma_wait3A_963] : memref<2x8000x1x40xi32, #tpu.memory_space<hbm>> -> memref<1x1x1x40xi32, #tpu.memory_space<hbm>>
    %dma_wait3A_965 = tpu.memref_squeeze %dma_wait3A_964 : memref<1x1x1x40xi32, #tpu.memory_space<hbm>> -> memref<1x40xi32, #tpu.memory_space<hbm>>
    tpu.wait_dma2 semaphore(%arg33 : memref<!tpu.dma_semaphore, #tpu.memory_space<semaphore_mem>>) src(%dma_wait3A_965 : memref<1x40xi32, #tpu.memory_space<hbm>>) dst(%arg18 : memref<1x40xi32, #tpu.memory_space<vmem>>)
    %dma_start3A_966 = arith.constant 0 : i32
    %dma_start3A_967 = arith.constant 0 : i32
    %dma_start3A_968 = tpu.memref_slice %arg8[%dma_start3A_966, %dma_start3A_967] : memref<1x40xi32, #tpu.memory_space<vmem>> -> memref<1x40xi32, #tpu.memory_space<vmem>>
    %dma_start3A_969 = tpu.memref_squeeze %dma_start3A_968 : memref<1x40xi32, #tpu.memory_space<vmem>> -> memref<40xi32, #tpu.memory_space<vmem>>
    %dma_start3A_970 = arith.constant 0 : i32
    %dma_start3A_971 = arith.constant 0 : i32
    %dma_start3A_972 = tpu.memref_slice %arg2[%dma_start3A_970, %dma_start3A_971] : memref<10000x128xf32, #tpu.memory_space<hbm>> -> memref<10000x128xf32, #tpu.memory_space<hbm>>
    tpu.enqueue_indirect_dma source(%dma_start3A_972 : memref<10000x128xf32, #tpu.memory_space<hbm>>) target(%arg28 : memref<40x128xf32, #tpu.memory_space<vmem>>) offsets(%dma_start3A_969 : memref<40xi32, #tpu.memory_space<vmem>>) semaphore(%arg43 : memref<!tpu.dma_semaphore, #tpu.memory_space<semaphore_mem>>)
    %scan3A_973 = arith.constant 0 : i32
    %scan3A_974 = arith.constant 1 : i32
    %scan3A_975 = arith.constant 23 : i32
    %scan3A_976 = arith.addi %scan3A_974, %scan3A_975 : i32
    %scan3A_977 = arith.constant 1 : i32
    scf.for %scan3A_1372 = %scan3A_974 to %scan3A_976 step %scan3A_977  : i32 {
      %mul3A_1373 = arith.constant 10 : i32
      %mul3A_1374 = arith.muli %scan3A_1372, %mul3A_1373 : i32
      %add3A_1375 = arith.addi %mul3A_2, %mul3A_1374 : i32
      %dma_wait3A_1376 = arith.constant 0 : i32
      %dma_wait3A_1377 = arith.constant 0 : i32
      %dma_wait3A_1378 = tpu.memref_slice %arg2[%dma_wait3A_1376, %dma_wait3A_1377] : memref<10000x128xf32, #tpu.memory_space<hbm>> -> memref<40x128xf32, #tpu.memory_space<hbm>>
      %dma_wait3A_1379 = arith.constant 0 : i32
      %dma_wait3A_1380 = arith.constant 0 : i32
      %dma_wait3A_1381 = tpu.memref_slice %arg2[%dma_wait3A_1379, %dma_wait3A_1380] : memref<10000x128xf32, #tpu.memory_space<hbm>> -> memref<40x128xf32, #tpu.memory_space<hbm>>
      tpu.wait_dma2 semaphore(%arg40 : memref<!tpu.dma_semaphore, #tpu.memory_space<semaphore_mem>>) src(%dma_wait3A_1381 : memref<40x128xf32, #tpu.memory_space<hbm>>) dst(%arg25 : memref<40x128xf32, #tpu.memory_space<vmem>>)
      %dma_start3A_1382 = arith.constant 0 : i32
      %dma_start3A_1383 = arith.constant 0 : i32
      %dma_start3A_1384 = tpu.memref_slice %arg15[%dma_start3A_1382, %dma_start3A_1383] : memref<1x40xi32, #tpu.memory_space<vmem>> -> memref<1x40xi32, #tpu.memory_space<vmem>>
      %dma_start3A_1385 = tpu.memref_squeeze %dma_start3A_1384 : memref<1x40xi32, #tpu.memory_space<vmem>> -> memref<40xi32, #tpu.memory_space<vmem>>
      %dma_start3A_1386 = arith.constant 0 : i32
      %dma_start3A_1387 = arith.constant 0 : i32
      %dma_start3A_1388 = tpu.memref_slice %arg50[%dma_start3A_1386, %dma_start3A_1387] : memref<10000x128xf32, #tpu.memory_space<vmem_shared>> -> memref<10000x128xf32, #tpu.memory_space<vmem_shared>>
      tpu.enqueue_indirect_dma source(%arg25 : memref<40x128xf32, #tpu.memory_space<vmem>>) target(%dma_start3A_1388 : memref<10000x128xf32, #tpu.memory_space<vmem_shared>>) offsets(%dma_start3A_1385 : memref<40xi32, #tpu.memory_space<vmem>>) semaphore(%arg45 : memref<!tpu.dma_semaphore, #tpu.memory_space<semaphore_mem>>) {add = true}
      %dma_wait3A_1389 = arith.constant 0 : i32
      %dma_wait3A_1390 = arith.constant 0 : i32
      %dma_wait3A_1391 = tpu.memref_slice %arg2[%dma_wait3A_1389, %dma_wait3A_1390] : memref<10000x128xf32, #tpu.memory_space<hbm>> -> memref<40x128xf32, #tpu.memory_space<hbm>>
      %dma_wait3A_1392 = arith.constant 0 : i32
      %dma_wait3A_1393 = arith.constant 0 : i32
      %dma_wait3A_1394 = tpu.memref_slice %arg2[%dma_wait3A_1392, %dma_wait3A_1393] : memref<10000x128xf32, #tpu.memory_space<hbm>> -> memref<40x128xf32, #tpu.memory_space<hbm>>
      tpu.wait_dma2 semaphore(%arg49 : memref<!tpu.dma_semaphore, #tpu.memory_space<semaphore_mem>>) src(%dma_wait3A_1394 : memref<40x128xf32, #tpu.memory_space<hbm>>) dst(%arg29 : memref<40x128xf32, #tpu.memory_space<vmem>>)
      %add3A_1395 = arith.constant 0 : i32
      %add3A_1396 = arith.addi %add3A_1375, %add3A_1395 : i32
      %add3A_1397 = arith.constant 9 : i32
      %add3A_1398 = arith.addi %add3A_1396, %add3A_1397 : i32
      %dma_start3A_1399 = arith.constant 0 : i32
      %dma_start3A_1400 = arith.constant 0 : i32
      %dma_start3A_1401 = arith.constant 0 : i32
      %dma_start3A_1402 = tpu.memref_slice %arg3[%dma_start3A_1399, %add3A_1398, %dma_start3A_1400, %dma_start3A_1401] : memref<2x8000x1x40xi32, #tpu.memory_space<hbm>> -> memref<1x1x1x40xi32, #tpu.memory_space<hbm>>
      %dma_start3A_1403 = tpu.memref_squeeze %dma_start3A_1402 : memref<1x1x1x40xi32, #tpu.memory_space<hbm>> -> memref<1x40xi32, #tpu.memory_space<hbm>>
      %dma_start3A_1404 = arith.constant 0 : i32
      %dma_start3A_1405 = arith.constant 0 : i32
      %dma_start3A_1406 = tpu.memref_slice %arg3[%dma_start3A_1399, %add3A_1398, %dma_start3A_1404, %dma_start3A_1405] : memref<2x8000x1x40xi32, #tpu.memory_space<hbm>> -> memref<1x1x1x40xi32, #tpu.memory_space<hbm>>
      %dma_start3A_1407 = tpu.memref_squeeze %dma_start3A_1406 : memref<1x1x1x40xi32, #tpu.memory_space<hbm>> -> memref<1x40xi32, #tpu.memory_space<hbm>>
      tpu.enqueue_dma source(%dma_start3A_1407 : memref<1x40xi32, #tpu.memory_space<hbm>>) target(%arg14 : memref<1x40xi32, #tpu.memory_space<vmem>>) target_semaphore(%arg39 : memref<!tpu.dma_semaphore, #tpu.memory_space<semaphore_mem>>)
      %dma_start3A_1408 = arith.constant 1 : i32
      %dma_start3A_1409 = arith.constant 0 : i32
      %dma_start3A_1410 = arith.constant 0 : i32
      %dma_start3A_1411 = tpu.memref_slice %arg3[%dma_start3A_1408, %add3A_1398, %dma_start3A_1409, %dma_start3A_1410] : memref<2x8000x1x40xi32, #tpu.memory_space<hbm>> -> memref<1x1x1x40xi32, #tpu.memory_space<hbm>>
      %dma_start3A_1412 = tpu.memref_squeeze %dma_start3A_1411 : memref<1x1x1x40xi32, #tpu.memory_space<hbm>> -> memref<1x40xi32, #tpu.memory_space<hbm>>
      %dma_start3A_1413 = arith.constant 0 : i32
      %dma_start3A_1414 = arith.constant 0 : i32
      %dma_start3A_1415 = tpu.memref_slice %arg3[%dma_start3A_1408, %add3A_1398, %dma_start3A_1413, %dma_start3A_1414] : memref<2x8000x1x40xi32, #tpu.memory_space<hbm>> -> memref<1x1x1x40xi32, #tpu.memory_space<hbm>>
      %dma_start3A_1416 = tpu.memref_squeeze %dma_start3A_1415 : memref<1x1x1x40xi32, #tpu.memory_space<hbm>> -> memref<1x40xi32, #tpu.memory_space<hbm>>
      tpu.enqueue_dma source(%dma_start3A_1416 : memref<1x40xi32, #tpu.memory_space<hbm>>) target(%arg24 : memref<1x40xi32, #tpu.memory_space<vmem>>) target_semaphore(%arg39 : memref<!tpu.dma_semaphore, #tpu.memory_space<semaphore_mem>>)
      %dma_wait3A_1417 = arith.constant 0 : i32
      %dma_wait3A_1418 = arith.constant 0 : i32
      %dma_wait3A_1419 = arith.constant 0 : i32
      %dma_wait3A_1420 = arith.constant 0 : i32
      %dma_wait3A_1421 = tpu.memref_slice %arg3[%dma_wait3A_1417, %dma_wait3A_1418, %dma_wait3A_1419, %dma_wait3A_1420] : memref<2x8000x1x40xi32, #tpu.memory_space<hbm>> -> memref<1x1x1x40xi32, #tpu.memory_space<hbm>>
      %dma_wait3A_1422 = tpu.memref_squeeze %dma_wait3A_1421 : memref<1x1x1x40xi32, #tpu.memory_space<hbm>> -> memref<1x40xi32, #tpu.memory_space<hbm>>
      %dma_wait3A_1423 = arith.constant 0 : i32
      %dma_wait3A_1424 = arith.constant 0 : i32
      %dma_wait3A_1425 = tpu.memref_slice %arg3[%dma_wait3A_1417, %dma_wait3A_1418, %dma_wait3A_1423, %dma_wait3A_1424] : memref<2x8000x1x40xi32, #tpu.memory_space<hbm>> -> memref<1x1x1x40xi32, #tpu.memory_space<hbm>>
      %dma_wait3A_1426 = tpu.memref_squeeze %dma_wait3A_1425 : memref<1x1x1x40xi32, #tpu.memory_space<hbm>> -> memref<1x40xi32, #tpu.memory_space<hbm>>
      tpu.wait_dma2 semaphore(%arg34 : memref<!tpu.dma_semaphore, #tpu.memory_space<semaphore_mem>>) src(%dma_wait3A_1426 : memref<1x40xi32, #tpu.memory_space<hbm>>) dst(%arg9 : memref<1x40xi32, #tpu.memory_space<vmem>>)
      %dma_wait3A_1427 = arith.constant 1 : i32
      %dma_wait3A_1428 = arith.constant 0 : i32
      %dma_wait3A_1429 = arith.constant 0 : i32
      %dma_wait3A_1430 = arith.constant 0 : i32
      %dma_wait3A_1431 = tpu.memref_slice %arg3[%dma_wait3A_1427, %dma_wait3A_1428, %dma_wait3A_1429, %dma_wait3A_1430] : memref<2x8000x1x40xi32, #tpu.memory_space<hbm>> -> memref<1x1x1x40xi32, #tpu.memory_space<hbm>>
      %dma_wait3A_1432 = tpu.memref_squeeze %dma_wait3A_1431 : memref<1x1x1x40xi32, #tpu.memory_space<hbm>> -> memref<1x40xi32, #tpu.memory_space<hbm>>
      %dma_wait3A_1433 = arith.constant 0 : i32
      %dma_wait3A_1434 = arith.constant 0 : i32
      %dma_wait3A_1435 = tpu.memref_slice %arg3[%dma_wait3A_1427, %dma_wait3A_1428, %dma_wait3A_1433, %dma_wait3A_1434] : memref<2x8000x1x40xi32, #tpu.memory_space<hbm>> -> memref<1x1x1x40xi32, #tpu.memory_space<hbm>>
      %dma_wait3A_1436 = tpu.memref_squeeze %dma_wait3A_1435 : memref<1x1x1x40xi32, #tpu.memory_space<hbm>> -> memref<1x40xi32, #tpu.memory_space<hbm>>
      tpu.wait_dma2 semaphore(%arg34 : memref<!tpu.dma_semaphore, #tpu.memory_space<semaphore_mem>>) src(%dma_wait3A_1436 : memref<1x40xi32, #tpu.memory_space<hbm>>) dst(%arg19 : memref<1x40xi32, #tpu.memory_space<vmem>>)
      %dma_start3A_1437 = arith.constant 0 : i32
      %dma_start3A_1438 = arith.constant 0 : i32
      %dma_start3A_1439 = tpu.memref_slice %arg9[%dma_start3A_1437, %dma_start3A_1438] : memref<1x40xi32, #tpu.memory_space<vmem>> -> memref<1x40xi32, #tpu.memory_space<vmem>>
      %dma_start3A_1440 = tpu.memref_squeeze %dma_start3A_1439 : memref<1x40xi32, #tpu.memory_space<vmem>> -> memref<40xi32, #tpu.memory_space<vmem>>
      %dma_start3A_1441 = arith.constant 0 : i32
      %dma_start3A_1442 = arith.constant 0 : i32
      %dma_start3A_1443 = tpu.memref_slice %arg2[%dma_start3A_1441, %dma_start3A_1442] : memref<10000x128xf32, #tpu.memory_space<hbm>> -> memref<10000x128xf32, #tpu.memory_space<hbm>>
      tpu.enqueue_indirect_dma source(%dma_start3A_1443 : memref<10000x128xf32, #tpu.memory_space<hbm>>) target(%arg29 : memref<40x128xf32, #tpu.memory_space<vmem>>) offsets(%dma_start3A_1440 : memref<40xi32, #tpu.memory_space<vmem>>) semaphore(%arg44 : memref<!tpu.dma_semaphore, #tpu.memory_space<semaphore_mem>>)
      %dma_wait3A_1444 = arith.constant 0 : i32
      %dma_wait3A_1445 = arith.constant 0 : i32
      %dma_wait3A_1446 = tpu.memref_slice %arg2[%dma_wait3A_1444, %dma_wait3A_1445] : memref<10000x128xf32, #tpu.memory_space<hbm>> -> memref<40x128xf32, #tpu.memory_space<hbm>>
      %dma_wait3A_1447 = arith.constant 0 : i32
      %dma_wait3A_1448 = arith.constant 0 : i32
      %dma_wait3A_1449 = tpu.memref_slice %arg2[%dma_wait3A_1447, %dma_wait3A_1448] : memref<10000x128xf32, #tpu.memory_space<hbm>> -> memref<40x128xf32, #tpu.memory_space<hbm>>
      tpu.wait_dma2 semaphore(%arg41 : memref<!tpu.dma_semaphore, #tpu.memory_space<semaphore_mem>>) src(%dma_wait3A_1449 : memref<40x128xf32, #tpu.memory_space<hbm>>) dst(%arg26 : memref<40x128xf32, #tpu.memory_space<vmem>>)
      %dma_start3A_1450 = arith.constant 0 : i32
      %dma_start3A_1451 = arith.constant 0 : i32
      %dma_start3A_1452 = tpu.memref_slice %arg16[%dma_start3A_1450, %dma_start3A_1451] : memref<1x40xi32, #tpu.memory_space<vmem>> -> memref<1x40xi32, #tpu.memory_space<vmem>>
      %dma_start3A_1453 = tpu.memref_squeeze %dma_start3A_1452 : memref<1x40xi32, #tpu.memory_space<vmem>> -> memref<40xi32, #tpu.memory_space<vmem>>
      %dma_start3A_1454 = arith.constant 0 : i32
      %dma_start3A_1455 = arith.constant 0 : i32
      %dma_start3A_1456 = tpu.memref_slice %arg50[%dma_start3A_1454, %dma_start3A_1455] : memref<10000x128xf32, #tpu.memory_space<vmem_shared>> -> memref<10000x128xf32, #tpu.memory_space<vmem_shared>>
      tpu.enqueue_indirect_dma source(%arg26 : memref<40x128xf32, #tpu.memory_space<vmem>>) target(%dma_start3A_1456 : memref<10000x128xf32, #tpu.memory_space<vmem_shared>>) offsets(%dma_start3A_1453 : memref<40xi32, #tpu.memory_space<vmem>>) semaphore(%arg46 : memref<!tpu.dma_semaphore, #tpu.memory_space<semaphore_mem>>) {add = true}
      %dma_wait3A_1457 = arith.constant 0 : i32
      %dma_wait3A_1458 = arith.constant 0 : i32
      %dma_wait3A_1459 = tpu.memref_slice %arg2[%dma_wait3A_1457, %dma_wait3A_1458] : memref<10000x128xf32, #tpu.memory_space<hbm>> -> memref<40x128xf32, #tpu.memory_space<hbm>>
      %dma_wait3A_1460 = arith.constant 0 : i32
      %dma_wait3A_1461 = arith.constant 0 : i32
      %dma_wait3A_1462 = tpu.memref_slice %arg2[%dma_wait3A_1460, %dma_wait3A_1461] : memref<10000x128xf32, #tpu.memory_space<hbm>> -> memref<40x128xf32, #tpu.memory_space<hbm>>
      tpu.wait_dma2 semaphore(%arg45 : memref<!tpu.dma_semaphore, #tpu.memory_space<semaphore_mem>>) src(%dma_wait3A_1462 : memref<40x128xf32, #tpu.memory_space<hbm>>) dst(%arg25 : memref<40x128xf32, #tpu.memory_space<vmem>>)
      %add3A_1463 = arith.constant 1 : i32
      %add3A_1464 = arith.addi %add3A_1375, %add3A_1463 : i32
      %add3A_1465 = arith.constant 9 : i32
      %add3A_1466 = arith.addi %add3A_1464, %add3A_1465 : i32
      %dma_start3A_1467 = arith.constant 0 : i32
      %dma_start3A_1468 = arith.constant 0 : i32
      %dma_start3A_1469 = arith.constant 0 : i32
      %dma_start3A_1470 = tpu.memref_slice %arg3[%dma_start3A_1467, %add3A_1466, %dma_start3A_1468, %dma_start3A_1469] : memref<2x8000x1x40xi32, #tpu.memory_space<hbm>> -> memref<1x1x1x40xi32, #tpu.memory_space<hbm>>
      %dma_start3A_1471 = tpu.memref_squeeze %dma_start3A_1470 : memref<1x1x1x40xi32, #tpu.memory_space<hbm>> -> memref<1x40xi32, #tpu.memory_space<hbm>>
      %dma_start3A_1472 = arith.constant 0 : i32
      %dma_start3A_1473 = arith.constant 0 : i32
      %dma_start3A_1474 = tpu.memref_slice %arg3[%dma_start3A_1467, %add3A_1466, %dma_start3A_1472, %dma_start3A_1473] : memref<2x8000x1x40xi32, #tpu.memory_space<hbm>> -> memref<1x1x1x40xi32, #tpu.memory_space<hbm>>
      %dma_start3A_1475 = tpu.memref_squeeze %dma_start3A_1474 : memref<1x1x1x40xi32, #tpu.memory_space<hbm>> -> memref<1x40xi32, #tpu.memory_space<hbm>>
      tpu.enqueue_dma source(%dma_start3A_1475 : memref<1x40xi32, #tpu.memory_space<hbm>>) target(%arg5 : memref<1x40xi32, #tpu.memory_space<vmem>>) target_semaphore(%arg30 : memref<!tpu.dma_semaphore, #tpu.memory_space<semaphore_mem>>)
      %dma_start3A_1476 = arith.constant 1 : i32
      %dma_start3A_1477 = arith.constant 0 : i32
      %dma_start3A_1478 = arith.constant 0 : i32
      %dma_start3A_1479 = tpu.memref_slice %arg3[%dma_start3A_1476, %add3A_1466, %dma_start3A_1477, %dma_start3A_1478] : memref<2x8000x1x40xi32, #tpu.memory_space<hbm>> -> memref<1x1x1x40xi32, #tpu.memory_space<hbm>>
      %dma_start3A_1480 = tpu.memref_squeeze %dma_start3A_1479 : memref<1x1x1x40xi32, #tpu.memory_space<hbm>> -> memref<1x40xi32, #tpu.memory_space<hbm>>
      %dma_start3A_1481 = arith.constant 0 : i32
      %dma_start3A_1482 = arith.constant 0 : i32
      %dma_start3A_1483 = tpu.memref_slice %arg3[%dma_start3A_1476, %add3A_1466, %dma_start3A_1481, %dma_start3A_1482] : memref<2x8000x1x40xi32, #tpu.memory_space<hbm>> -> memref<1x1x1x40xi32, #tpu.memory_space<hbm>>
      %dma_start3A_1484 = tpu.memref_squeeze %dma_start3A_1483 : memref<1x1x1x40xi32, #tpu.memory_space<hbm>> -> memref<1x40xi32, #tpu.memory_space<hbm>>
      tpu.enqueue_dma source(%dma_start3A_1484 : memref<1x40xi32, #tpu.memory_space<hbm>>) target(%arg15 : memref<1x40xi32, #tpu.memory_space<vmem>>) target_semaphore(%arg30 : memref<!tpu.dma_semaphore, #tpu.memory_space<semaphore_mem>>)
      %dma_wait3A_1485 = arith.constant 0 : i32
      %dma_wait3A_1486 = arith.constant 0 : i32
      %dma_wait3A_1487 = arith.constant 0 : i32
      %dma_wait3A_1488 = arith.constant 0 : i32
      %dma_wait3A_1489 = tpu.memref_slice %arg3[%dma_wait3A_1485, %dma_wait3A_1486, %dma_wait3A_1487, %dma_wait3A_1488] : memref<2x8000x1x40xi32, #tpu.memory_space<hbm>> -> memref<1x1x1x40xi32, #tpu.memory_space<hbm>>
      %dma_wait3A_1490 = tpu.memref_squeeze %dma_wait3A_1489 : memref<1x1x1x40xi32, #tpu.memory_space<hbm>> -> memref<1x40xi32, #tpu.memory_space<hbm>>
      %dma_wait3A_1491 = arith.constant 0 : i32
      %dma_wait3A_1492 = arith.constant 0 : i32
      %dma_wait3A_1493 = tpu.memref_slice %arg3[%dma_wait3A_1485, %dma_wait3A_1486, %dma_wait3A_1491, %dma_wait3A_1492] : memref<2x8000x1x40xi32, #tpu.memory_space<hbm>> -> memref<1x1x1x40xi32, #tpu.memory_space<hbm>>
      %dma_wait3A_1494 = tpu.memref_squeeze %dma_wait3A_1493 : memref<1x1x1x40xi32, #tpu.memory_space<hbm>> -> memref<1x40xi32, #tpu.memory_space<hbm>>
      tpu.wait_dma2 semaphore(%arg35 : memref<!tpu.dma_semaphore, #tpu.memory_space<semaphore_mem>>) src(%dma_wait3A_1494 : memref<1x40xi32, #tpu.memory_space<hbm>>) dst(%arg10 : memref<1x40xi32, #tpu.memory_space<vmem>>)
      %dma_wait3A_1495 = arith.constant 1 : i32
      %dma_wait3A_1496 = arith.constant 0 : i32
      %dma_wait3A_1497 = arith.constant 0 : i32
      %dma_wait3A_1498 = arith.constant 0 : i32
      %dma_wait3A_1499 = tpu.memref_slice %arg3[%dma_wait3A_1495, %dma_wait3A_1496, %dma_wait3A_1497, %dma_wait3A_1498] : memref<2x8000x1x40xi32, #tpu.memory_space<hbm>> -> memref<1x1x1x40xi32, #tpu.memory_space<hbm>>
      %dma_wait3A_1500 = tpu.memref_squeeze %dma_wait3A_1499 : memref<1x1x1x40xi32, #tpu.memory_space<hbm>> -> memref<1x40xi32, #tpu.memory_space<hbm>>
      %dma_wait3A_1501 = arith.constant 0 : i32
      %dma_wait3A_1502 = arith.constant 0 : i32
      %dma_wait3A_1503 = tpu.memref_slice %arg3[%dma_wait3A_1495, %dma_wait3A_1496, %dma_wait3A_1501, %dma_wait3A_1502] : memref<2x8000x1x40xi32, #tpu.memory_space<hbm>> -> memref<1x1x1x40xi32, #tpu.memory_space<hbm>>
      %dma_wait3A_1504 = tpu.memref_squeeze %dma_wait3A_1503 : memref<1x1x1x40xi32, #tpu.memory_space<hbm>> -> memref<1x40xi32, #tpu.memory_space<hbm>>
      tpu.wait_dma2 semaphore(%arg35 : memref<!tpu.dma_semaphore, #tpu.memory_space<semaphore_mem>>) src(%dma_wait3A_1504 : memref<1x40xi32, #tpu.memory_space<hbm>>) dst(%arg20 : memref<1x40xi32, #tpu.memory_space<vmem>>)
      %dma_start3A_1505 = arith.constant 0 : i32
      %dma_start3A_1506 = arith.constant 0 : i32
      %dma_start3A_1507 = tpu.memref_slice %arg10[%dma_start3A_1505, %dma_start3A_1506] : memref<1x40xi32, #tpu.memory_space<vmem>> -> memref<1x40xi32, #tpu.memory_space<vmem>>
      %dma_start3A_1508 = tpu.memref_squeeze %dma_start3A_1507 : memref<1x40xi32, #tpu.memory_space<vmem>> -> memref<40xi32, #tpu.memory_space<vmem>>
      %dma_start3A_1509 = arith.constant 0 : i32
      %dma_start3A_1510 = arith.constant 0 : i32
      %dma_start3A_1511 = tpu.memref_slice %arg2[%dma_start3A_1509, %dma_start3A_1510] : memref<10000x128xf32, #tpu.memory_space<hbm>> -> memref<10000x128xf32, #tpu.memory_space<hbm>>
      tpu.enqueue_indirect_dma source(%dma_start3A_1511 : memref<10000x128xf32, #tpu.memory_space<hbm>>) target(%arg25 : memref<40x128xf32, #tpu.memory_space<vmem>>) offsets(%dma_start3A_1508 : memref<40xi32, #tpu.memory_space<vmem>>) semaphore(%arg40 : memref<!tpu.dma_semaphore, #tpu.memory_space<semaphore_mem>>)
      %dma_wait3A_1512 = arith.constant 0 : i32
      %dma_wait3A_1513 = arith.constant 0 : i32
      %dma_wait3A_1514 = tpu.memref_slice %arg2[%dma_wait3A_1512, %dma_wait3A_1513] : memref<10000x128xf32, #tpu.memory_space<hbm>> -> memref<40x128xf32, #tpu.memory_space<hbm>>
      %dma_wait3A_1515 = arith.constant 0 : i32
      %dma_wait3A_1516 = arith.constant 0 : i32
      %dma_wait3A_1517 = tpu.memref_slice %arg2[%dma_wait3A_1515, %dma_wait3A_1516] : memref<10000x128xf32, #tpu.memory_space<hbm>> -> memref<40x128xf32, #tpu.memory_space<hbm>>
      tpu.wait_dma2 semaphore(%arg42 : memref<!tpu.dma_semaphore, #tpu.memory_space<semaphore_mem>>) src(%dma_wait3A_1517 : memref<40x128xf32, #tpu.memory_space<hbm>>) dst(%arg27 : memref<40x128xf32, #tpu.memory_space<vmem>>)
      %dma_start3A_1518 = arith.constant 0 : i32
      %dma_start3A_1519 = arith.constant 0 : i32
      %dma_start3A_1520 = tpu.memref_slice %arg17[%dma_start3A_1518, %dma_start3A_1519] : memref<1x40xi32, #tpu.memory_space<vmem>> -> memref<1x40xi32, #tpu.memory_space<vmem>>
      %dma_start3A_1521 = tpu.memref_squeeze %dma_start3A_1520 : memref<1x40xi32, #tpu.memory_space<vmem>> -> memref<40xi32, #tpu.memory_space<vmem>>
      %dma_start3A_1522 = arith.constant 0 : i32
      %dma_start3A_1523 = arith.constant 0 : i32
      %dma_start3A_1524 = tpu.memref_slice %arg50[%dma_start3A_1522, %dma_start3A_1523] : memref<10000x128xf32, #tpu.memory_space<vmem_shared>> -> memref<10000x128xf32, #tpu.memory_space<vmem_shared>>
      tpu.enqueue_indirect_dma source(%arg27 : memref<40x128xf32, #tpu.memory_space<vmem>>) target(%dma_start3A_1524 : memref<10000x128xf32, #tpu.memory_space<vmem_shared>>) offsets(%dma_start3A_1521 : memref<40xi32, #tpu.memory_space<vmem>>) semaphore(%arg47 : memref<!tpu.dma_semaphore, #tpu.memory_space<semaphore_mem>>) {add = true}
      %dma_wait3A_1525 = arith.constant 0 : i32
      %dma_wait3A_1526 = arith.constant 0 : i32
      %dma_wait3A_1527 = tpu.memref_slice %arg2[%dma_wait3A_1525, %dma_wait3A_1526] : memref<10000x128xf32, #tpu.memory_space<hbm>> -> memref<40x128xf32, #tpu.memory_space<hbm>>
      %dma_wait3A_1528 = arith.constant 0 : i32
      %dma_wait3A_1529 = arith.constant 0 : i32
      %dma_wait3A_1530 = tpu.memref_slice %arg2[%dma_wait3A_1528, %dma_wait3A_1529] : memref<10000x128xf32, #tpu.memory_space<hbm>> -> memref<40x128xf32, #tpu.memory_space<hbm>>
      tpu.wait_dma2 semaphore(%arg46 : memref<!tpu.dma_semaphore, #tpu.memory_space<semaphore_mem>>) src(%dma_wait3A_1530 : memref<40x128xf32, #tpu.memory_space<hbm>>) dst(%arg26 : memref<40x128xf32, #tpu.memory_space<vmem>>)
      %add3A_1531 = arith.constant 2 : i32
      %add3A_1532 = arith.addi %add3A_1375, %add3A_1531 : i32
      %add3A_1533 = arith.constant 9 : i32
      %add3A_1534 = arith.addi %add3A_1532, %add3A_1533 : i32
      %dma_start3A_1535 = arith.constant 0 : i32
      %dma_start3A_1536 = arith.constant 0 : i32
      %dma_start3A_1537 = arith.constant 0 : i32
      %dma_start3A_1538 = tpu.memref_slice %arg3[%dma_start3A_1535, %add3A_1534, %dma_start3A_1536, %dma_start3A_1537] : memref<2x8000x1x40xi32, #tpu.memory_space<hbm>> -> memref<1x1x1x40xi32, #tpu.memory_space<hbm>>
      %dma_start3A_1539 = tpu.memref_squeeze %dma_start3A_1538 : memref<1x1x1x40xi32, #tpu.memory_space<hbm>> -> memref<1x40xi32, #tpu.memory_space<hbm>>
      %dma_start3A_1540 = arith.constant 0 : i32
      %dma_start3A_1541 = arith.constant 0 : i32
      %dma_start3A_1542 = tpu.memref_slice %arg3[%dma_start3A_1535, %add3A_1534, %dma_start3A_1540, %dma_start3A_1541] : memref<2x8000x1x40xi32, #tpu.memory_space<hbm>> -> memref<1x1x1x40xi32, #tpu.memory_space<hbm>>
      %dma_start3A_1543 = tpu.memref_squeeze %dma_start3A_1542 : memref<1x1x1x40xi32, #tpu.memory_space<hbm>> -> memref<1x40xi32, #tpu.memory_space<hbm>>
      tpu.enqueue_dma source(%dma_start3A_1543 : memref<1x40xi32, #tpu.memory_space<hbm>>) target(%arg6 : memref<1x40xi32, #tpu.memory_space<vmem>>) target_semaphore(%arg31 : memref<!tpu.dma_semaphore, #tpu.memory_space<semaphore_mem>>)
      %dma_start3A_1544 = arith.constant 1 : i32
      %dma_start3A_1545 = arith.constant 0 : i32
      %dma_start3A_1546 = arith.constant 0 : i32
      %dma_start3A_1547 = tpu.memref_slice %arg3[%dma_start3A_1544, %add3A_1534, %dma_start3A_1545, %dma_start3A_1546] : memref<2x8000x1x40xi32, #tpu.memory_space<hbm>> -> memref<1x1x1x40xi32, #tpu.memory_space<hbm>>
      %dma_start3A_1548 = tpu.memref_squeeze %dma_start3A_1547 : memref<1x1x1x40xi32, #tpu.memory_space<hbm>> -> memref<1x40xi32, #tpu.memory_space<hbm>>
      %dma_start3A_1549 = arith.constant 0 : i32
      %dma_start3A_1550 = arith.constant 0 : i32
      %dma_start3A_1551 = tpu.memref_slice %arg3[%dma_start3A_1544, %add3A_1534, %dma_start3A_1549, %dma_start3A_1550] : memref<2x8000x1x40xi32, #tpu.memory_space<hbm>> -> memref<1x1x1x40xi32, #tpu.memory_space<hbm>>
      %dma_start3A_1552 = tpu.memref_squeeze %dma_start3A_1551 : memref<1x1x1x40xi32, #tpu.memory_space<hbm>> -> memref<1x40xi32, #tpu.memory_space<hbm>>
      tpu.enqueue_dma source(%dma_start3A_1552 : memref<1x40xi32, #tpu.memory_space<hbm>>) target(%arg16 : memref<1x40xi32, #tpu.memory_space<vmem>>) target_semaphore(%arg31 : memref<!tpu.dma_semaphore, #tpu.memory_space<semaphore_mem>>)
      %dma_wait3A_1553 = arith.constant 0 : i32
      %dma_wait3A_1554 = arith.constant 0 : i32
      %dma_wait3A_1555 = arith.constant 0 : i32
      %dma_wait3A_1556 = arith.constant 0 : i32
      %dma_wait3A_1557 = tpu.memref_slice %arg3[%dma_wait3A_1553, %dma_wait3A_1554, %dma_wait3A_1555, %dma_wait3A_1556] : memref<2x8000x1x40xi32, #tpu.memory_space<hbm>> -> memref<1x1x1x40xi32, #tpu.memory_space<hbm>>
      %dma_wait3A_1558 = tpu.memref_squeeze %dma_wait3A_1557 : memref<1x1x1x40xi32, #tpu.memory_space<hbm>> -> memref<1x40xi32, #tpu.memory_space<hbm>>
      %dma_wait3A_1559 = arith.constant 0 : i32
      %dma_wait3A_1560 = arith.constant 0 : i32
      %dma_wait3A_1561 = tpu.memref_slice %arg3[%dma_wait3A_1553, %dma_wait3A_1554, %dma_wait3A_1559, %dma_wait3A_1560] : memref<2x8000x1x40xi32, #tpu.memory_space<hbm>> -> memref<1x1x1x40xi32, #tpu.memory_space<hbm>>
      %dma_wait3A_1562 = tpu.memref_squeeze %dma_wait3A_1561 : memref<1x1x1x40xi32, #tpu.memory_space<hbm>> -> memref<1x40xi32, #tpu.memory_space<hbm>>
      tpu.wait_dma2 semaphore(%arg36 : memref<!tpu.dma_semaphore, #tpu.memory_space<semaphore_mem>>) src(%dma_wait3A_1562 : memref<1x40xi32, #tpu.memory_space<hbm>>) dst(%arg11 : memref<1x40xi32, #tpu.memory_space<vmem>>)
      %dma_wait3A_1563 = arith.constant 1 : i32
      %dma_wait3A_1564 = arith.constant 0 : i32
      %dma_wait3A_1565 = arith.constant 0 : i32
      %dma_wait3A_1566 = arith.constant 0 : i32
      %dma_wait3A_1567 = tpu.memref_slice %arg3[%dma_wait3A_1563, %dma_wait3A_1564, %dma_wait3A_1565, %dma_wait3A_1566] : memref<2x8000x1x40xi32, #tpu.memory_space<hbm>> -> memref<1x1x1x40xi32, #tpu.memory_space<hbm>>
      %dma_wait3A_1568 = tpu.memref_squeeze %dma_wait3A_1567 : memref<1x1x1x40xi32, #tpu.memory_space<hbm>> -> memref<1x40xi32, #tpu.memory_space<hbm>>
      %dma_wait3A_1569 = arith.constant 0 : i32
      %dma_wait3A_1570 = arith.constant 0 : i32
      %dma_wait3A_1571 = tpu.memref_slice %arg3[%dma_wait3A_1563, %dma_wait3A_1564, %dma_wait3A_1569, %dma_wait3A_1570] : memref<2x8000x1x40xi32, #tpu.memory_space<hbm>> -> memref<1x1x1x40xi32, #tpu.memory_space<hbm>>
      %dma_wait3A_1572 = tpu.memref_squeeze %dma_wait3A_1571 : memref<1x1x1x40xi32, #tpu.memory_space<hbm>> -> memref<1x40xi32, #tpu.memory_space<hbm>>
      tpu.wait_dma2 semaphore(%arg36 : memref<!tpu.dma_semaphore, #tpu.memory_space<semaphore_mem>>) src(%dma_wait3A_1572 : memref<1x40xi32, #tpu.memory_space<hbm>>) dst(%arg21 : memref<1x40xi32, #tpu.memory_space<vmem>>)
      %dma_start3A_1573 = arith.constant 0 : i32
      %dma_start3A_1574 = arith.constant 0 : i32
      %dma_start3A_1575 = tpu.memref_slice %arg11[%dma_start3A_1573, %dma_start3A_1574] : memref<1x40xi32, #tpu.memory_space<vmem>> -> memref<1x40xi32, #tpu.memory_space<vmem>>
      %dma_start3A_1576 = tpu.memref_squeeze %dma_start3A_1575 : memref<1x40xi32, #tpu.memory_space<vmem>> -> memref<40xi32, #tpu.memory_space<vmem>>
      %dma_start3A_1577 = arith.constant 0 : i32
      %dma_start3A_1578 = arith.constant 0 : i32
      %dma_start3A_1579 = tpu.memref_slice %arg2[%dma_start3A_1577, %dma_start3A_1578] : memref<10000x128xf32, #tpu.memory_space<hbm>> -> memref<10000x128xf32, #tpu.memory_space<hbm>>
      tpu.enqueue_indirect_dma source(%dma_start3A_1579 : memref<10000x128xf32, #tpu.memory_space<hbm>>) target(%arg26 : memref<40x128xf32, #tpu.memory_space<vmem>>) offsets(%dma_start3A_1576 : memref<40xi32, #tpu.memory_space<vmem>>) semaphore(%arg41 : memref<!tpu.dma_semaphore, #tpu.memory_space<semaphore_mem>>)
      %dma_wait3A_1580 = arith.constant 0 : i32
      %dma_wait3A_1581 = arith.constant 0 : i32
      %dma_wait3A_1582 = tpu.memref_slice %arg2[%dma_wait3A_1580, %dma_wait3A_1581] : memref<10000x128xf32, #tpu.memory_space<hbm>> -> memref<40x128xf32, #tpu.memory_space<hbm>>
      %dma_wait3A_1583 = arith.constant 0 : i32
      %dma_wait3A_1584 = arith.constant 0 : i32
      %dma_wait3A_1585 = tpu.memref_slice %arg2[%dma_wait3A_1583, %dma_wait3A_1584] : memref<10000x128xf32, #tpu.memory_space<hbm>> -> memref<40x128xf32, #tpu.memory_space<hbm>>
      tpu.wait_dma2 semaphore(%arg43 : memref<!tpu.dma_semaphore, #tpu.memory_space<semaphore_mem>>) src(%dma_wait3A_1585 : memref<40x128xf32, #tpu.memory_space<hbm>>) dst(%arg28 : memref<40x128xf32, #tpu.memory_space<vmem>>)
      %dma_start3A_1586 = arith.constant 0 : i32
      %dma_start3A_1587 = arith.constant 0 : i32
      %dma_start3A_1588 = tpu.memref_slice %arg18[%dma_start3A_1586, %dma_start3A_1587] : memref<1x40xi32, #tpu.memory_space<vmem>> -> memref<1x40xi32, #tpu.memory_space<vmem>>
      %dma_start3A_1589 = tpu.memref_squeeze %dma_start3A_1588 : memref<1x40xi32, #tpu.memory_space<vmem>> -> memref<40xi32, #tpu.memory_space<vmem>>
      %dma_start3A_1590 = arith.constant 0 : i32
      %dma_start3A_1591 = arith.constant 0 : i32
      %dma_start3A_1592 = tpu.memref_slice %arg50[%dma_start3A_1590, %dma_start3A_1591] : memref<10000x128xf32, #tpu.memory_space<vmem_shared>> -> memref<10000x128xf32, #tpu.memory_space<vmem_shared>>
      tpu.enqueue_indirect_dma source(%arg28 : memref<40x128xf32, #tpu.memory_space<vmem>>) target(%dma_start3A_1592 : memref<10000x128xf32, #tpu.memory_space<vmem_shared>>) offsets(%dma_start3A_1589 : memref<40xi32, #tpu.memory_space<vmem>>) semaphore(%arg48 : memref<!tpu.dma_semaphore, #tpu.memory_space<semaphore_mem>>) {add = true}
      %dma_wait3A_1593 = arith.constant 0 : i32
      %dma_wait3A_1594 = arith.constant 0 : i32
      %dma_wait3A_1595 = tpu.memref_slice %arg2[%dma_wait3A_1593, %dma_wait3A_1594] : memref<10000x128xf32, #tpu.memory_space<hbm>> -> memref<40x128xf32, #tpu.memory_space<hbm>>
      %dma_wait3A_1596 = arith.constant 0 : i32
      %dma_wait3A_1597 = arith.constant 0 : i32
      %dma_wait3A_1598 = tpu.memref_slice %arg2[%dma_wait3A_1596, %dma_wait3A_1597] : memref<10000x128xf32, #tpu.memory_space<hbm>> -> memref<40x128xf32, #tpu.memory_space<hbm>>
      tpu.wait_dma2 semaphore(%arg47 : memref<!tpu.dma_semaphore, #tpu.memory_space<semaphore_mem>>) src(%dma_wait3A_1598 : memref<40x128xf32, #tpu.memory_space<hbm>>) dst(%arg27 : memref<40x128xf32, #tpu.memory_space<vmem>>)
      %add3A_1599 = arith.constant 3 : i32
      %add3A_1600 = arith.addi %add3A_1375, %add3A_1599 : i32
      %add3A_1601 = arith.constant 9 : i32
      %add3A_1602 = arith.addi %add3A_1600, %add3A_1601 : i32
      %dma_start3A_1603 = arith.constant 0 : i32
      %dma_start3A_1604 = arith.constant 0 : i32
      %dma_start3A_1605 = arith.constant 0 : i32
      %dma_start3A_1606 = tpu.memref_slice %arg3[%dma_start3A_1603, %add3A_1602, %dma_start3A_1604, %dma_start3A_1605] : memref<2x8000x1x40xi32, #tpu.memory_space<hbm>> -> memref<1x1x1x40xi32, #tpu.memory_space<hbm>>
      %dma_start3A_1607 = tpu.memref_squeeze %dma_start3A_1606 : memref<1x1x1x40xi32, #tpu.memory_space<hbm>> -> memref<1x40xi32, #tpu.memory_space<hbm>>
      %dma_start3A_1608 = arith.constant 0 : i32
      %dma_start3A_1609 = arith.constant 0 : i32
      %dma_start3A_1610 = tpu.memref_slice %arg3[%dma_start3A_1603, %add3A_1602, %dma_start3A_1608, %dma_start3A_1609] : memref<2x8000x1x40xi32, #tpu.memory_space<hbm>> -> memref<1x1x1x40xi32, #tpu.memory_space<hbm>>
      %dma_start3A_1611 = tpu.memref_squeeze %dma_start3A_1610 : memref<1x1x1x40xi32, #tpu.memory_space<hbm>> -> memref<1x40xi32, #tpu.memory_space<hbm>>
      tpu.enqueue_dma source(%dma_start3A_1611 : memref<1x40xi32, #tpu.memory_space<hbm>>) target(%arg7 : memref<1x40xi32, #tpu.memory_space<vmem>>) target_semaphore(%arg32 : memref<!tpu.dma_semaphore, #tpu.memory_space<semaphore_mem>>)
      %dma_start3A_1612 = arith.constant 1 : i32
      %dma_start3A_1613 = arith.constant 0 : i32
      %dma_start3A_1614 = arith.constant 0 : i32
      %dma_start3A_1615 = tpu.memref_slice %arg3[%dma_start3A_1612, %add3A_1602, %dma_start3A_1613, %dma_start3A_1614] : memref<2x8000x1x40xi32, #tpu.memory_space<hbm>> -> memref<1x1x1x40xi32, #tpu.memory_space<hbm>>
      %dma_start3A_1616 = tpu.memref_squeeze %dma_start3A_1615 : memref<1x1x1x40xi32, #tpu.memory_space<hbm>> -> memref<1x40xi32, #tpu.memory_space<hbm>>
      %dma_start3A_1617 = arith.constant 0 : i32
      %dma_start3A_1618 = arith.constant 0 : i32
      %dma_start3A_1619 = tpu.memref_slice %arg3[%dma_start3A_1612, %add3A_1602, %dma_start3A_1617, %dma_start3A_1618] : memref<2x8000x1x40xi32, #tpu.memory_space<hbm>> -> memref<1x1x1x40xi32, #tpu.memory_space<hbm>>
      %dma_start3A_1620 = tpu.memref_squeeze %dma_start3A_1619 : memref<1x1x1x40xi32, #tpu.memory_space<hbm>> -> memref<1x40xi32, #tpu.memory_space<hbm>>
      tpu.enqueue_dma source(%dma_start3A_1620 : memref<1x40xi32, #tpu.memory_space<hbm>>) target(%arg17 : memref<1x40xi32, #tpu.memory_space<vmem>>) target_semaphore(%arg32 : memref<!tpu.dma_semaphore, #tpu.memory_space<semaphore_mem>>)
      %dma_wait3A_1621 = arith.constant 0 : i32
      %dma_wait3A_1622 = arith.constant 0 : i32
      %dma_wait3A_1623 = arith.constant 0 : i32
      %dma_wait3A_1624 = arith.constant 0 : i32
      %dma_wait3A_1625 = tpu.memref_slice %arg3[%dma_wait3A_1621, %dma_wait3A_1622, %dma_wait3A_1623, %dma_wait3A_1624] : memref<2x8000x1x40xi32, #tpu.memory_space<hbm>> -> memref<1x1x1x40xi32, #tpu.memory_space<hbm>>
      %dma_wait3A_1626 = tpu.memref_squeeze %dma_wait3A_1625 : memref<1x1x1x40xi32, #tpu.memory_space<hbm>> -> memref<1x40xi32, #tpu.memory_space<hbm>>
      %dma_wait3A_1627 = arith.constant 0 : i32
      %dma_wait3A_1628 = arith.constant 0 : i32
      %dma_wait3A_1629 = tpu.memref_slice %arg3[%dma_wait3A_1621, %dma_wait3A_1622, %dma_wait3A_1627, %dma_wait3A_1628] : memref<2x8000x1x40xi32, #tpu.memory_space<hbm>> -> memref<1x1x1x40xi32, #tpu.memory_space<hbm>>
      %dma_wait3A_1630 = tpu.memref_squeeze %dma_wait3A_1629 : memref<1x1x1x40xi32, #tpu.memory_space<hbm>> -> memref<1x40xi32, #tpu.memory_space<hbm>>
      tpu.wait_dma2 semaphore(%arg37 : memref<!tpu.dma_semaphore, #tpu.memory_space<semaphore_mem>>) src(%dma_wait3A_1630 : memref<1x40xi32, #tpu.memory_space<hbm>>) dst(%arg12 : memref<1x40xi32, #tpu.memory_space<vmem>>)
      %dma_wait3A_1631 = arith.constant 1 : i32
      %dma_wait3A_1632 = arith.constant 0 : i32
      %dma_wait3A_1633 = arith.constant 0 : i32
      %dma_wait3A_1634 = arith.constant 0 : i32
      %dma_wait3A_1635 = tpu.memref_slice %arg3[%dma_wait3A_1631, %dma_wait3A_1632, %dma_wait3A_1633, %dma_wait3A_1634] : memref<2x8000x1x40xi32, #tpu.memory_space<hbm>> -> memref<1x1x1x40xi32, #tpu.memory_space<hbm>>
      %dma_wait3A_1636 = tpu.memref_squeeze %dma_wait3A_1635 : memref<1x1x1x40xi32, #tpu.memory_space<hbm>> -> memref<1x40xi32, #tpu.memory_space<hbm>>
      %dma_wait3A_1637 = arith.constant 0 : i32
      %dma_wait3A_1638 = arith.constant 0 : i32
      %dma_wait3A_1639 = tpu.memref_slice %arg3[%dma_wait3A_1631, %dma_wait3A_1632, %dma_wait3A_1637, %dma_wait3A_1638] : memref<2x8000x1x40xi32, #tpu.memory_space<hbm>> -> memref<1x1x1x40xi32, #tpu.memory_space<hbm>>
      %dma_wait3A_1640 = tpu.memref_squeeze %dma_wait3A_1639 : memref<1x1x1x40xi32, #tpu.memory_space<hbm>> -> memref<1x40xi32, #tpu.memory_space<hbm>>
      tpu.wait_dma2 semaphore(%arg37 : memref<!tpu.dma_semaphore, #tpu.memory_space<semaphore_mem>>) src(%dma_wait3A_1640 : memref<1x40xi32, #tpu.memory_space<hbm>>) dst(%arg22 : memref<1x40xi32, #tpu.memory_space<vmem>>)
      %dma_start3A_1641 = arith.constant 0 : i32
      %dma_start3A_1642 = arith.constant 0 : i32
      %dma_start3A_1643 = tpu.memref_slice %arg12[%dma_start3A_1641, %dma_start3A_1642] : memref<1x40xi32, #tpu.memory_space<vmem>> -> memref<1x40xi32, #tpu.memory_space<vmem>>
      %dma_start3A_1644 = tpu.memref_squeeze %dma_start3A_1643 : memref<1x40xi32, #tpu.memory_space<vmem>> -> memref<40xi32, #tpu.memory_space<vmem>>
      %dma_start3A_1645 = arith.constant 0 : i32
      %dma_start3A_1646 = arith.constant 0 : i32
      %dma_start3A_1647 = tpu.memref_slice %arg2[%dma_start3A_1645, %dma_start3A_1646] : memref<10000x128xf32, #tpu.memory_space<hbm>> -> memref<10000x128xf32, #tpu.memory_space<hbm>>
      tpu.enqueue_indirect_dma source(%dma_start3A_1647 : memref<10000x128xf32, #tpu.memory_space<hbm>>) target(%arg27 : memref<40x128xf32, #tpu.memory_space<vmem>>) offsets(%dma_start3A_1644 : memref<40xi32, #tpu.memory_space<vmem>>) semaphore(%arg42 : memref<!tpu.dma_semaphore, #tpu.memory_space<semaphore_mem>>)
      %dma_wait3A_1648 = arith.constant 0 : i32
      %dma_wait3A_1649 = arith.constant 0 : i32
      %dma_wait3A_1650 = tpu.memref_slice %arg2[%dma_wait3A_1648, %dma_wait3A_1649] : memref<10000x128xf32, #tpu.memory_space<hbm>> -> memref<40x128xf32, #tpu.memory_space<hbm>>
      %dma_wait3A_1651 = arith.constant 0 : i32
      %dma_wait3A_1652 = arith.constant 0 : i32
      %dma_wait3A_1653 = tpu.memref_slice %arg2[%dma_wait3A_1651, %dma_wait3A_1652] : memref<10000x128xf32, #tpu.memory_space<hbm>> -> memref<40x128xf32, #tpu.memory_space<hbm>>
      tpu.wait_dma2 semaphore(%arg44 : memref<!tpu.dma_semaphore, #tpu.memory_space<semaphore_mem>>) src(%dma_wait3A_1653 : memref<40x128xf32, #tpu.memory_space<hbm>>) dst(%arg29 : memref<40x128xf32, #tpu.memory_space<vmem>>)
      %dma_start3A_1654 = arith.constant 0 : i32
      %dma_start3A_1655 = arith.constant 0 : i32
      %dma_start3A_1656 = tpu.memref_slice %arg19[%dma_start3A_1654, %dma_start3A_1655] : memref<1x40xi32, #tpu.memory_space<vmem>> -> memref<1x40xi32, #tpu.memory_space<vmem>>
      %dma_start3A_1657 = tpu.memref_squeeze %dma_start3A_1656 : memref<1x40xi32, #tpu.memory_space<vmem>> -> memref<40xi32, #tpu.memory_space<vmem>>
      %dma_start3A_1658 = arith.constant 0 : i32
      %dma_start3A_1659 = arith.constant 0 : i32
      %dma_start3A_1660 = tpu.memref_slice %arg50[%dma_start3A_1658, %dma_start3A_1659] : memref<10000x128xf32, #tpu.memory_space<vmem_shared>> -> memref<10000x128xf32, #tpu.memory_space<vmem_shared>>
      tpu.enqueue_indirect_dma source(%arg29 : memref<40x128xf32, #tpu.memory_space<vmem>>) target(%dma_start3A_1660 : memref<10000x128xf32, #tpu.memory_space<vmem_shared>>) offsets(%dma_start3A_1657 : memref<40xi32, #tpu.memory_space<vmem>>) semaphore(%arg49 : memref<!tpu.dma_semaphore, #tpu.memory_space<semaphore_mem>>) {add = true}
      %dma_wait3A_1661 = arith.constant 0 : i32
      %dma_wait3A_1662 = arith.constant 0 : i32
      %dma_wait3A_1663 = tpu.memref_slice %arg2[%dma_wait3A_1661, %dma_wait3A_1662] : memref<10000x128xf32, #tpu.memory_space<hbm>> -> memref<40x128xf32, #tpu.memory_space<hbm>>
      %dma_wait3A_1664 = arith.constant 0 : i32
      %dma_wait3A_1665 = arith.constant 0 : i32
      %dma_wait3A_1666 = tpu.memref_slice %arg2[%dma_wait3A_1664, %dma_wait3A_1665] : memref<10000x128xf32, #tpu.memory_space<hbm>> -> memref<40x128xf32, #tpu.memory_space<hbm>>
      tpu.wait_dma2 semaphore(%arg48 : memref<!tpu.dma_semaphore, #tpu.memory_space<semaphore_mem>>) src(%dma_wait3A_1666 : memref<40x128xf32, #tpu.memory_space<hbm>>) dst(%arg28 : memref<40x128xf32, #tpu.memory_space<vmem>>)
      %add3A_1667 = arith.constant 4 : i32
      %add3A_1668 = arith.addi %add3A_1375, %add3A_1667 : i32
      %add3A_1669 = arith.constant 9 : i32
      %add3A_1670 = arith.addi %add3A_1668, %add3A_1669 : i32
      %dma_start3A_1671 = arith.constant 0 : i32
      %dma_start3A_1672 = arith.constant 0 : i32
      %dma_start3A_1673 = arith.constant 0 : i32
      %dma_start3A_1674 = tpu.memref_slice %arg3[%dma_start3A_1671, %add3A_1670, %dma_start3A_1672, %dma_start3A_1673] : memref<2x8000x1x40xi32, #tpu.memory_space<hbm>> -> memref<1x1x1x40xi32, #tpu.memory_space<hbm>>
      %dma_start3A_1675 = tpu.memref_squeeze %dma_start3A_1674 : memref<1x1x1x40xi32, #tpu.memory_space<hbm>> -> memref<1x40xi32, #tpu.memory_space<hbm>>
      %dma_start3A_1676 = arith.constant 0 : i32
      %dma_start3A_1677 = arith.constant 0 : i32
      %dma_start3A_1678 = tpu.memref_slice %arg3[%dma_start3A_1671, %add3A_1670, %dma_start3A_1676, %dma_start3A_1677] : memref<2x8000x1x40xi32, #tpu.memory_space<hbm>> -> memref<1x1x1x40xi32, #tpu.memory_space<hbm>>
      %dma_start3A_1679 = tpu.memref_squeeze %dma_start3A_1678 : memref<1x1x1x40xi32, #tpu.memory_space<hbm>> -> memref<1x40xi32, #tpu.memory_space<hbm>>
      tpu.enqueue_dma source(%dma_start3A_1679 : memref<1x40xi32, #tpu.memory_space<hbm>>) target(%arg8 : memref<1x40xi32, #tpu.memory_space<vmem>>) target_semaphore(%arg33 : memref<!tpu.dma_semaphore, #tpu.memory_space<semaphore_mem>>)
      %dma_start3A_1680 = arith.constant 1 : i32
      %dma_start3A_1681 = arith.constant 0 : i32
      %dma_start3A_1682 = arith.constant 0 : i32
      %dma_start3A_1683 = tpu.memref_slice %arg3[%dma_start3A_1680, %add3A_1670, %dma_start3A_1681, %dma_start3A_1682] : memref<2x8000x1x40xi32, #tpu.memory_space<hbm>> -> memref<1x1x1x40xi32, #tpu.memory_space<hbm>>
      %dma_start3A_1684 = tpu.memref_squeeze %dma_start3A_1683 : memref<1x1x1x40xi32, #tpu.memory_space<hbm>> -> memref<1x40xi32, #tpu.memory_space<hbm>>
      %dma_start3A_1685 = arith.constant 0 : i32
      %dma_start3A_1686 = arith.constant 0 : i32
      %dma_start3A_1687 = tpu.memref_slice %arg3[%dma_start3A_1680, %add3A_1670, %dma_start3A_1685, %dma_start3A_1686] : memref<2x8000x1x40xi32, #tpu.memory_space<hbm>> -> memref<1x1x1x40xi32, #tpu.memory_space<hbm>>
      %dma_start3A_1688 = tpu.memref_squeeze %dma_start3A_1687 : memref<1x1x1x40xi32, #tpu.memory_space<hbm>> -> memref<1x40xi32, #tpu.memory_space<hbm>>
      tpu.enqueue_dma source(%dma_start3A_1688 : memref<1x40xi32, #tpu.memory_space<hbm>>) target(%arg18 : memref<1x40xi32, #tpu.memory_space<vmem>>) target_semaphore(%arg33 : memref<!tpu.dma_semaphore, #tpu.memory_space<semaphore_mem>>)
      %dma_wait3A_1689 = arith.constant 0 : i32
      %dma_wait3A_1690 = arith.constant 0 : i32
      %dma_wait3A_1691 = arith.constant 0 : i32
      %dma_wait3A_1692 = arith.constant 0 : i32
      %dma_wait3A_1693 = tpu.memref_slice %arg3[%dma_wait3A_1689, %dma_wait3A_1690, %dma_wait3A_1691, %dma_wait3A_1692] : memref<2x8000x1x40xi32, #tpu.memory_space<hbm>> -> memref<1x1x1x40xi32, #tpu.memory_space<hbm>>
      %dma_wait3A_1694 = tpu.memref_squeeze %dma_wait3A_1693 : memref<1x1x1x40xi32, #tpu.memory_space<hbm>> -> memref<1x40xi32, #tpu.memory_space<hbm>>
      %dma_wait3A_1695 = arith.constant 0 : i32
      %dma_wait3A_1696 = arith.constant 0 : i32
      %dma_wait3A_1697 = tpu.memref_slice %arg3[%dma_wait3A_1689, %dma_wait3A_1690, %dma_wait3A_1695, %dma_wait3A_1696] : memref<2x8000x1x40xi32, #tpu.memory_space<hbm>> -> memref<1x1x1x40xi32, #tpu.memory_space<hbm>>
      %dma_wait3A_1698 = tpu.memref_squeeze %dma_wait3A_1697 : memref<1x1x1x40xi32, #tpu.memory_space<hbm>> -> memref<1x40xi32, #tpu.memory_space<hbm>>
      tpu.wait_dma2 semaphore(%arg38 : memref<!tpu.dma_semaphore, #tpu.memory_space<semaphore_mem>>) src(%dma_wait3A_1698 : memref<1x40xi32, #tpu.memory_space<hbm>>) dst(%arg13 : memref<1x40xi32, #tpu.memory_space<vmem>>)
      %dma_wait3A_1699 = arith.constant 1 : i32
      %dma_wait3A_1700 = arith.constant 0 : i32
      %dma_wait3A_1701 = arith.constant 0 : i32
      %dma_wait3A_1702 = arith.constant 0 : i32
      %dma_wait3A_1703 = tpu.memref_slice %arg3[%dma_wait3A_1699, %dma_wait3A_1700, %dma_wait3A_1701, %dma_wait3A_1702] : memref<2x8000x1x40xi32, #tpu.memory_space<hbm>> -> memref<1x1x1x40xi32, #tpu.memory_space<hbm>>
      %dma_wait3A_1704 = tpu.memref_squeeze %dma_wait3A_1703 : memref<1x1x1x40xi32, #tpu.memory_space<hbm>> -> memref<1x40xi32, #tpu.memory_space<hbm>>
      %dma_wait3A_1705 = arith.constant 0 : i32
      %dma_wait3A_1706 = arith.constant 0 : i32
      %dma_wait3A_1707 = tpu.memref_slice %arg3[%dma_wait3A_1699, %dma_wait3A_1700, %dma_wait3A_1705, %dma_wait3A_1706] : memref<2x8000x1x40xi32, #tpu.memory_space<hbm>> -> memref<1x1x1x40xi32, #tpu.memory_space<hbm>>
      %dma_wait3A_1708 = tpu.memref_squeeze %dma_wait3A_1707 : memref<1x1x1x40xi32, #tpu.memory_space<hbm>> -> memref<1x40xi32, #tpu.memory_space<hbm>>
      tpu.wait_dma2 semaphore(%arg38 : memref<!tpu.dma_semaphore, #tpu.memory_space<semaphore_mem>>) src(%dma_wait3A_1708 : memref<1x40xi32, #tpu.memory_space<hbm>>) dst(%arg23 : memref<1x40xi32, #tpu.memory_space<vmem>>)
      %dma_start3A_1709 = arith.constant 0 : i32
      %dma_start3A_1710 = arith.constant 0 : i32
      %dma_start3A_1711 = tpu.memref_slice %arg13[%dma_start3A_1709, %dma_start3A_1710] : memref<1x40xi32, #tpu.memory_space<vmem>> -> memref<1x40xi32, #tpu.memory_space<vmem>>
      %dma_start3A_1712 = tpu.memref_squeeze %dma_start3A_1711 : memref<1x40xi32, #tpu.memory_space<vmem>> -> memref<40xi32, #tpu.memory_space<vmem>>
      %dma_start3A_1713 = arith.constant 0 : i32
      %dma_start3A_1714 = arith.constant 0 : i32
      %dma_start3A_1715 = tpu.memref_slice %arg2[%dma_start3A_1713, %dma_start3A_1714] : memref<10000x128xf32, #tpu.memory_space<hbm>> -> memref<10000x128xf32, #tpu.memory_space<hbm>>
      tpu.enqueue_indirect_dma source(%dma_start3A_1715 : memref<10000x128xf32, #tpu.memory_space<hbm>>) target(%arg28 : memref<40x128xf32, #tpu.memory_space<vmem>>) offsets(%dma_start3A_1712 : memref<40xi32, #tpu.memory_space<vmem>>) semaphore(%arg43 : memref<!tpu.dma_semaphore, #tpu.memory_space<semaphore_mem>>)
      %dma_wait3A_1716 = arith.constant 0 : i32
      %dma_wait3A_1717 = arith.constant 0 : i32
      %dma_wait3A_1718 = tpu.memref_slice %arg2[%dma_wait3A_1716, %dma_wait3A_1717] : memref<10000x128xf32, #tpu.memory_space<hbm>> -> memref<40x128xf32, #tpu.memory_space<hbm>>
      %dma_wait3A_1719 = arith.constant 0 : i32
      %dma_wait3A_1720 = arith.constant 0 : i32
      %dma_wait3A_1721 = tpu.memref_slice %arg2[%dma_wait3A_1719, %dma_wait3A_1720] : memref<10000x128xf32, #tpu.memory_space<hbm>> -> memref<40x128xf32, #tpu.memory_space<hbm>>
      tpu.wait_dma2 semaphore(%arg40 : memref<!tpu.dma_semaphore, #tpu.memory_space<semaphore_mem>>) src(%dma_wait3A_1721 : memref<40x128xf32, #tpu.memory_space<hbm>>) dst(%arg25 : memref<40x128xf32, #tpu.memory_space<vmem>>)
      %dma_start3A_1722 = arith.constant 0 : i32
      %dma_start3A_1723 = arith.constant 0 : i32
      %dma_start3A_1724 = tpu.memref_slice %arg20[%dma_start3A_1722, %dma_start3A_1723] : memref<1x40xi32, #tpu.memory_space<vmem>> -> memref<1x40xi32, #tpu.memory_space<vmem>>
      %dma_start3A_1725 = tpu.memref_squeeze %dma_start3A_1724 : memref<1x40xi32, #tpu.memory_space<vmem>> -> memref<40xi32, #tpu.memory_space<vmem>>
      %dma_start3A_1726 = arith.constant 0 : i32
      %dma_start3A_1727 = arith.constant 0 : i32
      %dma_start3A_1728 = tpu.memref_slice %arg50[%dma_start3A_1726, %dma_start3A_1727] : memref<10000x128xf32, #tpu.memory_space<vmem_shared>> -> memref<10000x128xf32, #tpu.memory_space<vmem_shared>>
      tpu.enqueue_indirect_dma source(%arg25 : memref<40x128xf32, #tpu.memory_space<vmem>>) target(%dma_start3A_1728 : memref<10000x128xf32, #tpu.memory_space<vmem_shared>>) offsets(%dma_start3A_1725 : memref<40xi32, #tpu.memory_space<vmem>>) semaphore(%arg45 : memref<!tpu.dma_semaphore, #tpu.memory_space<semaphore_mem>>) {add = true}
      %dma_wait3A_1729 = arith.constant 0 : i32
      %dma_wait3A_1730 = arith.constant 0 : i32
      %dma_wait3A_1731 = tpu.memref_slice %arg2[%dma_wait3A_1729, %dma_wait3A_1730] : memref<10000x128xf32, #tpu.memory_space<hbm>> -> memref<40x128xf32, #tpu.memory_space<hbm>>
      %dma_wait3A_1732 = arith.constant 0 : i32
      %dma_wait3A_1733 = arith.constant 0 : i32
      %dma_wait3A_1734 = tpu.memref_slice %arg2[%dma_wait3A_1732, %dma_wait3A_1733] : memref<10000x128xf32, #tpu.memory_space<hbm>> -> memref<40x128xf32, #tpu.memory_space<hbm>>
      tpu.wait_dma2 semaphore(%arg49 : memref<!tpu.dma_semaphore, #tpu.memory_space<semaphore_mem>>) src(%dma_wait3A_1734 : memref<40x128xf32, #tpu.memory_space<hbm>>) dst(%arg29 : memref<40x128xf32, #tpu.memory_space<vmem>>)
      %add3A_1735 = arith.constant 5 : i32
      %add3A_1736 = arith.addi %add3A_1375, %add3A_1735 : i32
      %add3A_1737 = arith.constant 9 : i32
      %add3A_1738 = arith.addi %add3A_1736, %add3A_1737 : i32
      %dma_start3A_1739 = arith.constant 0 : i32
      %dma_start3A_1740 = arith.constant 0 : i32
      %dma_start3A_1741 = arith.constant 0 : i32
      %dma_start3A_1742 = tpu.memref_slice %arg3[%dma_start3A_1739, %add3A_1738, %dma_start3A_1740, %dma_start3A_1741] : memref<2x8000x1x40xi32, #tpu.memory_space<hbm>> -> memref<1x1x1x40xi32, #tpu.memory_space<hbm>>
      %dma_start3A_1743 = tpu.memref_squeeze %dma_start3A_1742 : memref<1x1x1x40xi32, #tpu.memory_space<hbm>> -> memref<1x40xi32, #tpu.memory_space<hbm>>
      %dma_start3A_1744 = arith.constant 0 : i32
      %dma_start3A_1745 = arith.constant 0 : i32
      %dma_start3A_1746 = tpu.memref_slice %arg3[%dma_start3A_1739, %add3A_1738, %dma_start3A_1744, %dma_start3A_1745] : memref<2x8000x1x40xi32, #tpu.memory_space<hbm>> -> memref<1x1x1x40xi32, #tpu.memory_space<hbm>>
      %dma_start3A_1747 = tpu.memref_squeeze %dma_start3A_1746 : memref<1x1x1x40xi32, #tpu.memory_space<hbm>> -> memref<1x40xi32, #tpu.memory_space<hbm>>
      tpu.enqueue_dma source(%dma_start3A_1747 : memref<1x40xi32, #tpu.memory_space<hbm>>) target(%arg9 : memref<1x40xi32, #tpu.memory_space<vmem>>) target_semaphore(%arg34 : memref<!tpu.dma_semaphore, #tpu.memory_space<semaphore_mem>>)
      %dma_start3A_1748 = arith.constant 1 : i32
      %dma_start3A_1749 = arith.constant 0 : i32
      %dma_start3A_1750 = arith.constant 0 : i32
      %dma_start3A_1751 = tpu.memref_slice %arg3[%dma_start3A_1748, %add3A_1738, %dma_start3A_1749, %dma_start3A_1750] : memref<2x8000x1x40xi32, #tpu.memory_space<hbm>> -> memref<1x1x1x40xi32, #tpu.memory_space<hbm>>
      %dma_start3A_1752 = tpu.memref_squeeze %dma_start3A_1751 : memref<1x1x1x40xi32, #tpu.memory_space<hbm>> -> memref<1x40xi32, #tpu.memory_space<hbm>>
      %dma_start3A_1753 = arith.constant 0 : i32
      %dma_start3A_1754 = arith.constant 0 : i32
      %dma_start3A_1755 = tpu.memref_slice %arg3[%dma_start3A_1748, %add3A_1738, %dma_start3A_1753, %dma_start3A_1754] : memref<2x8000x1x40xi32, #tpu.memory_space<hbm>> -> memref<1x1x1x40xi32, #tpu.memory_space<hbm>>
      %dma_start3A_1756 = tpu.memref_squeeze %dma_start3A_1755 : memref<1x1x1x40xi32, #tpu.memory_space<hbm>> -> memref<1x40xi32, #tpu.memory_space<hbm>>
      tpu.enqueue_dma source(%dma_start3A_1756 : memref<1x40xi32, #tpu.memory_space<hbm>>) target(%arg19 : memref<1x40xi32, #tpu.memory_space<vmem>>) target_semaphore(%arg34 : memref<!tpu.dma_semaphore, #tpu.memory_space<semaphore_mem>>)
      %dma_wait3A_1757 = arith.constant 0 : i32
      %dma_wait3A_1758 = arith.constant 0 : i32
      %dma_wait3A_1759 = arith.constant 0 : i32
      %dma_wait3A_1760 = arith.constant 0 : i32
      %dma_wait3A_1761 = tpu.memref_slice %arg3[%dma_wait3A_1757, %dma_wait3A_1758, %dma_wait3A_1759, %dma_wait3A_1760] : memref<2x8000x1x40xi32, #tpu.memory_space<hbm>> -> memref<1x1x1x40xi32, #tpu.memory_space<hbm>>
      %dma_wait3A_1762 = tpu.memref_squeeze %dma_wait3A_1761 : memref<1x1x1x40xi32, #tpu.memory_space<hbm>> -> memref<1x40xi32, #tpu.memory_space<hbm>>
      %dma_wait3A_1763 = arith.constant 0 : i32
      %dma_wait3A_1764 = arith.constant 0 : i32
      %dma_wait3A_1765 = tpu.memref_slice %arg3[%dma_wait3A_1757, %dma_wait3A_1758, %dma_wait3A_1763, %dma_wait3A_1764] : memref<2x8000x1x40xi32, #tpu.memory_space<hbm>> -> memref<1x1x1x40xi32, #tpu.memory_space<hbm>>
      %dma_wait3A_1766 = tpu.memref_squeeze %dma_wait3A_1765 : memref<1x1x1x40xi32, #tpu.memory_space<hbm>> -> memref<1x40xi32, #tpu.memory_space<hbm>>
      tpu.wait_dma2 semaphore(%arg39 : memref<!tpu.dma_semaphore, #tpu.memory_space<semaphore_mem>>) src(%dma_wait3A_1766 : memref<1x40xi32, #tpu.memory_space<hbm>>) dst(%arg14 : memref<1x40xi32, #tpu.memory_space<vmem>>)
      %dma_wait3A_1767 = arith.constant 1 : i32
      %dma_wait3A_1768 = arith.constant 0 : i32
      %dma_wait3A_1769 = arith.constant 0 : i32
      %dma_wait3A_1770 = arith.constant 0 : i32
      %dma_wait3A_1771 = tpu.memref_slice %arg3[%dma_wait3A_1767, %dma_wait3A_1768, %dma_wait3A_1769, %dma_wait3A_1770] : memref<2x8000x1x40xi32, #tpu.memory_space<hbm>> -> memref<1x1x1x40xi32, #tpu.memory_space<hbm>>
      %dma_wait3A_1772 = tpu.memref_squeeze %dma_wait3A_1771 : memref<1x1x1x40xi32, #tpu.memory_space<hbm>> -> memref<1x40xi32, #tpu.memory_space<hbm>>
      %dma_wait3A_1773 = arith.constant 0 : i32
      %dma_wait3A_1774 = arith.constant 0 : i32
      %dma_wait3A_1775 = tpu.memref_slice %arg3[%dma_wait3A_1767, %dma_wait3A_1768, %dma_wait3A_1773, %dma_wait3A_1774] : memref<2x8000x1x40xi32, #tpu.memory_space<hbm>> -> memref<1x1x1x40xi32, #tpu.memory_space<hbm>>
      %dma_wait3A_1776 = tpu.memref_squeeze %dma_wait3A_1775 : memref<1x1x1x40xi32, #tpu.memory_space<hbm>> -> memref<1x40xi32, #tpu.memory_space<hbm>>
      tpu.wait_dma2 semaphore(%arg39 : memref<!tpu.dma_semaphore, #tpu.memory_space<semaphore_mem>>) src(%dma_wait3A_1776 : memref<1x40xi32, #tpu.memory_space<hbm>>) dst(%arg24 : memref<1x40xi32, #tpu.memory_space<vmem>>)
      %dma_start3A_1777 = arith.constant 0 : i32
      %dma_start3A_1778 = arith.constant 0 : i32
      %dma_start3A_1779 = tpu.memref_slice %arg14[%dma_start3A_1777, %dma_start3A_1778] : memref<1x40xi32, #tpu.memory_space<vmem>> -> memref<1x40xi32, #tpu.memory_space<vmem>>
      %dma_start3A_1780 = tpu.memref_squeeze %dma_start3A_1779 : memref<1x40xi32, #tpu.memory_space<vmem>> -> memref<40xi32, #tpu.memory_space<vmem>>
      %dma_start3A_1781 = arith.constant 0 : i32
      %dma_start3A_1782 = arith.constant 0 : i32
      %dma_start3A_1783 = tpu.memref_slice %arg2[%dma_start3A_1781, %dma_start3A_1782] : memref<10000x128xf32, #tpu.memory_space<hbm>> -> memref<10000x128xf32, #tpu.memory_space<hbm>>
      tpu.enqueue_indirect_dma source(%dma_start3A_1783 : memref<10000x128xf32, #tpu.memory_space<hbm>>) target(%arg29 : memref<40x128xf32, #tpu.memory_space<vmem>>) offsets(%dma_start3A_1780 : memref<40xi32, #tpu.memory_space<vmem>>) semaphore(%arg44 : memref<!tpu.dma_semaphore, #tpu.memory_space<semaphore_mem>>)
      %dma_wait3A_1784 = arith.constant 0 : i32
      %dma_wait3A_1785 = arith.constant 0 : i32
      %dma_wait3A_1786 = tpu.memref_slice %arg2[%dma_wait3A_1784, %dma_wait3A_1785] : memref<10000x128xf32, #tpu.memory_space<hbm>> -> memref<40x128xf32, #tpu.memory_space<hbm>>
      %dma_wait3A_1787 = arith.constant 0 : i32
      %dma_wait3A_1788 = arith.constant 0 : i32
      %dma_wait3A_1789 = tpu.memref_slice %arg2[%dma_wait3A_1787, %dma_wait3A_1788] : memref<10000x128xf32, #tpu.memory_space<hbm>> -> memref<40x128xf32, #tpu.memory_space<hbm>>
      tpu.wait_dma2 semaphore(%arg41 : memref<!tpu.dma_semaphore, #tpu.memory_space<semaphore_mem>>) src(%dma_wait3A_1789 : memref<40x128xf32, #tpu.memory_space<hbm>>) dst(%arg26 : memref<40x128xf32, #tpu.memory_space<vmem>>)
      %dma_start3A_1790 = arith.constant 0 : i32
      %dma_start3A_1791 = arith.constant 0 : i32
      %dma_start3A_1792 = tpu.memref_slice %arg21[%dma_start3A_1790, %dma_start3A_1791] : memref<1x40xi32, #tpu.memory_space<vmem>> -> memref<1x40xi32, #tpu.memory_space<vmem>>
      %dma_start3A_1793 = tpu.memref_squeeze %dma_start3A_1792 : memref<1x40xi32, #tpu.memory_space<vmem>> -> memref<40xi32, #tpu.memory_space<vmem>>
      %dma_start3A_1794 = arith.constant 0 : i32
      %dma_start3A_1795 = arith.constant 0 : i32
      %dma_start3A_1796 = tpu.memref_slice %arg50[%dma_start3A_1794, %dma_start3A_1795] : memref<10000x128xf32, #tpu.memory_space<vmem_shared>> -> memref<10000x128xf32, #tpu.memory_space<vmem_shared>>
      tpu.enqueue_indirect_dma source(%arg26 : memref<40x128xf32, #tpu.memory_space<vmem>>) target(%dma_start3A_1796 : memref<10000x128xf32, #tpu.memory_space<vmem_shared>>) offsets(%dma_start3A_1793 : memref<40xi32, #tpu.memory_space<vmem>>) semaphore(%arg46 : memref<!tpu.dma_semaphore, #tpu.memory_space<semaphore_mem>>) {add = true}
      %dma_wait3A_1797 = arith.constant 0 : i32
      %dma_wait3A_1798 = arith.constant 0 : i32
      %dma_wait3A_1799 = tpu.memref_slice %arg2[%dma_wait3A_1797, %dma_wait3A_1798] : memref<10000x128xf32, #tpu.memory_space<hbm>> -> memref<40x128xf32, #tpu.memory_space<hbm>>
      %dma_wait3A_1800 = arith.constant 0 : i32
      %dma_wait3A_1801 = arith.constant 0 : i32
      %dma_wait3A_1802 = tpu.memref_slice %arg2[%dma_wait3A_1800, %dma_wait3A_1801] : memref<10000x128xf32, #tpu.memory_space<hbm>> -> memref<40x128xf32, #tpu.memory_space<hbm>>
      tpu.wait_dma2 semaphore(%arg45 : memref<!tpu.dma_semaphore, #tpu.memory_space<semaphore_mem>>) src(%dma_wait3A_1802 : memref<40x128xf32, #tpu.memory_space<hbm>>) dst(%arg25 : memref<40x128xf32, #tpu.memory_space<vmem>>)
      %add3A_1803 = arith.constant 6 : i32
      %add3A_1804 = arith.addi %add3A_1375, %add3A_1803 : i32
      %add3A_1805 = arith.constant 9 : i32
      %add3A_1806 = arith.addi %add3A_1804, %add3A_1805 : i32
      %dma_start3A_1807 = arith.constant 0 : i32
      %dma_start3A_1808 = arith.constant 0 : i32
      %dma_start3A_1809 = arith.constant 0 : i32
      %dma_start3A_1810 = tpu.memref_slice %arg3[%dma_start3A_1807, %add3A_1806, %dma_start3A_1808, %dma_start3A_1809] : memref<2x8000x1x40xi32, #tpu.memory_space<hbm>> -> memref<1x1x1x40xi32, #tpu.memory_space<hbm>>
      %dma_start3A_1811 = tpu.memref_squeeze %dma_start3A_1810 : memref<1x1x1x40xi32, #tpu.memory_space<hbm>> -> memref<1x40xi32, #tpu.memory_space<hbm>>
      %dma_start3A_1812 = arith.constant 0 : i32
      %dma_start3A_1813 = arith.constant 0 : i32
      %dma_start3A_1814 = tpu.memref_slice %arg3[%dma_start3A_1807, %add3A_1806, %dma_start3A_1812, %dma_start3A_1813] : memref<2x8000x1x40xi32, #tpu.memory_space<hbm>> -> memref<1x1x1x40xi32, #tpu.memory_space<hbm>>
      %dma_start3A_1815 = tpu.memref_squeeze %dma_start3A_1814 : memref<1x1x1x40xi32, #tpu.memory_space<hbm>> -> memref<1x40xi32, #tpu.memory_space<hbm>>
      tpu.enqueue_dma source(%dma_start3A_1815 : memref<1x40xi32, #tpu.memory_space<hbm>>) target(%arg10 : memref<1x40xi32, #tpu.memory_space<vmem>>) target_semaphore(%arg35 : memref<!tpu.dma_semaphore, #tpu.memory_space<semaphore_mem>>)
      %dma_start3A_1816 = arith.constant 1 : i32
      %dma_start3A_1817 = arith.constant 0 : i32
      %dma_start3A_1818 = arith.constant 0 : i32
      %dma_start3A_1819 = tpu.memref_slice %arg3[%dma_start3A_1816, %add3A_1806, %dma_start3A_1817, %dma_start3A_1818] : memref<2x8000x1x40xi32, #tpu.memory_space<hbm>> -> memref<1x1x1x40xi32, #tpu.memory_space<hbm>>
      %dma_start3A_1820 = tpu.memref_squeeze %dma_start3A_1819 : memref<1x1x1x40xi32, #tpu.memory_space<hbm>> -> memref<1x40xi32, #tpu.memory_space<hbm>>
      %dma_start3A_1821 = arith.constant 0 : i32
      %dma_start3A_1822 = arith.constant 0 : i32
      %dma_start3A_1823 = tpu.memref_slice %arg3[%dma_start3A_1816, %add3A_1806, %dma_start3A_1821, %dma_start3A_1822] : memref<2x8000x1x40xi32, #tpu.memory_space<hbm>> -> memref<1x1x1x40xi32, #tpu.memory_space<hbm>>
      %dma_start3A_1824 = tpu.memref_squeeze %dma_start3A_1823 : memref<1x1x1x40xi32, #tpu.memory_space<hbm>> -> memref<1x40xi32, #tpu.memory_space<hbm>>
      tpu.enqueue_dma source(%dma_start3A_1824 : memref<1x40xi32, #tpu.memory_space<hbm>>) target(%arg20 : memref<1x40xi32, #tpu.memory_space<vmem>>) target_semaphore(%arg35 : memref<!tpu.dma_semaphore, #tpu.memory_space<semaphore_mem>>)
      %dma_wait3A_1825 = arith.constant 0 : i32
      %dma_wait3A_1826 = arith.constant 0 : i32
      %dma_wait3A_1827 = arith.constant 0 : i32
      %dma_wait3A_1828 = arith.constant 0 : i32
      %dma_wait3A_1829 = tpu.memref_slice %arg3[%dma_wait3A_1825, %dma_wait3A_1826, %dma_wait3A_1827, %dma_wait3A_1828] : memref<2x8000x1x40xi32, #tpu.memory_space<hbm>> -> memref<1x1x1x40xi32, #tpu.memory_space<hbm>>
      %dma_wait3A_1830 = tpu.memref_squeeze %dma_wait3A_1829 : memref<1x1x1x40xi32, #tpu.memory_space<hbm>> -> memref<1x40xi32, #tpu.memory_space<hbm>>
      %dma_wait3A_1831 = arith.constant 0 : i32
      %dma_wait3A_1832 = arith.constant 0 : i32
      %dma_wait3A_1833 = tpu.memref_slice %arg3[%dma_wait3A_1825, %dma_wait3A_1826, %dma_wait3A_1831, %dma_wait3A_1832] : memref<2x8000x1x40xi32, #tpu.memory_space<hbm>> -> memref<1x1x1x40xi32, #tpu.memory_space<hbm>>
      %dma_wait3A_1834 = tpu.memref_squeeze %dma_wait3A_1833 : memref<1x1x1x40xi32, #tpu.memory_space<hbm>> -> memref<1x40xi32, #tpu.memory_space<hbm>>
      tpu.wait_dma2 semaphore(%arg30 : memref<!tpu.dma_semaphore, #tpu.memory_space<semaphore_mem>>) src(%dma_wait3A_1834 : memref<1x40xi32, #tpu.memory_space<hbm>>) dst(%arg5 : memref<1x40xi32, #tpu.memory_space<vmem>>)
      %dma_wait3A_1835 = arith.constant 1 : i32
      %dma_wait3A_1836 = arith.constant 0 : i32
      %dma_wait3A_1837 = arith.constant 0 : i32
      %dma_wait3A_1838 = arith.constant 0 : i32
      %dma_wait3A_1839 = tpu.memref_slice %arg3[%dma_wait3A_1835, %dma_wait3A_1836, %dma_wait3A_1837, %dma_wait3A_1838] : memref<2x8000x1x40xi32, #tpu.memory_space<hbm>> -> memref<1x1x1x40xi32, #tpu.memory_space<hbm>>
      %dma_wait3A_1840 = tpu.memref_squeeze %dma_wait3A_1839 : memref<1x1x1x40xi32, #tpu.memory_space<hbm>> -> memref<1x40xi32, #tpu.memory_space<hbm>>
      %dma_wait3A_1841 = arith.constant 0 : i32
      %dma_wait3A_1842 = arith.constant 0 : i32
      %dma_wait3A_1843 = tpu.memref_slice %arg3[%dma_wait3A_1835, %dma_wait3A_1836, %dma_wait3A_1841, %dma_wait3A_1842] : memref<2x8000x1x40xi32, #tpu.memory_space<hbm>> -> memref<1x1x1x40xi32, #tpu.memory_space<hbm>>
      %dma_wait3A_1844 = tpu.memref_squeeze %dma_wait3A_1843 : memref<1x1x1x40xi32, #tpu.memory_space<hbm>> -> memref<1x40xi32, #tpu.memory_space<hbm>>
      tpu.wait_dma2 semaphore(%arg30 : memref<!tpu.dma_semaphore, #tpu.memory_space<semaphore_mem>>) src(%dma_wait3A_1844 : memref<1x40xi32, #tpu.memory_space<hbm>>) dst(%arg15 : memref<1x40xi32, #tpu.memory_space<vmem>>)
      %dma_start3A_1845 = arith.constant 0 : i32
      %dma_start3A_1846 = arith.constant 0 : i32
      %dma_start3A_1847 = tpu.memref_slice %arg5[%dma_start3A_1845, %dma_start3A_1846] : memref<1x40xi32, #tpu.memory_space<vmem>> -> memref<1x40xi32, #tpu.memory_space<vmem>>
      %dma_start3A_1848 = tpu.memref_squeeze %dma_start3A_1847 : memref<1x40xi32, #tpu.memory_space<vmem>> -> memref<40xi32, #tpu.memory_space<vmem>>
      %dma_start3A_1849 = arith.constant 0 : i32
      %dma_start3A_1850 = arith.constant 0 : i32
      %dma_start3A_1851 = tpu.memref_slice %arg2[%dma_start3A_1849, %dma_start3A_1850] : memref<10000x128xf32, #tpu.memory_space<hbm>> -> memref<10000x128xf32, #tpu.memory_space<hbm>>
      tpu.enqueue_indirect_dma source(%dma_start3A_1851 : memref<10000x128xf32, #tpu.memory_space<hbm>>) target(%arg25 : memref<40x128xf32, #tpu.memory_space<vmem>>) offsets(%dma_start3A_1848 : memref<40xi32, #tpu.memory_space<vmem>>) semaphore(%arg40 : memref<!tpu.dma_semaphore, #tpu.memory_space<semaphore_mem>>)
      %dma_wait3A_1852 = arith.constant 0 : i32
      %dma_wait3A_1853 = arith.constant 0 : i32
      %dma_wait3A_1854 = tpu.memref_slice %arg2[%dma_wait3A_1852, %dma_wait3A_1853] : memref<10000x128xf32, #tpu.memory_space<hbm>> -> memref<40x128xf32, #tpu.memory_space<hbm>>
      %dma_wait3A_1855 = arith.constant 0 : i32
      %dma_wait3A_1856 = arith.constant 0 : i32
      %dma_wait3A_1857 = tpu.memref_slice %arg2[%dma_wait3A_1855, %dma_wait3A_1856] : memref<10000x128xf32, #tpu.memory_space<hbm>> -> memref<40x128xf32, #tpu.memory_space<hbm>>
      tpu.wait_dma2 semaphore(%arg42 : memref<!tpu.dma_semaphore, #tpu.memory_space<semaphore_mem>>) src(%dma_wait3A_1857 : memref<40x128xf32, #tpu.memory_space<hbm>>) dst(%arg27 : memref<40x128xf32, #tpu.memory_space<vmem>>)
      %dma_start3A_1858 = arith.constant 0 : i32
      %dma_start3A_1859 = arith.constant 0 : i32
      %dma_start3A_1860 = tpu.memref_slice %arg22[%dma_start3A_1858, %dma_start3A_1859] : memref<1x40xi32, #tpu.memory_space<vmem>> -> memref<1x40xi32, #tpu.memory_space<vmem>>
      %dma_start3A_1861 = tpu.memref_squeeze %dma_start3A_1860 : memref<1x40xi32, #tpu.memory_space<vmem>> -> memref<40xi32, #tpu.memory_space<vmem>>
      %dma_start3A_1862 = arith.constant 0 : i32
      %dma_start3A_1863 = arith.constant 0 : i32
      %dma_start3A_1864 = tpu.memref_slice %arg50[%dma_start3A_1862, %dma_start3A_1863] : memref<10000x128xf32, #tpu.memory_space<vmem_shared>> -> memref<10000x128xf32, #tpu.memory_space<vmem_shared>>
      tpu.enqueue_indirect_dma source(%arg27 : memref<40x128xf32, #tpu.memory_space<vmem>>) target(%dma_start3A_1864 : memref<10000x128xf32, #tpu.memory_space<vmem_shared>>) offsets(%dma_start3A_1861 : memref<40xi32, #tpu.memory_space<vmem>>) semaphore(%arg47 : memref<!tpu.dma_semaphore, #tpu.memory_space<semaphore_mem>>) {add = true}
      %dma_wait3A_1865 = arith.constant 0 : i32
      %dma_wait3A_1866 = arith.constant 0 : i32
      %dma_wait3A_1867 = tpu.memref_slice %arg2[%dma_wait3A_1865, %dma_wait3A_1866] : memref<10000x128xf32, #tpu.memory_space<hbm>> -> memref<40x128xf32, #tpu.memory_space<hbm>>
      %dma_wait3A_1868 = arith.constant 0 : i32
      %dma_wait3A_1869 = arith.constant 0 : i32
      %dma_wait3A_1870 = tpu.memref_slice %arg2[%dma_wait3A_1868, %dma_wait3A_1869] : memref<10000x128xf32, #tpu.memory_space<hbm>> -> memref<40x128xf32, #tpu.memory_space<hbm>>
      tpu.wait_dma2 semaphore(%arg46 : memref<!tpu.dma_semaphore, #tpu.memory_space<semaphore_mem>>) src(%dma_wait3A_1870 : memref<40x128xf32, #tpu.memory_space<hbm>>) dst(%arg26 : memref<40x128xf32, #tpu.memory_space<vmem>>)
      %add3A_1871 = arith.constant 7 : i32
      %add3A_1872 = arith.addi %add3A_1375, %add3A_1871 : i32
      %add3A_1873 = arith.constant 9 : i32
      %add3A_1874 = arith.addi %add3A_1872, %add3A_1873 : i32
      %dma_start3A_1875 = arith.constant 0 : i32
      %dma_start3A_1876 = arith.constant 0 : i32
      %dma_start3A_1877 = arith.constant 0 : i32
      %dma_start3A_1878 = tpu.memref_slice %arg3[%dma_start3A_1875, %add3A_1874, %dma_start3A_1876, %dma_start3A_1877] : memref<2x8000x1x40xi32, #tpu.memory_space<hbm>> -> memref<1x1x1x40xi32, #tpu.memory_space<hbm>>
      %dma_start3A_1879 = tpu.memref_squeeze %dma_start3A_1878 : memref<1x1x1x40xi32, #tpu.memory_space<hbm>> -> memref<1x40xi32, #tpu.memory_space<hbm>>
      %dma_start3A_1880 = arith.constant 0 : i32
      %dma_start3A_1881 = arith.constant 0 : i32
      %dma_start3A_1882 = tpu.memref_slice %arg3[%dma_start3A_1875, %add3A_1874, %dma_start3A_1880, %dma_start3A_1881] : memref<2x8000x1x40xi32, #tpu.memory_space<hbm>> -> memref<1x1x1x40xi32, #tpu.memory_space<hbm>>
      %dma_start3A_1883 = tpu.memref_squeeze %dma_start3A_1882 : memref<1x1x1x40xi32, #tpu.memory_space<hbm>> -> memref<1x40xi32, #tpu.memory_space<hbm>>
      tpu.enqueue_dma source(%dma_start3A_1883 : memref<1x40xi32, #tpu.memory_space<hbm>>) target(%arg11 : memref<1x40xi32, #tpu.memory_space<vmem>>) target_semaphore(%arg36 : memref<!tpu.dma_semaphore, #tpu.memory_space<semaphore_mem>>)
      %dma_start3A_1884 = arith.constant 1 : i32
      %dma_start3A_1885 = arith.constant 0 : i32
      %dma_start3A_1886 = arith.constant 0 : i32
      %dma_start3A_1887 = tpu.memref_slice %arg3[%dma_start3A_1884, %add3A_1874, %dma_start3A_1885, %dma_start3A_1886] : memref<2x8000x1x40xi32, #tpu.memory_space<hbm>> -> memref<1x1x1x40xi32, #tpu.memory_space<hbm>>
      %dma_start3A_1888 = tpu.memref_squeeze %dma_start3A_1887 : memref<1x1x1x40xi32, #tpu.memory_space<hbm>> -> memref<1x40xi32, #tpu.memory_space<hbm>>
      %dma_start3A_1889 = arith.constant 0 : i32
      %dma_start3A_1890 = arith.constant 0 : i32
      %dma_start3A_1891 = tpu.memref_slice %arg3[%dma_start3A_1884, %add3A_1874, %dma_start3A_1889, %dma_start3A_1890] : memref<2x8000x1x40xi32, #tpu.memory_space<hbm>> -> memref<1x1x1x40xi32, #tpu.memory_space<hbm>>
      %dma_start3A_1892 = tpu.memref_squeeze %dma_start3A_1891 : memref<1x1x1x40xi32, #tpu.memory_space<hbm>> -> memref<1x40xi32, #tpu.memory_space<hbm>>
      tpu.enqueue_dma source(%dma_start3A_1892 : memref<1x40xi32, #tpu.memory_space<hbm>>) target(%arg21 : memref<1x40xi32, #tpu.memory_space<vmem>>) target_semaphore(%arg36 : memref<!tpu.dma_semaphore, #tpu.memory_space<semaphore_mem>>)
      %dma_wait3A_1893 = arith.constant 0 : i32
      %dma_wait3A_1894 = arith.constant 0 : i32
      %dma_wait3A_1895 = arith.constant 0 : i32
      %dma_wait3A_1896 = arith.constant 0 : i32
      %dma_wait3A_1897 = tpu.memref_slice %arg3[%dma_wait3A_1893, %dma_wait3A_1894, %dma_wait3A_1895, %dma_wait3A_1896] : memref<2x8000x1x40xi32, #tpu.memory_space<hbm>> -> memref<1x1x1x40xi32, #tpu.memory_space<hbm>>
      %dma_wait3A_1898 = tpu.memref_squeeze %dma_wait3A_1897 : memref<1x1x1x40xi32, #tpu.memory_space<hbm>> -> memref<1x40xi32, #tpu.memory_space<hbm>>
      %dma_wait3A_1899 = arith.constant 0 : i32
      %dma_wait3A_1900 = arith.constant 0 : i32
      %dma_wait3A_1901 = tpu.memref_slice %arg3[%dma_wait3A_1893, %dma_wait3A_1894, %dma_wait3A_1899, %dma_wait3A_1900] : memref<2x8000x1x40xi32, #tpu.memory_space<hbm>> -> memref<1x1x1x40xi32, #tpu.memory_space<hbm>>
      %dma_wait3A_1902 = tpu.memref_squeeze %dma_wait3A_1901 : memref<1x1x1x40xi32, #tpu.memory_space<hbm>> -> memref<1x40xi32, #tpu.memory_space<hbm>>
      tpu.wait_dma2 semaphore(%arg31 : memref<!tpu.dma_semaphore, #tpu.memory_space<semaphore_mem>>) src(%dma_wait3A_1902 : memref<1x40xi32, #tpu.memory_space<hbm>>) dst(%arg6 : memref<1x40xi32, #tpu.memory_space<vmem>>)
      %dma_wait3A_1903 = arith.constant 1 : i32
      %dma_wait3A_1904 = arith.constant 0 : i32
      %dma_wait3A_1905 = arith.constant 0 : i32
      %dma_wait3A_1906 = arith.constant 0 : i32
      %dma_wait3A_1907 = tpu.memref_slice %arg3[%dma_wait3A_1903, %dma_wait3A_1904, %dma_wait3A_1905, %dma_wait3A_1906] : memref<2x8000x1x40xi32, #tpu.memory_space<hbm>> -> memref<1x1x1x40xi32, #tpu.memory_space<hbm>>
      %dma_wait3A_1908 = tpu.memref_squeeze %dma_wait3A_1907 : memref<1x1x1x40xi32, #tpu.memory_space<hbm>> -> memref<1x40xi32, #tpu.memory_space<hbm>>
      %dma_wait3A_1909 = arith.constant 0 : i32
      %dma_wait3A_1910 = arith.constant 0 : i32
      %dma_wait3A_1911 = tpu.memref_slice %arg3[%dma_wait3A_1903, %dma_wait3A_1904, %dma_wait3A_1909, %dma_wait3A_1910] : memref<2x8000x1x40xi32, #tpu.memory_space<hbm>> -> memref<1x1x1x40xi32, #tpu.memory_space<hbm>>
      %dma_wait3A_1912 = tpu.memref_squeeze %dma_wait3A_1911 : memref<1x1x1x40xi32, #tpu.memory_space<hbm>> -> memref<1x40xi32, #tpu.memory_space<hbm>>
      tpu.wait_dma2 semaphore(%arg31 : memref<!tpu.dma_semaphore, #tpu.memory_space<semaphore_mem>>) src(%dma_wait3A_1912 : memref<1x40xi32, #tpu.memory_space<hbm>>) dst(%arg16 : memref<1x40xi32, #tpu.memory_space<vmem>>)
      %dma_start3A_1913 = arith.constant 0 : i32
      %dma_start3A_1914 = arith.constant 0 : i32
      %dma_start3A_1915 = tpu.memref_slice %arg6[%dma_start3A_1913, %dma_start3A_1914] : memref<1x40xi32, #tpu.memory_space<vmem>> -> memref<1x40xi32, #tpu.memory_space<vmem>>
      %dma_start3A_1916 = tpu.memref_squeeze %dma_start3A_1915 : memref<1x40xi32, #tpu.memory_space<vmem>> -> memref<40xi32, #tpu.memory_space<vmem>>
      %dma_start3A_1917 = arith.constant 0 : i32
      %dma_start3A_1918 = arith.constant 0 : i32
      %dma_start3A_1919 = tpu.memref_slice %arg2[%dma_start3A_1917, %dma_start3A_1918] : memref<10000x128xf32, #tpu.memory_space<hbm>> -> memref<10000x128xf32, #tpu.memory_space<hbm>>
      tpu.enqueue_indirect_dma source(%dma_start3A_1919 : memref<10000x128xf32, #tpu.memory_space<hbm>>) target(%arg26 : memref<40x128xf32, #tpu.memory_space<vmem>>) offsets(%dma_start3A_1916 : memref<40xi32, #tpu.memory_space<vmem>>) semaphore(%arg41 : memref<!tpu.dma_semaphore, #tpu.memory_space<semaphore_mem>>)
      %dma_wait3A_1920 = arith.constant 0 : i32
      %dma_wait3A_1921 = arith.constant 0 : i32
      %dma_wait3A_1922 = tpu.memref_slice %arg2[%dma_wait3A_1920, %dma_wait3A_1921] : memref<10000x128xf32, #tpu.memory_space<hbm>> -> memref<40x128xf32, #tpu.memory_space<hbm>>
      %dma_wait3A_1923 = arith.constant 0 : i32
      %dma_wait3A_1924 = arith.constant 0 : i32
      %dma_wait3A_1925 = tpu.memref_slice %arg2[%dma_wait3A_1923, %dma_wait3A_1924] : memref<10000x128xf32, #tpu.memory_space<hbm>> -> memref<40x128xf32, #tpu.memory_space<hbm>>
      tpu.wait_dma2 semaphore(%arg43 : memref<!tpu.dma_semaphore, #tpu.memory_space<semaphore_mem>>) src(%dma_wait3A_1925 : memref<40x128xf32, #tpu.memory_space<hbm>>) dst(%arg28 : memref<40x128xf32, #tpu.memory_space<vmem>>)
      %dma_start3A_1926 = arith.constant 0 : i32
      %dma_start3A_1927 = arith.constant 0 : i32
      %dma_start3A_1928 = tpu.memref_slice %arg23[%dma_start3A_1926, %dma_start3A_1927] : memref<1x40xi32, #tpu.memory_space<vmem>> -> memref<1x40xi32, #tpu.memory_space<vmem>>
      %dma_start3A_1929 = tpu.memref_squeeze %dma_start3A_1928 : memref<1x40xi32, #tpu.memory_space<vmem>> -> memref<40xi32, #tpu.memory_space<vmem>>
      %dma_start3A_1930 = arith.constant 0 : i32
      %dma_start3A_1931 = arith.constant 0 : i32
      %dma_start3A_1932 = tpu.memref_slice %arg50[%dma_start3A_1930, %dma_start3A_1931] : memref<10000x128xf32, #tpu.memory_space<vmem_shared>> -> memref<10000x128xf32, #tpu.memory_space<vmem_shared>>
      tpu.enqueue_indirect_dma source(%arg28 : memref<40x128xf32, #tpu.memory_space<vmem>>) target(%dma_start3A_1932 : memref<10000x128xf32, #tpu.memory_space<vmem_shared>>) offsets(%dma_start3A_1929 : memref<40xi32, #tpu.memory_space<vmem>>) semaphore(%arg48 : memref<!tpu.dma_semaphore, #tpu.memory_space<semaphore_mem>>) {add = true}
      %dma_wait3A_1933 = arith.constant 0 : i32
      %dma_wait3A_1934 = arith.constant 0 : i32
      %dma_wait3A_1935 = tpu.memref_slice %arg2[%dma_wait3A_1933, %dma_wait3A_1934] : memref<10000x128xf32, #tpu.memory_space<hbm>> -> memref<40x128xf32, #tpu.memory_space<hbm>>
      %dma_wait3A_1936 = arith.constant 0 : i32
      %dma_wait3A_1937 = arith.constant 0 : i32
      %dma_wait3A_1938 = tpu.memref_slice %arg2[%dma_wait3A_1936, %dma_wait3A_1937] : memref<10000x128xf32, #tpu.memory_space<hbm>> -> memref<40x128xf32, #tpu.memory_space<hbm>>
      tpu.wait_dma2 semaphore(%arg47 : memref<!tpu.dma_semaphore, #tpu.memory_space<semaphore_mem>>) src(%dma_wait3A_1938 : memref<40x128xf32, #tpu.memory_space<hbm>>) dst(%arg27 : memref<40x128xf32, #tpu.memory_space<vmem>>)
      %add3A_1939 = arith.constant 8 : i32
      %add3A_1940 = arith.addi %add3A_1375, %add3A_1939 : i32
      %add3A_1941 = arith.constant 9 : i32
      %add3A_1942 = arith.addi %add3A_1940, %add3A_1941 : i32
      %dma_start3A_1943 = arith.constant 0 : i32
      %dma_start3A_1944 = arith.constant 0 : i32
      %dma_start3A_1945 = arith.constant 0 : i32
      %dma_start3A_1946 = tpu.memref_slice %arg3[%dma_start3A_1943, %add3A_1942, %dma_start3A_1944, %dma_start3A_1945] : memref<2x8000x1x40xi32, #tpu.memory_space<hbm>> -> memref<1x1x1x40xi32, #tpu.memory_space<hbm>>
      %dma_start3A_1947 = tpu.memref_squeeze %dma_start3A_1946 : memref<1x1x1x40xi32, #tpu.memory_space<hbm>> -> memref<1x40xi32, #tpu.memory_space<hbm>>
      %dma_start3A_1948 = arith.constant 0 : i32
      %dma_start3A_1949 = arith.constant 0 : i32
      %dma_start3A_1950 = tpu.memref_slice %arg3[%dma_start3A_1943, %add3A_1942, %dma_start3A_1948, %dma_start3A_1949] : memref<2x8000x1x40xi32, #tpu.memory_space<hbm>> -> memref<1x1x1x40xi32, #tpu.memory_space<hbm>>
      %dma_start3A_1951 = tpu.memref_squeeze %dma_start3A_1950 : memref<1x1x1x40xi32, #tpu.memory_space<hbm>> -> memref<1x40xi32, #tpu.memory_space<hbm>>
      tpu.enqueue_dma source(%dma_start3A_1951 : memref<1x40xi32, #tpu.memory_space<hbm>>) target(%arg12 : memref<1x40xi32, #tpu.memory_space<vmem>>) target_semaphore(%arg37 : memref<!tpu.dma_semaphore, #tpu.memory_space<semaphore_mem>>)
      %dma_start3A_1952 = arith.constant 1 : i32
      %dma_start3A_1953 = arith.constant 0 : i32
      %dma_start3A_1954 = arith.constant 0 : i32
      %dma_start3A_1955 = tpu.memref_slice %arg3[%dma_start3A_1952, %add3A_1942, %dma_start3A_1953, %dma_start3A_1954] : memref<2x8000x1x40xi32, #tpu.memory_space<hbm>> -> memref<1x1x1x40xi32, #tpu.memory_space<hbm>>
      %dma_start3A_1956 = tpu.memref_squeeze %dma_start3A_1955 : memref<1x1x1x40xi32, #tpu.memory_space<hbm>> -> memref<1x40xi32, #tpu.memory_space<hbm>>
      %dma_start3A_1957 = arith.constant 0 : i32
      %dma_start3A_1958 = arith.constant 0 : i32
      %dma_start3A_1959 = tpu.memref_slice %arg3[%dma_start3A_1952, %add3A_1942, %dma_start3A_1957, %dma_start3A_1958] : memref<2x8000x1x40xi32, #tpu.memory_space<hbm>> -> memref<1x1x1x40xi32, #tpu.memory_space<hbm>>
      %dma_start3A_1960 = tpu.memref_squeeze %dma_start3A_1959 : memref<1x1x1x40xi32, #tpu.memory_space<hbm>> -> memref<1x40xi32, #tpu.memory_space<hbm>>
      tpu.enqueue_dma source(%dma_start3A_1960 : memref<1x40xi32, #tpu.memory_space<hbm>>) target(%arg22 : memref<1x40xi32, #tpu.memory_space<vmem>>) target_semaphore(%arg37 : memref<!tpu.dma_semaphore, #tpu.memory_space<semaphore_mem>>)
      %dma_wait3A_1961 = arith.constant 0 : i32
      %dma_wait3A_1962 = arith.constant 0 : i32
      %dma_wait3A_1963 = arith.constant 0 : i32
      %dma_wait3A_1964 = arith.constant 0 : i32
      %dma_wait3A_1965 = tpu.memref_slice %arg3[%dma_wait3A_1961, %dma_wait3A_1962, %dma_wait3A_1963, %dma_wait3A_1964] : memref<2x8000x1x40xi32, #tpu.memory_space<hbm>> -> memref<1x1x1x40xi32, #tpu.memory_space<hbm>>
      %dma_wait3A_1966 = tpu.memref_squeeze %dma_wait3A_1965 : memref<1x1x1x40xi32, #tpu.memory_space<hbm>> -> memref<1x40xi32, #tpu.memory_space<hbm>>
      %dma_wait3A_1967 = arith.constant 0 : i32
      %dma_wait3A_1968 = arith.constant 0 : i32
      %dma_wait3A_1969 = tpu.memref_slice %arg3[%dma_wait3A_1961, %dma_wait3A_1962, %dma_wait3A_1967, %dma_wait3A_1968] : memref<2x8000x1x40xi32, #tpu.memory_space<hbm>> -> memref<1x1x1x40xi32, #tpu.memory_space<hbm>>
      %dma_wait3A_1970 = tpu.memref_squeeze %dma_wait3A_1969 : memref<1x1x1x40xi32, #tpu.memory_space<hbm>> -> memref<1x40xi32, #tpu.memory_space<hbm>>
      tpu.wait_dma2 semaphore(%arg32 : memref<!tpu.dma_semaphore, #tpu.memory_space<semaphore_mem>>) src(%dma_wait3A_1970 : memref<1x40xi32, #tpu.memory_space<hbm>>) dst(%arg7 : memref<1x40xi32, #tpu.memory_space<vmem>>)
      %dma_wait3A_1971 = arith.constant 1 : i32
      %dma_wait3A_1972 = arith.constant 0 : i32
      %dma_wait3A_1973 = arith.constant 0 : i32
      %dma_wait3A_1974 = arith.constant 0 : i32
      %dma_wait3A_1975 = tpu.memref_slice %arg3[%dma_wait3A_1971, %dma_wait3A_1972, %dma_wait3A_1973, %dma_wait3A_1974] : memref<2x8000x1x40xi32, #tpu.memory_space<hbm>> -> memref<1x1x1x40xi32, #tpu.memory_space<hbm>>
      %dma_wait3A_1976 = tpu.memref_squeeze %dma_wait3A_1975 : memref<1x1x1x40xi32, #tpu.memory_space<hbm>> -> memref<1x40xi32, #tpu.memory_space<hbm>>
      %dma_wait3A_1977 = arith.constant 0 : i32
      %dma_wait3A_1978 = arith.constant 0 : i32
      %dma_wait3A_1979 = tpu.memref_slice %arg3[%dma_wait3A_1971, %dma_wait3A_1972, %dma_wait3A_1977, %dma_wait3A_1978] : memref<2x8000x1x40xi32, #tpu.memory_space<hbm>> -> memref<1x1x1x40xi32, #tpu.memory_space<hbm>>
      %dma_wait3A_1980 = tpu.memref_squeeze %dma_wait3A_1979 : memref<1x1x1x40xi32, #tpu.memory_space<hbm>> -> memref<1x40xi32, #tpu.memory_space<hbm>>
      tpu.wait_dma2 semaphore(%arg32 : memref<!tpu.dma_semaphore, #tpu.memory_space<semaphore_mem>>) src(%dma_wait3A_1980 : memref<1x40xi32, #tpu.memory_space<hbm>>) dst(%arg17 : memref<1x40xi32, #tpu.memory_space<vmem>>)
      %dma_start3A_1981 = arith.constant 0 : i32
      %dma_start3A_1982 = arith.constant 0 : i32
      %dma_start3A_1983 = tpu.memref_slice %arg7[%dma_start3A_1981, %dma_start3A_1982] : memref<1x40xi32, #tpu.memory_space<vmem>> -> memref<1x40xi32, #tpu.memory_space<vmem>>
      %dma_start3A_1984 = tpu.memref_squeeze %dma_start3A_1983 : memref<1x40xi32, #tpu.memory_space<vmem>> -> memref<40xi32, #tpu.memory_space<vmem>>
      %dma_start3A_1985 = arith.constant 0 : i32
      %dma_start3A_1986 = arith.constant 0 : i32
      %dma_start3A_1987 = tpu.memref_slice %arg2[%dma_start3A_1985, %dma_start3A_1986] : memref<10000x128xf32, #tpu.memory_space<hbm>> -> memref<10000x128xf32, #tpu.memory_space<hbm>>
      tpu.enqueue_indirect_dma source(%dma_start3A_1987 : memref<10000x128xf32, #tpu.memory_space<hbm>>) target(%arg27 : memref<40x128xf32, #tpu.memory_space<vmem>>) offsets(%dma_start3A_1984 : memref<40xi32, #tpu.memory_space<vmem>>) semaphore(%arg42 : memref<!tpu.dma_semaphore, #tpu.memory_space<semaphore_mem>>)
      %dma_wait3A_1988 = arith.constant 0 : i32
      %dma_wait3A_1989 = arith.constant 0 : i32
      %dma_wait3A_1990 = tpu.memref_slice %arg2[%dma_wait3A_1988, %dma_wait3A_1989] : memref<10000x128xf32, #tpu.memory_space<hbm>> -> memref<40x128xf32, #tpu.memory_space<hbm>>
      %dma_wait3A_1991 = arith.constant 0 : i32
      %dma_wait3A_1992 = arith.constant 0 : i32
      %dma_wait3A_1993 = tpu.memref_slice %arg2[%dma_wait3A_1991, %dma_wait3A_1992] : memref<10000x128xf32, #tpu.memory_space<hbm>> -> memref<40x128xf32, #tpu.memory_space<hbm>>
      tpu.wait_dma2 semaphore(%arg44 : memref<!tpu.dma_semaphore, #tpu.memory_space<semaphore_mem>>) src(%dma_wait3A_1993 : memref<40x128xf32, #tpu.memory_space<hbm>>) dst(%arg29 : memref<40x128xf32, #tpu.memory_space<vmem>>)
      %dma_start3A_1994 = arith.constant 0 : i32
      %dma_start3A_1995 = arith.constant 0 : i32
      %dma_start3A_1996 = tpu.memref_slice %arg24[%dma_start3A_1994, %dma_start3A_1995] : memref<1x40xi32, #tpu.memory_space<vmem>> -> memref<1x40xi32, #tpu.memory_space<vmem>>
      %dma_start3A_1997 = tpu.memref_squeeze %dma_start3A_1996 : memref<1x40xi32, #tpu.memory_space<vmem>> -> memref<40xi32, #tpu.memory_space<vmem>>
      %dma_start3A_1998 = arith.constant 0 : i32
      %dma_start3A_1999 = arith.constant 0 : i32
      %dma_start3A_2000 = tpu.memref_slice %arg50[%dma_start3A_1998, %dma_start3A_1999] : memref<10000x128xf32, #tpu.memory_space<vmem_shared>> -> memref<10000x128xf32, #tpu.memory_space<vmem_shared>>
      tpu.enqueue_indirect_dma source(%arg29 : memref<40x128xf32, #tpu.memory_space<vmem>>) target(%dma_start3A_2000 : memref<10000x128xf32, #tpu.memory_space<vmem_shared>>) offsets(%dma_start3A_1997 : memref<40xi32, #tpu.memory_space<vmem>>) semaphore(%arg49 : memref<!tpu.dma_semaphore, #tpu.memory_space<semaphore_mem>>) {add = true}
      %dma_wait3A_2001 = arith.constant 0 : i32
      %dma_wait3A_2002 = arith.constant 0 : i32
      %dma_wait3A_2003 = tpu.memref_slice %arg2[%dma_wait3A_2001, %dma_wait3A_2002] : memref<10000x128xf32, #tpu.memory_space<hbm>> -> memref<40x128xf32, #tpu.memory_space<hbm>>
      %dma_wait3A_2004 = arith.constant 0 : i32
      %dma_wait3A_2005 = arith.constant 0 : i32
      %dma_wait3A_2006 = tpu.memref_slice %arg2[%dma_wait3A_2004, %dma_wait3A_2005] : memref<10000x128xf32, #tpu.memory_space<hbm>> -> memref<40x128xf32, #tpu.memory_space<hbm>>
      tpu.wait_dma2 semaphore(%arg48 : memref<!tpu.dma_semaphore, #tpu.memory_space<semaphore_mem>>) src(%dma_wait3A_2006 : memref<40x128xf32, #tpu.memory_space<hbm>>) dst(%arg28 : memref<40x128xf32, #tpu.memory_space<vmem>>)
      %add3A_2007 = arith.constant 9 : i32
      %add3A_2008 = arith.addi %add3A_1375, %add3A_2007 : i32
      %add3A_2009 = arith.constant 9 : i32
      %add3A_2010 = arith.addi %add3A_2008, %add3A_2009 : i32
      %dma_start3A_2011 = arith.constant 0 : i32
      %dma_start3A_2012 = arith.constant 0 : i32
      %dma_start3A_2013 = arith.constant 0 : i32
      %dma_start3A_2014 = tpu.memref_slice %arg3[%dma_start3A_2011, %add3A_2010, %dma_start3A_2012, %dma_start3A_2013] : memref<2x8000x1x40xi32, #tpu.memory_space<hbm>> -> memref<1x1x1x40xi32, #tpu.memory_space<hbm>>
      %dma_start3A_2015 = tpu.memref_squeeze %dma_start3A_2014 : memref<1x1x1x40xi32, #tpu.memory_space<hbm>> -> memref<1x40xi32, #tpu.memory_space<hbm>>
      %dma_start3A_2016 = arith.constant 0 : i32
      %dma_start3A_2017 = arith.constant 0 : i32
      %dma_start3A_2018 = tpu.memref_slice %arg3[%dma_start3A_2011, %add3A_2010, %dma_start3A_2016, %dma_start3A_2017] : memref<2x8000x1x40xi32, #tpu.memory_space<hbm>> -> memref<1x1x1x40xi32, #tpu.memory_space<hbm>>
      %dma_start3A_2019 = tpu.memref_squeeze %dma_start3A_2018 : memref<1x1x1x40xi32, #tpu.memory_space<hbm>> -> memref<1x40xi32, #tpu.memory_space<hbm>>
      tpu.enqueue_dma source(%dma_start3A_2019 : memref<1x40xi32, #tpu.memory_space<hbm>>) target(%arg13 : memref<1x40xi32, #tpu.memory_space<vmem>>) target_semaphore(%arg38 : memref<!tpu.dma_semaphore, #tpu.memory_space<semaphore_mem>>)
      %dma_start3A_2020 = arith.constant 1 : i32
      %dma_start3A_2021 = arith.constant 0 : i32
      %dma_start3A_2022 = arith.constant 0 : i32
      %dma_start3A_2023 = tpu.memref_slice %arg3[%dma_start3A_2020, %add3A_2010, %dma_start3A_2021, %dma_start3A_2022] : memref<2x8000x1x40xi32, #tpu.memory_space<hbm>> -> memref<1x1x1x40xi32, #tpu.memory_space<hbm>>
      %dma_start3A_2024 = tpu.memref_squeeze %dma_start3A_2023 : memref<1x1x1x40xi32, #tpu.memory_space<hbm>> -> memref<1x40xi32, #tpu.memory_space<hbm>>
      %dma_start3A_2025 = arith.constant 0 : i32
      %dma_start3A_2026 = arith.constant 0 : i32
      %dma_start3A_2027 = tpu.memref_slice %arg3[%dma_start3A_2020, %add3A_2010, %dma_start3A_2025, %dma_start3A_2026] : memref<2x8000x1x40xi32, #tpu.memory_space<hbm>> -> memref<1x1x1x40xi32, #tpu.memory_space<hbm>>
      %dma_start3A_2028 = tpu.memref_squeeze %dma_start3A_2027 : memref<1x1x1x40xi32, #tpu.memory_space<hbm>> -> memref<1x40xi32, #tpu.memory_space<hbm>>
      tpu.enqueue_dma source(%dma_start3A_2028 : memref<1x40xi32, #tpu.memory_space<hbm>>) target(%arg23 : memref<1x40xi32, #tpu.memory_space<vmem>>) target_semaphore(%arg38 : memref<!tpu.dma_semaphore, #tpu.memory_space<semaphore_mem>>)
      %dma_wait3A_2029 = arith.constant 0 : i32
      %dma_wait3A_2030 = arith.constant 0 : i32
      %dma_wait3A_2031 = arith.constant 0 : i32
      %dma_wait3A_2032 = arith.constant 0 : i32
      %dma_wait3A_2033 = tpu.memref_slice %arg3[%dma_wait3A_2029, %dma_wait3A_2030, %dma_wait3A_2031, %dma_wait3A_2032] : memref<2x8000x1x40xi32, #tpu.memory_space<hbm>> -> memref<1x1x1x40xi32, #tpu.memory_space<hbm>>
      %dma_wait3A_2034 = tpu.memref_squeeze %dma_wait3A_2033 : memref<1x1x1x40xi32, #tpu.memory_space<hbm>> -> memref<1x40xi32, #tpu.memory_space<hbm>>
      %dma_wait3A_2035 = arith.constant 0 : i32
      %dma_wait3A_2036 = arith.constant 0 : i32
      %dma_wait3A_2037 = tpu.memref_slice %arg3[%dma_wait3A_2029, %dma_wait3A_2030, %dma_wait3A_2035, %dma_wait3A_2036] : memref<2x8000x1x40xi32, #tpu.memory_space<hbm>> -> memref<1x1x1x40xi32, #tpu.memory_space<hbm>>
      %dma_wait3A_2038 = tpu.memref_squeeze %dma_wait3A_2037 : memref<1x1x1x40xi32, #tpu.memory_space<hbm>> -> memref<1x40xi32, #tpu.memory_space<hbm>>
      tpu.wait_dma2 semaphore(%arg33 : memref<!tpu.dma_semaphore, #tpu.memory_space<semaphore_mem>>) src(%dma_wait3A_2038 : memref<1x40xi32, #tpu.memory_space<hbm>>) dst(%arg8 : memref<1x40xi32, #tpu.memory_space<vmem>>)
      %dma_wait3A_2039 = arith.constant 1 : i32
      %dma_wait3A_2040 = arith.constant 0 : i32
      %dma_wait3A_2041 = arith.constant 0 : i32
      %dma_wait3A_2042 = arith.constant 0 : i32
      %dma_wait3A_2043 = tpu.memref_slice %arg3[%dma_wait3A_2039, %dma_wait3A_2040, %dma_wait3A_2041, %dma_wait3A_2042] : memref<2x8000x1x40xi32, #tpu.memory_space<hbm>> -> memref<1x1x1x40xi32, #tpu.memory_space<hbm>>
      %dma_wait3A_2044 = tpu.memref_squeeze %dma_wait3A_2043 : memref<1x1x1x40xi32, #tpu.memory_space<hbm>> -> memref<1x40xi32, #tpu.memory_space<hbm>>
      %dma_wait3A_2045 = arith.constant 0 : i32
      %dma_wait3A_2046 = arith.constant 0 : i32
      %dma_wait3A_2047 = tpu.memref_slice %arg3[%dma_wait3A_2039, %dma_wait3A_2040, %dma_wait3A_2045, %dma_wait3A_2046] : memref<2x8000x1x40xi32, #tpu.memory_space<hbm>> -> memref<1x1x1x40xi32, #tpu.memory_space<hbm>>
      %dma_wait3A_2048 = tpu.memref_squeeze %dma_wait3A_2047 : memref<1x1x1x40xi32, #tpu.memory_space<hbm>> -> memref<1x40xi32, #tpu.memory_space<hbm>>
      tpu.wait_dma2 semaphore(%arg33 : memref<!tpu.dma_semaphore, #tpu.memory_space<semaphore_mem>>) src(%dma_wait3A_2048 : memref<1x40xi32, #tpu.memory_space<hbm>>) dst(%arg18 : memref<1x40xi32, #tpu.memory_space<vmem>>)
      %dma_start3A_2049 = arith.constant 0 : i32
      %dma_start3A_2050 = arith.constant 0 : i32
      %dma_start3A_2051 = tpu.memref_slice %arg8[%dma_start3A_2049, %dma_start3A_2050] : memref<1x40xi32, #tpu.memory_space<vmem>> -> memref<1x40xi32, #tpu.memory_space<vmem>>
      %dma_start3A_2052 = tpu.memref_squeeze %dma_start3A_2051 : memref<1x40xi32, #tpu.memory_space<vmem>> -> memref<40xi32, #tpu.memory_space<vmem>>
      %dma_start3A_2053 = arith.constant 0 : i32
      %dma_start3A_2054 = arith.constant 0 : i32
      %dma_start3A_2055 = tpu.memref_slice %arg2[%dma_start3A_2053, %dma_start3A_2054] : memref<10000x128xf32, #tpu.memory_space<hbm>> -> memref<10000x128xf32, #tpu.memory_space<hbm>>
      tpu.enqueue_indirect_dma source(%dma_start3A_2055 : memref<10000x128xf32, #tpu.memory_space<hbm>>) target(%arg28 : memref<40x128xf32, #tpu.memory_space<vmem>>) offsets(%dma_start3A_2052 : memref<40xi32, #tpu.memory_space<vmem>>) semaphore(%arg43 : memref<!tpu.dma_semaphore, #tpu.memory_space<semaphore_mem>>)
    }
    %scan3A_978 = arith.constant 23 : i32
    %add3A_979 = arith.constant 240 : i32
    %add3A_980 = arith.addi %mul3A_2, %add3A_979 : i32
    %dma_wait3A_981 = arith.constant 0 : i32
    %dma_wait3A_982 = arith.constant 0 : i32
    %dma_wait3A_983 = tpu.memref_slice %arg2[%dma_wait3A_981, %dma_wait3A_982] : memref<10000x128xf32, #tpu.memory_space<hbm>> -> memref<40x128xf32, #tpu.memory_space<hbm>>
    %dma_wait3A_984 = arith.constant 0 : i32
    %dma_wait3A_985 = arith.constant 0 : i32
    %dma_wait3A_986 = tpu.memref_slice %arg2[%dma_wait3A_984, %dma_wait3A_985] : memref<10000x128xf32, #tpu.memory_space<hbm>> -> memref<40x128xf32, #tpu.memory_space<hbm>>
    tpu.wait_dma2 semaphore(%arg40 : memref<!tpu.dma_semaphore, #tpu.memory_space<semaphore_mem>>) src(%dma_wait3A_986 : memref<40x128xf32, #tpu.memory_space<hbm>>) dst(%arg25 : memref<40x128xf32, #tpu.memory_space<vmem>>)
    %dma_start3A_987 = arith.constant 0 : i32
    %dma_start3A_988 = arith.constant 0 : i32
    %dma_start3A_989 = tpu.memref_slice %arg15[%dma_start3A_987, %dma_start3A_988] : memref<1x40xi32, #tpu.memory_space<vmem>> -> memref<1x40xi32, #tpu.memory_space<vmem>>
    %dma_start3A_990 = tpu.memref_squeeze %dma_start3A_989 : memref<1x40xi32, #tpu.memory_space<vmem>> -> memref<40xi32, #tpu.memory_space<vmem>>
    %dma_start3A_991 = arith.constant 0 : i32
    %dma_start3A_992 = arith.constant 0 : i32
    %dma_start3A_993 = tpu.memref_slice %arg50[%dma_start3A_991, %dma_start3A_992] : memref<10000x128xf32, #tpu.memory_space<vmem_shared>> -> memref<10000x128xf32, #tpu.memory_space<vmem_shared>>
    tpu.enqueue_indirect_dma source(%arg25 : memref<40x128xf32, #tpu.memory_space<vmem>>) target(%dma_start3A_993 : memref<10000x128xf32, #tpu.memory_space<vmem_shared>>) offsets(%dma_start3A_990 : memref<40xi32, #tpu.memory_space<vmem>>) semaphore(%arg45 : memref<!tpu.dma_semaphore, #tpu.memory_space<semaphore_mem>>) {add = true}
    %dma_wait3A_994 = arith.constant 0 : i32
    %dma_wait3A_995 = arith.constant 0 : i32
    %dma_wait3A_996 = tpu.memref_slice %arg2[%dma_wait3A_994, %dma_wait3A_995] : memref<10000x128xf32, #tpu.memory_space<hbm>> -> memref<40x128xf32, #tpu.memory_space<hbm>>
    %dma_wait3A_997 = arith.constant 0 : i32
    %dma_wait3A_998 = arith.constant 0 : i32
    %dma_wait3A_999 = tpu.memref_slice %arg2[%dma_wait3A_997, %dma_wait3A_998] : memref<10000x128xf32, #tpu.memory_space<hbm>> -> memref<40x128xf32, #tpu.memory_space<hbm>>
    tpu.wait_dma2 semaphore(%arg49 : memref<!tpu.dma_semaphore, #tpu.memory_space<semaphore_mem>>) src(%dma_wait3A_999 : memref<40x128xf32, #tpu.memory_space<hbm>>) dst(%arg29 : memref<40x128xf32, #tpu.memory_space<vmem>>)
    %add3A_1000 = arith.constant 0 : i32
    %add3A_1001 = arith.addi %add3A_980, %add3A_1000 : i32
    %add3A_1002 = arith.constant 9 : i32
    %add3A_1003 = arith.addi %add3A_1001, %add3A_1002 : i32
    %dma_start3A_1004 = arith.constant 0 : i32
    %dma_start3A_1005 = arith.constant 0 : i32
    %dma_start3A_1006 = arith.constant 0 : i32
    %dma_start3A_1007 = tpu.memref_slice %arg3[%dma_start3A_1004, %add3A_1003, %dma_start3A_1005, %dma_start3A_1006] : memref<2x8000x1x40xi32, #tpu.memory_space<hbm>> -> memref<1x1x1x40xi32, #tpu.memory_space<hbm>>
    %dma_start3A_1008 = tpu.memref_squeeze %dma_start3A_1007 : memref<1x1x1x40xi32, #tpu.memory_space<hbm>> -> memref<1x40xi32, #tpu.memory_space<hbm>>
    %dma_start3A_1009 = arith.constant 0 : i32
    %dma_start3A_1010 = arith.constant 0 : i32
    %dma_start3A_1011 = tpu.memref_slice %arg3[%dma_start3A_1004, %add3A_1003, %dma_start3A_1009, %dma_start3A_1010] : memref<2x8000x1x40xi32, #tpu.memory_space<hbm>> -> memref<1x1x1x40xi32, #tpu.memory_space<hbm>>
    %dma_start3A_1012 = tpu.memref_squeeze %dma_start3A_1011 : memref<1x1x1x40xi32, #tpu.memory_space<hbm>> -> memref<1x40xi32, #tpu.memory_space<hbm>>
    tpu.enqueue_dma source(%dma_start3A_1012 : memref<1x40xi32, #tpu.memory_space<hbm>>) target(%arg14 : memref<1x40xi32, #tpu.memory_space<vmem>>) target_semaphore(%arg39 : memref<!tpu.dma_semaphore, #tpu.memory_space<semaphore_mem>>)
    %dma_start3A_1013 = arith.constant 1 : i32
    %dma_start3A_1014 = arith.constant 0 : i32
    %dma_start3A_1015 = arith.constant 0 : i32
    %dma_start3A_1016 = tpu.memref_slice %arg3[%dma_start3A_1013, %add3A_1003, %dma_start3A_1014, %dma_start3A_1015] : memref<2x8000x1x40xi32, #tpu.memory_space<hbm>> -> memref<1x1x1x40xi32, #tpu.memory_space<hbm>>
    %dma_start3A_1017 = tpu.memref_squeeze %dma_start3A_1016 : memref<1x1x1x40xi32, #tpu.memory_space<hbm>> -> memref<1x40xi32, #tpu.memory_space<hbm>>
    %dma_start3A_1018 = arith.constant 0 : i32
    %dma_start3A_1019 = arith.constant 0 : i32
    %dma_start3A_1020 = tpu.memref_slice %arg3[%dma_start3A_1013, %add3A_1003, %dma_start3A_1018, %dma_start3A_1019] : memref<2x8000x1x40xi32, #tpu.memory_space<hbm>> -> memref<1x1x1x40xi32, #tpu.memory_space<hbm>>
    %dma_start3A_1021 = tpu.memref_squeeze %dma_start3A_1020 : memref<1x1x1x40xi32, #tpu.memory_space<hbm>> -> memref<1x40xi32, #tpu.memory_space<hbm>>
    tpu.enqueue_dma source(%dma_start3A_1021 : memref<1x40xi32, #tpu.memory_space<hbm>>) target(%arg24 : memref<1x40xi32, #tpu.memory_space<vmem>>) target_semaphore(%arg39 : memref<!tpu.dma_semaphore, #tpu.memory_space<semaphore_mem>>)
    %dma_wait3A_1022 = arith.constant 0 : i32
    %dma_wait3A_1023 = arith.constant 0 : i32
    %dma_wait3A_1024 = arith.constant 0 : i32
    %dma_wait3A_1025 = arith.constant 0 : i32
    %dma_wait3A_1026 = tpu.memref_slice %arg3[%dma_wait3A_1022, %dma_wait3A_1023, %dma_wait3A_1024, %dma_wait3A_1025] : memref<2x8000x1x40xi32, #tpu.memory_space<hbm>> -> memref<1x1x1x40xi32, #tpu.memory_space<hbm>>
    %dma_wait3A_1027 = tpu.memref_squeeze %dma_wait3A_1026 : memref<1x1x1x40xi32, #tpu.memory_space<hbm>> -> memref<1x40xi32, #tpu.memory_space<hbm>>
    %dma_wait3A_1028 = arith.constant 0 : i32
    %dma_wait3A_1029 = arith.constant 0 : i32
    %dma_wait3A_1030 = tpu.memref_slice %arg3[%dma_wait3A_1022, %dma_wait3A_1023, %dma_wait3A_1028, %dma_wait3A_1029] : memref<2x8000x1x40xi32, #tpu.memory_space<hbm>> -> memref<1x1x1x40xi32, #tpu.memory_space<hbm>>
    %dma_wait3A_1031 = tpu.memref_squeeze %dma_wait3A_1030 : memref<1x1x1x40xi32, #tpu.memory_space<hbm>> -> memref<1x40xi32, #tpu.memory_space<hbm>>
    tpu.wait_dma2 semaphore(%arg34 : memref<!tpu.dma_semaphore, #tpu.memory_space<semaphore_mem>>) src(%dma_wait3A_1031 : memref<1x40xi32, #tpu.memory_space<hbm>>) dst(%arg9 : memref<1x40xi32, #tpu.memory_space<vmem>>)
    %dma_wait3A_1032 = arith.constant 1 : i32
    %dma_wait3A_1033 = arith.constant 0 : i32
    %dma_wait3A_1034 = arith.constant 0 : i32
    %dma_wait3A_1035 = arith.constant 0 : i32
    %dma_wait3A_1036 = tpu.memref_slice %arg3[%dma_wait3A_1032, %dma_wait3A_1033, %dma_wait3A_1034, %dma_wait3A_1035] : memref<2x8000x1x40xi32, #tpu.memory_space<hbm>> -> memref<1x1x1x40xi32, #tpu.memory_space<hbm>>
    %dma_wait3A_1037 = tpu.memref_squeeze %dma_wait3A_1036 : memref<1x1x1x40xi32, #tpu.memory_space<hbm>> -> memref<1x40xi32, #tpu.memory_space<hbm>>
    %dma_wait3A_1038 = arith.constant 0 : i32
    %dma_wait3A_1039 = arith.constant 0 : i32
    %dma_wait3A_1040 = tpu.memref_slice %arg3[%dma_wait3A_1032, %dma_wait3A_1033, %dma_wait3A_1038, %dma_wait3A_1039] : memref<2x8000x1x40xi32, #tpu.memory_space<hbm>> -> memref<1x1x1x40xi32, #tpu.memory_space<hbm>>
    %dma_wait3A_1041 = tpu.memref_squeeze %dma_wait3A_1040 : memref<1x1x1x40xi32, #tpu.memory_space<hbm>> -> memref<1x40xi32, #tpu.memory_space<hbm>>
    tpu.wait_dma2 semaphore(%arg34 : memref<!tpu.dma_semaphore, #tpu.memory_space<semaphore_mem>>) src(%dma_wait3A_1041 : memref<1x40xi32, #tpu.memory_space<hbm>>) dst(%arg19 : memref<1x40xi32, #tpu.memory_space<vmem>>)
    %dma_start3A_1042 = arith.constant 0 : i32
    %dma_start3A_1043 = arith.constant 0 : i32
    %dma_start3A_1044 = tpu.memref_slice %arg9[%dma_start3A_1042, %dma_start3A_1043] : memref<1x40xi32, #tpu.memory_space<vmem>> -> memref<1x40xi32, #tpu.memory_space<vmem>>
    %dma_start3A_1045 = tpu.memref_squeeze %dma_start3A_1044 : memref<1x40xi32, #tpu.memory_space<vmem>> -> memref<40xi32, #tpu.memory_space<vmem>>
    %dma_start3A_1046 = arith.constant 0 : i32
    %dma_start3A_1047 = arith.constant 0 : i32
    %dma_start3A_1048 = tpu.memref_slice %arg2[%dma_start3A_1046, %dma_start3A_1047] : memref<10000x128xf32, #tpu.memory_space<hbm>> -> memref<10000x128xf32, #tpu.memory_space<hbm>>
    tpu.enqueue_indirect_dma source(%dma_start3A_1048 : memref<10000x128xf32, #tpu.memory_space<hbm>>) target(%arg29 : memref<40x128xf32, #tpu.memory_space<vmem>>) offsets(%dma_start3A_1045 : memref<40xi32, #tpu.memory_space<vmem>>) semaphore(%arg44 : memref<!tpu.dma_semaphore, #tpu.memory_space<semaphore_mem>>)
    %dma_wait3A_1049 = arith.constant 0 : i32
    %dma_wait3A_1050 = arith.constant 0 : i32
    %dma_wait3A_1051 = tpu.memref_slice %arg2[%dma_wait3A_1049, %dma_wait3A_1050] : memref<10000x128xf32, #tpu.memory_space<hbm>> -> memref<40x128xf32, #tpu.memory_space<hbm>>
    %dma_wait3A_1052 = arith.constant 0 : i32
    %dma_wait3A_1053 = arith.constant 0 : i32
    %dma_wait3A_1054 = tpu.memref_slice %arg2[%dma_wait3A_1052, %dma_wait3A_1053] : memref<10000x128xf32, #tpu.memory_space<hbm>> -> memref<40x128xf32, #tpu.memory_space<hbm>>
    tpu.wait_dma2 semaphore(%arg41 : memref<!tpu.dma_semaphore, #tpu.memory_space<semaphore_mem>>) src(%dma_wait3A_1054 : memref<40x128xf32, #tpu.memory_space<hbm>>) dst(%arg26 : memref<40x128xf32, #tpu.memory_space<vmem>>)
    %dma_start3A_1055 = arith.constant 0 : i32
    %dma_start3A_1056 = arith.constant 0 : i32
    %dma_start3A_1057 = tpu.memref_slice %arg16[%dma_start3A_1055, %dma_start3A_1056] : memref<1x40xi32, #tpu.memory_space<vmem>> -> memref<1x40xi32, #tpu.memory_space<vmem>>
    %dma_start3A_1058 = tpu.memref_squeeze %dma_start3A_1057 : memref<1x40xi32, #tpu.memory_space<vmem>> -> memref<40xi32, #tpu.memory_space<vmem>>
    %dma_start3A_1059 = arith.constant 0 : i32
    %dma_start3A_1060 = arith.constant 0 : i32
    %dma_start3A_1061 = tpu.memref_slice %arg50[%dma_start3A_1059, %dma_start3A_1060] : memref<10000x128xf32, #tpu.memory_space<vmem_shared>> -> memref<10000x128xf32, #tpu.memory_space<vmem_shared>>
    tpu.enqueue_indirect_dma source(%arg26 : memref<40x128xf32, #tpu.memory_space<vmem>>) target(%dma_start3A_1061 : memref<10000x128xf32, #tpu.memory_space<vmem_shared>>) offsets(%dma_start3A_1058 : memref<40xi32, #tpu.memory_space<vmem>>) semaphore(%arg46 : memref<!tpu.dma_semaphore, #tpu.memory_space<semaphore_mem>>) {add = true}
    %dma_wait3A_1062 = arith.constant 0 : i32
    %dma_wait3A_1063 = arith.constant 0 : i32
    %dma_wait3A_1064 = tpu.memref_slice %arg2[%dma_wait3A_1062, %dma_wait3A_1063] : memref<10000x128xf32, #tpu.memory_space<hbm>> -> memref<40x128xf32, #tpu.memory_space<hbm>>
    %dma_wait3A_1065 = arith.constant 0 : i32
    %dma_wait3A_1066 = arith.constant 0 : i32
    %dma_wait3A_1067 = tpu.memref_slice %arg2[%dma_wait3A_1065, %dma_wait3A_1066] : memref<10000x128xf32, #tpu.memory_space<hbm>> -> memref<40x128xf32, #tpu.memory_space<hbm>>
    tpu.wait_dma2 semaphore(%arg45 : memref<!tpu.dma_semaphore, #tpu.memory_space<semaphore_mem>>) src(%dma_wait3A_1067 : memref<40x128xf32, #tpu.memory_space<hbm>>) dst(%arg25 : memref<40x128xf32, #tpu.memory_space<vmem>>)
    %dma_wait3A_1068 = arith.constant 0 : i32
    %dma_wait3A_1069 = arith.constant 0 : i32
    %dma_wait3A_1070 = arith.constant 0 : i32
    %dma_wait3A_1071 = arith.constant 0 : i32
    %dma_wait3A_1072 = tpu.memref_slice %arg3[%dma_wait3A_1068, %dma_wait3A_1069, %dma_wait3A_1070, %dma_wait3A_1071] : memref<2x8000x1x40xi32, #tpu.memory_space<hbm>> -> memref<1x1x1x40xi32, #tpu.memory_space<hbm>>
    %dma_wait3A_1073 = tpu.memref_squeeze %dma_wait3A_1072 : memref<1x1x1x40xi32, #tpu.memory_space<hbm>> -> memref<1x40xi32, #tpu.memory_space<hbm>>
    %dma_wait3A_1074 = arith.constant 0 : i32
    %dma_wait3A_1075 = arith.constant 0 : i32
    %dma_wait3A_1076 = tpu.memref_slice %arg3[%dma_wait3A_1068, %dma_wait3A_1069, %dma_wait3A_1074, %dma_wait3A_1075] : memref<2x8000x1x40xi32, #tpu.memory_space<hbm>> -> memref<1x1x1x40xi32, #tpu.memory_space<hbm>>
    %dma_wait3A_1077 = tpu.memref_squeeze %dma_wait3A_1076 : memref<1x1x1x40xi32, #tpu.memory_space<hbm>> -> memref<1x40xi32, #tpu.memory_space<hbm>>
    tpu.wait_dma2 semaphore(%arg35 : memref<!tpu.dma_semaphore, #tpu.memory_space<semaphore_mem>>) src(%dma_wait3A_1077 : memref<1x40xi32, #tpu.memory_space<hbm>>) dst(%arg10 : memref<1x40xi32, #tpu.memory_space<vmem>>)
    %dma_wait3A_1078 = arith.constant 1 : i32
    %dma_wait3A_1079 = arith.constant 0 : i32
    %dma_wait3A_1080 = arith.constant 0 : i32
    %dma_wait3A_1081 = arith.constant 0 : i32
    %dma_wait3A_1082 = tpu.memref_slice %arg3[%dma_wait3A_1078, %dma_wait3A_1079, %dma_wait3A_1080, %dma_wait3A_1081] : memref<2x8000x1x40xi32, #tpu.memory_space<hbm>> -> memref<1x1x1x40xi32, #tpu.memory_space<hbm>>
    %dma_wait3A_1083 = tpu.memref_squeeze %dma_wait3A_1082 : memref<1x1x1x40xi32, #tpu.memory_space<hbm>> -> memref<1x40xi32, #tpu.memory_space<hbm>>
    %dma_wait3A_1084 = arith.constant 0 : i32
    %dma_wait3A_1085 = arith.constant 0 : i32
    %dma_wait3A_1086 = tpu.memref_slice %arg3[%dma_wait3A_1078, %dma_wait3A_1079, %dma_wait3A_1084, %dma_wait3A_1085] : memref<2x8000x1x40xi32, #tpu.memory_space<hbm>> -> memref<1x1x1x40xi32, #tpu.memory_space<hbm>>
    %dma_wait3A_1087 = tpu.memref_squeeze %dma_wait3A_1086 : memref<1x1x1x40xi32, #tpu.memory_space<hbm>> -> memref<1x40xi32, #tpu.memory_space<hbm>>
    tpu.wait_dma2 semaphore(%arg35 : memref<!tpu.dma_semaphore, #tpu.memory_space<semaphore_mem>>) src(%dma_wait3A_1087 : memref<1x40xi32, #tpu.memory_space<hbm>>) dst(%arg20 : memref<1x40xi32, #tpu.memory_space<vmem>>)
    %dma_start3A_1088 = arith.constant 0 : i32
    %dma_start3A_1089 = arith.constant 0 : i32
    %dma_start3A_1090 = tpu.memref_slice %arg10[%dma_start3A_1088, %dma_start3A_1089] : memref<1x40xi32, #tpu.memory_space<vmem>> -> memref<1x40xi32, #tpu.memory_space<vmem>>
    %dma_start3A_1091 = tpu.memref_squeeze %dma_start3A_1090 : memref<1x40xi32, #tpu.memory_space<vmem>> -> memref<40xi32, #tpu.memory_space<vmem>>
    %dma_start3A_1092 = arith.constant 0 : i32
    %dma_start3A_1093 = arith.constant 0 : i32
    %dma_start3A_1094 = tpu.memref_slice %arg2[%dma_start3A_1092, %dma_start3A_1093] : memref<10000x128xf32, #tpu.memory_space<hbm>> -> memref<10000x128xf32, #tpu.memory_space<hbm>>
    tpu.enqueue_indirect_dma source(%dma_start3A_1094 : memref<10000x128xf32, #tpu.memory_space<hbm>>) target(%arg25 : memref<40x128xf32, #tpu.memory_space<vmem>>) offsets(%dma_start3A_1091 : memref<40xi32, #tpu.memory_space<vmem>>) semaphore(%arg40 : memref<!tpu.dma_semaphore, #tpu.memory_space<semaphore_mem>>)
    %dma_wait3A_1095 = arith.constant 0 : i32
    %dma_wait3A_1096 = arith.constant 0 : i32
    %dma_wait3A_1097 = tpu.memref_slice %arg2[%dma_wait3A_1095, %dma_wait3A_1096] : memref<10000x128xf32, #tpu.memory_space<hbm>> -> memref<40x128xf32, #tpu.memory_space<hbm>>
    %dma_wait3A_1098 = arith.constant 0 : i32
    %dma_wait3A_1099 = arith.constant 0 : i32
    %dma_wait3A_1100 = tpu.memref_slice %arg2[%dma_wait3A_1098, %dma_wait3A_1099] : memref<10000x128xf32, #tpu.memory_space<hbm>> -> memref<40x128xf32, #tpu.memory_space<hbm>>
    tpu.wait_dma2 semaphore(%arg42 : memref<!tpu.dma_semaphore, #tpu.memory_space<semaphore_mem>>) src(%dma_wait3A_1100 : memref<40x128xf32, #tpu.memory_space<hbm>>) dst(%arg27 : memref<40x128xf32, #tpu.memory_space<vmem>>)
    %dma_start3A_1101 = arith.constant 0 : i32
    %dma_start3A_1102 = arith.constant 0 : i32
    %dma_start3A_1103 = tpu.memref_slice %arg17[%dma_start3A_1101, %dma_start3A_1102] : memref<1x40xi32, #tpu.memory_space<vmem>> -> memref<1x40xi32, #tpu.memory_space<vmem>>
    %dma_start3A_1104 = tpu.memref_squeeze %dma_start3A_1103 : memref<1x40xi32, #tpu.memory_space<vmem>> -> memref<40xi32, #tpu.memory_space<vmem>>
    %dma_start3A_1105 = arith.constant 0 : i32
    %dma_start3A_1106 = arith.constant 0 : i32
    %dma_start3A_1107 = tpu.memref_slice %arg50[%dma_start3A_1105, %dma_start3A_1106] : memref<10000x128xf32, #tpu.memory_space<vmem_shared>> -> memref<10000x128xf32, #tpu.memory_space<vmem_shared>>
    tpu.enqueue_indirect_dma source(%arg27 : memref<40x128xf32, #tpu.memory_space<vmem>>) target(%dma_start3A_1107 : memref<10000x128xf32, #tpu.memory_space<vmem_shared>>) offsets(%dma_start3A_1104 : memref<40xi32, #tpu.memory_space<vmem>>) semaphore(%arg47 : memref<!tpu.dma_semaphore, #tpu.memory_space<semaphore_mem>>) {add = true}
    %dma_wait3A_1108 = arith.constant 0 : i32
    %dma_wait3A_1109 = arith.constant 0 : i32
    %dma_wait3A_1110 = tpu.memref_slice %arg2[%dma_wait3A_1108, %dma_wait3A_1109] : memref<10000x128xf32, #tpu.memory_space<hbm>> -> memref<40x128xf32, #tpu.memory_space<hbm>>
    %dma_wait3A_1111 = arith.constant 0 : i32
    %dma_wait3A_1112 = arith.constant 0 : i32
    %dma_wait3A_1113 = tpu.memref_slice %arg2[%dma_wait3A_1111, %dma_wait3A_1112] : memref<10000x128xf32, #tpu.memory_space<hbm>> -> memref<40x128xf32, #tpu.memory_space<hbm>>
    tpu.wait_dma2 semaphore(%arg46 : memref<!tpu.dma_semaphore, #tpu.memory_space<semaphore_mem>>) src(%dma_wait3A_1113 : memref<40x128xf32, #tpu.memory_space<hbm>>) dst(%arg26 : memref<40x128xf32, #tpu.memory_space<vmem>>)
    %dma_wait3A_1114 = arith.constant 0 : i32
    %dma_wait3A_1115 = arith.constant 0 : i32
    %dma_wait3A_1116 = arith.constant 0 : i32
    %dma_wait3A_1117 = arith.constant 0 : i32
    %dma_wait3A_1118 = tpu.memref_slice %arg3[%dma_wait3A_1114, %dma_wait3A_1115, %dma_wait3A_1116, %dma_wait3A_1117] : memref<2x8000x1x40xi32, #tpu.memory_space<hbm>> -> memref<1x1x1x40xi32, #tpu.memory_space<hbm>>
    %dma_wait3A_1119 = tpu.memref_squeeze %dma_wait3A_1118 : memref<1x1x1x40xi32, #tpu.memory_space<hbm>> -> memref<1x40xi32, #tpu.memory_space<hbm>>
    %dma_wait3A_1120 = arith.constant 0 : i32
    %dma_wait3A_1121 = arith.constant 0 : i32
    %dma_wait3A_1122 = tpu.memref_slice %arg3[%dma_wait3A_1114, %dma_wait3A_1115, %dma_wait3A_1120, %dma_wait3A_1121] : memref<2x8000x1x40xi32, #tpu.memory_space<hbm>> -> memref<1x1x1x40xi32, #tpu.memory_space<hbm>>
    %dma_wait3A_1123 = tpu.memref_squeeze %dma_wait3A_1122 : memref<1x1x1x40xi32, #tpu.memory_space<hbm>> -> memref<1x40xi32, #tpu.memory_space<hbm>>
    tpu.wait_dma2 semaphore(%arg36 : memref<!tpu.dma_semaphore, #tpu.memory_space<semaphore_mem>>) src(%dma_wait3A_1123 : memref<1x40xi32, #tpu.memory_space<hbm>>) dst(%arg11 : memref<1x40xi32, #tpu.memory_space<vmem>>)
    %dma_wait3A_1124 = arith.constant 1 : i32
    %dma_wait3A_1125 = arith.constant 0 : i32
    %dma_wait3A_1126 = arith.constant 0 : i32
    %dma_wait3A_1127 = arith.constant 0 : i32
    %dma_wait3A_1128 = tpu.memref_slice %arg3[%dma_wait3A_1124, %dma_wait3A_1125, %dma_wait3A_1126, %dma_wait3A_1127] : memref<2x8000x1x40xi32, #tpu.memory_space<hbm>> -> memref<1x1x1x40xi32, #tpu.memory_space<hbm>>
    %dma_wait3A_1129 = tpu.memref_squeeze %dma_wait3A_1128 : memref<1x1x1x40xi32, #tpu.memory_space<hbm>> -> memref<1x40xi32, #tpu.memory_space<hbm>>
    %dma_wait3A_1130 = arith.constant 0 : i32
    %dma_wait3A_1131 = arith.constant 0 : i32
    %dma_wait3A_1132 = tpu.memref_slice %arg3[%dma_wait3A_1124, %dma_wait3A_1125, %dma_wait3A_1130, %dma_wait3A_1131] : memref<2x8000x1x40xi32, #tpu.memory_space<hbm>> -> memref<1x1x1x40xi32, #tpu.memory_space<hbm>>
    %dma_wait3A_1133 = tpu.memref_squeeze %dma_wait3A_1132 : memref<1x1x1x40xi32, #tpu.memory_space<hbm>> -> memref<1x40xi32, #tpu.memory_space<hbm>>
    tpu.wait_dma2 semaphore(%arg36 : memref<!tpu.dma_semaphore, #tpu.memory_space<semaphore_mem>>) src(%dma_wait3A_1133 : memref<1x40xi32, #tpu.memory_space<hbm>>) dst(%arg21 : memref<1x40xi32, #tpu.memory_space<vmem>>)
    %dma_start3A_1134 = arith.constant 0 : i32
    %dma_start3A_1135 = arith.constant 0 : i32
    %dma_start3A_1136 = tpu.memref_slice %arg11[%dma_start3A_1134, %dma_start3A_1135] : memref<1x40xi32, #tpu.memory_space<vmem>> -> memref<1x40xi32, #tpu.memory_space<vmem>>
    %dma_start3A_1137 = tpu.memref_squeeze %dma_start3A_1136 : memref<1x40xi32, #tpu.memory_space<vmem>> -> memref<40xi32, #tpu.memory_space<vmem>>
    %dma_start3A_1138 = arith.constant 0 : i32
    %dma_start3A_1139 = arith.constant 0 : i32
    %dma_start3A_1140 = tpu.memref_slice %arg2[%dma_start3A_1138, %dma_start3A_1139] : memref<10000x128xf32, #tpu.memory_space<hbm>> -> memref<10000x128xf32, #tpu.memory_space<hbm>>
    tpu.enqueue_indirect_dma source(%dma_start3A_1140 : memref<10000x128xf32, #tpu.memory_space<hbm>>) target(%arg26 : memref<40x128xf32, #tpu.memory_space<vmem>>) offsets(%dma_start3A_1137 : memref<40xi32, #tpu.memory_space<vmem>>) semaphore(%arg41 : memref<!tpu.dma_semaphore, #tpu.memory_space<semaphore_mem>>)
    %dma_wait3A_1141 = arith.constant 0 : i32
    %dma_wait3A_1142 = arith.constant 0 : i32
    %dma_wait3A_1143 = tpu.memref_slice %arg2[%dma_wait3A_1141, %dma_wait3A_1142] : memref<10000x128xf32, #tpu.memory_space<hbm>> -> memref<40x128xf32, #tpu.memory_space<hbm>>
    %dma_wait3A_1144 = arith.constant 0 : i32
    %dma_wait3A_1145 = arith.constant 0 : i32
    %dma_wait3A_1146 = tpu.memref_slice %arg2[%dma_wait3A_1144, %dma_wait3A_1145] : memref<10000x128xf32, #tpu.memory_space<hbm>> -> memref<40x128xf32, #tpu.memory_space<hbm>>
    tpu.wait_dma2 semaphore(%arg43 : memref<!tpu.dma_semaphore, #tpu.memory_space<semaphore_mem>>) src(%dma_wait3A_1146 : memref<40x128xf32, #tpu.memory_space<hbm>>) dst(%arg28 : memref<40x128xf32, #tpu.memory_space<vmem>>)
    %dma_start3A_1147 = arith.constant 0 : i32
    %dma_start3A_1148 = arith.constant 0 : i32
    %dma_start3A_1149 = tpu.memref_slice %arg18[%dma_start3A_1147, %dma_start3A_1148] : memref<1x40xi32, #tpu.memory_space<vmem>> -> memref<1x40xi32, #tpu.memory_space<vmem>>
    %dma_start3A_1150 = tpu.memref_squeeze %dma_start3A_1149 : memref<1x40xi32, #tpu.memory_space<vmem>> -> memref<40xi32, #tpu.memory_space<vmem>>
    %dma_start3A_1151 = arith.constant 0 : i32
    %dma_start3A_1152 = arith.constant 0 : i32
    %dma_start3A_1153 = tpu.memref_slice %arg50[%dma_start3A_1151, %dma_start3A_1152] : memref<10000x128xf32, #tpu.memory_space<vmem_shared>> -> memref<10000x128xf32, #tpu.memory_space<vmem_shared>>
    tpu.enqueue_indirect_dma source(%arg28 : memref<40x128xf32, #tpu.memory_space<vmem>>) target(%dma_start3A_1153 : memref<10000x128xf32, #tpu.memory_space<vmem_shared>>) offsets(%dma_start3A_1150 : memref<40xi32, #tpu.memory_space<vmem>>) semaphore(%arg48 : memref<!tpu.dma_semaphore, #tpu.memory_space<semaphore_mem>>) {add = true}
    %dma_wait3A_1154 = arith.constant 0 : i32
    %dma_wait3A_1155 = arith.constant 0 : i32
    %dma_wait3A_1156 = tpu.memref_slice %arg2[%dma_wait3A_1154, %dma_wait3A_1155] : memref<10000x128xf32, #tpu.memory_space<hbm>> -> memref<40x128xf32, #tpu.memory_space<hbm>>
    %dma_wait3A_1157 = arith.constant 0 : i32
    %dma_wait3A_1158 = arith.constant 0 : i32
    %dma_wait3A_1159 = tpu.memref_slice %arg2[%dma_wait3A_1157, %dma_wait3A_1158] : memref<10000x128xf32, #tpu.memory_space<hbm>> -> memref<40x128xf32, #tpu.memory_space<hbm>>
    tpu.wait_dma2 semaphore(%arg47 : memref<!tpu.dma_semaphore, #tpu.memory_space<semaphore_mem>>) src(%dma_wait3A_1159 : memref<40x128xf32, #tpu.memory_space<hbm>>) dst(%arg27 : memref<40x128xf32, #tpu.memory_space<vmem>>)
    %dma_wait3A_1160 = arith.constant 0 : i32
    %dma_wait3A_1161 = arith.constant 0 : i32
    %dma_wait3A_1162 = arith.constant 0 : i32
    %dma_wait3A_1163 = arith.constant 0 : i32
    %dma_wait3A_1164 = tpu.memref_slice %arg3[%dma_wait3A_1160, %dma_wait3A_1161, %dma_wait3A_1162, %dma_wait3A_1163] : memref<2x8000x1x40xi32, #tpu.memory_space<hbm>> -> memref<1x1x1x40xi32, #tpu.memory_space<hbm>>
    %dma_wait3A_1165 = tpu.memref_squeeze %dma_wait3A_1164 : memref<1x1x1x40xi32, #tpu.memory_space<hbm>> -> memref<1x40xi32, #tpu.memory_space<hbm>>
    %dma_wait3A_1166 = arith.constant 0 : i32
    %dma_wait3A_1167 = arith.constant 0 : i32
    %dma_wait3A_1168 = tpu.memref_slice %arg3[%dma_wait3A_1160, %dma_wait3A_1161, %dma_wait3A_1166, %dma_wait3A_1167] : memref<2x8000x1x40xi32, #tpu.memory_space<hbm>> -> memref<1x1x1x40xi32, #tpu.memory_space<hbm>>
    %dma_wait3A_1169 = tpu.memref_squeeze %dma_wait3A_1168 : memref<1x1x1x40xi32, #tpu.memory_space<hbm>> -> memref<1x40xi32, #tpu.memory_space<hbm>>
    tpu.wait_dma2 semaphore(%arg37 : memref<!tpu.dma_semaphore, #tpu.memory_space<semaphore_mem>>) src(%dma_wait3A_1169 : memref<1x40xi32, #tpu.memory_space<hbm>>) dst(%arg12 : memref<1x40xi32, #tpu.memory_space<vmem>>)
    %dma_wait3A_1170 = arith.constant 1 : i32
    %dma_wait3A_1171 = arith.constant 0 : i32
    %dma_wait3A_1172 = arith.constant 0 : i32
    %dma_wait3A_1173 = arith.constant 0 : i32
    %dma_wait3A_1174 = tpu.memref_slice %arg3[%dma_wait3A_1170, %dma_wait3A_1171, %dma_wait3A_1172, %dma_wait3A_1173] : memref<2x8000x1x40xi32, #tpu.memory_space<hbm>> -> memref<1x1x1x40xi32, #tpu.memory_space<hbm>>
    %dma_wait3A_1175 = tpu.memref_squeeze %dma_wait3A_1174 : memref<1x1x1x40xi32, #tpu.memory_space<hbm>> -> memref<1x40xi32, #tpu.memory_space<hbm>>
    %dma_wait3A_1176 = arith.constant 0 : i32
    %dma_wait3A_1177 = arith.constant 0 : i32
    %dma_wait3A_1178 = tpu.memref_slice %arg3[%dma_wait3A_1170, %dma_wait3A_1171, %dma_wait3A_1176, %dma_wait3A_1177] : memref<2x8000x1x40xi32, #tpu.memory_space<hbm>> -> memref<1x1x1x40xi32, #tpu.memory_space<hbm>>
    %dma_wait3A_1179 = tpu.memref_squeeze %dma_wait3A_1178 : memref<1x1x1x40xi32, #tpu.memory_space<hbm>> -> memref<1x40xi32, #tpu.memory_space<hbm>>
    tpu.wait_dma2 semaphore(%arg37 : memref<!tpu.dma_semaphore, #tpu.memory_space<semaphore_mem>>) src(%dma_wait3A_1179 : memref<1x40xi32, #tpu.memory_space<hbm>>) dst(%arg22 : memref<1x40xi32, #tpu.memory_space<vmem>>)
    %dma_start3A_1180 = arith.constant 0 : i32
    %dma_start3A_1181 = arith.constant 0 : i32
    %dma_start3A_1182 = tpu.memref_slice %arg12[%dma_start3A_1180, %dma_start3A_1181] : memref<1x40xi32, #tpu.memory_space<vmem>> -> memref<1x40xi32, #tpu.memory_space<vmem>>
    %dma_start3A_1183 = tpu.memref_squeeze %dma_start3A_1182 : memref<1x40xi32, #tpu.memory_space<vmem>> -> memref<40xi32, #tpu.memory_space<vmem>>
    %dma_start3A_1184 = arith.constant 0 : i32
    %dma_start3A_1185 = arith.constant 0 : i32
    %dma_start3A_1186 = tpu.memref_slice %arg2[%dma_start3A_1184, %dma_start3A_1185] : memref<10000x128xf32, #tpu.memory_space<hbm>> -> memref<10000x128xf32, #tpu.memory_space<hbm>>
    tpu.enqueue_indirect_dma source(%dma_start3A_1186 : memref<10000x128xf32, #tpu.memory_space<hbm>>) target(%arg27 : memref<40x128xf32, #tpu.memory_space<vmem>>) offsets(%dma_start3A_1183 : memref<40xi32, #tpu.memory_space<vmem>>) semaphore(%arg42 : memref<!tpu.dma_semaphore, #tpu.memory_space<semaphore_mem>>)
    %dma_wait3A_1187 = arith.constant 0 : i32
    %dma_wait3A_1188 = arith.constant 0 : i32
    %dma_wait3A_1189 = tpu.memref_slice %arg2[%dma_wait3A_1187, %dma_wait3A_1188] : memref<10000x128xf32, #tpu.memory_space<hbm>> -> memref<40x128xf32, #tpu.memory_space<hbm>>
    %dma_wait3A_1190 = arith.constant 0 : i32
    %dma_wait3A_1191 = arith.constant 0 : i32
    %dma_wait3A_1192 = tpu.memref_slice %arg2[%dma_wait3A_1190, %dma_wait3A_1191] : memref<10000x128xf32, #tpu.memory_space<hbm>> -> memref<40x128xf32, #tpu.memory_space<hbm>>
    tpu.wait_dma2 semaphore(%arg44 : memref<!tpu.dma_semaphore, #tpu.memory_space<semaphore_mem>>) src(%dma_wait3A_1192 : memref<40x128xf32, #tpu.memory_space<hbm>>) dst(%arg29 : memref<40x128xf32, #tpu.memory_space<vmem>>)
    %dma_start3A_1193 = arith.constant 0 : i32
    %dma_start3A_1194 = arith.constant 0 : i32
    %dma_start3A_1195 = tpu.memref_slice %arg19[%dma_start3A_1193, %dma_start3A_1194] : memref<1x40xi32, #tpu.memory_space<vmem>> -> memref<1x40xi32, #tpu.memory_space<vmem>>
    %dma_start3A_1196 = tpu.memref_squeeze %dma_start3A_1195 : memref<1x40xi32, #tpu.memory_space<vmem>> -> memref<40xi32, #tpu.memory_space<vmem>>
    %dma_start3A_1197 = arith.constant 0 : i32
    %dma_start3A_1198 = arith.constant 0 : i32
    %dma_start3A_1199 = tpu.memref_slice %arg50[%dma_start3A_1197, %dma_start3A_1198] : memref<10000x128xf32, #tpu.memory_space<vmem_shared>> -> memref<10000x128xf32, #tpu.memory_space<vmem_shared>>
    tpu.enqueue_indirect_dma source(%arg29 : memref<40x128xf32, #tpu.memory_space<vmem>>) target(%dma_start3A_1199 : memref<10000x128xf32, #tpu.memory_space<vmem_shared>>) offsets(%dma_start3A_1196 : memref<40xi32, #tpu.memory_space<vmem>>) semaphore(%arg49 : memref<!tpu.dma_semaphore, #tpu.memory_space<semaphore_mem>>) {add = true}
    %dma_wait3A_1200 = arith.constant 0 : i32
    %dma_wait3A_1201 = arith.constant 0 : i32
    %dma_wait3A_1202 = tpu.memref_slice %arg2[%dma_wait3A_1200, %dma_wait3A_1201] : memref<10000x128xf32, #tpu.memory_space<hbm>> -> memref<40x128xf32, #tpu.memory_space<hbm>>
    %dma_wait3A_1203 = arith.constant 0 : i32
    %dma_wait3A_1204 = arith.constant 0 : i32
    %dma_wait3A_1205 = tpu.memref_slice %arg2[%dma_wait3A_1203, %dma_wait3A_1204] : memref<10000x128xf32, #tpu.memory_space<hbm>> -> memref<40x128xf32, #tpu.memory_space<hbm>>
    tpu.wait_dma2 semaphore(%arg48 : memref<!tpu.dma_semaphore, #tpu.memory_space<semaphore_mem>>) src(%dma_wait3A_1205 : memref<40x128xf32, #tpu.memory_space<hbm>>) dst(%arg28 : memref<40x128xf32, #tpu.memory_space<vmem>>)
    %dma_wait3A_1206 = arith.constant 0 : i32
    %dma_wait3A_1207 = arith.constant 0 : i32
    %dma_wait3A_1208 = arith.constant 0 : i32
    %dma_wait3A_1209 = arith.constant 0 : i32
    %dma_wait3A_1210 = tpu.memref_slice %arg3[%dma_wait3A_1206, %dma_wait3A_1207, %dma_wait3A_1208, %dma_wait3A_1209] : memref<2x8000x1x40xi32, #tpu.memory_space<hbm>> -> memref<1x1x1x40xi32, #tpu.memory_space<hbm>>
    %dma_wait3A_1211 = tpu.memref_squeeze %dma_wait3A_1210 : memref<1x1x1x40xi32, #tpu.memory_space<hbm>> -> memref<1x40xi32, #tpu.memory_space<hbm>>
    %dma_wait3A_1212 = arith.constant 0 : i32
    %dma_wait3A_1213 = arith.constant 0 : i32
    %dma_wait3A_1214 = tpu.memref_slice %arg3[%dma_wait3A_1206, %dma_wait3A_1207, %dma_wait3A_1212, %dma_wait3A_1213] : memref<2x8000x1x40xi32, #tpu.memory_space<hbm>> -> memref<1x1x1x40xi32, #tpu.memory_space<hbm>>
    %dma_wait3A_1215 = tpu.memref_squeeze %dma_wait3A_1214 : memref<1x1x1x40xi32, #tpu.memory_space<hbm>> -> memref<1x40xi32, #tpu.memory_space<hbm>>
    tpu.wait_dma2 semaphore(%arg38 : memref<!tpu.dma_semaphore, #tpu.memory_space<semaphore_mem>>) src(%dma_wait3A_1215 : memref<1x40xi32, #tpu.memory_space<hbm>>) dst(%arg13 : memref<1x40xi32, #tpu.memory_space<vmem>>)
    %dma_wait3A_1216 = arith.constant 1 : i32
    %dma_wait3A_1217 = arith.constant 0 : i32
    %dma_wait3A_1218 = arith.constant 0 : i32
    %dma_wait3A_1219 = arith.constant 0 : i32
    %dma_wait3A_1220 = tpu.memref_slice %arg3[%dma_wait3A_1216, %dma_wait3A_1217, %dma_wait3A_1218, %dma_wait3A_1219] : memref<2x8000x1x40xi32, #tpu.memory_space<hbm>> -> memref<1x1x1x40xi32, #tpu.memory_space<hbm>>
    %dma_wait3A_1221 = tpu.memref_squeeze %dma_wait3A_1220 : memref<1x1x1x40xi32, #tpu.memory_space<hbm>> -> memref<1x40xi32, #tpu.memory_space<hbm>>
    %dma_wait3A_1222 = arith.constant 0 : i32
    %dma_wait3A_1223 = arith.constant 0 : i32
    %dma_wait3A_1224 = tpu.memref_slice %arg3[%dma_wait3A_1216, %dma_wait3A_1217, %dma_wait3A_1222, %dma_wait3A_1223] : memref<2x8000x1x40xi32, #tpu.memory_space<hbm>> -> memref<1x1x1x40xi32, #tpu.memory_space<hbm>>
    %dma_wait3A_1225 = tpu.memref_squeeze %dma_wait3A_1224 : memref<1x1x1x40xi32, #tpu.memory_space<hbm>> -> memref<1x40xi32, #tpu.memory_space<hbm>>
    tpu.wait_dma2 semaphore(%arg38 : memref<!tpu.dma_semaphore, #tpu.memory_space<semaphore_mem>>) src(%dma_wait3A_1225 : memref<1x40xi32, #tpu.memory_space<hbm>>) dst(%arg23 : memref<1x40xi32, #tpu.memory_space<vmem>>)
    %dma_start3A_1226 = arith.constant 0 : i32
    %dma_start3A_1227 = arith.constant 0 : i32
    %dma_start3A_1228 = tpu.memref_slice %arg13[%dma_start3A_1226, %dma_start3A_1227] : memref<1x40xi32, #tpu.memory_space<vmem>> -> memref<1x40xi32, #tpu.memory_space<vmem>>
    %dma_start3A_1229 = tpu.memref_squeeze %dma_start3A_1228 : memref<1x40xi32, #tpu.memory_space<vmem>> -> memref<40xi32, #tpu.memory_space<vmem>>
    %dma_start3A_1230 = arith.constant 0 : i32
    %dma_start3A_1231 = arith.constant 0 : i32
    %dma_start3A_1232 = tpu.memref_slice %arg2[%dma_start3A_1230, %dma_start3A_1231] : memref<10000x128xf32, #tpu.memory_space<hbm>> -> memref<10000x128xf32, #tpu.memory_space<hbm>>
    tpu.enqueue_indirect_dma source(%dma_start3A_1232 : memref<10000x128xf32, #tpu.memory_space<hbm>>) target(%arg28 : memref<40x128xf32, #tpu.memory_space<vmem>>) offsets(%dma_start3A_1229 : memref<40xi32, #tpu.memory_space<vmem>>) semaphore(%arg43 : memref<!tpu.dma_semaphore, #tpu.memory_space<semaphore_mem>>)
    %dma_wait3A_1233 = arith.constant 0 : i32
    %dma_wait3A_1234 = arith.constant 0 : i32
    %dma_wait3A_1235 = tpu.memref_slice %arg2[%dma_wait3A_1233, %dma_wait3A_1234] : memref<10000x128xf32, #tpu.memory_space<hbm>> -> memref<40x128xf32, #tpu.memory_space<hbm>>
    %dma_wait3A_1236 = arith.constant 0 : i32
    %dma_wait3A_1237 = arith.constant 0 : i32
    %dma_wait3A_1238 = tpu.memref_slice %arg2[%dma_wait3A_1236, %dma_wait3A_1237] : memref<10000x128xf32, #tpu.memory_space<hbm>> -> memref<40x128xf32, #tpu.memory_space<hbm>>
    tpu.wait_dma2 semaphore(%arg40 : memref<!tpu.dma_semaphore, #tpu.memory_space<semaphore_mem>>) src(%dma_wait3A_1238 : memref<40x128xf32, #tpu.memory_space<hbm>>) dst(%arg25 : memref<40x128xf32, #tpu.memory_space<vmem>>)
    %dma_start3A_1239 = arith.constant 0 : i32
    %dma_start3A_1240 = arith.constant 0 : i32
    %dma_start3A_1241 = tpu.memref_slice %arg20[%dma_start3A_1239, %dma_start3A_1240] : memref<1x40xi32, #tpu.memory_space<vmem>> -> memref<1x40xi32, #tpu.memory_space<vmem>>
    %dma_start3A_1242 = tpu.memref_squeeze %dma_start3A_1241 : memref<1x40xi32, #tpu.memory_space<vmem>> -> memref<40xi32, #tpu.memory_space<vmem>>
    %dma_start3A_1243 = arith.constant 0 : i32
    %dma_start3A_1244 = arith.constant 0 : i32
    %dma_start3A_1245 = tpu.memref_slice %arg50[%dma_start3A_1243, %dma_start3A_1244] : memref<10000x128xf32, #tpu.memory_space<vmem_shared>> -> memref<10000x128xf32, #tpu.memory_space<vmem_shared>>
    tpu.enqueue_indirect_dma source(%arg25 : memref<40x128xf32, #tpu.memory_space<vmem>>) target(%dma_start3A_1245 : memref<10000x128xf32, #tpu.memory_space<vmem_shared>>) offsets(%dma_start3A_1242 : memref<40xi32, #tpu.memory_space<vmem>>) semaphore(%arg45 : memref<!tpu.dma_semaphore, #tpu.memory_space<semaphore_mem>>) {add = true}
    %dma_wait3A_1246 = arith.constant 0 : i32
    %dma_wait3A_1247 = arith.constant 0 : i32
    %dma_wait3A_1248 = tpu.memref_slice %arg2[%dma_wait3A_1246, %dma_wait3A_1247] : memref<10000x128xf32, #tpu.memory_space<hbm>> -> memref<40x128xf32, #tpu.memory_space<hbm>>
    %dma_wait3A_1249 = arith.constant 0 : i32
    %dma_wait3A_1250 = arith.constant 0 : i32
    %dma_wait3A_1251 = tpu.memref_slice %arg2[%dma_wait3A_1249, %dma_wait3A_1250] : memref<10000x128xf32, #tpu.memory_space<hbm>> -> memref<40x128xf32, #tpu.memory_space<hbm>>
    tpu.wait_dma2 semaphore(%arg49 : memref<!tpu.dma_semaphore, #tpu.memory_space<semaphore_mem>>) src(%dma_wait3A_1251 : memref<40x128xf32, #tpu.memory_space<hbm>>) dst(%arg29 : memref<40x128xf32, #tpu.memory_space<vmem>>)
    %dma_wait3A_1252 = arith.constant 0 : i32
    %dma_wait3A_1253 = arith.constant 0 : i32
    %dma_wait3A_1254 = arith.constant 0 : i32
    %dma_wait3A_1255 = arith.constant 0 : i32
    %dma_wait3A_1256 = tpu.memref_slice %arg3[%dma_wait3A_1252, %dma_wait3A_1253, %dma_wait3A_1254, %dma_wait3A_1255] : memref<2x8000x1x40xi32, #tpu.memory_space<hbm>> -> memref<1x1x1x40xi32, #tpu.memory_space<hbm>>
    %dma_wait3A_1257 = tpu.memref_squeeze %dma_wait3A_1256 : memref<1x1x1x40xi32, #tpu.memory_space<hbm>> -> memref<1x40xi32, #tpu.memory_space<hbm>>
    %dma_wait3A_1258 = arith.constant 0 : i32
    %dma_wait3A_1259 = arith.constant 0 : i32
    %dma_wait3A_1260 = tpu.memref_slice %arg3[%dma_wait3A_1252, %dma_wait3A_1253, %dma_wait3A_1258, %dma_wait3A_1259] : memref<2x8000x1x40xi32, #tpu.memory_space<hbm>> -> memref<1x1x1x40xi32, #tpu.memory_space<hbm>>
    %dma_wait3A_1261 = tpu.memref_squeeze %dma_wait3A_1260 : memref<1x1x1x40xi32, #tpu.memory_space<hbm>> -> memref<1x40xi32, #tpu.memory_space<hbm>>
    tpu.wait_dma2 semaphore(%arg39 : memref<!tpu.dma_semaphore, #tpu.memory_space<semaphore_mem>>) src(%dma_wait3A_1261 : memref<1x40xi32, #tpu.memory_space<hbm>>) dst(%arg14 : memref<1x40xi32, #tpu.memory_space<vmem>>)
    %dma_wait3A_1262 = arith.constant 1 : i32
    %dma_wait3A_1263 = arith.constant 0 : i32
    %dma_wait3A_1264 = arith.constant 0 : i32
    %dma_wait3A_1265 = arith.constant 0 : i32
    %dma_wait3A_1266 = tpu.memref_slice %arg3[%dma_wait3A_1262, %dma_wait3A_1263, %dma_wait3A_1264, %dma_wait3A_1265] : memref<2x8000x1x40xi32, #tpu.memory_space<hbm>> -> memref<1x1x1x40xi32, #tpu.memory_space<hbm>>
    %dma_wait3A_1267 = tpu.memref_squeeze %dma_wait3A_1266 : memref<1x1x1x40xi32, #tpu.memory_space<hbm>> -> memref<1x40xi32, #tpu.memory_space<hbm>>
    %dma_wait3A_1268 = arith.constant 0 : i32
    %dma_wait3A_1269 = arith.constant 0 : i32
    %dma_wait3A_1270 = tpu.memref_slice %arg3[%dma_wait3A_1262, %dma_wait3A_1263, %dma_wait3A_1268, %dma_wait3A_1269] : memref<2x8000x1x40xi32, #tpu.memory_space<hbm>> -> memref<1x1x1x40xi32, #tpu.memory_space<hbm>>
    %dma_wait3A_1271 = tpu.memref_squeeze %dma_wait3A_1270 : memref<1x1x1x40xi32, #tpu.memory_space<hbm>> -> memref<1x40xi32, #tpu.memory_space<hbm>>
    tpu.wait_dma2 semaphore(%arg39 : memref<!tpu.dma_semaphore, #tpu.memory_space<semaphore_mem>>) src(%dma_wait3A_1271 : memref<1x40xi32, #tpu.memory_space<hbm>>) dst(%arg24 : memref<1x40xi32, #tpu.memory_space<vmem>>)
    %dma_start3A_1272 = arith.constant 0 : i32
    %dma_start3A_1273 = arith.constant 0 : i32
    %dma_start3A_1274 = tpu.memref_slice %arg14[%dma_start3A_1272, %dma_start3A_1273] : memref<1x40xi32, #tpu.memory_space<vmem>> -> memref<1x40xi32, #tpu.memory_space<vmem>>
    %dma_start3A_1275 = tpu.memref_squeeze %dma_start3A_1274 : memref<1x40xi32, #tpu.memory_space<vmem>> -> memref<40xi32, #tpu.memory_space<vmem>>
    %dma_start3A_1276 = arith.constant 0 : i32
    %dma_start3A_1277 = arith.constant 0 : i32
    %dma_start3A_1278 = tpu.memref_slice %arg2[%dma_start3A_1276, %dma_start3A_1277] : memref<10000x128xf32, #tpu.memory_space<hbm>> -> memref<10000x128xf32, #tpu.memory_space<hbm>>
    tpu.enqueue_indirect_dma source(%dma_start3A_1278 : memref<10000x128xf32, #tpu.memory_space<hbm>>) target(%arg29 : memref<40x128xf32, #tpu.memory_space<vmem>>) offsets(%dma_start3A_1275 : memref<40xi32, #tpu.memory_space<vmem>>) semaphore(%arg44 : memref<!tpu.dma_semaphore, #tpu.memory_space<semaphore_mem>>)
    %dma_wait3A_1279 = arith.constant 0 : i32
    %dma_wait3A_1280 = arith.constant 0 : i32
    %dma_wait3A_1281 = tpu.memref_slice %arg2[%dma_wait3A_1279, %dma_wait3A_1280] : memref<10000x128xf32, #tpu.memory_space<hbm>> -> memref<40x128xf32, #tpu.memory_space<hbm>>
    %dma_wait3A_1282 = arith.constant 0 : i32
    %dma_wait3A_1283 = arith.constant 0 : i32
    %dma_wait3A_1284 = tpu.memref_slice %arg2[%dma_wait3A_1282, %dma_wait3A_1283] : memref<10000x128xf32, #tpu.memory_space<hbm>> -> memref<40x128xf32, #tpu.memory_space<hbm>>
    tpu.wait_dma2 semaphore(%arg41 : memref<!tpu.dma_semaphore, #tpu.memory_space<semaphore_mem>>) src(%dma_wait3A_1284 : memref<40x128xf32, #tpu.memory_space<hbm>>) dst(%arg26 : memref<40x128xf32, #tpu.memory_space<vmem>>)
    %dma_start3A_1285 = arith.constant 0 : i32
    %dma_start3A_1286 = arith.constant 0 : i32
    %dma_start3A_1287 = tpu.memref_slice %arg21[%dma_start3A_1285, %dma_start3A_1286] : memref<1x40xi32, #tpu.memory_space<vmem>> -> memref<1x40xi32, #tpu.memory_space<vmem>>
    %dma_start3A_1288 = tpu.memref_squeeze %dma_start3A_1287 : memref<1x40xi32, #tpu.memory_space<vmem>> -> memref<40xi32, #tpu.memory_space<vmem>>
    %dma_start3A_1289 = arith.constant 0 : i32
    %dma_start3A_1290 = arith.constant 0 : i32
    %dma_start3A_1291 = tpu.memref_slice %arg50[%dma_start3A_1289, %dma_start3A_1290] : memref<10000x128xf32, #tpu.memory_space<vmem_shared>> -> memref<10000x128xf32, #tpu.memory_space<vmem_shared>>
    tpu.enqueue_indirect_dma source(%arg26 : memref<40x128xf32, #tpu.memory_space<vmem>>) target(%dma_start3A_1291 : memref<10000x128xf32, #tpu.memory_space<vmem_shared>>) offsets(%dma_start3A_1288 : memref<40xi32, #tpu.memory_space<vmem>>) semaphore(%arg46 : memref<!tpu.dma_semaphore, #tpu.memory_space<semaphore_mem>>) {add = true}
    %dma_wait3A_1292 = arith.constant 0 : i32
    %dma_wait3A_1293 = arith.constant 0 : i32
    %dma_wait3A_1294 = tpu.memref_slice %arg2[%dma_wait3A_1292, %dma_wait3A_1293] : memref<10000x128xf32, #tpu.memory_space<hbm>> -> memref<40x128xf32, #tpu.memory_space<hbm>>
    %dma_wait3A_1295 = arith.constant 0 : i32
    %dma_wait3A_1296 = arith.constant 0 : i32
    %dma_wait3A_1297 = tpu.memref_slice %arg2[%dma_wait3A_1295, %dma_wait3A_1296] : memref<10000x128xf32, #tpu.memory_space<hbm>> -> memref<40x128xf32, #tpu.memory_space<hbm>>
    tpu.wait_dma2 semaphore(%arg45 : memref<!tpu.dma_semaphore, #tpu.memory_space<semaphore_mem>>) src(%dma_wait3A_1297 : memref<40x128xf32, #tpu.memory_space<hbm>>) dst(%arg25 : memref<40x128xf32, #tpu.memory_space<vmem>>)
    %dma_wait3A_1298 = arith.constant 0 : i32
    %dma_wait3A_1299 = arith.constant 0 : i32
    %dma_wait3A_1300 = tpu.memref_slice %arg2[%dma_wait3A_1298, %dma_wait3A_1299] : memref<10000x128xf32, #tpu.memory_space<hbm>> -> memref<40x128xf32, #tpu.memory_space<hbm>>
    %dma_wait3A_1301 = arith.constant 0 : i32
    %dma_wait3A_1302 = arith.constant 0 : i32
    %dma_wait3A_1303 = tpu.memref_slice %arg2[%dma_wait3A_1301, %dma_wait3A_1302] : memref<10000x128xf32, #tpu.memory_space<hbm>> -> memref<40x128xf32, #tpu.memory_space<hbm>>
    tpu.wait_dma2 semaphore(%arg42 : memref<!tpu.dma_semaphore, #tpu.memory_space<semaphore_mem>>) src(%dma_wait3A_1303 : memref<40x128xf32, #tpu.memory_space<hbm>>) dst(%arg27 : memref<40x128xf32, #tpu.memory_space<vmem>>)
    %dma_start3A_1304 = arith.constant 0 : i32
    %dma_start3A_1305 = arith.constant 0 : i32
    %dma_start3A_1306 = tpu.memref_slice %arg22[%dma_start3A_1304, %dma_start3A_1305] : memref<1x40xi32, #tpu.memory_space<vmem>> -> memref<1x40xi32, #tpu.memory_space<vmem>>
    %dma_start3A_1307 = tpu.memref_squeeze %dma_start3A_1306 : memref<1x40xi32, #tpu.memory_space<vmem>> -> memref<40xi32, #tpu.memory_space<vmem>>
    %dma_start3A_1308 = arith.constant 0 : i32
    %dma_start3A_1309 = arith.constant 0 : i32
    %dma_start3A_1310 = tpu.memref_slice %arg50[%dma_start3A_1308, %dma_start3A_1309] : memref<10000x128xf32, #tpu.memory_space<vmem_shared>> -> memref<10000x128xf32, #tpu.memory_space<vmem_shared>>
    tpu.enqueue_indirect_dma source(%arg27 : memref<40x128xf32, #tpu.memory_space<vmem>>) target(%dma_start3A_1310 : memref<10000x128xf32, #tpu.memory_space<vmem_shared>>) offsets(%dma_start3A_1307 : memref<40xi32, #tpu.memory_space<vmem>>) semaphore(%arg47 : memref<!tpu.dma_semaphore, #tpu.memory_space<semaphore_mem>>) {add = true}
    %dma_wait3A_1311 = arith.constant 0 : i32
    %dma_wait3A_1312 = arith.constant 0 : i32
    %dma_wait3A_1313 = tpu.memref_slice %arg2[%dma_wait3A_1311, %dma_wait3A_1312] : memref<10000x128xf32, #tpu.memory_space<hbm>> -> memref<40x128xf32, #tpu.memory_space<hbm>>
    %dma_wait3A_1314 = arith.constant 0 : i32
    %dma_wait3A_1315 = arith.constant 0 : i32
    %dma_wait3A_1316 = tpu.memref_slice %arg2[%dma_wait3A_1314, %dma_wait3A_1315] : memref<10000x128xf32, #tpu.memory_space<hbm>> -> memref<40x128xf32, #tpu.memory_space<hbm>>
    tpu.wait_dma2 semaphore(%arg46 : memref<!tpu.dma_semaphore, #tpu.memory_space<semaphore_mem>>) src(%dma_wait3A_1316 : memref<40x128xf32, #tpu.memory_space<hbm>>) dst(%arg26 : memref<40x128xf32, #tpu.memory_space<vmem>>)
    %dma_wait3A_1317 = arith.constant 0 : i32
    %dma_wait3A_1318 = arith.constant 0 : i32
    %dma_wait3A_1319 = tpu.memref_slice %arg2[%dma_wait3A_1317, %dma_wait3A_1318] : memref<10000x128xf32, #tpu.memory_space<hbm>> -> memref<40x128xf32, #tpu.memory_space<hbm>>
    %dma_wait3A_1320 = arith.constant 0 : i32
    %dma_wait3A_1321 = arith.constant 0 : i32
    %dma_wait3A_1322 = tpu.memref_slice %arg2[%dma_wait3A_1320, %dma_wait3A_1321] : memref<10000x128xf32, #tpu.memory_space<hbm>> -> memref<40x128xf32, #tpu.memory_space<hbm>>
    tpu.wait_dma2 semaphore(%arg43 : memref<!tpu.dma_semaphore, #tpu.memory_space<semaphore_mem>>) src(%dma_wait3A_1322 : memref<40x128xf32, #tpu.memory_space<hbm>>) dst(%arg28 : memref<40x128xf32, #tpu.memory_space<vmem>>)
    %dma_start3A_1323 = arith.constant 0 : i32
    %dma_start3A_1324 = arith.constant 0 : i32
    %dma_start3A_1325 = tpu.memref_slice %arg23[%dma_start3A_1323, %dma_start3A_1324] : memref<1x40xi32, #tpu.memory_space<vmem>> -> memref<1x40xi32, #tpu.memory_space<vmem>>
    %dma_start3A_1326 = tpu.memref_squeeze %dma_start3A_1325 : memref<1x40xi32, #tpu.memory_space<vmem>> -> memref<40xi32, #tpu.memory_space<vmem>>
    %dma_start3A_1327 = arith.constant 0 : i32
    %dma_start3A_1328 = arith.constant 0 : i32
    %dma_start3A_1329 = tpu.memref_slice %arg50[%dma_start3A_1327, %dma_start3A_1328] : memref<10000x128xf32, #tpu.memory_space<vmem_shared>> -> memref<10000x128xf32, #tpu.memory_space<vmem_shared>>
    tpu.enqueue_indirect_dma source(%arg28 : memref<40x128xf32, #tpu.memory_space<vmem>>) target(%dma_start3A_1329 : memref<10000x128xf32, #tpu.memory_space<vmem_shared>>) offsets(%dma_start3A_1326 : memref<40xi32, #tpu.memory_space<vmem>>) semaphore(%arg48 : memref<!tpu.dma_semaphore, #tpu.memory_space<semaphore_mem>>) {add = true}
    %dma_wait3A_1330 = arith.constant 0 : i32
    %dma_wait3A_1331 = arith.constant 0 : i32
    %dma_wait3A_1332 = tpu.memref_slice %arg2[%dma_wait3A_1330, %dma_wait3A_1331] : memref<10000x128xf32, #tpu.memory_space<hbm>> -> memref<40x128xf32, #tpu.memory_space<hbm>>
    %dma_wait3A_1333 = arith.constant 0 : i32
    %dma_wait3A_1334 = arith.constant 0 : i32
    %dma_wait3A_1335 = tpu.memref_slice %arg2[%dma_wait3A_1333, %dma_wait3A_1334] : memref<10000x128xf32, #tpu.memory_space<hbm>> -> memref<40x128xf32, #tpu.memory_space<hbm>>
    tpu.wait_dma2 semaphore(%arg47 : memref<!tpu.dma_semaphore, #tpu.memory_space<semaphore_mem>>) src(%dma_wait3A_1335 : memref<40x128xf32, #tpu.memory_space<hbm>>) dst(%arg27 : memref<40x128xf32, #tpu.memory_space<vmem>>)
    %dma_wait3A_1336 = arith.constant 0 : i32
    %dma_wait3A_1337 = arith.constant 0 : i32
    %dma_wait3A_1338 = tpu.memref_slice %arg2[%dma_wait3A_1336, %dma_wait3A_1337] : memref<10000x128xf32, #tpu.memory_space<hbm>> -> memref<40x128xf32, #tpu.memory_space<hbm>>
    %dma_wait3A_1339 = arith.constant 0 : i32
    %dma_wait3A_1340 = arith.constant 0 : i32
    %dma_wait3A_1341 = tpu.memref_slice %arg2[%dma_wait3A_1339, %dma_wait3A_1340] : memref<10000x128xf32, #tpu.memory_space<hbm>> -> memref<40x128xf32, #tpu.memory_space<hbm>>
    tpu.wait_dma2 semaphore(%arg44 : memref<!tpu.dma_semaphore, #tpu.memory_space<semaphore_mem>>) src(%dma_wait3A_1341 : memref<40x128xf32, #tpu.memory_space<hbm>>) dst(%arg29 : memref<40x128xf32, #tpu.memory_space<vmem>>)
    %dma_start3A_1342 = arith.constant 0 : i32
    %dma_start3A_1343 = arith.constant 0 : i32
    %dma_start3A_1344 = tpu.memref_slice %arg24[%dma_start3A_1342, %dma_start3A_1343] : memref<1x40xi32, #tpu.memory_space<vmem>> -> memref<1x40xi32, #tpu.memory_space<vmem>>
    %dma_start3A_1345 = tpu.memref_squeeze %dma_start3A_1344 : memref<1x40xi32, #tpu.memory_space<vmem>> -> memref<40xi32, #tpu.memory_space<vmem>>
    %dma_start3A_1346 = arith.constant 0 : i32
    %dma_start3A_1347 = arith.constant 0 : i32
    %dma_start3A_1348 = tpu.memref_slice %arg50[%dma_start3A_1346, %dma_start3A_1347] : memref<10000x128xf32, #tpu.memory_space<vmem_shared>> -> memref<10000x128xf32, #tpu.memory_space<vmem_shared>>
    tpu.enqueue_indirect_dma source(%arg29 : memref<40x128xf32, #tpu.memory_space<vmem>>) target(%dma_start3A_1348 : memref<10000x128xf32, #tpu.memory_space<vmem_shared>>) offsets(%dma_start3A_1345 : memref<40xi32, #tpu.memory_space<vmem>>) semaphore(%arg49 : memref<!tpu.dma_semaphore, #tpu.memory_space<semaphore_mem>>) {add = true}
    %dma_wait3A_1349 = arith.constant 0 : i32
    %dma_wait3A_1350 = arith.constant 0 : i32
    %dma_wait3A_1351 = tpu.memref_slice %arg2[%dma_wait3A_1349, %dma_wait3A_1350] : memref<10000x128xf32, #tpu.memory_space<hbm>> -> memref<40x128xf32, #tpu.memory_space<hbm>>
    %dma_wait3A_1352 = arith.constant 0 : i32
    %dma_wait3A_1353 = arith.constant 0 : i32
    %dma_wait3A_1354 = tpu.memref_slice %arg2[%dma_wait3A_1352, %dma_wait3A_1353] : memref<10000x128xf32, #tpu.memory_space<hbm>> -> memref<40x128xf32, #tpu.memory_space<hbm>>
    tpu.wait_dma2 semaphore(%arg48 : memref<!tpu.dma_semaphore, #tpu.memory_space<semaphore_mem>>) src(%dma_wait3A_1354 : memref<40x128xf32, #tpu.memory_space<hbm>>) dst(%arg28 : memref<40x128xf32, #tpu.memory_space<vmem>>)
    %dma_wait3A_1355 = arith.constant 0 : i32
    %dma_wait3A_1356 = arith.constant 0 : i32
    %dma_wait3A_1357 = tpu.memref_slice %arg2[%dma_wait3A_1355, %dma_wait3A_1356] : memref<10000x128xf32, #tpu.memory_space<hbm>> -> memref<40x128xf32, #tpu.memory_space<hbm>>
    %dma_wait3A_1358 = arith.constant 0 : i32
    %dma_wait3A_1359 = arith.constant 0 : i32
    %dma_wait3A_1360 = tpu.memref_slice %arg2[%dma_wait3A_1358, %dma_wait3A_1359] : memref<10000x128xf32, #tpu.memory_space<hbm>> -> memref<40x128xf32, #tpu.memory_space<hbm>>
    tpu.wait_dma2 semaphore(%arg49 : memref<!tpu.dma_semaphore, #tpu.memory_space<semaphore_mem>>) src(%dma_wait3A_1360 : memref<40x128xf32, #tpu.memory_space<hbm>>) dst(%arg29 : memref<40x128xf32, #tpu.memory_space<vmem>>)
    %barrier3A_1361 = arith.constant 0 : index
    tpu.barrier barrier_id(%barrier3A_1361)
    %lt3A_1362 = arith.constant 15 : i32
    %lt3A_1363 = arith.cmpi slt, %arg1, %lt3A_1362 : i32
    %convert_element_type3A_1364 = arith.extui %lt3A_1363 : i1 to i32
    %cond3A_1365 = arith.constant 0 : i32
    %cond3A_1366 = arith.cmpi ne, %convert_element_type3A_1364, %cond3A_1365 : i32
    scf.if %cond3A_1366 {
      %mul3A_1372 = arith.constant 640 : i32
      %mul3A_1373 = arith.muli %arg1, %mul3A_1372 : i32
      %mul3A_1374 = arith.constant 640 : i32
      %mul3A_1375 = arith.muli %arg1, %mul3A_1374 : i32
      "tpu.region"() ({
        %run_scoped3A = tpu.sem_alloc : memref<!tpu.dma_semaphore, #tpu.memory_space<semaphore_mem>>
        %dma_start3A_1376 = arith.constant 0 : i32
        %dma_start3A_1377 = tpu.memref_slice %arg4[%arg0, %mul3A_1375, %dma_start3A_1376] : memref<2x10000x128xf32, #tpu.memory_space<hbm>> -> memref<1x640x128xf32, #tpu.memory_space<hbm>>
        %dma_start3A_1378 = tpu.memref_squeeze %dma_start3A_1377 : memref<1x640x128xf32, #tpu.memory_space<hbm>> -> memref<640x128xf32, #tpu.memory_space<hbm>>
        %dma_start3A_1379 = arith.constant 0 : i32
        %dma_start3A_1380 = tpu.memref_slice %arg50[%mul3A_1373, %dma_start3A_1379] : memref<10000x128xf32, #tpu.memory_space<vmem_shared>> -> memref<640x128xf32, #tpu.memory_space<vmem_shared>>
        tpu.enqueue_dma source(%dma_start3A_1380 : memref<640x128xf32, #tpu.memory_space<vmem_shared>>) target(%dma_start3A_1378 : memref<640x128xf32, #tpu.memory_space<hbm>>) target_semaphore(%run_scoped3A : memref<!tpu.dma_semaphore, #tpu.memory_space<semaphore_mem>>)
        %dma_wait3A_1381 = arith.constant 0 : i32
        %dma_wait3A_1382 = tpu.memref_slice %arg4[%arg0, %mul3A_1375, %dma_wait3A_1381] : memref<2x10000x128xf32, #tpu.memory_space<hbm>> -> memref<1x640x128xf32, #tpu.memory_space<hbm>>
        %dma_wait3A_1383 = tpu.memref_squeeze %dma_wait3A_1382 : memref<1x640x128xf32, #tpu.memory_space<hbm>> -> memref<640x128xf32, #tpu.memory_space<hbm>>
        %dma_wait3A_1384 = arith.constant 0 : i32
        %dma_wait3A_1385 = tpu.memref_slice %arg50[%mul3A_1373, %dma_wait3A_1384] : memref<10000x128xf32, #tpu.memory_space<vmem_shared>> -> memref<640x128xf32, #tpu.memory_space<vmem_shared>>
        tpu.wait_dma2 semaphore(%run_scoped3A : memref<!tpu.dma_semaphore, #tpu.memory_space<semaphore_mem>>) src(%dma_wait3A_1385 : memref<640x128xf32, #tpu.memory_space<vmem_shared>>) dst(%dma_wait3A_1383 : memref<640x128xf32, #tpu.memory_space<hbm>>)
        tpu.yield
      }) : () -> ()
    } else {
    }
    %eq3A_1367 = arith.constant 15 : i32
    %eq3A_1368 = arith.cmpi eq, %arg1, %eq3A_1367 : i32
    %convert_element_type3A_1369 = arith.extui %eq3A_1368 : i1 to i32
    %cond3A_1370 = arith.constant 0 : i32
    %cond3A_1371 = arith.cmpi ne, %convert_element_type3A_1369, %cond3A_1370 : i32
    scf.if %cond3A_1371 {
      "tpu.region"() ({
        %run_scoped3A = tpu.sem_alloc : memref<!tpu.dma_semaphore, #tpu.memory_space<semaphore_mem>>
        %dma_start3A_1372 = arith.constant 9600 : i32
        %dma_start3A_1373 = arith.constant 0 : i32
        %dma_start3A_1374 = tpu.memref_slice %arg4[%arg0, %dma_start3A_1372, %dma_start3A_1373] : memref<2x10000x128xf32, #tpu.memory_space<hbm>> -> memref<1x400x128xf32, #tpu.memory_space<hbm>>
        %dma_start3A_1375 = tpu.memref_squeeze %dma_start3A_1374 : memref<1x400x128xf32, #tpu.memory_space<hbm>> -> memref<400x128xf32, #tpu.memory_space<hbm>>
        %dma_start3A_1376 = arith.constant 9600 : i32
        %dma_start3A_1377 = arith.constant 0 : i32
        %dma_start3A_1378 = tpu.memref_slice %arg50[%dma_start3A_1376, %dma_start3A_1377] : memref<10000x128xf32, #tpu.memory_space<vmem_shared>> -> memref<400x128xf32, #tpu.memory_space<vmem_shared>>
        tpu.enqueue_dma source(%dma_start3A_1378 : memref<400x128xf32, #tpu.memory_space<vmem_shared>>) target(%dma_start3A_1375 : memref<400x128xf32, #tpu.memory_space<hbm>>) target_semaphore(%run_scoped3A : memref<!tpu.dma_semaphore, #tpu.memory_space<semaphore_mem>>)
        %dma_wait3A_1379 = arith.constant 9600 : i32
        %dma_wait3A_1380 = arith.constant 0 : i32
        %dma_wait3A_1381 = tpu.memref_slice %arg4[%arg0, %dma_wait3A_1379, %dma_wait3A_1380] : memref<2x10000x128xf32, #tpu.memory_space<hbm>> -> memref<1x400x128xf32, #tpu.memory_space<hbm>>
        %dma_wait3A_1382 = tpu.memref_squeeze %dma_wait3A_1381 : memref<1x400x128xf32, #tpu.memory_space<hbm>> -> memref<400x128xf32, #tpu.memory_space<hbm>>
        %dma_wait3A_1383 = arith.constant 9600 : i32
        %dma_wait3A_1384 = arith.constant 0 : i32
        %dma_wait3A_1385 = tpu.memref_slice %arg50[%dma_wait3A_1383, %dma_wait3A_1384] : memref<10000x128xf32, #tpu.memory_space<vmem_shared>> -> memref<400x128xf32, #tpu.memory_space<vmem_shared>>
        tpu.wait_dma2 semaphore(%run_scoped3A : memref<!tpu.dma_semaphore, #tpu.memory_space<semaphore_mem>>) src(%dma_wait3A_1385 : memref<400x128xf32, #tpu.memory_space<vmem_shared>>) dst(%dma_wait3A_1382 : memref<400x128xf32, #tpu.memory_space<hbm>>)
        tpu.yield
      }) : () -> ()
    } else {
    }
    return
  }
}

module attributes {stable_mosaic.version = 14 : i64} {
  func.func @_tc_combine_body(%arg0: i32, %arg1: memref<1xf32, #tpu.memory_space<smem>>, %arg2: memref<1000x128xf32, #tpu.memory_space<vmem>>, %arg3: memref<2x1000x128xf32, #tpu.memory_space<vmem>>, %arg4: memref<1000x128xf32, #tpu.memory_space<vmem>>) attributes {dimension_semantics = [#tpu.dimension_semantics<arbitrary>], iteration_bounds = array<i64: 10>, scalar_prefetch = 0 : i64, scratch_operands = 0 : i64, tpu.core_type = #tpu.core_type<tc>, window_params = [{transform_indices = @transform_0, window_bounds = array<i64: 1>}, {transform_indices = @transform_1, window_bounds = array<i64: 1000, 128>}, {transform_indices = @transform_2, window_bounds = array<i64: 2, 1000, 128>}, {transform_indices = @transform_3, window_bounds = array<i64: 1000, 128>}]} {
    %get3A = arith.constant 0 : index
    %get3A_0 = memref.load %arg1[%get3A] : memref<1xf32, #tpu.memory_space<smem>>
    %add3A = arith.constant 1.000000e+00 : f32
    %add3A_1 = arith.addf %add3A, %get3A_0 : f32
    %get3A_2 = arith.constant 0 : index
    %get3A_3 = arith.constant 0 : index
    %get3A_4 = vector.load %arg2[%get3A_2, %get3A_3] : memref<1000x128xf32, #tpu.memory_space<vmem>>, vector<1000x128xf32>
    %mul3A = vector.broadcast %add3A_1 : f32 to vector<1000x128xf32>
    %mul3A_5 = arith.mulf %mul3A, %get3A_4 : vector<1000x128xf32>
    %get3A_6 = arith.constant 0 : index
    %get3A_7 = arith.constant 0 : index
    %get3A_8 = arith.constant 0 : index
    %get3A_9 = vector.load %arg3[%get3A_6, %get3A_7, %get3A_8] : memref<2x1000x128xf32, #tpu.memory_space<vmem>>, vector<1x1000x128xf32>
    %get3A_10 = vector.shape_cast %get3A_9 : vector<1x1000x128xf32> to vector<1000x128xf32>
    %add3A_11 = arith.addf %mul3A_5, %get3A_10 : vector<1000x128xf32>
    %get3A_12 = arith.constant 1 : index
    %get3A_13 = arith.constant 0 : index
    %get3A_14 = arith.constant 0 : index
    %get3A_15 = vector.load %arg3[%get3A_12, %get3A_13, %get3A_14] : memref<2x1000x128xf32, #tpu.memory_space<vmem>>, vector<1x1000x128xf32>
    %get3A_16 = vector.shape_cast %get3A_15 : vector<1x1000x128xf32> to vector<1000x128xf32>
    %add3A_17 = arith.addf %add3A_11, %get3A_16 : vector<1000x128xf32>
    %swap3A = arith.constant 0 : index
    %swap3A_18 = arith.constant 0 : index
    %swap3A_19 = vector.load %arg4[%swap3A, %swap3A_18] : memref<1000x128xf32, #tpu.memory_space<vmem>>, vector<1000x128xf32>
    tpu.vector_store %arg4[%swap3A, %swap3A_18], %add3A_17 {strides = array<i32>} : memref<1000x128xf32, #tpu.memory_space<vmem>>, vector<1000x128xf32>,
    return
  }
  func.func @transform_0(%arg0: i32) -> i32 {
    %c0_i32 = arith.constant 0 : i32
    %c0_i32_0 = arith.constant 0 : i32
    return %c0_i32 : i32
  }
  func.func @transform_1(%arg0: i32) -> (i32, i32) {
    %c0_i32 = arith.constant 0 : i32
    %c0_i32_0 = arith.constant 0 : i32
    return %arg0, %c0_i32 : i32, i32
  }
  func.func @transform_2(%arg0: i32) -> (i32, i32, i32) {
    %c0_i32 = arith.constant 0 : i32
    %c0_i32_0 = arith.constant 0 : i32
    %c0_i32_1 = arith.constant 0 : i32
    return %c0_i32, %arg0, %c0_i32_0 : i32, i32, i32
  }
  func.func @transform_3(%arg0: i32) -> (i32, i32) {
    %c0_i32 = arith.constant 0 : i32
    %c0_i32_0 = arith.constant 0 : i32
    return %arg0, %c0_i32 : i32, i32
  }
}

</mosaic_0001>

<sc_bundles>
// kernel: kernel.4.cloned.1.call-start
scs
__scs_entry_jumppad:
0x0: {  	(pc) =	sbr.rel $0x88, $3  }
0x1: {  	(tag) =	ssettag $0x0;
	lr =	simm.s32 $0x1  }
0x2: {  	[smem:$0x3F9E] =	sst lr;
	_ =	strace $0xD0000000  }
0x3: {  	_ = 	snop  }
0x4: {  	_ = 	snop  }
0x5: {  	_ = 	snop  }
0x6: {  	_ = 	snop  }
0x7: {  	_ = 	snop  }
__scs_overlays_trampoline_lowered:
0x8: {  	[smem:$0x3FAD] =	sst s0  }
0x9: {  	[smem:$0x3FAE] =	sst s1  }
0xa: {  	[smem:$0x3FAF] =	sst s2  }
0xb: {  	[smem:$0x3FB0] =	sst s3  }
0xc: {  	[smem:$0x3FB1] =	sst s4  }
0xd: {  	[smem:$0x3FB2] =	sst s5  }
0xe: {  	[smem:$0x3FB3] =	sst s6  }
0xf: {  	[smem:$0x3FB4] =	sst s7  }
0x10: {  	[smem:$0x3FB5] =	sst s8  }
0x11: {  	[smem:$0x3FB6] =	sst s9;
	s0 =	simm.s32 @!p0 $0x0  }
0x12: {  	s1 =	sld [smem:$0x3F9C];
	s0 =	simm.s32 @p0 $0x1  }
0x13: {  	[smem:$0x3FB7] =	sst s0;
	s0 =	simm.s32 @!p1 $0x0  }
0x14: {  	s2 =	sld [smem:$0x3F9B];
	s0 =	simm.s32 @p1 $0x1  }
0x15: {  	[smem:$0x3FB8] =	sst s0;
	s0 =	simm.s32 @!p2 $0x0  }
0x16: {  	s3 =	sld [smem:$0x3FDB];
	s0 =	simm.s32 @p2 $0x1  }
0x17: {  	s4 =	simm.s32 $0x1BF5;
	[smem:$0x3FBA] =	sst s0  }
0x18: {  	s0 =	sld [smem:$0x3F9D];
	_ =	swait.ge [sflag:s4], $0x0  }
0x19: {  	s7 =	sld [smem:$0x3F9E]  }
0x1a: {  	s8 =	sadd.s32 $0xFFFFE003, lr  }
0x1b: {  	s9 =	sadd.s32 $0xFFFFFEF7, lr;
	s5 =	simm.s32 $0xFFFFFFFF;
	p2 =	slt.u32 s8, $0xFFFFF086  }
0x1c: {  	p1 =	slt.u32 s9, $0xF7A;
	s5 =	simm.s32 @!p2 $0x0  }
0x1d: {  	s5 =	simm.s32 @p1 $0x1;
	p0 =	seq.s32 s7, s2  }
0x1e: {  	s7 =	smul.u32 @!p0 $0xF7A, s2;
	p2 =	seq.s32 @!p0 s5, $0x0  }
0x1f: {  	s9 =	smul.u32 $0xF7A, s1;
	s8 =	simm.s32 @!p0 $0x1BF5;
	p2 =	por !p2, p0  }
0x20: {  	[sflag:s8] =	ssyncset.s32 @!p0 $0xFFFFF086;
	s6 =	sadd.s32 @!p0 s3, s7;
	s7 =	simm.s32 @!p0 $0x108  }
0x21: {  	s3 =	sadd.s32 s3, s9;
	s6 =	sadd.s32 @!p0 $0x88, s6;
	s7 =	simm.s32 @p2 $0x1082  }
0x22: {  	[simem:s7], [sflag:s8] =	dma.local @!p0 [hbm:s6], $0xF7A  }
0x23: {  	s9 =	sor.u32 $0xD0000000, s2;
	s6 =	simm.s32 $0x108;
	_ =	swait.ge @!p0 [sflag:s8], $0x0  }
0x24: {  	s3 =	sadd.s32 $0x88, s3;
	s6 =	simm.s32 @!p1 $0x1082;
	[sflag:s4] =	ssyncset.s32 $0xFFFFF086  }
0x25: {  	[simem:s6], [sflag:s4] =	dma.local [hbm:s3], $0xF7A  }
0x26: {  	[smem:$0x3F9E] =	sst s1;
	(tag) =	ssettag s2;
	_ =	strace s9  }
0x27: {  	s1 =	sld [smem:$0x3FAE]  }
0x28: {  	s2 =	sld [smem:$0x3FAF]  }
0x29: {  	s4 =	sld [smem:$0x3FB1]  }
0x2a: {  	p0 =	seq.s32 s5, $0x0;
	s5 =	sld [smem:$0x3FB2]  }
0x2b: {  	s6 =	sld [smem:$0x3FB3]  }
0x2c: {  	s7 =	sld [smem:$0x3FB4]  }
0x2d: {  	s3 =	simm.s32 $0x108;
	s8 =	sld [smem:$0x3FB5]  }
0x2e: {  	s3 =	simm.s32 @!p0 $0x1082;
	s9 =	sld [smem:$0x3FB6]  }
0x2f: {  	lr =	sadd.s32 s0, s3;
	s0 =	sld [smem:$0x3FAD]  }
0x30: {  	s3 =	sld [smem:$0x3FB0]  }
0x31: {  	[smem:$0x3FB9] =	sst s10  }
0x32: {  	s10 =	sld [smem:$0x3FB7];
	_ =	sdelay $0x3  }
0x33: {  	p0 =	seq.s32 s10, $0x1;
	s10 =	sld [smem:$0x3FB9];
	_ =	sdelay $0x3  }
0x34: {  	[smem:$0x3FB9] =	sst s10  }
0x35: {  	s10 =	sld [smem:$0x3FB8];
	_ =	sdelay $0x3  }
0x36: {  	p1 =	seq.s32 s10, $0x1;
	s10 =	sld [smem:$0x3FB9];
	_ =	sdelay $0x3  }
0x37: {  	[smem:$0x3FB9] =	sst s10  }
0x38: {  	s10 =	sld [smem:$0x3FBA]  }
0x39: {  	_ = 	snop;
	(pc) =	sbr.ind lr, $3  }
0x3a: {  	_ = 	snop  }
0x3b: {  	_ = 	snop  }
0x3c: {  	p2 =	seq.s32 s10, $0x1;
	s10 =	sld [smem:$0x3FB9]  }
0x3d: {  	_ =	shalt  }
0x3e: {  	_ =	shalt  }
0x3f: {  	_ =	shalt  }
0x40: {  	_ =	shalt  }
0x41: {  	_ =	shalt  }
0x42: {  	_ =	shalt  }
0x43: {  	_ =	shalt  }
0x44: {  	_ =	shalt  }
0x45: {  	_ =	shalt  }
0x46: {  	_ =	shalt  }
0x47: {  	_ =	shalt  }
0x48: {  	_ =	shalt  }
0x49: {  	_ =	shalt  }
0x4a: {  	_ =	shalt  }
0x4b: {  	_ =	shalt  }
0x4c: {  	_ =	shalt  }
0x4d: {  	_ =	shalt  }
0x4e: {  	_ =	shalt  }
0x4f: {  	_ =	shalt  }
0x50: {  	_ =	shalt  }
0x51: {  	_ =	shalt  }
0x52: {  	_ =	shalt  }
0x53: {  	_ =	shalt  }
0x54: {  	_ =	shalt  }
0x55: {  	_ =	shalt  }
0x56: {  	_ =	shalt  }
0x57: {  	_ =	shalt  }
0x58: {  	_ =	shalt  }
0x59: {  	_ =	shalt  }
0x5a: {  	_ =	shalt  }
0x5b: {  	_ =	shalt  }
0x5c: {  	_ =	shalt  }
0x5d: {  	_ =	shalt  }
0x5e: {  	_ =	shalt  }
0x5f: {  	_ =	shalt  }
0x60: {  	_ =	shalt  }
0x61: {  	_ =	shalt  }
0x62: {  	_ =	shalt  }
0x63: {  	_ =	shalt  }
0x64: {  	_ =	shalt  }
0x65: {  	_ =	shalt  }
0x66: {  	_ =	shalt  }
0x67: {  	_ =	shalt  }
0x68: {  	_ =	shalt  }
0x69: {  	_ =	shalt  }
0x6a: {  	_ =	shalt  }
0x6b: {  	_ =	shalt  }
0x6c: {  	_ =	shalt  }
0x6d: {  	_ =	shalt  }
0x6e: {  	_ =	shalt  }
0x6f: {  	_ =	shalt  }
0x70: {  	_ =	shalt  }
0x71: {  	_ =	shalt  }
0x72: {  	_ =	shalt  }
0x73: {  	_ =	shalt  }
0x74: {  	_ =	shalt  }
0x75: {  	_ =	shalt  }
0x76: {  	_ =	shalt  }
0x77: {  	_ =	shalt  }
0x78: {  	_ =	shalt  }
0x79: {  	_ =	shalt  }
0x7a: {  	_ =	shalt  }
0x7b: {  	_ =	shalt  }
0x7c: {  	_ =	shalt  }
0x7d: {  	_ =	shalt  }
0x7e: {  	_ =	shalt  }
0x7f: {  	_ =	shalt  }
0x80: {  	_ =	shalt  }
0x81: {  	_ =	shalt  }
0x82: {  	_ =	shalt  }
0x83: {  	_ =	shalt  }
0x84: {  	_ =	shalt  }
0x85: {  	_ =	shalt  }
0x86: {  	_ =	shalt  }
0x87: {  	_ =	shalt  }
.Lfunc_end0:
.L_simem_size_0:
called_computation_lowered:
.L_overlay_start_0:
0x88: {  	s2 =	sld [smem:$0x3FD9]  }
0x89: {  	s3 =	sld [smem:$0x3FFE];
	_ =	sdelay $0x1  }
0x8a: {  	s1 =	srdreg.scid  }
0x8b: {  	s0 =	sand.u32 $0x1, s1  }
0x8c: {  	s17 =	sshll.u32 s0, $0xA;
	s2 =	sadd.s32 s3, s2  }
0x8d: {  	s2 =	sadd.s32 s2, s17  }
0x8e: {  	[smem:$0x3FC5] =	sst s2  }
0x8f: {  	_ = 	snop  }
0x90: {  	s2 =	sld [smem:$0x3FC9];
	(tm) =	ssettm $0x1  }
0x91: {  	s18 =	sld [smem:$0x3FFB];
	_ =	sdelay $0x3  }
0x92: {  	_ =	strace s18  }
0x93: {  	s3 =	sld [smem:$0x3FFC];
	_ =	sdelay $0x3  }
0x94: {  	_ =	strace s3  }
0x95: {  	s3 =	sld [smem:$0x3FFD];
	_ =	sdelay $0x3  }
0x96: {  	_ =	strace s3  }
0x97: {  	_ =	strace $0x8FFFFFFF  }
0x98: {  	s19 =	sld [smem:$0x3FDB];
	_ =	sdelay $0x1  }
0x99: {  	s4 =	simm.s32 $_scs_section_size  }
0x9a: {  	s5 =	simm.s32 $_size__tile_overlayer_lowered;
	s6 =	simm.s32 $_tile_overlayer_lowered  }
0x9b: {  	s22 =	simm.s32 $0x1BFF;
	s21 =	sshll.u32 s6, $0x1;
	s3 =	sadd.s32 s4, s19  }
0x9c: {  	s7 =	simm.s32 $0x0;
	s20 =	sshll.u32 s5, $0x1;
	s5 =	sadd.s32 s21, s3  }
0x9d: {  	[timem:s7], [sflag:s22] =	dma.local [hbm:s5], s20  }
0x9e: {  	_ =	swait.ge [sflag:s22], s20  }
0x9f: {  	s4 =	ssub.s32 $0x0, s20;
	[sflag:s22] =	ssyncset.done $0x0  }
0xa0: {  	[sflag:s22] =	ssyncadd.s32 s4;
	_ =	sdelay $0x1  }
0xa1: {  	s23 =	simm.s32 $0x1B8B  }
0xa2: {  	_ =	swait.ge [sflag:s23], $0x1  }
0xa3: {  	[sflag:s23] =	ssyncset.done $0x0  }
0xa4: {  	s25 =	simm.s32 $0x1B8E;
	s24 =	sld [smem:$0x3FFE];
	[sflag:s23] =	ssyncadd.s32 $0xFFFFFFFF  }
0xa5: {  	s26 =	simm.s32 $execute0_lowered;
	[smem:$0x3FD2] =	sst s25  }
0xa6: {  	s5 =	sshll.u32 s26, $0x1;
	_ =	strace $0x80000046;
	[dreg:$0x1] =	wrdreg $0xFFFFFFFF  }
0xa7: {  	s28 =	simm.s32 $_size_execute0_lowered;
	s3 =	sadd.s32 s3, s5;
	[dreg:$0x0] =	wrdreg $0x0  }
0xa8: {  	s5 =	sshll.u32 s28, $0x1;
	[dreg:$0x2] =	wrdreg s3  }
0xa9: {  	[dreg:$0x3] =	wrdreg s5  }
0xaa: {  	[dreg:$0x4] =	wrdreg $0xC0  }
0xab: {  	_ =	task [dreg:s7], $0x5FFFF  }
0xac: {  	[dreg:$0x1] =	wrdreg $0xFFFFFFFF  }
0xad: {  	[dreg:$0x0] =	wrdreg $0x60  }
0xae: {  	[dreg:$0x2] =	wrdreg s2  }
0xaf: {  	[dreg:$0x3] =	wrdreg s24  }
0xb0: {  	[dreg:$0x4] =	wrdreg $0x6E000  }
0xb1: {  	[dreg:$0x5] =	wrdreg $0x9  }
0xb2: {  	_ =	task.clear_ibuf [dreg:s7], $0x6FFFF;
	_ =	strace $0x90000046  }
0xb3: {  	s29 =	simm.s32 $0x9;
	_ =	strace $0x80000048  }
0xb4: {  	_ =	swait.ge [sflag:s29], $0x1  }
0xb5: {  	[sflag:s29] =	ssyncadd.s32 $0xFFFFFFFF  }
0xb6: {  	_ =	strace $0x90000048  }
0xb7: {  	_ =	sfence  }
0xb8: {  	s30 =	sld [smem:$0x0];
	_ =	sdelay $0x2  }
0xb9: {  	s31 =	sshll.u32 s1, $0xD;
	s1 =	sshrl.u32 s1, $0x2  }
0xba: {  	s3 =	sand.u32 $0x4000, s31;
	s1 =	sadd.s32 s1, s30  }
0xbb: {  	s0 =	sor.u32 s3, s0;
	s1 =	sshll.u32 s1, $0x11  }
0xbc: {  	s0 =	sor.u32 s1, s0  }
0xbd: {  	s0 =	sadd.s32 $0x8F2B, s0  }
0xbe: {  	[sflag:s0] =	ssyncadd.remote.s32 $0x1  }
0xbf: {  	_ =	sfence.sel $0xFFFF  }
0xc0: {  	[dreg:$0x0] =	wrdreg $0xFFFFFFFF;
	(pc) =	sbr.abs _section_cstart, $3  }
0xc1: {  	[dreg:$0x1] =	wrdreg $0xFFFFFFFF  }
0xc2: {  	_ =	task.clear_ibuf [dreg:s7], $0x2FFFF;
	_ =	strace $0x9FFFFFFF  }
0xc3: {  	(tm) =	ssettm $0x7FFFFFFF  }
tec
execute0_lowered:
.L_overlay_start_1:
0x0: {  	(tag) =	ssettag $0x1  }
0x1: {  	s1 =	rddreg [dreg:$0x0]  }
0x2: {  	s0 =	rddreg [dreg:$0x1]  }
0x3: {  	s4 =	rddreg [dreg:$0x2]  }
0x4: {  	s3 =	simm.s32 $0x0;
	s2 =	srdreg.scid;
	s12 =	stileid.u32  }
0x5: {  	[smem:$0x7FF] =	sst s3;
	s5 =	smul.u32 $0x50000, s12  }
0x6: {  	s6 =	sand.u32 $0x1, s2;
	s2 =	sadd.s32 $0xE00, s0;
	s8 =	sadd.s32 $0x3F600, s0  }
0x7: {  	s23 =	sshll.u32 s12, $0x1;
	s31 =	smul.u32 $0x14000, s12;
	s5 =	sshrl.u32 s5, $0x2  }
0x8: {  	s14 =	smul.u32 $0xFA00, s12;
	p0 =	seq.s32 s12, $0xF;
	s18 =	sadd.s32 s5, s4  }
0x9: {  	_ =	strace $0x80000047;
	s24 =	sadd.s32 $0x1400, s18;
	[dreg:$0x18] =	wrdreg s18  }
0xa: {  	s7 =	ssub.s32 $0x2, s6;
	s25 =	sadd.s32 $0x2800, s18;
	[dreg:$0x19] =	wrdreg s24  }
0xb: {  	s9 =	smul.u32 $0x138800, s6;
	s26 =	sadd.s32 $0x3C00, s18;
	[dreg:$0x1a] =	wrdreg s25  }
0xc: {  	s22 =	sshrl.u32 s7, $0x1;
	s10 =	sadd.s32 $0x5000, s18;
	[dreg:$0x1b] =	wrdreg s26  }
0xd: {  	s0 =	ssub.s32 s7, s22;
	s13 =	sadd.s32 $0x6400, s18;
	[dreg:$0x1c] =	wrdreg s10  }
0xe: {  	s5 =	sor.u32 s6, s23;
	s11 =	sadd.s32 $0x7800, s18;
	[dreg:$0x1d] =	wrdreg s13  }
0xf: {  	s6 =	smul.u32 $0x7D00, s6;
	s15 =	sadd.s32 $0x8C00, s18;
	[dreg:$0x1e] =	wrdreg s11  }
0x10: {  	s7 =	sadd.s32 s31, s9;
	s16 =	sadd.s32 $0xA000, s18;
	[dreg:$0x1f] =	wrdreg s15  }
0x11: {  	s9 =	sshrl.u32 s9, $0x3;
	s17 =	sadd.s32 $0xB400, s18;
	[smem:$0x7C0] =	sst s16  }
0x12: {  	s19 =	sadd.s32 $0xC800, s18;
	s20 =	sshrl.u32 s7, $0x3;
	[smem:$0x7C1] =	sst s17  }
0x13: {  	s21 =	sadd.s32 $0xDC00, s18;
	s5 =	smul.u32 $0x7D00, s5;
	[smem:$0x7C2] =	sst s19  }
0x14: {  	s0 =	smax.u32 s0, $0x1;
	s7 =	sadd.s32 s6, s14;
	[smem:$0x7C3] =	sst s21  }
0x15: {  	s22 =	sadd.s32 s8, s20;
	s6 =	sadd.s32 s8, s9;
	[smem:$0x7D0] =	sst s0  }
0x16: {  	[smem:$0x7C4] =	sst s22;
	s23 =	sadd.s32 $0xE00, s7;
	s25 =	sadd.s32 $0xFAE00, s7  }
0x17: {  	s11 =	sadd.s32 $0xD80, s7;
	s14 =	sadd.s32 $0xFAD80, s7;
	s15 =	sadd.s32 $0xD00, s7  }
0x18: {  	s20 =	sadd.s32 $0xFAD00, s7;
	s22 =	sadd.s32 $0xC80, s7;
	s5 =	sshrl.u32 s5, $0x3  }
0x19: {  	s6 =	sadd.s32 $0x25800, s6;
	s24 =	sshrl.u32 s23, $0x3;
	s31 =	sshrl.u32 s25, $0x3  }
0x1a: {  	s13 =	sshrl.u32 s11, $0x3;
	s5 =	sadd.s32 s2, s5;
	[smem:$0x7C9] =	sst s6  }
0x1b: {  	s9 =	sshrl.u32 s14, $0x3;
	s26 =	sadd.s32 s24, s2;
	[smem:$0x7FB] =	sst s5  }
0x1c: {  	s17 =	sshrl.u32 s15, $0x3;
	s10 =	sadd.s32 s31, s2;
	[dreg:$0x4] =	wrdreg s26  }
0x1d: {  	s21 =	sshrl.u32 s20, $0x3;
	s8 =	sadd.s32 s13, s2;
	[dreg:$0x5] =	wrdreg s10  }
0x1e: {  	s20 =	sadd.s32 $0xFAB00, s7;
	s16 =	sadd.s32 s9, s2;
	[dreg:$0x6] =	wrdreg s8  }
0x1f: {  	s19 =	sadd.s32 s17, s2;
	s9 =	sshrl.u32 s22, $0x3;
	[dreg:$0x7] =	wrdreg s16  }
0x20: {  	s22 =	sshrl.u32 s20, $0x3;
	s20 =	sadd.s32 $0x11800, s18;
	[dreg:$0x8] =	wrdreg s19  }
0x21: {  	s23 =	sadd.s32 $0xFAC80, s7;
	s12 =	sadd.s32 $0x1F410, s5;
	[smem:$0x7C7] =	sst s20  }
0x22: {  	s11 =	sadd.s32 $0xB80, s7;
	s8 =	sadd.s32 s21, s2;
	[smem:$0x7D7] =	sst s12  }
0x23: {  	s25 =	sshrl.u32 s23, $0x3;
	s24 =	sadd.s32 s9, s2;
	[dreg:$0x9] =	wrdreg s8  }
0x24: {  	s14 =	sshrl.u32 s11, $0x3;
	s26 =	sadd.s32 s25, s2;
	[dreg:$0xa] =	wrdreg s24  }
0x25: {  	s15 =	sadd.s32 s14, s2;
	[dreg:$0xb] =	wrdreg s26  }
0x26: {  	s31 =	sadd.s32 $0xC00, s7;
	s23 =	sadd.s32 s22, s2;
	[dreg:$0xe] =	wrdreg s15  }
0x27: {  	s9 =	sshrl.u32 s31, $0x3;
	s22 =	sadd.s32 $0x12D400, s4;
	[dreg:$0x11] =	wrdreg s23  }
0x28: {  	s10 =	sadd.s32 $0xFAC00, s7;
	s20 =	sadd.s32 $0x50, s5;
	[smem:$0x7CA] =	sst s22  }
0x29: {  	s16 =	sadd.s32 $0xFAB80, s7;
	s12 =	sadd.s32 $0x1F4C0, s5;
	[smem:$0x7DE] =	sst s20  }
0x2a: {  	s31 =	sadd.s32 $0xA00, s7;
	s8 =	sadd.s32 s9, s2;
	[smem:$0x7ED] =	sst s12  }
0x2b: {  	s17 =	sshrl.u32 s16, $0x3;
	s16 =	sadd.s32 $0xF000, s18;
	[dreg:$0xc] =	wrdreg s8  }
0x2c: {  	s9 =	sshrl.u32 s10, $0x3;
	s23 =	sadd.s32 $0x12E800, s4;
	[smem:$0x7C5] =	sst s16  }
0x2d: {  	s10 =	sshrl.u32 s31, $0x3;
	s31 =	sadd.s32 $0x132400, s4;
	[smem:$0x7CB] =	sst s23  }
0x2e: {  	s22 =	sadd.s32 $0x60, s5;
	[smem:$0x7CF] =	sst s31  }
0x2f: {  	s20 =	sadd.s32 $0x100, s5;
	[smem:$0x7E0] =	sst s22  }
0x30: {  	s13 =	sadd.s32 s9, s2;
	[smem:$0x7F4] =	sst s20  }
0x31: {  	s19 =	sadd.s32 $0xB00, s7;
	s8 =	sadd.s32 s17, s2;
	[dreg:$0xd] =	wrdreg s13  }
0x32: {  	s24 =	sadd.s32 $0xA80, s7;
	s11 =	sadd.s32 s10, s2;
	[dreg:$0xf] =	wrdreg s8  }
0x33: {  	s9 =	sshrl.u32 s19, $0x3;
	s19 =	sadd.s32 $0x10400, s18;
	[dreg:$0x14] =	wrdreg s11  }
0x34: {  	s25 =	sshrl.u32 s24, $0x3;
	s24 =	sadd.s32 $0x12FC00, s4;
	[smem:$0x7C6] =	sst s19  }
0x35: {  	s10 =	sadd.s32 $0x1F400, s5;
	[smem:$0x7CC] =	sst s24  }
0x36: {  	s16 =	sadd.s32 $0x1F430, s5;
	[smem:$0x7D5] =	sst s10  }
0x37: {  	s23 =	sadd.s32 $0x1F460, s5;
	[smem:$0x7DB] =	sst s16  }
0x38: {  	s31 =	sadd.s32 $0x1F480, s5;
	[smem:$0x7E1] =	sst s23  }
0x39: {  	s22 =	sadd.s32 $0x110, s5;
	[smem:$0x7E5] =	sst s31  }
0x3a: {  	s21 =	sadd.s32 s9, s2;
	[smem:$0x7F6] =	sst s22  }
0x3b: {  	s8 =	sadd.s32 s25, s2;
	[dreg:$0x10] =	wrdreg s21  }
0x3c: {  	s26 =	sadd.s32 $0xFAA80, s7;
	s25 =	sadd.s32 $0x12C000, s4;
	[dreg:$0x12] =	wrdreg s8  }
0x3d: {  	s9 =	sshrl.u32 s26, $0x3;
	s26 =	sadd.s32 $0x131000, s4;
	[smem:$0x7CD] =	sst s25  }
0x3e: {  	s11 =	sadd.s32 $0x10, s5;
	[smem:$0x7CE] =	sst s26  }
0x3f: {  	s19 =	sadd.s32 $0x1F440, s5;
	[smem:$0x7D6] =	sst s11  }
0x40: {  	s24 =	sadd.s32 $0x70, s5;
	[smem:$0x7DD] =	sst s19  }
0x41: {  	s10 =	sadd.s32 $0x1F4B0, s5;
	[smem:$0x7E2] =	sst s24  }
0x42: {  	s16 =	sadd.s32 $0x1F4E0, s5;
	[smem:$0x7EB] =	sst s10  }
0x43: {  	s23 =	sadd.s32 $0x1F510, s5;
	[smem:$0x7F1] =	sst s16  }
0x44: {  	s31 =	sadd.s32 $0x20390, s5;
	[smem:$0x7F7] =	sst s23  }
0x45: {  	s9 =	sadd.s32 s9, s2;
	[smem:$0x7FC] =	sst s31  }
0x46: {  	s13 =	sadd.s32 $0xFAA00, s7;
	s21 =	sadd.s32 $0x12C00, s18;
	[dreg:$0x13] =	wrdreg s9  }
0x47: {  	s14 =	sshrl.u32 s13, $0x3;
	s13 =	sadd.s32 $0x20, s5;
	[smem:$0x7C8] =	sst s21  }
0x48: {  	s25 =	sadd.s32 $0x1F470, s5;
	[smem:$0x7D8] =	sst s13  }
0x49: {  	s26 =	sadd.s32 $0x80, s5;
	[smem:$0x7E3] =	sst s25  }
0x4a: {  	s11 =	sadd.s32 $0xC0, s5;
	[smem:$0x7E4] =	sst s26  }
0x4b: {  	s19 =	sadd.s32 $0x1F4F0, s5;
	[smem:$0x7EC] =	sst s11  }
0x4c: {  	s24 =	sadd.s32 $0x120, s5;
	[smem:$0x7F3] =	sst s19  }
0x4d: {  	s8 =	sadd.s32 s14, s2;
	[smem:$0x7F8] =	sst s24  }
0x4e: {  	s15 =	sadd.s32 $0xFA980, s7;
	s14 =	sadd.s32 $0x1F420, s5;
	[dreg:$0x15] =	wrdreg s8  }
0x4f: {  	s9 =	sshrl.u32 s15, $0x3;
	s15 =	sadd.s32 $0x30, s5;
	[smem:$0x7D9] =	sst s14  }
0x50: {  	s21 =	sadd.s32 $0x1F450, s5;
	[smem:$0x7DA] =	sst s15  }
0x51: {  	s13 =	sadd.s32 $0xD0, s5;
	[smem:$0x7DF] =	sst s21  }
0x52: {  	s28 =	simm.s32 $0x1;
	s25 =	sadd.s32 $0x1F520, s5;
	[smem:$0x7EE] =	sst s13  }
0x53: {  	s7 =	sadd.s32 $0x980, s7;
	s26 =	sadd.s32 $0xF90, s5;
	[smem:$0x7F9] =	sst s25  }
0x54: {  	s7 =	sshrl.u32 s7, $0x3;
	s17 =	sadd.s32 s9, s2;
	[smem:$0x7FA] =	sst s26  }
0x55: {  	s29 =	simm.s32 $0x10;
	s2 =	sadd.s32 s7, s2;
	[dreg:$0x16] =	wrdreg s17  }
0x56: {  	s30 =	simm.s32 $0xE;
	s7 =	sadd.s32 $0x134C00, s4;
	[dreg:$0x17] =	wrdreg s2  }
0x57: {  	s0 =	simm.s32 $0xD;
	s8 =	sadd.s32 $0x136000, s4;
	[smem:$0x7D2] =	sst s7  }
0x58: {  	s6 =	smov.u32 s4;
	s9 =	sadd.s32 $0x137400, s4;
	[smem:$0x7D3] =	sst s8  }
0x59: {  	s22 =	simm.s32 $0x3;
	s14 =	sadd.s32 $0x1F4D0, s5;
	[smem:$0x7D4] =	sst s9  }
0x5a: {  	s23 =	simm.s32 $0xB;
	s15 =	sadd.s32 $0xE0, s5;
	[smem:$0x7EF] =	sst s14  }
0x5b: {  	s10 =	simm.s32 $0x13;
	s21 =	sadd.s32 $0x1F500, s5;
	[smem:$0x7F0] =	sst s15  }
0x5c: {  	s19 =	simm.s32 $0x2;
	s2 =	sadd.s32 $0x133800, s4;
	[smem:$0x7F5] =	sst s21  }
0x5d: {  	s24 =	simm.s32 $0xC;
	s17 =	sadd.s32 $0x40, s5;
	[smem:$0x7D1] =	sst s2  }
0x5e: {  	s11 =	simm.s32 $0x14;
	s4 =	sadd.s32 $0x1F490, s5;
	[smem:$0x7DC] =	sst s17  }
0x5f: {  	s13 =	simm.s32 $0x680;
	s7 =	sadd.s32 $0xA0, s5;
	[smem:$0x7E7] =	sst s4  }
0x60: {  	s8 =	sadd.s32 $0x1F4A0, s5;
	s9 =	sadd.s32 $0xB0, s5;
	[smem:$0x7E8] =	sst s7  }
0x61: {  	s21 =	simm.s32 $0x4;
	s14 =	simm.s32 $0x0;
	[smem:$0x7E9] =	sst s8  }
0x62: {  	s2 =	sadd.s32 $0x90, s5;
	[smem:$0x7EA] =	sst s9;
	s17 =	sadd.s32 $0xF0, s5  }
0x63: {  	s4 =	simm.s32 $0x100;
	s5 =	simm.s32 $0x600;
	[smem:$0x7FD] =	sst s14  }
0x64: {  	s7 =	simm.s32 $0x12;
	s8 =	simm.s32 $0xF;
	[smem:$0x7E6] =	sst s2  }
0x65: {  	v0 =	vimm.f32 $0.0e+00;
	[smem:$0x7F2] =	sst s17;
	s17 =	simm.s32 $0x28;
	s2 =	simm.s32 $0x11  }
.LBB2_1:
0x66: {  	s14 =	simm.s32 $0x0;
	s15 =	simm.s32 $0x200  }
.LBB2_2:
0x67: {  	p1 =	sne.s32 s15, $0x4E00;
	[tilespmem:s14+$0xA70] =	vst v0  }
0x68: {  	[tilespmem:s14+$0xA00] =	vst v0  }
0x69: {  	[tilespmem:s14+$0xA10] =	vst v0  }
.Ltmp0:
0x6a: {  	[tilespmem:s14+$0xA20] =	vst v0;
	(pc) =	sbr.rel @p1 .LBB2_2-.Ltmp0, $4  }
0x6b: {  	[tilespmem:s14+$0xA30] =	vst v0  }
0x6c: {  	[tilespmem:s14+$0xA40] =	vst v0  }
0x6d: {  	[tilespmem:s14+$0xA50] =	vst v0  }
0x6e: {  	[tilespmem:s14+$0xA60] =	vst v0;
	s14 =	sshra.s32 s15, $0x2;
	s15 =	sadd.s32 $0x200, s15  }
0x6f: {  	[tilespmem:s14+$0xA70] =	vst v0  }
0x70: {  	[tilespmem:s14+$0xA00] =	vst v0  }
0x71: {  	[tilespmem:s14+$0xA10] =	vst v0  }
0x72: {  	[tilespmem:s14+$0xA20] =	vst v0  }
0x73: {  	[tilespmem:s14+$0xA30] =	vst v0  }
0x74: {  	[tilespmem:s14+$0xA40] =	vst v0;
	s15 =	sld [smem:$0x7CD]  }
0x75: {  	[tilespmem:s14+$0xA50] =	vst v0  }
0x76: {  	[tilespmem:s14+$0xA60] =	vst v0;
	s14 =	simm.s32 @p0 $0xA00  }
0x77: {  	[spmem:s15] =	stream.linear.scatter @p0 [tilespmem:s14], [sflag:$0x10], $0x1400, $0x38;
	[tilespmem:$0x1A680] =	vst v63  }
0x78: {  	s15 =	sld [smem:$0x7CA];
	_ =	sdelay $0x2  }
0x79: {  	[spmem:s15] =	stream.linear.scatter @p0 [tilespmem:s14], [sflag:$0x11], $0x1400, $0x38;
	[tilespmem:$0x1A680] =	vst v63  }
0x7a: {  	s15 =	sld [smem:$0x7CB];
	_ =	sdelay $0x2  }
0x7b: {  	[spmem:s15] =	stream.linear.scatter @p0 [tilespmem:s14], [sflag:$0x12], $0x1400, $0x38;
	[tilespmem:$0x1A680] =	vst v63  }
0x7c: {  	s15 =	sld [smem:$0x7CC];
	_ =	sdelay $0x2  }
0x7d: {  	[spmem:s15] =	stream.linear.scatter @p0 [tilespmem:s14], [sflag:$0x13], $0x1400, $0x38;
	[tilespmem:$0x1A680] =	vst v63  }
0x7e: {  	s15 =	sld [smem:$0x7CE];
	_ =	sdelay $0x2  }
0x7f: {  	[spmem:s15] =	stream.linear.scatter @p0 [tilespmem:s14], [sflag:$0x14], $0x1400, $0x38;
	[tilespmem:$0x1A680] =	vst v63  }
0x80: {  	s15 =	sld [smem:$0x7CF];
	_ =	sdelay $0x2  }
0x81: {  	[spmem:s15] =	stream.linear.scatter @p0 [tilespmem:s14], [sflag:$0x10], $0x1400, $0x38;
	[tilespmem:$0x1A680] =	vst v63  }
0x82: {  	s15 =	sld [smem:$0x7D1];
	_ =	sdelay $0x2  }
0x83: {  	[spmem:s15] =	stream.linear.scatter @p0 [tilespmem:s14], [sflag:$0x11], $0x1400, $0x38;
	[tilespmem:$0x1A680] =	vst v63  }
0x84: {  	s15 =	sld [smem:$0x7D2];
	_ =	sdelay $0x2  }
0x85: {  	[spmem:s15] =	stream.linear.scatter @p0 [tilespmem:s14], [sflag:$0x12], $0x1400, $0x38;
	[tilespmem:$0x1A680] =	vst v63  }
0x86: {  	s15 =	sld [smem:$0x7D3];
	_ =	sdelay $0x2  }
0x87: {  	[spmem:s15] =	stream.linear.scatter @p0 [tilespmem:s14], [sflag:$0x13], $0x1400, $0x38;
	[tilespmem:$0x1A680] =	vst v63  }
0x88: {  	s15 =	sld [smem:$0x7D4];
	_ =	sdelay $0x2  }
0x89: {  	[spmem:s15] =	stream.linear.scatter @p0 [tilespmem:s14], [sflag:$0x14], $0x1400, $0x38;
	[tilespmem:$0x1A680] =	vst v63  }
0x8a: {  	s14 =	simm.s32 @!p0 $0xA00  }
0x8b: {  	[spmem:s18] =	stream.linear.scatter @!p0 [tilespmem:s14], [sflag:$0x10], $0x1400, $0x38;
	[tilespmem:$0x1A680] =	vst v63  }
0x8c: {  	s15 =	rddreg [dreg:$0x19]  }
0x8d: {  	[spmem:s15] =	stream.linear.scatter @!p0 [tilespmem:s14], [sflag:$0x11], $0x1400, $0x38;
	[tilespmem:$0x1A680] =	vst v63  }
0x8e: {  	s15 =	rddreg [dreg:$0x1a]  }
0x8f: {  	[spmem:s15] =	stream.linear.scatter @!p0 [tilespmem:s14], [sflag:$0x12], $0x1400, $0x38;
	[tilespmem:$0x1A680] =	vst v63  }
0x90: {  	s15 =	rddreg [dreg:$0x1b]  }
0x91: {  	[spmem:s15] =	stream.linear.scatter @!p0 [tilespmem:s14], [sflag:$0x13], $0x1400, $0x38;
	[tilespmem:$0x1A680] =	vst v63  }
0x92: {  	s15 =	rddreg [dreg:$0x1c]  }
0x93: {  	[spmem:s15] =	stream.linear.scatter @!p0 [tilespmem:s14], [sflag:$0x14], $0x1400, $0x38;
	[tilespmem:$0x1A680] =	vst v63  }
0x94: {  	s15 =	rddreg [dreg:$0x1d]  }
0x95: {  	[spmem:s15] =	stream.linear.scatter @!p0 [tilespmem:s14], [sflag:$0x10], $0x1400, $0x38;
	[tilespmem:$0x1A680] =	vst v63  }
0x96: {  	s15 =	rddreg [dreg:$0x1e]  }
0x97: {  	[spmem:s15] =	stream.linear.scatter @!p0 [tilespmem:s14], [sflag:$0x11], $0x1400, $0x38;
	[tilespmem:$0x1A680] =	vst v63  }
0x98: {  	s15 =	rddreg [dreg:$0x1f]  }
0x99: {  	[spmem:s15] =	stream.linear.scatter @!p0 [tilespmem:s14], [sflag:$0x12], $0x1400, $0x38;
	[tilespmem:$0x1A680] =	vst v63  }
0x9a: {  	s15 =	sld [smem:$0x7C0];
	_ =	sdelay $0x2  }
0x9b: {  	[spmem:s15] =	stream.linear.scatter @!p0 [tilespmem:s14], [sflag:$0x13], $0x1400, $0x38;
	[tilespmem:$0x1A680] =	vst v63  }
0x9c: {  	s15 =	sld [smem:$0x7C1];
	_ =	sdelay $0x2  }
0x9d: {  	[spmem:s15] =	stream.linear.scatter @!p0 [tilespmem:s14], [sflag:$0x14], $0x1400, $0x38;
	[tilespmem:$0x1A680] =	vst v63  }
0x9e: {  	s15 =	sld [smem:$0x7C2];
	_ =	sdelay $0x2  }
0x9f: {  	[spmem:s15] =	stream.linear.scatter @!p0 [tilespmem:s14], [sflag:$0x10], $0x1400, $0x38;
	[tilespmem:$0x1A680] =	vst v63  }
0xa0: {  	s15 =	sld [smem:$0x7C3];
	_ =	sdelay $0x2  }
0xa1: {  	[spmem:s15] =	stream.linear.scatter @!p0 [tilespmem:s14], [sflag:$0x11], $0x1400, $0x38;
	[tilespmem:$0x1A680] =	vst v63  }
0xa2: {  	s15 =	sld [smem:$0x7C5];
	_ =	sdelay $0x2  }
0xa3: {  	[spmem:s15] =	stream.linear.scatter @!p0 [tilespmem:s14], [sflag:$0x12], $0x1400, $0x38;
	[tilespmem:$0x1A680] =	vst v63  }
0xa4: {  	s15 =	sld [smem:$0x7C6];
	_ =	sdelay $0x2  }
0xa5: {  	[spmem:s15] =	stream.linear.scatter @!p0 [tilespmem:s14], [sflag:$0x13], $0x1400, $0x38;
	[tilespmem:$0x1A680] =	vst v63  }
0xa6: {  	s15 =	sld [smem:$0x7C7];
	_ =	sdelay $0x2  }
0xa7: {  	[spmem:s15] =	stream.linear.scatter @!p0 [tilespmem:s14], [sflag:$0x14], $0x1400, $0x38;
	[tilespmem:$0x1A680] =	vst v63  }
0xa8: {  	s15 =	sld [smem:$0x7C8];
	_ =	sdelay $0x1  }
0xa9: {  	s9 =	simm.s32 @!p0 $0x10  }
0xaa: {  	[spmem:s15] =	stream.linear.scatter @!p0 [tilespmem:s14], [sflag:$0x10], $0x1400, $0x38;
	[tilespmem:$0x1A680] =	vst v63  }
0xab: {  	_ =	swait.ge @!p0 [sflag:s9], $0x1400  }
0xac: {  	[sflag:s9] =	ssyncset.done @!p0 $0x0  }
0xad: {  	s12 =	simm.s32 @!p0 $0x11;
	[sflag:s9] =	ssyncadd.s32 @!p0 $0xFFFFEC00  }
0xae: {  	_ =	swait.ge @!p0 [sflag:s12], $0x1400  }
0xaf: {  	[sflag:s12] =	ssyncset.done @!p0 $0x0  }
0xb0: {  	s16 =	simm.s32 @!p0 $0x12;
	[sflag:s12] =	ssyncadd.s32 @!p0 $0xFFFFEC00  }
0xb1: {  	_ =	swait.ge @!p0 [sflag:s16], $0x1400  }
0xb2: {  	[sflag:s16] =	ssyncset.done @!p0 $0x0  }
0xb3: {  	s15 =	simm.s32 @!p0 $0x13;
	[sflag:s16] =	ssyncadd.s32 @!p0 $0xFFFFEC00  }
0xb4: {  	_ =	swait.ge @!p0 [sflag:s15], $0x1400  }
0xb5: {  	[sflag:s15] =	ssyncset.done @!p0 $0x0  }
0xb6: {  	s14 =	simm.s32 @!p0 $0x14;
	[sflag:s15] =	ssyncadd.s32 @!p0 $0xFFFFEC00  }
0xb7: {  	_ =	swait.ge @!p0 [sflag:s14], $0x1400  }
0xb8: {  	[sflag:s14] =	ssyncset.done @!p0 $0x0  }
0xb9: {  	[sflag:s14] =	ssyncadd.s32 @!p0 $0xFFFFEC00  }
0xba: {  	_ =	swait.ge @!p0 [sflag:s9], $0x1400  }
0xbb: {  	[sflag:s9] =	ssyncset.done @!p0 $0x0  }
0xbc: {  	s12 =	simm.s32 @p0 $0x10;
	[sflag:s9] =	ssyncadd.s32 @!p0 $0xFFFFEC00  }
0xbd: {  	_ =	swait.ge [sflag:s12], $0x1400  }
0xbe: {  	[sflag:s12] =	ssyncset.done $0x0  }
0xbf: {  	s16 =	simm.s32 @p0 $0x11;
	[sflag:s12] =	ssyncadd.s32 $0xFFFFEC00  }
0xc0: {  	_ =	swait.ge [sflag:s16], $0x1400  }
0xc1: {  	[sflag:s16] =	ssyncset.done $0x0  }
0xc2: {  	s15 =	simm.s32 @p0 $0x12;
	[sflag:s16] =	ssyncadd.s32 $0xFFFFEC00  }
0xc3: {  	_ =	swait.ge [sflag:s15], $0x1400  }
0xc4: {  	[sflag:s15] =	ssyncset.done $0x0  }
0xc5: {  	s14 =	simm.s32 @p0 $0x13;
	[sflag:s15] =	ssyncadd.s32 $0xFFFFEC00  }
0xc6: {  	_ =	swait.ge [sflag:s14], $0x1400  }
0xc7: {  	[sflag:s14] =	ssyncset.done $0x0  }
0xc8: {  	s9 =	simm.s32 @p0 $0x14;
	[sflag:s14] =	ssyncadd.s32 $0xFFFFEC00  }
0xc9: {  	_ =	swait.ge [sflag:s9], $0x1400  }
0xca: {  	[sflag:s9] =	ssyncset.done $0x0  }
0xcb: {  	[sflag:s9] =	ssyncadd.s32 $0xFFFFEC00  }
0xcc: {  	_ =	swait.ge [sflag:s12], $0x1400  }
0xcd: {  	[sflag:s12] =	ssyncset.done $0x0  }
0xce: {  	[sflag:s12] =	ssyncadd.s32 $0xFFFFEC00  }
0xcf: {  	_ =	swait.ge [sflag:s16], $0x1400  }
0xd0: {  	[sflag:s16] =	ssyncset.done $0x0  }
0xd1: {  	[sflag:s16] =	ssyncadd.s32 $0xFFFFEC00  }
0xd2: {  	_ =	swait.ge [sflag:s15], $0x1400  }
0xd3: {  	[sflag:s15] =	ssyncset.done $0x0  }
0xd4: {  	[sflag:s15] =	ssyncadd.s32 $0xFFFFEC00  }
0xd5: {  	_ =	swait.ge [sflag:s14], $0x1400  }
0xd6: {  	[sflag:s14] =	ssyncset.done $0x0  }
0xd7: {  	[sflag:s14] =	ssyncadd.s32 $0xFFFFEC00  }
0xd8: {  	_ =	swait.ge [sflag:s9], $0x1400  }
0xd9: {  	s12 =	sld [smem:$0x7FB]  }
0xda: {  	[sflag:s9] =	ssyncset.done $0x0  }
0xdb: {  	s14 =	simm.s32 $0x0;
	s16 =	sld [smem:$0x7D5];
	[sflag:s9] =	ssyncadd.s32 $0xFFFFEC00  }
0xdc: {  	[tilespmem:s14], [sflag:$0x1] =	stream.linear.gather [hbm4b:s12+s14], $0x80, $0x38;
	[tilespmem:$0x1A680] =	vst v63  }
0xdd: {  	s18 =	simm.s32 $0x500;
	s20 =	sld [smem:$0x7D6]  }
0xde: {  	[tilespmem:s18], [sflag:$0x1] =	stream.linear.gather [hbm4b:s16+s14], $0x80, $0x38;
	[tilespmem:$0x1A680] =	vst v63  }
0xdf: {  	s25 =	simm.s32 $0x80;
	s26 =	sld [smem:$0x7D7]  }
0xe0: {  	[tilespmem:s25], [sflag:$0x2] =	stream.linear.gather [hbm4b:s20+s14], $0x80, $0x38;
	[tilespmem:$0x1A680] =	vst v63  }
0xe1: {  	s31 =	simm.s32 $0x580;
	s16 =	sld [smem:$0x7D8]  }
0xe2: {  	[tilespmem:s31], [sflag:$0x2] =	stream.linear.gather [hbm4b:s26+s14], $0x80, $0x38;
	[tilespmem:$0x1A680] =	vst v63  }
0xe3: {  	s20 =	sld [smem:$0x7D9]  }
0xe4: {  	[tilespmem:s4], [sflag:$0x3] =	stream.linear.gather [hbm4b:s16+s14], $0x80, $0x38;
	[tilespmem:$0x1A680] =	vst v63  }
0xe5: {  	s25 =	sld [smem:$0x7DA]  }
0xe6: {  	[tilespmem:s5], [sflag:$0x3] =	stream.linear.gather [hbm4b:s20+s14], $0x80, $0x38;
	[tilespmem:$0x1A680] =	vst v63  }
0xe7: {  	s26 =	simm.s32 $0x180;
	s31 =	sld [smem:$0x7DB]  }
0xe8: {  	[tilespmem:s26], [sflag:$0x4] =	stream.linear.gather [hbm4b:s25+s14], $0x80, $0x38;
	[tilespmem:$0x1A680] =	vst v63  }
0xe9: {  	s4 =	sld [smem:$0x7DC]  }
0xea: {  	[tilespmem:s13], [sflag:$0x4] =	stream.linear.gather [hbm4b:s31+s14], $0x80, $0x38;
	[tilespmem:$0x1A680] =	vst v63  }
0xeb: {  	s9 =	sld [smem:$0x7DD];
	s5 =	simm.s32 $0x200  }
0xec: {  	[tilespmem:s5], [sflag:$0x5] =	stream.linear.gather [hbm4b:s4+s14], $0x80, $0x38;
	[tilespmem:$0x1A680] =	vst v63  }
0xed: {  	s16 =	simm.s32 $0x700;
	s25 =	sld [smem:$0x7DE]  }
0xee: {  	[tilespmem:s16], [sflag:$0x5] =	stream.linear.gather [hbm4b:s9+s14], $0x80, $0x38;
	[tilespmem:$0x1A680] =	vst v63  }
0xef: {  	s31 =	simm.s32 $0x280;
	s4 =	sld [smem:$0x7DF]  }
0xf0: {  	[tilespmem:s31], [sflag:$0x6] =	stream.linear.gather [hbm4b:s25+s14], $0x80, $0x38;
	[tilespmem:$0x1A680] =	vst v63  }
0xf1: {  	s5 =	simm.s32 $0x780;
	s9 =	sld [smem:$0x7E0]  }
0xf2: {  	[tilespmem:s5], [sflag:$0x6] =	stream.linear.gather [hbm4b:s4+s14], $0x80, $0x38;
	[tilespmem:$0x1A680] =	vst v63  }
0xf3: {  	s16 =	simm.s32 $0x300;
	s25 =	sld [smem:$0x7E1]  }
0xf4: {  	[tilespmem:s16], [sflag:$0x7] =	stream.linear.gather [hbm4b:s9+s14], $0x80, $0x38;
	[tilespmem:$0x1A680] =	vst v63  }
0xf5: {  	s31 =	simm.s32 $0x800;
	s4 =	sld [smem:$0x7E2]  }
0xf6: {  	[tilespmem:s31], [sflag:$0x7] =	stream.linear.gather [hbm4b:s25+s14], $0x80, $0x38;
	[tilespmem:$0x1A680] =	vst v63  }
0xf7: {  	s5 =	simm.s32 $0x380;
	s9 =	sld [smem:$0x7E3]  }
0xf8: {  	[tilespmem:s5], [sflag:$0x8] =	stream.linear.gather [hbm4b:s4+s14], $0x80, $0x38;
	[tilespmem:$0x1A680] =	vst v63  }
0xf9: {  	s16 =	simm.s32 $0x880;
	s25 =	sld [smem:$0x7E4]  }
0xfa: {  	[tilespmem:s16], [sflag:$0x8] =	stream.linear.gather [hbm4b:s9+s14], $0x80, $0x38;
	[tilespmem:$0x1A680] =	vst v63  }
0xfb: {  	s31 =	simm.s32 $0x400;
	s5 =	sld [smem:$0x7E5]  }
0xfc: {  	[tilespmem:s31], [sflag:$0x9] =	stream.linear.gather [hbm4b:s25+s14], $0x80, $0x38;
	[tilespmem:$0x1A680] =	vst v63  }
0xfd: {  	s16 =	simm.s32 $0x900;
	s25 =	sld [smem:$0x7E6]  }
0xfe: {  	[tilespmem:s16], [sflag:$0x9] =	stream.linear.gather [hbm4b:s5+s14], $0x80, $0x38;
	[tilespmem:$0x1A680] =	vst v63  }
0xff: {  	s31 =	simm.s32 $0x480;
	s5 =	sld [smem:$0x7E7]  }
0x100: {  	[tilespmem:s31], [sflag:$0xA] =	stream.linear.gather [hbm4b:s25+s14], $0x80, $0x38;
	[tilespmem:$0x1A680] =	vst v63  }
0x101: {  	s16 =	simm.s32 $0x980  }
0x102: {  	[tilespmem:s16], [sflag:$0xA] =	stream.linear.gather [hbm4b:s5+s14], $0x80, $0x38;
	[tilespmem:$0x1A680] =	vst v63  }
0x103: {  	_ =	swait.ge [sflag:s28], $0x80  }
0x104: {  	[sflag:s28] =	ssyncset.done $0x0  }
0x105: {  	[sflag:s28] =	ssyncadd.s32 $0xFFFFFF80  }
0x106: {  	_ =	swait.ge [sflag:s28], $0x80  }
0x107: {  	[sflag:s28] =	ssyncset.done $0x0  }
0x108: {  	s25 =	simm.s32 $0xA00;
	[sflag:s28] =	ssyncadd.s32 $0xFFFFFF80  }
0x109: {  	[tilespmem:s25], [sflag:$0xB] =	stream.indirect.gather [hbm4b:s1+s17], $0x80, s14, s17, $0xb8;
	[tilespmem:$0x1A680] =	vst v63  }
0x10a: {  	_ =	swait.ge [sflag:s19], $0x80  }
0x10b: {  	[sflag:s19] =	ssyncset.done $0x0  }
0x10c: {  	[sflag:s19] =	ssyncadd.s32 $0xFFFFFF80  }
0x10d: {  	_ =	swait.ge [sflag:s19], $0x80  }
0x10e: {  	[sflag:s19] =	ssyncset.done $0x0  }
0x10f: {  	s12 =	simm.s32 $0x80;
	s31 =	simm.s32 $0x1E00;
	[sflag:s19] =	ssyncadd.s32 $0xFFFFFF80  }
0x110: {  	[tilespmem:s31], [sflag:$0xC] =	stream.indirect.gather [hbm4b:s1+s17], $0x80, s12, s17, $0xb8;
	[tilespmem:$0x1A680] =	vst v63  }
0x111: {  	_ =	swait.ge [sflag:s22], $0x80  }
0x112: {  	[sflag:s22] =	ssyncset.done $0x0  }
0x113: {  	[sflag:s22] =	ssyncadd.s32 $0xFFFFFF80  }
0x114: {  	_ =	swait.ge [sflag:s22], $0x80  }
0x115: {  	[sflag:s22] =	ssyncset.done $0x0  }
0x116: {  	s9 =	simm.s32 $0x100;
	s5 =	simm.s32 $0x3200;
	[sflag:s22] =	ssyncadd.s32 $0xFFFFFF80  }
0x117: {  	[tilespmem:s5], [sflag:$0xD] =	stream.indirect.gather [hbm4b:s1+s17], $0x80, s9, s17, $0xb8;
	[tilespmem:$0x1A680] =	vst v63  }
0x118: {  	_ =	swait.ge [sflag:s21], $0x80  }
0x119: {  	[sflag:s21] =	ssyncset.done $0x0  }
0x11a: {  	[sflag:s21] =	ssyncadd.s32 $0xFFFFFF80  }
0x11b: {  	_ =	swait.ge [sflag:s21], $0x80  }
0x11c: {  	[sflag:s21] =	ssyncset.done $0x0  }
0x11d: {  	s20 =	simm.s32 $0x180;
	s12 =	simm.s32 $0x4600;
	[sflag:s21] =	ssyncadd.s32 $0xFFFFFF80  }
0x11e: {  	[tilespmem:s12], [sflag:$0xE] =	stream.indirect.gather [hbm4b:s1+s17], $0x80, s20, s17, $0xb8;
	[tilespmem:$0x1A680] =	vst v63  }
0x11f: {  	[bflag:$0x0] =	sbarrier.arrive $0xFFFF  }
0x120: {  	_ =	swait.ge [sflag:s23], $0x1400  }
0x121: {  	[sflag:s23] =	ssyncset.done $0x0  }
0x122: {  	s4 =	simm.s32 $0xA00;
	s20 =	simm.s32 $0x5;
	[sflag:s23] =	ssyncadd.s32 $0xFFFFEC00  }
0x123: {  	[spmem:s6] =	stream.indirect.scatter.add.f32 [tilespmem:s4], [sflag:$0x10], $0x80, s18, s17, $0xb8;
	[tilespmem:$0x1A680] =	vst v63  }
0x124: {  	_ =	swait.ge [sflag:s20], $0x80  }
0x125: {  	[sflag:s20] =	ssyncset.done $0x0  }
0x126: {  	[sflag:s20] =	ssyncadd.s32 $0xFFFFFF80  }
0x127: {  	_ =	swait.ge [sflag:s20], $0x80  }
0x128: {  	[sflag:s20] =	ssyncset.done $0x0  }
0x129: {  	s15 =	simm.s32 $0x5A00;
	s26 =	simm.s32 $0x200;
	[sflag:s20] =	ssyncadd.s32 $0xFFFFFF80  }
0x12a: {  	[tilespmem:s15], [sflag:$0xF] =	stream.indirect.gather [hbm4b:s1+s17], $0x80, s26, s17, $0xb8;
	[tilespmem:$0x1A680] =	vst v63  }
0x12b: {  	_ =	swait.ge [sflag:s24], $0x1400  }
0x12c: {  	[sflag:s24] =	ssyncset.done $0x0  }
0x12d: {  	s5 =	simm.s32 $0x580;
	s12 =	simm.s32 $0x1E00;
	[sflag:s24] =	ssyncadd.s32 $0xFFFFEC00  }
0x12e: {  	[spmem:s6] =	stream.indirect.scatter.add.f32 [tilespmem:s12], [sflag:$0x11], $0x80, s5, s17, $0xb8;
	[tilespmem:$0x1A680] =	vst v63  }
0x12f: {  	_ =	swait.ge [sflag:s29], $0x1400  }
0x130: {  	s31 =	sld [smem:$0x7E8]  }
0x131: {  	[sflag:s29] =	ssyncset.done $0x0  }
0x132: {  	[sflag:s29] =	ssyncadd.s32 $0xFFFFEC00  }
0x133: {  	[tilespmem:s14], [sflag:$0x1] =	stream.linear.gather [hbm4b:s31+s14], $0x80, $0x38;
	[tilespmem:$0x1A680] =	vst v63  }
0x134: {  	s31 =	sld [smem:$0x7E9];
	_ =	sdelay $0x2  }
0x135: {  	[tilespmem:s18], [sflag:$0x1] =	stream.linear.gather [hbm4b:s31+s14], $0x80, $0x38;
	[tilespmem:$0x1A680] =	vst v63  }
0x136: {  	s31 =	simm.s32 $0x6  }
0x137: {  	_ =	swait.ge [sflag:s31], $0x80  }
0x138: {  	[sflag:s31] =	ssyncset.done $0x0  }
0x139: {  	[sflag:s31] =	ssyncadd.s32 $0xFFFFFF80  }
0x13a: {  	_ =	swait.ge [sflag:s31], $0x80  }
0x13b: {  	[sflag:s31] =	ssyncset.done $0x0  }
0x13c: {  	s4 =	simm.s32 $0xA00;
	s15 =	simm.s32 $0x280;
	[sflag:s31] =	ssyncadd.s32 $0xFFFFFF80  }
0x13d: {  	[tilespmem:s4], [sflag:$0xB] =	stream.indirect.gather [hbm4b:s1+s17], $0x80, s15, s17, $0xb8;
	[tilespmem:$0x1A680] =	vst v63  }
0x13e: {  	_ =	swait.ge [sflag:s0], $0x1400  }
0x13f: {  	[sflag:s0] =	ssyncset.done $0x0  }
0x140: {  	s9 =	simm.s32 $0x600;
	s4 =	simm.s32 $0x3200;
	[sflag:s0] =	ssyncadd.s32 $0xFFFFEC00  }
0x141: {  	[spmem:s6] =	stream.indirect.scatter.add.f32 [tilespmem:s4], [sflag:$0x12], $0x80, s9, s17, $0xb8;
	[tilespmem:$0x1A680] =	vst v63  }
0x142: {  	_ =	swait.ge [sflag:s2], $0x1400  }
0x143: {  	s15 =	sld [smem:$0x7EA]  }
0x144: {  	[sflag:s2] =	ssyncset.done $0x0  }
0x145: {  	s16 =	simm.s32 $0x80;
	[sflag:s2] =	ssyncadd.s32 $0xFFFFEC00  }
0x146: {  	[tilespmem:s16], [sflag:$0x2] =	stream.linear.gather [hbm4b:s15+s14], $0x80, $0x38;
	[tilespmem:$0x1A680] =	vst v63  }
0x147: {  	s16 =	sld [smem:$0x7EB];
	_ =	sdelay $0x2  }
0x148: {  	[tilespmem:s5], [sflag:$0x2] =	stream.linear.gather [hbm4b:s16+s14], $0x80, $0x38;
	[tilespmem:$0x1A680] =	vst v63  }
0x149: {  	s16 =	simm.s32 $0x7  }
0x14a: {  	_ =	swait.ge [sflag:s16], $0x80  }
0x14b: {  	[sflag:s16] =	ssyncset.done $0x0  }
0x14c: {  	[sflag:s16] =	ssyncadd.s32 $0xFFFFFF80  }
0x14d: {  	_ =	swait.ge [sflag:s16], $0x80  }
0x14e: {  	[sflag:s16] =	ssyncset.done $0x0  }
0x14f: {  	s15 =	simm.s32 $0x300;
	[sflag:s16] =	ssyncadd.s32 $0xFFFFFF80  }
0x150: {  	[tilespmem:s12], [sflag:$0xC] =	stream.indirect.gather [hbm4b:s1+s17], $0x80, s15, s17, $0xb8;
	[tilespmem:$0x1A680] =	vst v63  }
0x151: {  	_ =	swait.ge [sflag:s30], $0x1400  }
0x152: {  	[sflag:s30] =	ssyncset.done $0x0  }
0x153: {  	s12 =	simm.s32 $0x4600;
	[sflag:s30] =	ssyncadd.s32 $0xFFFFEC00  }
0x154: {  	[spmem:s6] =	stream.indirect.scatter.add.f32 [tilespmem:s12], [sflag:$0x13], $0x80, s13, s17, $0xb8;
	[tilespmem:$0x1A680] =	vst v63  }
0x155: {  	_ =	swait.ge [sflag:s7], $0x1400  }
0x156: {  	s5 =	sld [smem:$0x7EC]  }
0x157: {  	[sflag:s7] =	ssyncset.done $0x0  }
0x158: {  	s25 =	simm.s32 $0x100;
	s13 =	sld [smem:$0x7ED];
	[sflag:s7] =	ssyncadd.s32 $0xFFFFEC00  }
0x159: {  	[tilespmem:s25], [sflag:$0x3] =	stream.linear.gather [hbm4b:s5+s14], $0x80, $0x38;
	[tilespmem:$0x1A680] =	vst v63  }
0x15a: {  	s9 =	simm.s32 $0x600  }
0x15b: {  	[tilespmem:s9], [sflag:$0x3] =	stream.linear.gather [hbm4b:s13+s14], $0x80, $0x38;
	[tilespmem:$0x1A680] =	vst v63  }
0x15c: {  	s13 =	simm.s32 $0x8  }
0x15d: {  	_ =	swait.ge [sflag:s13], $0x80  }
0x15e: {  	[sflag:s13] =	ssyncset.done $0x0  }
0x15f: {  	[sflag:s13] =	ssyncadd.s32 $0xFFFFFF80  }
0x160: {  	_ =	swait.ge [sflag:s13], $0x80  }
0x161: {  	[sflag:s13] =	ssyncset.done $0x0  }
0x162: {  	s25 =	simm.s32 $0x380;
	[sflag:s13] =	ssyncadd.s32 $0xFFFFFF80  }
0x163: {  	[tilespmem:s4], [sflag:$0xD] =	stream.indirect.gather [hbm4b:s1+s17], $0x80, s25, s17, $0xb8;
	[tilespmem:$0x1A680] =	vst v63  }
0x164: {  	_ =	swait.ge [sflag:s8], $0x1400  }
0x165: {  	[sflag:s8] =	ssyncset.done $0x0  }
0x166: {  	s26 =	simm.s32 $0x5A00;
	s25 =	simm.s32 $0x700;
	[sflag:s8] =	ssyncadd.s32 $0xFFFFEC00  }
0x167: {  	[spmem:s6] =	stream.indirect.scatter.add.f32 [tilespmem:s26], [sflag:$0x14], $0x80, s25, s17, $0xb8;
	[tilespmem:$0x1A680] =	vst v63  }
0x168: {  	_ =	swait.ge [sflag:s10], $0x1400  }
0x169: {  	s5 =	sld [smem:$0x7EE]  }
0x16a: {  	[sflag:s10] =	ssyncset.done $0x0  }
0x16b: {  	s26 =	simm.s32 $0x180;
	[sflag:s10] =	ssyncadd.s32 $0xFFFFEC00  }
0x16c: {  	[tilespmem:s26], [sflag:$0x4] =	stream.linear.gather [hbm4b:s5+s14], $0x80, $0x38;
	[tilespmem:$0x1A680] =	vst v63  }
0x16d: {  	s5 =	sld [smem:$0x7EF];
	_ =	sdelay $0x1  }
0x16e: {  	s9 =	simm.s32 $0x680  }
0x16f: {  	[tilespmem:s9], [sflag:$0x4] =	stream.linear.gather [hbm4b:s5+s14], $0x80, $0x38;
	[tilespmem:$0x1A680] =	vst v63  }
0x170: {  	s9 =	simm.s32 $0x9  }
0x171: {  	_ =	swait.ge [sflag:s9], $0x80  }
0x172: {  	[sflag:s9] =	ssyncset.done $0x0  }
0x173: {  	[sflag:s9] =	ssyncadd.s32 $0xFFFFFF80  }
0x174: {  	_ =	swait.ge [sflag:s9], $0x80  }
0x175: {  	[sflag:s9] =	ssyncset.done $0x0  }
0x176: {  	s26 =	simm.s32 $0x400;
	[sflag:s9] =	ssyncadd.s32 $0xFFFFFF80  }
0x177: {  	[tilespmem:s12], [sflag:$0xE] =	stream.indirect.gather [hbm4b:s1+s17], $0x80, s26, s17, $0xb8;
	[tilespmem:$0x1A680] =	vst v63  }
0x178: {  	_ =	swait.ge [sflag:s23], $0x1400  }
0x179: {  	[sflag:s23] =	ssyncset.done $0x0  }
0x17a: {  	s5 =	simm.s32 $0xA00;
	s12 =	simm.s32 $0x780;
	[sflag:s23] =	ssyncadd.s32 $0xFFFFEC00  }
0x17b: {  	[spmem:s6] =	stream.indirect.scatter.add.f32 [tilespmem:s5], [sflag:$0x10], $0x80, s12, s17, $0xb8;
	[tilespmem:$0x1A680] =	vst v63  }
0x17c: {  	_ =	swait.ge [sflag:s11], $0x1400  }
0x17d: {  	[sflag:s11] =	ssyncset.done $0x0  }
0x17e: {  	[sflag:s11] =	ssyncadd.s32 $0xFFFFEC00;
	s11 =	sld [smem:$0x7F0];
	_ =	sdelay $0x1  }
0x17f: {  	s26 =	simm.s32 $0x200  }
0x180: {  	[tilespmem:s26], [sflag:$0x5] =	stream.linear.gather [hbm4b:s11+s14], $0x80, $0x38;
	[tilespmem:$0x1A680] =	vst v63  }
0x181: {  	s11 =	sld [smem:$0x7F1];
	_ =	sdelay $0x1  }
0x182: {  	s26 =	simm.s32 $0xA  }
0x183: {  	[tilespmem:s25], [sflag:$0x5] =	stream.linear.gather [hbm4b:s11+s14], $0x80, $0x38;
	[tilespmem:$0x1A680] =	vst v63  }
0x184: {  	_ =	swait.ge [sflag:s26], $0x80  }
0x185: {  	[sflag:s26] =	ssyncset.done $0x0  }
0x186: {  	[sflag:s26] =	ssyncadd.s32 $0xFFFFFF80  }
0x187: {  	_ =	swait.ge [sflag:s26], $0x80  }
0x188: {  	[sflag:s26] =	ssyncset.done $0x0  }
0x189: {  	s4 =	simm.s32 $0x5A00;
	s25 =	simm.s32 $0x480;
	[sflag:s26] =	ssyncadd.s32 $0xFFFFFF80  }
0x18a: {  	[tilespmem:s4], [sflag:$0xF] =	stream.indirect.gather [hbm4b:s1+s17], $0x80, s25, s17, $0xb8;
	[tilespmem:$0x1A680] =	vst v63  }
0x18b: {  	_ =	swait.ge [sflag:s24], $0x1400  }
0x18c: {  	[sflag:s24] =	ssyncset.done $0x0  }
0x18d: {  	s25 =	simm.s32 $0x800;
	s4 =	simm.s32 $0x1E00;
	[sflag:s24] =	ssyncadd.s32 $0xFFFFEC00  }
0x18e: {  	[spmem:s6] =	stream.indirect.scatter.add.f32 [tilespmem:s4], [sflag:$0x11], $0x80, s25, s17, $0xb8;
	[tilespmem:$0x1A680] =	vst v63  }
0x18f: {  	_ =	swait.ge [sflag:s29], $0x1400  }
0x190: {  	s15 =	sld [smem:$0x7F2]  }
0x191: {  	[sflag:s29] =	ssyncset.done $0x0  }
0x192: {  	s11 =	simm.s32 $0x280;
	[sflag:s29] =	ssyncadd.s32 $0xFFFFEC00  }
0x193: {  	[tilespmem:s11], [sflag:$0x6] =	stream.linear.gather [hbm4b:s15+s14], $0x80, $0x38;
	[tilespmem:$0x1A680] =	vst v63  }
0x194: {  	s11 =	sld [smem:$0x7F3];
	_ =	sdelay $0x2  }
0x195: {  	[tilespmem:s12], [sflag:$0x6] =	stream.linear.gather [hbm4b:s11+s14], $0x80, $0x38;
	[tilespmem:$0x1A680] =	vst v63  }
0x196: {  	_ =	swait.ge [sflag:s28], $0x80  }
0x197: {  	[sflag:s28] =	ssyncset.done $0x0  }
0x198: {  	[sflag:s28] =	ssyncadd.s32 $0xFFFFFF80  }
0x199: {  	_ =	swait.ge [sflag:s28], $0x80  }
0x19a: {  	[sflag:s28] =	ssyncset.done $0x0  }
0x19b: {  	[sflag:s28] =	ssyncadd.s32 $0xFFFFFF80  }
0x19c: {  	[tilespmem:s5], [sflag:$0xB] =	stream.indirect.gather [hbm4b:s1+s17], $0x80, s14, s17, $0xb8;
	[tilespmem:$0x1A680] =	vst v63  }
0x19d: {  	_ =	swait.ge [sflag:s0], $0x1400  }
0x19e: {  	[sflag:s0] =	ssyncset.done $0x0  }
0x19f: {  	s12 =	simm.s32 $0x880;
	s5 =	simm.s32 $0x3200;
	[sflag:s0] =	ssyncadd.s32 $0xFFFFEC00  }
0x1a0: {  	[spmem:s6] =	stream.indirect.scatter.add.f32 [tilespmem:s5], [sflag:$0x12], $0x80, s12, s17, $0xb8;
	[tilespmem:$0x1A680] =	vst v63  }
0x1a1: {  	_ =	swait.ge [sflag:s2], $0x1400  }
0x1a2: {  	s15 =	sld [smem:$0x7F4]  }
0x1a3: {  	[sflag:s2] =	ssyncset.done $0x0  }
0x1a4: {  	s11 =	simm.s32 $0x300;
	[sflag:s2] =	ssyncadd.s32 $0xFFFFEC00  }
0x1a5: {  	[tilespmem:s11], [sflag:$0x7] =	stream.linear.gather [hbm4b:s15+s14], $0x80, $0x38;
	[tilespmem:$0x1A680] =	vst v63  }
0x1a6: {  	s11 =	sld [smem:$0x7F5];
	_ =	sdelay $0x2  }
0x1a7: {  	[tilespmem:s25], [sflag:$0x7] =	stream.linear.gather [hbm4b:s11+s14], $0x80, $0x38;
	[tilespmem:$0x1A680] =	vst v63  }
0x1a8: {  	_ =	swait.ge [sflag:s19], $0x80  }
0x1a9: {  	[sflag:s19] =	ssyncset.done $0x0  }
0x1aa: {  	[sflag:s19] =	ssyncadd.s32 $0xFFFFFF80  }
0x1ab: {  	_ =	swait.ge [sflag:s19], $0x80  }
0x1ac: {  	[sflag:s19] =	ssyncset.done $0x0  }
0x1ad: {  	s25 =	simm.s32 $0x80;
	[sflag:s19] =	ssyncadd.s32 $0xFFFFFF80  }
0x1ae: {  	[tilespmem:s4], [sflag:$0xC] =	stream.indirect.gather [hbm4b:s1+s17], $0x80, s25, s17, $0xb8;
	[tilespmem:$0x1A680] =	vst v63  }
0x1af: {  	_ =	swait.ge [sflag:s30], $0x1400  }
0x1b0: {  	[sflag:s30] =	ssyncset.done $0x0  }
0x1b1: {  	s11 =	simm.s32 $0x4600;
	s25 =	simm.s32 $0x900;
	[sflag:s30] =	ssyncadd.s32 $0xFFFFEC00  }
0x1b2: {  	[spmem:s6] =	stream.indirect.scatter.add.f32 [tilespmem:s11], [sflag:$0x13], $0x80, s25, s17, $0xb8;
	[tilespmem:$0x1A680] =	vst v63  }
0x1b3: {  	_ =	swait.ge [sflag:s7], $0x1400  }
0x1b4: {  	s15 =	sld [smem:$0x7F6]  }
0x1b5: {  	[sflag:s7] =	ssyncset.done $0x0  }
0x1b6: {  	s4 =	simm.s32 $0x380;
	[sflag:s7] =	ssyncadd.s32 $0xFFFFEC00  }
0x1b7: {  	[tilespmem:s4], [sflag:$0x8] =	stream.linear.gather [hbm4b:s15+s14], $0x80, $0x38;
	[tilespmem:$0x1A680] =	vst v63  }
0x1b8: {  	s4 =	sld [smem:$0x7F7];
	_ =	sdelay $0x2  }
0x1b9: {  	[tilespmem:s12], [sflag:$0x8] =	stream.linear.gather [hbm4b:s4+s14], $0x80, $0x38;
	[tilespmem:$0x1A680] =	vst v63  }
0x1ba: {  	_ =	swait.ge [sflag:s22], $0x80  }
0x1bb: {  	[sflag:s22] =	ssyncset.done $0x0  }
0x1bc: {  	[sflag:s22] =	ssyncadd.s32 $0xFFFFFF80  }
0x1bd: {  	_ =	swait.ge [sflag:s22], $0x80  }
0x1be: {  	[sflag:s22] =	ssyncset.done $0x0  }
0x1bf: {  	s4 =	simm.s32 $0x100;
	[sflag:s22] =	ssyncadd.s32 $0xFFFFFF80  }
0x1c0: {  	[tilespmem:s5], [sflag:$0xD] =	stream.indirect.gather [hbm4b:s1+s17], $0x80, s4, s17, $0xb8;
	[tilespmem:$0x1A680] =	vst v63  }
0x1c1: {  	_ =	swait.ge [sflag:s8], $0x1400  }
0x1c2: {  	[sflag:s8] =	ssyncset.done $0x0  }
0x1c3: {  	s15 =	simm.s32 $0x5A00;
	s12 =	simm.s32 $0x980;
	[sflag:s8] =	ssyncadd.s32 $0xFFFFEC00  }
0x1c4: {  	[spmem:s6] =	stream.indirect.scatter.add.f32 [tilespmem:s15], [sflag:$0x14], $0x80, s12, s17, $0xb8;
	[tilespmem:$0x1A680] =	vst v63  }
0x1c5: {  	_ =	swait.ge [sflag:s10], $0x1400  }
0x1c6: {  	s15 =	sld [smem:$0x7F8]  }
0x1c7: {  	[sflag:s10] =	ssyncset.done $0x0  }
0x1c8: {  	s4 =	simm.s32 $0x400;
	[sflag:s10] =	ssyncadd.s32 $0xFFFFEC00  }
0x1c9: {  	[tilespmem:s4], [sflag:$0x9] =	stream.linear.gather [hbm4b:s15+s14], $0x80, $0x38;
	[tilespmem:$0x1A680] =	vst v63  }
0x1ca: {  	s4 =	sld [smem:$0x7F9];
	_ =	sdelay $0x2  }
0x1cb: {  	[tilespmem:s25], [sflag:$0x9] =	stream.linear.gather [hbm4b:s4+s14], $0x80, $0x38;
	[tilespmem:$0x1A680] =	vst v63  }
0x1cc: {  	_ =	swait.ge [sflag:s21], $0x80  }
0x1cd: {  	[sflag:s21] =	ssyncset.done $0x0  }
0x1ce: {  	[sflag:s21] =	ssyncadd.s32 $0xFFFFFF80  }
0x1cf: {  	_ =	swait.ge [sflag:s21], $0x80  }
0x1d0: {  	[sflag:s21] =	ssyncset.done $0x0  }
0x1d1: {  	s25 =	simm.s32 $0x180;
	[sflag:s21] =	ssyncadd.s32 $0xFFFFFF80  }
0x1d2: {  	[tilespmem:s11], [sflag:$0xE] =	stream.indirect.gather [hbm4b:s1+s17], $0x80, s25, s17, $0xb8;
	[tilespmem:$0x1A680] =	vst v63  }
0x1d3: {  	_ =	swait.ge [sflag:s23], $0x1400  }
0x1d4: {  	[sflag:s23] =	ssyncset.done $0x0  }
0x1d5: {  	s4 =	simm.s32 $0x14;
	s11 =	simm.s32 $0xA00;
	[sflag:s23] =	ssyncadd.s32 $0xFFFFEC00  }
0x1d6: {  	[spmem:s6] =	stream.indirect.scatter.add.f32 [tilespmem:s11], [sflag:$0x10], $0x80, s18, s17, $0xb8;
	[tilespmem:$0x1A680] =	vst v63  }
0x1d7: {  	_ =	swait.ge [sflag:s4], $0x1400  }
0x1d8: {  	s14 =	rddreg [dreg:$0x17]  }
0x1d9: {  	[sflag:s4] =	ssyncset.done $0x0;
	s15 =	rddreg [dreg:$0x16]  }
0x1da: {  	[sflag:s4] =	ssyncadd.s32 $0xFFFFEC00;
	s14 =	sadd.s32 $0x0, s14;
	s4 =	simm.s32 $0x480  }
0x1db: {  	[tilespmem:s4], [sflag:$0xA] =	stream.linear.gather [hbm4b:s14+s3], $0x80, $0x38;
	[tilespmem:$0x1A680] =	vst v63  }
0x1dc: {  	s4 =	sadd.s32 $0x0, s15  }
0x1dd: {  	[tilespmem:s12], [sflag:$0xA] =	stream.linear.gather [hbm4b:s4+s3], $0x80, $0x38;
	[tilespmem:$0x1A680] =	vst v63  }
0x1de: {  	_ =	swait.ge [sflag:s20], $0x80  }
0x1df: {  	[sflag:s20] =	ssyncset.done $0x0  }
0x1e0: {  	[sflag:s20] =	ssyncadd.s32 $0xFFFFFF80  }
0x1e1: {  	_ =	swait.ge [sflag:s20], $0x80  }
0x1e2: {  	[sflag:s20] =	ssyncset.done $0x0  }
0x1e3: {  	s5 =	simm.s32 $0x5A00;
	s15 =	simm.s32 $0x200;
	[sflag:s20] =	ssyncadd.s32 $0xFFFFFF80  }
0x1e4: {  	[tilespmem:s5], [sflag:$0xF] =	stream.indirect.gather [hbm4b:s1+s17], $0x80, s15, s17, $0xb8;
	[tilespmem:$0x1A680] =	vst v63  }
0x1e5: {  	_ =	swait.ge [sflag:s24], $0x1400  }
0x1e6: {  	[sflag:s24] =	ssyncset.done $0x0  }
0x1e7: {  	s4 =	simm.s32 $0x1E00;
	s5 =	simm.s32 $0x580;
	[sflag:s24] =	ssyncadd.s32 $0xFFFFEC00  }
0x1e8: {  	[spmem:s6] =	stream.indirect.scatter.add.f32 [tilespmem:s4], [sflag:$0x11], $0x80, s5, s17, $0xb8;
	[tilespmem:$0x1A680] =	vst v63  }
0x1e9: {  	_ =	swait.ge [sflag:s29], $0x1400  }
0x1ea: {  	s20 =	rddreg [dreg:$0x14];
	[sflag:s29] =	ssyncset.done $0x0  }
0x1eb: {  	s12 =	rddreg [dreg:$0x15];
	[sflag:s29] =	ssyncadd.s32 $0xFFFFEC00;
	s14 =	sadd.s32 $0x0, s20  }
0x1ec: {  	[tilespmem:s3], [sflag:$0x1] =	stream.linear.gather [hbm4b:s14+s3], $0x80, $0x38;
	[tilespmem:$0x1A680] =	vst v63  }
0x1ed: {  	s20 =	sadd.s32 $0x0, s12  }
0x1ee: {  	[tilespmem:s18], [sflag:$0x1] =	stream.linear.gather [hbm4b:s20+s3], $0x80, $0x38;
	[tilespmem:$0x1A680] =	vst v63  }
0x1ef: {  	_ =	swait.ge [sflag:s31], $0x80  }
0x1f0: {  	[sflag:s31] =	ssyncset.done $0x0  }
0x1f1: {  	[sflag:s31] =	ssyncadd.s32 $0xFFFFFF80  }
0x1f2: {  	_ =	swait.ge [sflag:s31], $0x80  }
0x1f3: {  	[sflag:s31] =	ssyncset.done $0x0  }
0x1f4: {  	s20 =	simm.s32 $0x280;
	[sflag:s31] =	ssyncadd.s32 $0xFFFFFF80  }
0x1f5: {  	[tilespmem:s11], [sflag:$0xB] =	stream.indirect.gather [hbm4b:s1+s17], $0x80, s20, s17, $0xb8;
	[tilespmem:$0x1A680] =	vst v63  }
0x1f6: {  	_ =	swait.ge [sflag:s0], $0x1400  }
0x1f7: {  	[sflag:s0] =	ssyncset.done $0x0  }
0x1f8: {  	s12 =	simm.s32 $0x600;
	s11 =	simm.s32 $0x3200;
	[sflag:s0] =	ssyncadd.s32 $0xFFFFEC00  }
0x1f9: {  	[spmem:s6] =	stream.indirect.scatter.add.f32 [tilespmem:s11], [sflag:$0x12], $0x80, s12, s17, $0xb8;
	[tilespmem:$0x1A680] =	vst v63  }
0x1fa: {  	_ =	swait.ge [sflag:s2], $0x1400  }
0x1fb: {  	s31 =	rddreg [dreg:$0x12]  }
0x1fc: {  	[sflag:s2] =	ssyncset.done $0x0;
	s15 =	rddreg [dreg:$0x13]  }
0x1fd: {  	[sflag:s2] =	ssyncadd.s32 $0xFFFFEC00;
	s14 =	sadd.s32 $0x0, s31;
	s31 =	simm.s32 $0x80  }
0x1fe: {  	[tilespmem:s31], [sflag:$0x2] =	stream.linear.gather [hbm4b:s14+s3], $0x80, $0x38;
	[tilespmem:$0x1A680] =	vst v63  }
0x1ff: {  	s31 =	sadd.s32 $0x0, s15  }
0x200: {  	[tilespmem:s5], [sflag:$0x2] =	stream.linear.gather [hbm4b:s31+s3], $0x80, $0x38;
	[tilespmem:$0x1A680] =	vst v63  }
0x201: {  	_ =	swait.ge [sflag:s16], $0x80  }
0x202: {  	[sflag:s16] =	ssyncset.done $0x0  }
0x203: {  	[sflag:s16] =	ssyncadd.s32 $0xFFFFFF80  }
0x204: {  	_ =	swait.ge [sflag:s16], $0x80  }
0x205: {  	[sflag:s16] =	ssyncset.done $0x0  }
0x206: {  	[sflag:s16] =	ssyncadd.s32 $0xFFFFFF80;
	s16 =	simm.s32 $0x300  }
0x207: {  	[tilespmem:s4], [sflag:$0xC] =	stream.indirect.gather [hbm4b:s1+s17], $0x80, s16, s17, $0xb8;
	[tilespmem:$0x1A680] =	vst v63  }
0x208: {  	_ =	swait.ge [sflag:s30], $0x1400  }
0x209: {  	[sflag:s30] =	ssyncset.done $0x0  }
0x20a: {  	s25 =	simm.s32 $0x4600;
	s5 =	simm.s32 $0x680;
	[sflag:s30] =	ssyncadd.s32 $0xFFFFEC00  }
0x20b: {  	[spmem:s6] =	stream.indirect.scatter.add.f32 [tilespmem:s25], [sflag:$0x13], $0x80, s5, s17, $0xb8;
	[tilespmem:$0x1A680] =	vst v63  }
0x20c: {  	_ =	swait.ge [sflag:s7], $0x1400  }
0x20d: {  	s31 =	simm.s32 $0x100;
	s15 =	rddreg [dreg:$0x10];
	[sflag:s7] =	ssyncset.done $0x0  }
0x20e: {  	s25 =	rddreg [dreg:$0x11];
	[sflag:s7] =	ssyncadd.s32 $0xFFFFEC00;
	s14 =	sadd.s32 $0x0, s15  }
0x20f: {  	[tilespmem:s31], [sflag:$0x3] =	stream.linear.gather [hbm4b:s14+s3], $0x80, $0x38;
	[tilespmem:$0x1A680] =	vst v63  }
0x210: {  	s4 =	sadd.s32 $0x0, s25  }
0x211: {  	[tilespmem:s12], [sflag:$0x3] =	stream.linear.gather [hbm4b:s4+s3], $0x80, $0x38;
	[tilespmem:$0x1A680] =	vst v63  }
0x212: {  	_ =	swait.ge [sflag:s13], $0x80  }
0x213: {  	[sflag:s13] =	ssyncset.done $0x0  }
0x214: {  	[sflag:s13] =	ssyncadd.s32 $0xFFFFFF80  }
0x215: {  	_ =	swait.ge [sflag:s13], $0x80  }
0x216: {  	[sflag:s13] =	ssyncset.done $0x0  }
0x217: {  	s31 =	simm.s32 $0x380;
	[sflag:s13] =	ssyncadd.s32 $0xFFFFFF80  }
0x218: {  	[tilespmem:s11], [sflag:$0xD] =	stream.indirect.gather [hbm4b:s1+s17], $0x80, s31, s17, $0xb8;
	[tilespmem:$0x1A680] =	vst v63  }
0x219: {  	_ =	swait.ge [sflag:s8], $0x1400  }
0x21a: {  	[sflag:s8] =	ssyncset.done $0x0  }
0x21b: {  	s4 =	simm.s32 $0x700;
	s12 =	simm.s32 $0x5A00;
	[sflag:s8] =	ssyncadd.s32 $0xFFFFEC00  }
0x21c: {  	[spmem:s6] =	stream.indirect.scatter.add.f32 [tilespmem:s12], [sflag:$0x14], $0x80, s4, s17, $0xb8;
	[tilespmem:$0x1A680] =	vst v63  }
0x21d: {  	_ =	swait.ge [sflag:s10], $0x1400  }
0x21e: {  	s25 =	simm.s32 $0x180;
	s11 =	rddreg [dreg:$0xe];
	[sflag:s10] =	ssyncset.done $0x0  }
0x21f: {  	s13 =	rddreg [dreg:$0xf];
	[sflag:s10] =	ssyncadd.s32 $0xFFFFEC00;
	s14 =	sadd.s32 $0x0, s11  }
0x220: {  	[tilespmem:s25], [sflag:$0x4] =	stream.linear.gather [hbm4b:s14+s3], $0x80, $0x38;
	[tilespmem:$0x1A680] =	vst v63  }
0x221: {  	s13 =	sadd.s32 $0x0, s13  }
0x222: {  	[tilespmem:s5], [sflag:$0x4] =	stream.linear.gather [hbm4b:s13+s3], $0x80, $0x38;
	[tilespmem:$0x1A680] =	vst v63  }
0x223: {  	_ =	swait.ge [sflag:s9], $0x80  }
0x224: {  	[sflag:s9] =	ssyncset.done $0x0  }
0x225: {  	[sflag:s9] =	ssyncadd.s32 $0xFFFFFF80  }
0x226: {  	_ =	swait.ge [sflag:s9], $0x80  }
0x227: {  	[sflag:s9] =	ssyncset.done $0x0  }
0x228: {  	s25 =	simm.s32 $0x4600;
	s5 =	simm.s32 $0x400;
	[sflag:s9] =	ssyncadd.s32 $0xFFFFFF80  }
0x229: {  	[tilespmem:s25], [sflag:$0xE] =	stream.indirect.gather [hbm4b:s1+s17], $0x80, s5, s17, $0xb8;
	[tilespmem:$0x1A680] =	vst v63  }
0x22a: {  	_ =	swait.ge [sflag:s23], $0x1400  }
0x22b: {  	s15 =	simm.s32 $0x14;
	[sflag:s23] =	ssyncset.done $0x0  }
0x22c: {  	s13 =	simm.s32 $0x780;
	s9 =	simm.s32 $0xA00;
	[sflag:s23] =	ssyncadd.s32 $0xFFFFEC00  }
0x22d: {  	[spmem:s6] =	stream.indirect.scatter.add.f32 [tilespmem:s9], [sflag:$0x10], $0x80, s13, s17, $0xb8;
	[tilespmem:$0x1A680] =	vst v63  }
0x22e: {  	_ =	swait.ge [sflag:s15], $0x1400  }
0x22f: {  	s14 =	rddreg [dreg:$0xc]  }
0x230: {  	s23 =	simm.s32 $0x14;
	[sflag:s15] =	ssyncset.done $0x0;
	s15 =	rddreg [dreg:$0xd]  }
0x231: {  	[sflag:s23] =	ssyncadd.s32 $0xFFFFEC00;
	s14 =	sadd.s32 $0x0, s14;
	s23 =	simm.s32 $0x200  }
0x232: {  	[tilespmem:s23], [sflag:$0x5] =	stream.linear.gather [hbm4b:s14+s3], $0x80, $0x38;
	[tilespmem:$0x1A680] =	vst v63  }
0x233: {  	s11 =	sadd.s32 $0x0, s15  }
0x234: {  	[tilespmem:s4], [sflag:$0x5] =	stream.linear.gather [hbm4b:s11+s3], $0x80, $0x38;
	[tilespmem:$0x1A680] =	vst v63  }
0x235: {  	_ =	swait.ge [sflag:s26], $0x80  }
0x236: {  	[sflag:s26] =	ssyncset.done $0x0  }
0x237: {  	[sflag:s26] =	ssyncadd.s32 $0xFFFFFF80  }
0x238: {  	_ =	swait.ge [sflag:s26], $0x80  }
0x239: {  	[sflag:s26] =	ssyncset.done $0x0  }
0x23a: {  	s14 =	simm.s32 $0x480;
	[sflag:s26] =	ssyncadd.s32 $0xFFFFFF80  }
0x23b: {  	[tilespmem:s12], [sflag:$0xF] =	stream.indirect.gather [hbm4b:s1+s17], $0x80, s14, s17, $0xb8;
	[tilespmem:$0x1A680] =	vst v63  }
0x23c: {  	_ =	swait.ge [sflag:s24], $0x1400  }
0x23d: {  	[sflag:s24] =	ssyncset.done $0x0  }
0x23e: {  	s11 =	simm.s32 $0x800;
	s12 =	simm.s32 $0x1E00;
	[sflag:s24] =	ssyncadd.s32 $0xFFFFEC00  }
0x23f: {  	[spmem:s6] =	stream.indirect.scatter.add.f32 [tilespmem:s12], [sflag:$0x11], $0x80, s11, s17, $0xb8;
	[tilespmem:$0x1A680] =	vst v63  }
0x240: {  	_ =	swait.ge [sflag:s29], $0x1400  }
0x241: {  	s15 =	rddreg [dreg:$0xa];
	[sflag:s29] =	ssyncset.done $0x0  }
0x242: {  	s23 =	rddreg [dreg:$0xb];
	[sflag:s29] =	ssyncadd.s32 $0xFFFFEC00;
	s14 =	sadd.s32 $0x0, s15  }
0x243: {  	[tilespmem:s20], [sflag:$0x6] =	stream.linear.gather [hbm4b:s14+s3], $0x80, $0x38;
	[tilespmem:$0x1A680] =	vst v63  }
0x244: {  	s24 =	sadd.s32 $0x0, s23  }
0x245: {  	[tilespmem:s13], [sflag:$0x6] =	stream.linear.gather [hbm4b:s24+s3], $0x80, $0x38;
	[tilespmem:$0x1A680] =	vst v63  }
0x246: {  	_ =	swait.ge [sflag:s28], $0x80  }
0x247: {  	[sflag:s28] =	ssyncset.done $0x0  }
0x248: {  	[sflag:s28] =	ssyncadd.s32 $0xFFFFFF80  }
0x249: {  	_ =	swait.ge [sflag:s28], $0x80  }
0x24a: {  	[sflag:s28] =	ssyncset.done $0x0  }
0x24b: {  	[sflag:s28] =	ssyncadd.s32 $0xFFFFFF80  }
0x24c: {  	[tilespmem:s9], [sflag:$0xB] =	stream.indirect.gather [hbm4b:s1+s17], $0x80, s3, s17, $0xb8;
	[tilespmem:$0x1A680] =	vst v63  }
0x24d: {  	_ =	swait.ge [sflag:s0], $0x1400  }
0x24e: {  	[sflag:s0] =	ssyncset.done $0x0  }
0x24f: {  	s26 =	simm.s32 $0x880;
	[sflag:s0] =	ssyncadd.s32 $0xFFFFEC00;
	s0 =	simm.s32 $0x3200  }
0x250: {  	[spmem:s6] =	stream.indirect.scatter.add.f32 [tilespmem:s0], [sflag:$0x12], $0x80, s26, s17, $0xb8;
	[tilespmem:$0x1A680] =	vst v63  }
0x251: {  	_ =	swait.ge [sflag:s2], $0x1400  }
0x252: {  	s28 =	rddreg [dreg:$0x8];
	[sflag:s2] =	ssyncset.done $0x0  }
0x253: {  	s29 =	rddreg [dreg:$0x9];
	[sflag:s2] =	ssyncadd.s32 $0xFFFFEC00;
	s14 =	sadd.s32 $0x0, s28  }
0x254: {  	[tilespmem:s16], [sflag:$0x7] =	stream.linear.gather [hbm4b:s14+s3], $0x80, $0x38;
	[tilespmem:$0x1A680] =	vst v63  }
0x255: {  	s13 =	sadd.s32 $0x0, s29  }
0x256: {  	[tilespmem:s11], [sflag:$0x7] =	stream.linear.gather [hbm4b:s13+s3], $0x80, $0x38;
	[tilespmem:$0x1A680] =	vst v63  }
0x257: {  	_ =	swait.ge [sflag:s19], $0x80  }
0x258: {  	[sflag:s19] =	ssyncset.done $0x0  }
0x259: {  	[sflag:s19] =	ssyncadd.s32 $0xFFFFFF80  }
0x25a: {  	_ =	swait.ge [sflag:s19], $0x80  }
0x25b: {  	[sflag:s19] =	ssyncset.done $0x0  }
0x25c: {  	s15 =	simm.s32 $0x80;
	[sflag:s19] =	ssyncadd.s32 $0xFFFFFF80  }
0x25d: {  	[tilespmem:s12], [sflag:$0xC] =	stream.indirect.gather [hbm4b:s1+s17], $0x80, s15, s17, $0xb8;
	[tilespmem:$0x1A680] =	vst v63  }
0x25e: {  	_ =	swait.ge [sflag:s30], $0x1400  }
0x25f: {  	[sflag:s30] =	ssyncset.done $0x0  }
0x260: {  	s16 =	simm.s32 $0x900;
	[sflag:s30] =	ssyncadd.s32 $0xFFFFEC00  }
0x261: {  	[spmem:s6] =	stream.indirect.scatter.add.f32 [tilespmem:s25], [sflag:$0x13], $0x80, s16, s17, $0xb8;
	[tilespmem:$0x1A680] =	vst v63  }
0x262: {  	_ =	swait.ge [sflag:s7], $0x1400  }
0x263: {  	s19 =	rddreg [dreg:$0x6];
	[sflag:s7] =	ssyncset.done $0x0  }
0x264: {  	s20 =	rddreg [dreg:$0x7];
	[sflag:s7] =	ssyncadd.s32 $0xFFFFEC00;
	s14 =	sadd.s32 $0x0, s19  }
0x265: {  	[tilespmem:s31], [sflag:$0x8] =	stream.linear.gather [hbm4b:s14+s3], $0x80, $0x38;
	[tilespmem:$0x1A680] =	vst v63  }
0x266: {  	s23 =	sadd.s32 $0x0, s20  }
0x267: {  	[tilespmem:s26], [sflag:$0x8] =	stream.linear.gather [hbm4b:s23+s3], $0x80, $0x38;
	[tilespmem:$0x1A680] =	vst v63  }
0x268: {  	_ =	swait.ge [sflag:s22], $0x80  }
0x269: {  	[sflag:s22] =	ssyncset.done $0x0  }
0x26a: {  	[sflag:s22] =	ssyncadd.s32 $0xFFFFFF80  }
0x26b: {  	_ =	swait.ge [sflag:s22], $0x80  }
0x26c: {  	[sflag:s22] =	ssyncset.done $0x0  }
0x26d: {  	s24 =	simm.s32 $0x100;
	[sflag:s22] =	ssyncadd.s32 $0xFFFFFF80  }
0x26e: {  	[tilespmem:s0], [sflag:$0xD] =	stream.indirect.gather [hbm4b:s1+s17], $0x80, s24, s17, $0xb8;
	[tilespmem:$0x1A680] =	vst v63  }
0x26f: {  	_ =	swait.ge [sflag:s8], $0x1400  }
0x270: {  	[sflag:s8] =	ssyncset.done $0x0  }
0x271: {  	s4 =	simm.s32 $0x5A00;
	s26 =	simm.s32 $0x980;
	[sflag:s8] =	ssyncadd.s32 $0xFFFFEC00  }
0x272: {  	[spmem:s6] =	stream.indirect.scatter.add.f32 [tilespmem:s4], [sflag:$0x14], $0x80, s26, s17, $0xb8;
	[tilespmem:$0x1A680] =	vst v63  }
0x273: {  	_ =	swait.ge [sflag:s10], $0x1400  }
0x274: {  	s28 =	rddreg [dreg:$0x4];
	[sflag:s10] =	ssyncset.done $0x0  }
0x275: {  	s29 =	rddreg [dreg:$0x5];
	[sflag:s10] =	ssyncadd.s32 $0xFFFFEC00;
	s14 =	sadd.s32 $0x0, s28  }
0x276: {  	[tilespmem:s5], [sflag:$0x9] =	stream.linear.gather [hbm4b:s14+s3], $0x80, $0x38;
	[tilespmem:$0x1A680] =	vst v63  }
0x277: {  	s31 =	simm.s32 $0x900;
	s30 =	sadd.s32 $0x0, s29  }
0x278: {  	[tilespmem:s31], [sflag:$0x9] =	stream.linear.gather [hbm4b:s30+s3], $0x80, $0x38;
	[tilespmem:$0x1A680] =	vst v63  }
0x279: {  	_ =	swait.ge [sflag:s21], $0x80  }
0x27a: {  	[sflag:s21] =	ssyncset.done $0x0  }
0x27b: {  	[sflag:s21] =	ssyncadd.s32 $0xFFFFFF80  }
0x27c: {  	_ =	swait.ge [sflag:s21], $0x80  }
0x27d: {  	[sflag:s21] =	ssyncset.done $0x0  }
0x27e: {  	s14 =	simm.s32 $0xA0;
	[sflag:s21] =	ssyncadd.s32 $0xFFFFFF80  }
.LBB2_4:
0x27f: {  	s0 =	simm.s32 $0x180;
	s31 =	simm.s32 $0xB  }
0x280: {  	[tilespmem:s25], [sflag:$0xE] =	stream.indirect.gather [hbm4b:s1+s17], $0x80, s0, s17, $0xb8;
	[tilespmem:$0x1A680] =	vst v63  }
0x281: {  	_ =	swait.ge [sflag:s31], $0x1400  }
0x282: {  	[sflag:s31] =	ssyncset.done $0x0  }
0x283: {  	s10 =	simm.s32 $0xA00;
	s13 =	simm.s32 $0x14;
	[sflag:s31] =	ssyncadd.s32 $0xFFFFEC00  }
0x284: {  	[spmem:s6] =	stream.indirect.scatter.add.f32 [tilespmem:s10], [sflag:$0x10], $0x80, s18, s17, $0xb8;
	[tilespmem:$0x1A680] =	vst v63  }
0x285: {  	s15 =	smov.u32 s14;
	_ =	swait.ge [sflag:s13], $0x1400  }
0x286: {  	s5 =	simm.s32 $0x480;
	s24 =	rddreg [dreg:$0x17];
	[sflag:s13] =	ssyncset.done $0x0  }
0x287: {  	s20 =	rddreg [dreg:$0x16];
	[sflag:s13] =	ssyncadd.s32 $0xFFFFEC00;
	s18 =	sadd.s32 s15, s24  }
0x288: {  	[tilespmem:s5], [sflag:$0xA] =	stream.linear.gather [hbm4b:s18+s3], $0x80, $0x38;
	[tilespmem:$0x1A680] =	vst v63  }
0x289: {  	s2 =	simm.s32 $0x980;
	s26 =	simm.s32 $0x5;
	s25 =	sadd.s32 s15, s20  }
0x28a: {  	[tilespmem:s2], [sflag:$0xA] =	stream.linear.gather [hbm4b:s25+s3], $0x80, $0x38;
	[tilespmem:$0x1A680] =	vst v63  }
0x28b: {  	_ =	swait.ge [sflag:s26], $0x80  }
0x28c: {  	[sflag:s26] =	ssyncset.done $0x0  }
0x28d: {  	[sflag:s26] =	ssyncadd.s32 $0xFFFFFF80  }
0x28e: {  	_ =	swait.ge [sflag:s26], $0x80  }
0x28f: {  	s11 =	simm.s32 $0x5A00;
	[sflag:s26] =	ssyncset.done $0x0  }
0x290: {  	s12 =	simm.s32 $0x200;
	s4 =	simm.s32 $0xC;
	[sflag:s26] =	ssyncadd.s32 $0xFFFFFF80  }
0x291: {  	[tilespmem:s11], [sflag:$0xF] =	stream.indirect.gather [hbm4b:s1+s17], $0x80, s12, s17, $0xb8;
	[tilespmem:$0x1A680] =	vst v63  }
0x292: {  	_ =	swait.ge [sflag:s4], $0x1400  }
0x293: {  	s7 =	simm.s32 $0x580;
	[sflag:s4] =	ssyncset.done $0x0  }
0x294: {  	s23 =	simm.s32 $0x10;
	s26 =	simm.s32 $0x1E00;
	[sflag:s4] =	ssyncadd.s32 $0xFFFFEC00  }
0x295: {  	[spmem:s6] =	stream.indirect.scatter.add.f32 [tilespmem:s26], [sflag:$0x11], $0x80, s7, s17, $0xb8;
	[tilespmem:$0x1A680] =	vst v63  }
0x296: {  	_ =	swait.ge [sflag:s23], $0x1400  }
0x297: {  	s29 =	rddreg [dreg:$0x14];
	[sflag:s23] =	ssyncset.done $0x0  }
0x298: {  	s30 =	rddreg [dreg:$0x15];
	[sflag:s23] =	ssyncadd.s32 $0xFFFFEC00;
	s18 =	sadd.s32 s15, s29  }
0x299: {  	[tilespmem:s3], [sflag:$0x1] =	stream.linear.gather [hbm4b:s18+s3], $0x80, $0x38;
	[tilespmem:$0x1A680] =	vst v63  }
0x29a: {  	s28 =	simm.s32 $0x500;
	s8 =	simm.s32 $0x6;
	s2 =	sadd.s32 s15, s30  }
0x29b: {  	[tilespmem:s28], [sflag:$0x1] =	stream.linear.gather [hbm4b:s2+s3], $0x80, $0x38;
	[tilespmem:$0x1A680] =	vst v63  }
0x29c: {  	_ =	swait.ge [sflag:s8], $0x80  }
0x29d: {  	[sflag:s8] =	ssyncset.done $0x0  }
0x29e: {  	[sflag:s8] =	ssyncadd.s32 $0xFFFFFF80  }
0x29f: {  	_ =	swait.ge [sflag:s8], $0x80  }
0x2a0: {  	[sflag:s8] =	ssyncset.done $0x0  }
0x2a1: {  	s22 =	simm.s32 $0xD;
	s2 =	simm.s32 $0x280;
	[sflag:s8] =	ssyncadd.s32 $0xFFFFFF80  }
0x2a2: {  	[tilespmem:s10], [sflag:$0xB] =	stream.indirect.gather [hbm4b:s1+s17], $0x80, s2, s17, $0xb8;
	[tilespmem:$0x1A680] =	vst v63  }
0x2a3: {  	_ =	swait.ge [sflag:s22], $0x1400  }
0x2a4: {  	s21 =	simm.s32 $0x11;
	[sflag:s22] =	ssyncset.done $0x0  }
0x2a5: {  	s28 =	simm.s32 $0x3200;
	s8 =	simm.s32 $0x600;
	[sflag:s22] =	ssyncadd.s32 $0xFFFFEC00  }
0x2a6: {  	[spmem:s6] =	stream.indirect.scatter.add.f32 [tilespmem:s28], [sflag:$0x12], $0x80, s8, s17, $0xb8;
	[tilespmem:$0x1A680] =	vst v63  }
0x2a7: {  	_ =	swait.ge [sflag:s21], $0x1400  }
0x2a8: {  	s9 =	simm.s32 $0x80;
	s16 =	rddreg [dreg:$0x12];
	[sflag:s21] =	ssyncset.done $0x0  }
0x2a9: {  	s19 =	rddreg [dreg:$0x13];
	[sflag:s21] =	ssyncadd.s32 $0xFFFFEC00;
	s18 =	sadd.s32 s15, s16  }
0x2aa: {  	[tilespmem:s9], [sflag:$0x2] =	stream.linear.gather [hbm4b:s18+s3], $0x80, $0x38;
	[tilespmem:$0x1A680] =	vst v63  }
0x2ab: {  	s24 =	simm.s32 $0x7;
	s20 =	sadd.s32 s15, s19  }
0x2ac: {  	[tilespmem:s7], [sflag:$0x2] =	stream.linear.gather [hbm4b:s20+s3], $0x80, $0x38;
	[tilespmem:$0x1A680] =	vst v63  }
0x2ad: {  	_ =	swait.ge [sflag:s24], $0x80  }
0x2ae: {  	[sflag:s24] =	ssyncset.done $0x0  }
0x2af: {  	[sflag:s24] =	ssyncadd.s32 $0xFFFFFF80  }
0x2b0: {  	_ =	swait.ge [sflag:s24], $0x80  }
0x2b1: {  	[sflag:s24] =	ssyncset.done $0x0  }
0x2b2: {  	s19 =	simm.s32 $0xE;
	s7 =	simm.s32 $0x300;
	[sflag:s24] =	ssyncadd.s32 $0xFFFFFF80  }
0x2b3: {  	[tilespmem:s26], [sflag:$0xC] =	stream.indirect.gather [hbm4b:s1+s17], $0x80, s7, s17, $0xb8;
	[tilespmem:$0x1A680] =	vst v63  }
0x2b4: {  	_ =	swait.ge [sflag:s19], $0x1400  }
0x2b5: {  	s25 =	simm.s32 $0x4600;
	[sflag:s19] =	ssyncset.done $0x0  }
0x2b6: {  	s30 =	simm.s32 $0x12;
	s16 =	simm.s32 $0x680;
	[sflag:s19] =	ssyncadd.s32 $0xFFFFEC00  }
0x2b7: {  	[spmem:s6] =	stream.indirect.scatter.add.f32 [tilespmem:s25], [sflag:$0x13], $0x80, s16, s17, $0xb8;
	[tilespmem:$0x1A680] =	vst v63  }
0x2b8: {  	_ =	swait.ge [sflag:s30], $0x1400  }
0x2b9: {  	s25 =	simm.s32 $0x100;
	s29 =	rddreg [dreg:$0x10];
	[sflag:s30] =	ssyncset.done $0x0  }
0x2ba: {  	s9 =	rddreg [dreg:$0x11];
	[sflag:s30] =	ssyncadd.s32 $0xFFFFEC00;
	s18 =	sadd.s32 s15, s29  }
0x2bb: {  	[tilespmem:s25], [sflag:$0x3] =	stream.linear.gather [hbm4b:s18+s3], $0x80, $0x38;
	[tilespmem:$0x1A680] =	vst v63  }
0x2bc: {  	s24 =	sadd.s32 s15, s9;
	s29 =	simm.s32 $0x8  }
0x2bd: {  	[tilespmem:s8], [sflag:$0x3] =	stream.linear.gather [hbm4b:s24+s3], $0x80, $0x38;
	[tilespmem:$0x1A680] =	vst v63  }
0x2be: {  	_ =	swait.ge [sflag:s29], $0x80  }
0x2bf: {  	[sflag:s29] =	ssyncset.done $0x0  }
0x2c0: {  	[sflag:s29] =	ssyncadd.s32 $0xFFFFFF80  }
0x2c1: {  	_ =	swait.ge [sflag:s29], $0x80  }
0x2c2: {  	[sflag:s29] =	ssyncset.done $0x0  }
0x2c3: {  	s8 =	simm.s32 $0x380;
	s24 =	simm.s32 $0xF;
	[sflag:s29] =	ssyncadd.s32 $0xFFFFFF80  }
0x2c4: {  	[tilespmem:s28], [sflag:$0xD] =	stream.indirect.gather [hbm4b:s1+s17], $0x80, s8, s17, $0xb8;
	[tilespmem:$0x1A680] =	vst v63  }
0x2c5: {  	_ =	swait.ge [sflag:s24], $0x1400  }
0x2c6: {  	[sflag:s24] =	ssyncset.done $0x0  }
0x2c7: {  	s9 =	simm.s32 $0x700;
	s29 =	simm.s32 $0x13;
	[sflag:s24] =	ssyncadd.s32 $0xFFFFEC00  }
0x2c8: {  	[spmem:s6] =	stream.indirect.scatter.add.f32 [tilespmem:s11], [sflag:$0x14], $0x80, s9, s17, $0xb8;
	[tilespmem:$0x1A680] =	vst v63  }
0x2c9: {  	_ =	swait.ge [sflag:s29], $0x1400  }
0x2ca: {  	s18 =	rddreg [dreg:$0xe];
	[sflag:s29] =	ssyncset.done $0x0  }
0x2cb: {  	s20 =	rddreg [dreg:$0xf];
	[sflag:s29] =	ssyncadd.s32 $0xFFFFEC00;
	s18 =	sadd.s32 s15, s18  }
0x2cc: {  	[tilespmem:s0], [sflag:$0x4] =	stream.linear.gather [hbm4b:s18+s3], $0x80, $0x38;
	[tilespmem:$0x1A680] =	vst v63  }
0x2cd: {  	s0 =	sadd.s32 s15, s20;
	s18 =	simm.s32 $0x9  }
0x2ce: {  	[tilespmem:s16], [sflag:$0x4] =	stream.linear.gather [hbm4b:s0+s3], $0x80, $0x38;
	[tilespmem:$0x1A680] =	vst v63  }
0x2cf: {  	_ =	swait.ge [sflag:s18], $0x80  }
0x2d0: {  	[sflag:s18] =	ssyncset.done $0x0  }
0x2d1: {  	[sflag:s18] =	ssyncadd.s32 $0xFFFFFF80  }
0x2d2: {  	_ =	swait.ge [sflag:s18], $0x80  }
0x2d3: {  	[sflag:s18] =	ssyncset.done $0x0  }
0x2d4: {  	s20 =	simm.s32 $0x4600;
	s16 =	simm.s32 $0x400;
	[sflag:s18] =	ssyncadd.s32 $0xFFFFFF80  }
0x2d5: {  	[tilespmem:s20], [sflag:$0xE] =	stream.indirect.gather [hbm4b:s1+s17], $0x80, s16, s17, $0xb8;
	[tilespmem:$0x1A680] =	vst v63  }
0x2d6: {  	_ =	swait.ge [sflag:s31], $0x1400  }
0x2d7: {  	[sflag:s31] =	ssyncset.done $0x0  }
0x2d8: {  	[sflag:s31] =	ssyncadd.s32 $0xFFFFEC00;
	s31 =	simm.s32 $0x780  }
0x2d9: {  	[spmem:s6] =	stream.indirect.scatter.add.f32 [tilespmem:s10], [sflag:$0x10], $0x80, s31, s17, $0xb8;
	[tilespmem:$0x1A680] =	vst v63  }
0x2da: {  	_ =	swait.ge [sflag:s13], $0x1400  }
0x2db: {  	s0 =	rddreg [dreg:$0xc];
	[sflag:s13] =	ssyncset.done $0x0  }
0x2dc: {  	s20 =	rddreg [dreg:$0xd];
	[sflag:s13] =	ssyncadd.s32 $0xFFFFEC00;
	s18 =	sadd.s32 s15, s0  }
0x2dd: {  	[tilespmem:s12], [sflag:$0x5] =	stream.linear.gather [hbm4b:s18+s3], $0x80, $0x38;
	[tilespmem:$0x1A680] =	vst v63  }
0x2de: {  	s13 =	sadd.s32 s15, s20;
	s18 =	simm.s32 $0xA  }
0x2df: {  	[tilespmem:s9], [sflag:$0x5] =	stream.linear.gather [hbm4b:s13+s3], $0x80, $0x38;
	[tilespmem:$0x1A680] =	vst v63  }
0x2e0: {  	_ =	swait.ge [sflag:s18], $0x80  }
0x2e1: {  	[sflag:s18] =	ssyncset.done $0x0  }
0x2e2: {  	[sflag:s18] =	ssyncadd.s32 $0xFFFFFF80  }
0x2e3: {  	_ =	swait.ge [sflag:s18], $0x80  }
0x2e4: {  	[sflag:s18] =	ssyncset.done $0x0  }
0x2e5: {  	[sflag:s18] =	ssyncadd.s32 $0xFFFFFF80  }
0x2e6: {  	[tilespmem:s11], [sflag:$0xF] =	stream.indirect.gather [hbm4b:s1+s17], $0x80, s5, s17, $0xb8;
	[tilespmem:$0x1A680] =	vst v63  }
0x2e7: {  	_ =	swait.ge [sflag:s4], $0x1400  }
0x2e8: {  	[sflag:s4] =	ssyncset.done $0x0  }
0x2e9: {  	s9 =	simm.s32 $0x800;
	[sflag:s4] =	ssyncadd.s32 $0xFFFFEC00  }
0x2ea: {  	[spmem:s6] =	stream.indirect.scatter.add.f32 [tilespmem:s26], [sflag:$0x11], $0x80, s9, s17, $0xb8;
	[tilespmem:$0x1A680] =	vst v63  }
0x2eb: {  	_ =	swait.ge [sflag:s23], $0x1400  }
0x2ec: {  	s20 =	rddreg [dreg:$0xa];
	[sflag:s23] =	ssyncset.done $0x0  }
0x2ed: {  	s4 =	rddreg [dreg:$0xb];
	[sflag:s23] =	ssyncadd.s32 $0xFFFFEC00;
	s18 =	sadd.s32 s15, s20  }
0x2ee: {  	[tilespmem:s2], [sflag:$0x6] =	stream.linear.gather [hbm4b:s18+s3], $0x80, $0x38;
	[tilespmem:$0x1A680] =	vst v63  }
0x2ef: {  	s5 =	sadd.s32 s15, s4;
	s20 =	simm.s32 $0x1  }
0x2f0: {  	[tilespmem:s31], [sflag:$0x6] =	stream.linear.gather [hbm4b:s5+s3], $0x80, $0x38;
	[tilespmem:$0x1A680] =	vst v63  }
0x2f1: {  	_ =	swait.ge [sflag:s20], $0x80  }
0x2f2: {  	[sflag:s20] =	ssyncset.done $0x0  }
0x2f3: {  	[sflag:s20] =	ssyncadd.s32 $0xFFFFFF80  }
0x2f4: {  	_ =	swait.ge [sflag:s20], $0x80  }
0x2f5: {  	[sflag:s20] =	ssyncset.done $0x0  }
0x2f6: {  	[sflag:s20] =	ssyncadd.s32 $0xFFFFFF80  }
0x2f7: {  	[tilespmem:s10], [sflag:$0xB] =	stream.indirect.gather [hbm4b:s1+s17], $0x80, s3, s17, $0xb8;
	[tilespmem:$0x1A680] =	vst v63  }
0x2f8: {  	_ =	swait.ge [sflag:s22], $0x1400  }
0x2f9: {  	[sflag:s22] =	ssyncset.done $0x0  }
0x2fa: {  	s23 =	simm.s32 $0x880;
	[sflag:s22] =	ssyncadd.s32 $0xFFFFEC00  }
0x2fb: {  	[spmem:s6] =	stream.indirect.scatter.add.f32 [tilespmem:s28], [sflag:$0x12], $0x80, s23, s17, $0xb8;
	[tilespmem:$0x1A680] =	vst v63  }
0x2fc: {  	_ =	swait.ge [sflag:s21], $0x1400  }
0x2fd: {  	s4 =	rddreg [dreg:$0x8];
	[sflag:s21] =	ssyncset.done $0x0  }
0x2fe: {  	s5 =	rddreg [dreg:$0x9];
	[sflag:s21] =	ssyncadd.s32 $0xFFFFEC00;
	s18 =	sadd.s32 s15, s4  }
0x2ff: {  	[tilespmem:s7], [sflag:$0x7] =	stream.linear.gather [hbm4b:s18+s3], $0x80, $0x38;
	[tilespmem:$0x1A680] =	vst v63  }
0x300: {  	s7 =	sadd.s32 s15, s5  }
0x301: {  	[tilespmem:s9], [sflag:$0x7] =	stream.linear.gather [hbm4b:s7+s3], $0x80, $0x38;
	[tilespmem:$0x1A680] =	vst v63  }
0x302: {  	s9 =	simm.s32 $0x2  }
0x303: {  	_ =	swait.ge [sflag:s9], $0x80  }
0x304: {  	[sflag:s9] =	ssyncset.done $0x0  }
0x305: {  	[sflag:s9] =	ssyncadd.s32 $0xFFFFFF80  }
0x306: {  	_ =	swait.ge [sflag:s9], $0x80  }
0x307: {  	[sflag:s9] =	ssyncset.done $0x0  }
0x308: {  	s10 =	simm.s32 $0x80;
	[sflag:s9] =	ssyncadd.s32 $0xFFFFFF80  }
0x309: {  	[tilespmem:s26], [sflag:$0xC] =	stream.indirect.gather [hbm4b:s1+s17], $0x80, s10, s17, $0xb8;
	[tilespmem:$0x1A680] =	vst v63  }
0x30a: {  	_ =	swait.ge [sflag:s19], $0x1400  }
0x30b: {  	[sflag:s19] =	ssyncset.done $0x0  }
0x30c: {  	s18 =	simm.s32 $0x900;
	[sflag:s19] =	ssyncadd.s32 $0xFFFFEC00;
	s19 =	simm.s32 $0x4600  }
0x30d: {  	[spmem:s6] =	stream.indirect.scatter.add.f32 [tilespmem:s19], [sflag:$0x13], $0x80, s18, s17, $0xb8;
	[tilespmem:$0x1A680] =	vst v63  }
0x30e: {  	_ =	swait.ge [sflag:s30], $0x1400  }
0x30f: {  	s20 =	rddreg [dreg:$0x6];
	[sflag:s30] =	ssyncset.done $0x0  }
0x310: {  	s21 =	rddreg [dreg:$0x7];
	[sflag:s30] =	ssyncadd.s32 $0xFFFFEC00;
	s18 =	sadd.s32 s15, s20  }
0x311: {  	[tilespmem:s8], [sflag:$0x8] =	stream.linear.gather [hbm4b:s18+s3], $0x80, $0x38;
	[tilespmem:$0x1A680] =	vst v63  }
0x312: {  	s22 =	sadd.s32 s15, s21  }
0x313: {  	[tilespmem:s23], [sflag:$0x8] =	stream.linear.gather [hbm4b:s22+s3], $0x80, $0x38;
	[tilespmem:$0x1A680] =	vst v63  }
0x314: {  	s23 =	simm.s32 $0x3  }
0x315: {  	_ =	swait.ge [sflag:s23], $0x80  }
0x316: {  	[sflag:s23] =	ssyncset.done $0x0  }
0x317: {  	[sflag:s23] =	ssyncadd.s32 $0xFFFFFF80  }
0x318: {  	_ =	swait.ge [sflag:s23], $0x80  }
0x319: {  	[sflag:s23] =	ssyncset.done $0x0  }
0x31a: {  	[sflag:s23] =	ssyncadd.s32 $0xFFFFFF80  }
0x31b: {  	[tilespmem:s28], [sflag:$0xD] =	stream.indirect.gather [hbm4b:s1+s17], $0x80, s25, s17, $0xb8;
	[tilespmem:$0x1A680] =	vst v63  }
0x31c: {  	_ =	swait.ge [sflag:s24], $0x1400  }
0x31d: {  	[sflag:s24] =	ssyncset.done $0x0  }
0x31e: {  	s25 =	simm.s32 $0x980;
	[sflag:s24] =	ssyncadd.s32 $0xFFFFEC00  }
0x31f: {  	[spmem:s6] =	stream.indirect.scatter.add.f32 [tilespmem:s11], [sflag:$0x14], $0x80, s25, s17, $0xb8;
	[tilespmem:$0x1A680] =	vst v63  }
0x320: {  	p1 =	sne.s32 s14, $0xDC0;
	_ =	swait.ge [sflag:s29], $0x1400  }
0x321: {  	s14 =	sadd.s32 $0xA0, s14;
	s26 =	rddreg [dreg:$0x4];
	[sflag:s29] =	ssyncset.done $0x0  }
0x322: {  	s28 =	rddreg [dreg:$0x5];
	[sflag:s29] =	ssyncadd.s32 $0xFFFFEC00;
	s18 =	sadd.s32 s15, s26  }
0x323: {  	[tilespmem:s16], [sflag:$0x9] =	stream.linear.gather [hbm4b:s18+s3], $0x80, $0x38;
	[tilespmem:$0x1A680] =	vst v63  }
0x324: {  	s31 =	simm.s32 $0x4;
	s30 =	simm.s32 $0x900;
	s15 =	sadd.s32 s15, s28  }
0x325: {  	[tilespmem:s30], [sflag:$0x9] =	stream.linear.gather [hbm4b:s15+s3], $0x80, $0x38;
	[tilespmem:$0x1A680] =	vst v63  }
0x326: {  	s0 =	simm.s32 $0x200;
	s12 =	simm.s32 $0x780;
	_ =	swait.ge [sflag:s31], $0x80  }
.Ltmp1:
0x327: {  	s13 =	simm.s32 $0x280;
	[sflag:s31] =	ssyncset.done $0x0;
	(pc) =	sbr.rel @p1 .LBB2_4-.Ltmp1, $4  }
0x328: {  	s2 =	simm.s32 $0x300;
	s4 =	simm.s32 $0x800;
	[sflag:s31] =	ssyncadd.s32 $0xFFFFFF80  }
0x329: {  	s5 =	simm.s32 $0x880;
	s10 =	simm.s32 $0x380;
	_ =	swait.ge [sflag:s31], $0x80  }
0x32a: {  	s25 =	simm.s32 $0x4600;
	s26 =	simm.s32 $0x400;
	[sflag:s31] =	ssyncset.done $0x0  }
0x32b: {  	s18 =	simm.s32 $0x500;
	s15 =	simm.s32 $0x900;
	[sflag:s31] =	ssyncadd.s32 $0xFFFFFF80  }
0x32c: {  	s7 =	simm.s32 $0x180;
	s28 =	simm.s32 $0xB  }
0x32d: {  	[tilespmem:s25], [sflag:$0xE] =	stream.indirect.gather [hbm4b:s1+s17], $0x80, s7, s17, $0xb8;
	[tilespmem:$0x1A680] =	vst v63  }
0x32e: {  	_ =	swait.ge [sflag:s28], $0x1400  }
0x32f: {  	[sflag:s28] =	ssyncset.done $0x0  }
0x330: {  	s8 =	simm.s32 $0xA00;
	s16 =	simm.s32 $0x14;
	[sflag:s28] =	ssyncadd.s32 $0xFFFFEC00  }
0x331: {  	[spmem:s6] =	stream.indirect.scatter.add.f32 [tilespmem:s8], [sflag:$0x10], $0x80, s18, s17, $0xb8;
	[tilespmem:$0x1A680] =	vst v63  }
0x332: {  	_ =	swait.ge [sflag:s16], $0x1400  }
0x333: {  	s14 =	sld [smem:$0x7FA]  }
0x334: {  	[sflag:s16] =	ssyncset.done $0x0  }
0x335: {  	s9 =	simm.s32 $0x480;
	s11 =	sld [smem:$0x7FC];
	[sflag:s16] =	ssyncadd.s32 $0xFFFFEC00  }
0x336: {  	[tilespmem:s9], [sflag:$0xA] =	stream.linear.gather [hbm4b:s14+s3], $0x80, $0x38;
	[tilespmem:$0x1A680] =	vst v63  }
0x337: {  	s18 =	simm.s32 $0x980;
	s14 =	simm.s32 $0x5  }
0x338: {  	[tilespmem:s18], [sflag:$0xA] =	stream.linear.gather [hbm4b:s11+s3], $0x80, $0x38;
	[tilespmem:$0x1A680] =	vst v63  }
0x339: {  	_ =	swait.ge [sflag:s14], $0x80  }
0x33a: {  	[sflag:s14] =	ssyncset.done $0x0  }
0x33b: {  	[sflag:s14] =	ssyncadd.s32 $0xFFFFFF80  }
0x33c: {  	_ =	swait.ge [sflag:s14], $0x80  }
0x33d: {  	[sflag:s14] =	ssyncset.done $0x0  }
0x33e: {  	s24 =	simm.s32 $0xC;
	s11 =	simm.s32 $0x5A00;
	[sflag:s14] =	ssyncadd.s32 $0xFFFFFF80  }
0x33f: {  	[tilespmem:s11], [sflag:$0xF] =	stream.indirect.gather [hbm4b:s1+s17], $0x80, s0, s17, $0xb8;
	[tilespmem:$0x1A680] =	vst v63  }
0x340: {  	_ =	swait.ge [sflag:s24], $0x1400  }
0x341: {  	s19 =	simm.s32 $0x580;
	[sflag:s24] =	ssyncset.done $0x0  }
0x342: {  	s23 =	simm.s32 $0x10;
	s14 =	simm.s32 $0x1E00;
	[sflag:s24] =	ssyncadd.s32 $0xFFFFEC00  }
0x343: {  	[spmem:s6] =	stream.indirect.scatter.add.f32 [tilespmem:s14], [sflag:$0x11], $0x80, s19, s17, $0xb8;
	[tilespmem:$0x1A680] =	vst v63  }
0x344: {  	_ =	swait.ge [sflag:s23], $0x1400  }
0x345: {  	[sflag:s23] =	ssyncset.done $0x0  }
0x346: {  	s20 =	simm.s32 $0x6;
	[sflag:s23] =	ssyncadd.s32 $0xFFFFEC00  }
0x347: {  	_ =	swait.ge [sflag:s20], $0x80  }
0x348: {  	[sflag:s20] =	ssyncset.done $0x0  }
0x349: {  	[sflag:s20] =	ssyncadd.s32 $0xFFFFFF80  }
0x34a: {  	_ =	swait.ge [sflag:s20], $0x80  }
0x34b: {  	[sflag:s20] =	ssyncset.done $0x0  }
0x34c: {  	s22 =	simm.s32 $0xD;
	[sflag:s20] =	ssyncadd.s32 $0xFFFFFF80  }
0x34d: {  	[tilespmem:s8], [sflag:$0xB] =	stream.indirect.gather [hbm4b:s1+s17], $0x80, s13, s17, $0xb8;
	[tilespmem:$0x1A680] =	vst v63  }
0x34e: {  	_ =	swait.ge [sflag:s22], $0x1400  }
0x34f: {  	[sflag:s22] =	ssyncset.done $0x0  }
0x350: {  	s21 =	simm.s32 $0x600;
	s19 =	simm.s32 $0x3200;
	[sflag:s22] =	ssyncadd.s32 $0xFFFFEC00  }
0x351: {  	[spmem:s6] =	stream.indirect.scatter.add.f32 [tilespmem:s19], [sflag:$0x12], $0x80, s21, s17, $0xb8;
	[tilespmem:$0x1A680] =	vst v63  }
0x352: {  	s21 =	simm.s32 $0x11  }
0x353: {  	_ =	swait.ge [sflag:s21], $0x1400  }
0x354: {  	[sflag:s21] =	ssyncset.done $0x0  }
0x355: {  	s31 =	simm.s32 $0x7;
	[sflag:s21] =	ssyncadd.s32 $0xFFFFEC00  }
0x356: {  	_ =	swait.ge [sflag:s31], $0x80  }
0x357: {  	[sflag:s31] =	ssyncset.done $0x0  }
0x358: {  	[sflag:s31] =	ssyncadd.s32 $0xFFFFFF80  }
0x359: {  	_ =	swait.ge [sflag:s31], $0x80  }
0x35a: {  	[sflag:s31] =	ssyncset.done $0x0  }
0x35b: {  	s20 =	simm.s32 $0xE;
	[sflag:s31] =	ssyncadd.s32 $0xFFFFFF80  }
0x35c: {  	[tilespmem:s14], [sflag:$0xC] =	stream.indirect.gather [hbm4b:s1+s17], $0x80, s2, s17, $0xb8;
	[tilespmem:$0x1A680] =	vst v63  }
0x35d: {  	_ =	swait.ge [sflag:s20], $0x1400  }
0x35e: {  	[sflag:s20] =	ssyncset.done $0x0  }
0x35f: {  	s13 =	simm.s32 $0x12;
	s2 =	simm.s32 $0x680;
	[sflag:s20] =	ssyncadd.s32 $0xFFFFEC00  }
0x360: {  	[spmem:s6] =	stream.indirect.scatter.add.f32 [tilespmem:s25], [sflag:$0x13], $0x80, s2, s17, $0xb8;
	[tilespmem:$0x1A680] =	vst v63  }
0x361: {  	_ =	swait.ge [sflag:s13], $0x1400  }
0x362: {  	[sflag:s13] =	ssyncset.done $0x0  }
0x363: {  	s7 =	simm.s32 $0x8;
	[sflag:s13] =	ssyncadd.s32 $0xFFFFEC00  }
0x364: {  	_ =	swait.ge [sflag:s7], $0x80  }
0x365: {  	[sflag:s7] =	ssyncset.done $0x0  }
0x366: {  	[sflag:s7] =	ssyncadd.s32 $0xFFFFFF80  }
0x367: {  	_ =	swait.ge [sflag:s7], $0x80  }
0x368: {  	[sflag:s7] =	ssyncset.done $0x0  }
0x369: {  	[sflag:s7] =	ssyncadd.s32 $0xFFFFFF80;
	s7 =	simm.s32 $0xF  }
0x36a: {  	[tilespmem:s19], [sflag:$0xD] =	stream.indirect.gather [hbm4b:s1+s17], $0x80, s10, s17, $0xb8;
	[tilespmem:$0x1A680] =	vst v63  }
0x36b: {  	_ =	swait.ge [sflag:s7], $0x1400  }
0x36c: {  	[sflag:s7] =	ssyncset.done $0x0  }
0x36d: {  	s31 =	simm.s32 $0x13;
	s10 =	simm.s32 $0x700;
	[sflag:s7] =	ssyncadd.s32 $0xFFFFEC00  }
0x36e: {  	[spmem:s6] =	stream.indirect.scatter.add.f32 [tilespmem:s11], [sflag:$0x14], $0x80, s10, s17, $0xb8;
	[tilespmem:$0x1A680] =	vst v63  }
0x36f: {  	_ =	swait.ge [sflag:s31], $0x1400  }
0x370: {  	[sflag:s31] =	ssyncset.done $0x0  }
0x371: {  	s10 =	simm.s32 $0x9;
	[sflag:s31] =	ssyncadd.s32 $0xFFFFEC00  }
0x372: {  	_ =	swait.ge [sflag:s10], $0x80  }
0x373: {  	[sflag:s10] =	ssyncset.done $0x0  }
0x374: {  	[sflag:s10] =	ssyncadd.s32 $0xFFFFFF80  }
0x375: {  	_ =	swait.ge [sflag:s10], $0x80  }
0x376: {  	[sflag:s10] =	ssyncset.done $0x0  }
0x377: {  	[sflag:s10] =	ssyncadd.s32 $0xFFFFFF80  }
0x378: {  	[tilespmem:s25], [sflag:$0xE] =	stream.indirect.gather [hbm4b:s1+s17], $0x80, s26, s17, $0xb8;
	[tilespmem:$0x1A680] =	vst v63  }
0x379: {  	_ =	swait.ge [sflag:s28], $0x1400  }
0x37a: {  	[sflag:s28] =	ssyncset.done $0x0  }
0x37b: {  	[sflag:s28] =	ssyncadd.s32 $0xFFFFEC00  }
0x37c: {  	[spmem:s6] =	stream.indirect.scatter.add.f32 [tilespmem:s8], [sflag:$0x10], $0x80, s12, s17, $0xb8;
	[tilespmem:$0x1A680] =	vst v63  }
0x37d: {  	_ =	swait.ge [sflag:s16], $0x1400  }
0x37e: {  	[sflag:s16] =	ssyncset.done $0x0  }
0x37f: {  	s12 =	simm.s32 $0xA;
	[sflag:s16] =	ssyncadd.s32 $0xFFFFEC00  }
0x380: {  	_ =	swait.ge [sflag:s12], $0x80  }
0x381: {  	[sflag:s12] =	ssyncset.done $0x0  }
0x382: {  	[sflag:s12] =	ssyncadd.s32 $0xFFFFFF80  }
0x383: {  	_ =	swait.ge [sflag:s12], $0x80  }
0x384: {  	[sflag:s12] =	ssyncset.done $0x0  }
0x385: {  	[sflag:s12] =	ssyncadd.s32 $0xFFFFFF80  }
0x386: {  	[tilespmem:s11], [sflag:$0xF] =	stream.indirect.gather [hbm4b:s1+s17], $0x80, s9, s17, $0xb8;
	[tilespmem:$0x1A680] =	vst v63  }
0x387: {  	_ =	swait.ge [sflag:s24], $0x1400  }
0x388: {  	[sflag:s24] =	ssyncset.done $0x0  }
0x389: {  	[sflag:s24] =	ssyncadd.s32 $0xFFFFEC00  }
0x38a: {  	[spmem:s6] =	stream.indirect.scatter.add.f32 [tilespmem:s14], [sflag:$0x11], $0x80, s4, s17, $0xb8;
	[tilespmem:$0x1A680] =	vst v63  }
0x38b: {  	_ =	swait.ge [sflag:s23], $0x1400  }
0x38c: {  	[sflag:s23] =	ssyncset.done $0x0  }
0x38d: {  	[sflag:s23] =	ssyncadd.s32 $0xFFFFEC00  }
0x38e: {  	_ =	swait.ge [sflag:s22], $0x1400  }
0x38f: {  	[sflag:s22] =	ssyncset.done $0x0  }
0x390: {  	[sflag:s22] =	ssyncadd.s32 $0xFFFFEC00  }
0x391: {  	[spmem:s6] =	stream.indirect.scatter.add.f32 [tilespmem:s19], [sflag:$0x12], $0x80, s5, s17, $0xb8;
	[tilespmem:$0x1A680] =	vst v63  }
0x392: {  	_ =	swait.ge [sflag:s21], $0x1400  }
0x393: {  	[sflag:s21] =	ssyncset.done $0x0  }
0x394: {  	[sflag:s21] =	ssyncadd.s32 $0xFFFFEC00  }
0x395: {  	_ =	swait.ge [sflag:s20], $0x1400  }
0x396: {  	[sflag:s20] =	ssyncset.done $0x0  }
0x397: {  	[sflag:s20] =	ssyncadd.s32 $0xFFFFEC00  }
0x398: {  	[spmem:s6] =	stream.indirect.scatter.add.f32 [tilespmem:s25], [sflag:$0x13], $0x80, s15, s17, $0xb8;
	[tilespmem:$0x1A680] =	vst v63  }
0x399: {  	_ =	swait.ge [sflag:s13], $0x1400  }
0x39a: {  	[sflag:s13] =	ssyncset.done $0x0  }
0x39b: {  	[sflag:s13] =	ssyncadd.s32 $0xFFFFEC00  }
0x39c: {  	_ =	swait.ge [sflag:s7], $0x1400  }
0x39d: {  	[sflag:s7] =	ssyncset.done $0x0  }
0x39e: {  	[sflag:s7] =	ssyncadd.s32 $0xFFFFEC00  }
0x39f: {  	[spmem:s6] =	stream.indirect.scatter.add.f32 [tilespmem:s11], [sflag:$0x14], $0x80, s18, s17, $0xb8;
	[tilespmem:$0x1A680] =	vst v63  }
0x3a0: {  	_ =	swait.ge [sflag:s31], $0x1400  }
0x3a1: {  	[sflag:s31] =	ssyncset.done $0x0  }
0x3a2: {  	[sflag:s31] =	ssyncadd.s32 $0xFFFFEC00  }
0x3a3: {  	_ =	swait.ge [sflag:s16], $0x1400  }
0x3a4: {  	[sflag:s16] =	ssyncset.done $0x0  }
0x3a5: {  	[sflag:s16] =	ssyncadd.s32 $0xFFFFEC00  }
0x3a6: {  	[bflag:$0x0] =	sbarrier.arrive $0xFFFF  }
0x3a7: {  	s14 =	sld [smem:$0x7CD]  }
0x3a8: {  	s18 =	sld [smem:$0x7C9];
	_ =	sdelay $0x1  }
0x3a9: {  	s15 =	simm.s32 @p0 $0x1FD5;
	s14 =	sshrl.u32 @p0 s14, $0x3  }
0x3aa: {  	[hbm:s18], [sflag:s15] =	dma.local @p0 [spmem:s14], $0x1900  }
0x3ab: {  	s14 =	simm.s32 @p0 $0x15  }
0x3ac: {  	_ =	swait.ge @p0 [sflag:s14], $0x1900  }
0x3ad: {  	s15 =	stileid.u32;
	s20 =	sld [smem:$0x7C4]  }
0x3ae: {  	s15 =	sshll.u32 @!p0 s15, $0x6;
	[sflag:s14] =	ssyncset.done @p0 $0x0;
	s18 =	rddreg [dreg:$0x18]  }
0x3af: {  	[sflag:s14] =	ssyncadd.s32 @p0 $0xFFFFE700;
	s14 =	sor.u32 @!p0 $0x1C15, s15;
	s15 =	sshrl.u32 @!p0 s18, $0x3  }
0x3b0: {  	[hbm:s20], [sflag:s14] =	dma.local @!p0 [spmem:s15], $0x2800  }
0x3b1: {  	s14 =	simm.s32 @!p0 $0x15  }
0x3b2: {  	_ =	swait.ge @!p0 [sflag:s14], $0x2800  }
0x3b3: {  	s26 =	sld [smem:$0x7FD]  }
0x3b4: {  	s31 =	sld [smem:$0x7D0]  }
0x3b5: {  	s29 =	simm.s32 $0x10;
	s30 =	simm.s32 $0xE  }
0x3b6: {  	s0 =	simm.s32 $0xD;
	s2 =	simm.s32 $0x11;
	s5 =	sadd.s32 $0x1, s26  }
0x3b7: {  	s10 =	simm.s32 $0x13;
	s28 =	simm.s32 $0x1;
	p1 =	sne.s32 s5, s31  }
.Ltmp2:
0x3b8: {  	s8 =	simm.s32 $0xF;
	s24 =	simm.s32 $0xC;
	(pc) =	sbr.rel @p1 .LBB2_1-.Ltmp2, $4  }
0x3b9: {  	s4 =	simm.s32 $0x100;
	s23 =	simm.s32 $0xB;
	s22 =	simm.s32 $0x3  }
0x3ba: {  	s19 =	simm.s32 $0x2;
	s21 =	simm.s32 $0x4;
	s13 =	simm.s32 $0x680  }
0x3bb: {  	s7 =	simm.s32 $0x12;
	s11 =	simm.s32 $0x14;
	[sflag:s14] =	ssyncset.done @!p0 $0x0  }
0x3bc: {  	[sflag:s14] =	ssyncadd.s32 @!p0 $0xFFFFD800;
	[smem:$0x7FD] =	sst s5;
	s5 =	simm.s32 $0x600  }
0x3bd: {  	_ =	sfence.sel $0x180000  }
0x3be: {  	[bflag:$0x0] =	sbarrier.arrive $0xFFFF  }
0x3bf: {  	_ =	strace $0x90000047  }
0x3c0: {  	s0 =	stileid.u32;
	[bflag:$0x2] =	sbarrier.arrive $0xFFFF  }
0x3c1: {  	p0 =	sne.s32 s0, $0x0;
	s0 =	rddreg [dreg:$0x3]  }
0x3c2: {  	s0 =	sadd.s32 @!p0 $0x100000, s0  }
0x3c3: {  	[sflag:s0] =	ssyncadd.tile.s32 @!p0 $0x1;
	_ =	shalt  }
.Lfunc_end2:
_tile_overlayer_lowered:
.L_overlay_start_2:
0x3c4: {  	(tag) =	ssettag $0x2  }
0x3c5: {  	s0 =	rddreg [dreg:$0x0];
	s2 =	stileid.u32  }
0x3c6: {  	s1 =	rddreg [dreg:$0x1];
	p0 =	sne.s32 s2, $0x0  }
0x3c7: {  	s3 =	rddreg [dreg:$0x2];
	[bflag:$0x3] =	sbarrier.arrive $0xFFFF;
	s2 =	simm.s32 @!p0 $0x1C15  }
0x3c8: {  	[timem:s3], [sflag:s2] =	dma.local @!p0 [hbm:s0], s1  }
0x3c9: {  	s0 =	simm.s32 @!p0 $0x15  }
0x3ca: {  	_ =	swait.ge @!p0 [sflag:s0], s1  }
0x3cb: {  	s1 =	ssub.s32 @!p0 $0x0, s1;
	[sflag:s0] =	ssyncset.done @!p0 $0x0  }
0x3cc: {  	[sflag:s0] =	ssyncadd.s32 @!p0 s1  }
0x3cd: {  	[bflag:$0x3] =	sbarrier.arrive $0xFFFF  }
0x3ce: {  	_ =	shalt  }

</sc_bundles>
